<compile_context>
chip_gen: v7x
topology: tpu7x:2x2x1
jax: 0.10.2.dev20260603
libtpu: 0.0.44.dev20260713+nightly
codegen_flags: <defaults>
</compile_context>

<pallas_src>
import jax
import jax.numpy as jnp
from jax import lax
from jax.experimental import pallas as pl
from jax.experimental.pallas import tpu as pltpu
from jax.experimental.pallas import tpu_sc as plsc

F = 5
F8 = 8
HID = 64
DIN = 256
DOUT = 256
G = 100
NPG = 100
EPG = 1600
N = G * NPG
E = G * EPG

ROWS = 2000
NSLAB = 5
TCOL = 2048
EBLK = E // 128
NW = 32
LANES = 16
GPW = 4
NPAD = 112
SLAB = GPW * NPG
SEBLK = GPW * EPG // 128



def _tc1_body(x_ref, w1_ref, b1_ref, w2t_ref, b2t_ref, fv_ref):
    h = jnp.dot(x_ref[...], w1_ref[...], preferred_element_type=jnp.float32)
    h = h + b1_ref[...]
    h = h * jax.nn.sigmoid(h)
    fvT = lax.dot_general(w2t_ref[...], h, (((1,), (1,)), ((), ())),
                          preferred_element_type=jnp.float32)
    fvT = fvT + b2t_ref[...]
    fvT = jnp.concatenate(
        [fvT, jnp.zeros((F8, TCOL - ROWS), jnp.float32)], axis=1)
    fv_ref[...] = fvT.reshape(1, F8, TCOL)


def _tc1(x, W1, b1, W2pT, b2T):
    return pl.pallas_call(
        _tc1_body,
        grid=(N // ROWS,),
        in_specs=[
            pl.BlockSpec((ROWS, DIN), lambda i: (i, 0)),
            pl.BlockSpec((DIN, HID), lambda i: (0, 0)),
            pl.BlockSpec((1, HID), lambda i: (0, 0)),
            pl.BlockSpec((F8, HID), lambda i: (0, 0)),
            pl.BlockSpec((F8, 1), lambda i: (0, 0)),
        ],
        out_specs=pl.BlockSpec((1, F8, TCOL), lambda i: (i, 0, 0)),
        out_shape=jax.ShapeDtypeStruct((NSLAB, F8, TCOL), jnp.float32),
    )(x, W1, b1, W2pT, b2T)



def _tc2a_body(x_ref, wox_ref, bo_ref, acc_ref):
    acc_ref[...] = (
        jnp.dot(x_ref[...], wox_ref[...], preferred_element_type=jnp.float32)
        + bo_ref[...]
    )


def _tc2a(x, WoX, bo):
    return pl.pallas_call(
        _tc2a_body,
        grid=(N // ROWS,),
        in_specs=[
            pl.BlockSpec((ROWS, DIN), lambda i: (i, 0)),
            pl.BlockSpec((DIN, DOUT), lambda i: (0, 0)),
            pl.BlockSpec((1, DOUT), lambda i: (0, 0)),
        ],
        out_specs=pl.BlockSpec((ROWS, DOUT), lambda i: (i, 0)),
        out_shape=jax.ShapeDtypeStruct((N, DOUT), jnp.float32),
    )(x, WoX, bo)



def _sc_body(fv_hbm, ei_hbm, d0_hbm, gact_hbm,
             fv0, fv1, fv2, fv3, fv4, d00, d01, d02, d03, d04,
             ei_v, fe_v, gact_v, sem, *priv):
    fv_vf = [fv0, fv1, fv2, fv3, fv4]
    d0_vf = [d00, d01, d02, d03, d04]
    wid = lax.axis_index("s") * 2 + lax.axis_index("c")
    start = wid * GPW
    es = jnp.minimum(start, G - GPW)
    eg = es // GPW
    nlo = es * NPG
    lane = lax.broadcasted_iota(jnp.int32, (LANES,), 0)
    lane_np = lane * NPAD
    inf16 = jnp.full((LANES,), jnp.inf, jnp.float32)
    zero16 = jnp.zeros((LANES,), jnp.float32)
    ninf16 = jnp.full((LANES,), -jnp.inf, jnp.float32)

    segs = []
    for sg in range(2):
        m = nlo + sg * (SLAB // 2)
        slab = m // ROWS
        off = m - slab * ROWS
        segs.append((sg, slab, off))
    cin = []
    for f in range(F):
        for sg, slab, off in segs:
            cin.append(pltpu.make_async_copy(
                fv_hbm.at[slab, f, pl.ds(off, SLAB // 2)],
                fv_vf[f].at[pl.ds(sg * (SLAB // 2), SLAB // 2)], sem))
    cin.append(pltpu.make_async_copy(
        ei_hbm.at[pl.ds(eg * SEBLK, SEBLK)], ei_v, sem))
    for c in cin:
        c.start()

    @plsc.parallel_loop(0, LANES * NPAD // 16)
    def init_body(j):
        for p in priv:
            p[pl.ds(j * 16, 16)] = inf16

    for c in cin:
        c.wait()

    def do_graph(k, c):
        gbase = (es + k) * NPG
        rbase = k * NPG

        def pa(i, cc):
            fe0 = k * EPG + i * 16
            blk = fe0 // 128
            off = fe0 - blk * 128
            s = ei_v[blk, 0, pl.ds(off, 16)]
            t = ei_v[blk, 1, pl.ds(off, 16)]
            sl = s - gbase
            tl = t - gbase
            snd = rbase + sl
            tnd = rbase + tl
            ips = lane_np + sl
            ipt = lane_np + tl
            fes, css, cts = [], [], []
            for f in range(F):
                a = plsc.load_gather(fv_vf[f], [snd])
                b = plsc.load_gather(fv_vf[f], [tnd])
                fes.append(jnp.maximum(a, b))
            for f in range(F):
                css.append(plsc.load_gather(priv[f], [ips]))
                cts.append(plsc.load_gather(priv[F + f], [ipt]))
            for f in range(F):
                fe_v[pl.ds(f * EPG + i * 16, 16)] = fes[f]
            for f in range(F):
                plsc.store_scatter(priv[f], [ips], jnp.minimum(css[f], fes[f]))
                plsc.store_scatter(priv[F + f], [ipt], jnp.minimum(cts[f], fes[f]))
            return cc
        lax.fori_loop(0, EPG // 16, pa, 0, unroll=2)

        @plsc.parallel_loop(0, NPAD // 16)
        def rd(j):
            nidx = j * 16 + lane
            msk = nidx < NPG
            nd = rbase + nidx
            for f in range(F):
                accs = [None] * 4
                for h in range(2):
                    pr = priv[h * F + f]
                    for l in range(LANES):
                        v = pr[pl.ds(l * NPAD + j * 16, 16)]
                        q = l & 3
                        accs[q] = v if accs[q] is None and h == 0 else (
                            jnp.minimum(accs[q], v))
                m = jnp.minimum(jnp.minimum(accs[0], accs[1]),
                                jnp.minimum(accs[2], accs[3]))
                for h in range(2):
                    pr = priv[h * F + f]
                    for l in range(LANES):
                        pr[pl.ds(l * NPAD + j * 16, 16)] = inf16
                fv16 = plsc.load_gather(fv_vf[f], [nd], mask=msk)
                m = jnp.where(m == inf16, fv16, m)
                plsc.store_scatter(d0_vf[f], [nd], m, mask=msk)

        carry0 = ((zero16,) * F, (zero16,) * F, (ninf16,) * F)

        @plsc.parallel_loop(0, EPG // 16, carry=carry0)
        def pbout(i, carry):
            births, cnts, gmaxs = carry
            nb, nc, ng = list(births), list(cnts), list(gmaxs)
            fe0 = k * EPG + i * 16
            blk = fe0 // 128
            off = fe0 - blk * 128
            s = ei_v[blk, 0, pl.ds(off, 16)]
            t = ei_v[blk, 1, pl.ds(off, 16)]
            snd = rbase + s - gbase
            tnd = rbase + t - gbase
            for f in range(F):
                fe = fe_v[pl.ds(f * EPG + i * 16, 16)]
                dsv = plsc.load_gather(d0_vf[f], [snd])
                dtv = plsc.load_gather(d0_vf[f], [tnd])
                cyc = fe > jnp.maximum(dsv, dtv)
                nb[f] = nb[f] + jnp.where(cyc, fe, 0.0)
                nc[f] = nc[f] + jnp.where(cyc, 1.0, 0.0)
                ng[f] = jnp.maximum(ng[f], fe)
            return (tuple(nb), tuple(nc), tuple(ng))

        births, cnts, gmaxs = pbout

        v = zero16
        for f in range(F):
            bsum = jnp.sum(births[f])
            dsum = jnp.max(gmaxs[f]) * jnp.sum(cnts[f])
            v = jnp.where(lane == 2 * f, bsum, v)
            v = jnp.where(lane == 2 * f + 1, dsum, v)
        gact_v[pl.ds(k * 16, 16)] = v
        return c

    lax.fori_loop(0, GPW, do_graph, 0)

    cout = []
    for f in range(F):
        for sg, slab, off in segs:
            cout.append(pltpu.make_async_copy(
                d0_vf[f].at[pl.ds(sg * (SLAB // 2), SLAB // 2)],
                d0_hbm.at[slab, f, pl.ds(off, SLAB // 2)], sem))
    cout.append(pltpu.make_async_copy(
        gact_v, gact_hbm.at[pl.ds(pl.multiple_of(es * 16, 8), GPW * 16)], sem))
    for c in cout:
        c.start()
    for c in cout:
        c.wait()


def _sc_edges(fv_p, ei_p):
    fn = pl.kernel(
        _sc_body,
        out_type=[
            jax.ShapeDtypeStruct((NSLAB, F8, TCOL), jnp.float32),
            jax.ShapeDtypeStruct((G * 16,), jnp.float32),
        ],
        mesh=plsc.VectorSubcoreMesh(core_axis_name="c", subcore_axis_name="s"),
        compiler_params=pltpu.CompilerParams(
            needs_layout_passes=False, use_tc_tiling_on_sc=False),
        scratch_types=(
            [pltpu.VMEM((SLAB,), jnp.float32) for _ in range(F)]
            + [pltpu.VMEM((SLAB,), jnp.float32) for _ in range(F)]
            + [
                pltpu.VMEM((SEBLK, 2, 128), jnp.int32),
                pltpu.VMEM((F * EPG,), jnp.float32),
                pltpu.VMEM((GPW * 16,), jnp.float32),
                pltpu.SemaphoreType.DMA,
            ]
            + [pltpu.VMEM((LANES * NPAD,), jnp.float32) for _ in range(2 * F)]
        ),
    )
    return fn(fv_p, ei_p)



def _tc2b_body(acc_ref, fv_ref, d0_ref, wga_ref, wgb_ref,
               mua_ref, nia_ref, mub_ref, nib_ref, out_ref):
    fvT = fv_ref[...].reshape(F8, TCOL)
    d0T = d0_ref[...].reshape(F8, TCOL)
    frow = lax.broadcasted_iota(jnp.int32, (F8, TCOL), 0)
    d0T = jnp.where(frow < F, d0T, 0.0)
    gaT = jnp.exp(nia_ref[...] * (fvT - mua_ref[...]) ** 2)
    gbT = jnp.exp(nib_ref[...] * (d0T - mub_ref[...]) ** 2)
    ge = lax.dot_general(gaT, wga_ref[...], (((0,), (0,)), ((), ())),
                         preferred_element_type=jnp.float32)
    go = lax.dot_general(gbT, wgb_ref[...], (((0,), (0,)), ((), ())),
                         preferred_element_type=jnp.float32)
    a = acc_ref[...] + ge[:ROWS] + go[:ROWS]
    out_ref[...] = a * jax.nn.sigmoid(a)


def _tc2b(acc, fv_p, d0_p, WGA, WGB, muA, niA, muB, niB):
    return pl.pallas_call(
        _tc2b_body,
        grid=(N // ROWS,),
        in_specs=[
            pl.BlockSpec((ROWS, DOUT), lambda i: (i, 0)),
            pl.BlockSpec((1, F8, TCOL), lambda i: (i, 0, 0)),
            pl.BlockSpec((1, F8, TCOL), lambda i: (i, 0, 0)),
            pl.BlockSpec((F8, DOUT), lambda i: (0, 0)),
            pl.BlockSpec((F8, DOUT), lambda i: (0, 0)),
            pl.BlockSpec((F8, 1), lambda i: (0, 0)),
            pl.BlockSpec((F8, 1), lambda i: (0, 0)),
            pl.BlockSpec((F8, 1), lambda i: (0, 0)),
            pl.BlockSpec((F8, 1), lambda i: (0, 0)),
        ],
        out_specs=pl.BlockSpec((ROWS, DOUT), lambda i: (i, 0)),
        out_shape=jax.ShapeDtypeStruct((N, DOUT), jnp.float32),
    )(acc, fv_p, d0_p, WGA, WGB, muA, niA, muB, niB)



def kernel(x, edge_index, x_slices, edge_slices, W1, b1, W2, b2, mu, sigma, Wo, bo):
    f32 = jnp.float32
    W2pT = jnp.zeros((F8, HID), f32).at[:F].set(W2.T)
    b2T = jnp.zeros((F8, 1), f32).at[:F, 0].set(b2)
    fv_p = _tc1(x, W1, b1.reshape(1, HID), W2pT, b2T)
    acc = _tc2a(x, Wo[:DIN], bo.reshape(1, DOUT))

    ei_p = edge_index.reshape(2, EBLK, 128).transpose(1, 0, 2)

    d0_p, gact_flat = _sc_edges(fv_p, ei_p)

    muA = jnp.zeros((F8, 1), f32).at[:F, 0].set(mu[0::2])
    muB = jnp.zeros((F8, 1), f32).at[:F, 0].set(mu[1::2])
    niA = jnp.zeros((F8, 1), f32).at[:F, 0].set(-0.5 / (sigma[0::2] ** 2))
    niB = jnp.zeros((F8, 1), f32).at[:F, 0].set(-0.5 / (sigma[1::2] ** 2))
    WGA = jnp.zeros((F8, DOUT), f32).at[:F].set(Wo[DIN::2])
    WGB = jnp.zeros((F8, DOUT), f32).at[:F].set(Wo[DIN + 1::2])

    out = _tc2b(acc, fv_p, d0_p, WGA, WGB, muA, niA, muB, niB)
    gact = gact_flat.reshape(G, 16)[:, : 2 * F]
    return out, gact

# --- scband reference (transcript-rebuilt; emitter-appended) ---
"""Pipeline reference for scband-topology-layer-29472065585638 (READ-ONLY COPY).

The authoritative reference and input builder live on the scoring server;
editing this copy changes nothing except your own understanding.
"""

import jax, jax.numpy as jnp
import numpy as np

F = 5
HID = 64
DIN = 256
DOUT = 256
G = 100
NPG = 100
EPG = 1600
N = G * NPG
E = G * EPG


def setup_inputs(seed: int = 0):
    key = jax.random.key(seed)
    ks = jax.random.split(key, 10)
    x = jax.random.normal(ks[0], (N, DIN), dtype=jnp.float32)
    local = jax.random.randint(ks[1], (2, E), 0, NPG)
    offs = (jnp.arange(E) // EPG) * NPG
    edge_index = (local + offs[None, :]).astype(jnp.int32)
    x_slices = (jnp.arange(G + 1) * NPG).astype(jnp.int32)
    edge_slices = (jnp.arange(G + 1) * EPG).astype(jnp.int32)
    W1 = jax.random.normal(ks[2], (DIN, HID), dtype=jnp.float32) * 0.06
    b1 = jnp.zeros((HID,), dtype=jnp.float32)
    W2 = jax.random.normal(ks[3], (HID, F), dtype=jnp.float32) * 0.12
    b2 = jnp.zeros((F,), dtype=jnp.float32)
    mu = jax.random.normal(ks[4], (2 * F,), dtype=jnp.float32) * 0.1
    sigma = jnp.ones((2 * F,), dtype=jnp.float32) * 0.5
    Wo = jax.random.normal(ks[5], (DIN + 2 * F, DOUT), dtype=jnp.float32) * 0.06
    bo = jnp.zeros((DOUT,), dtype=jnp.float32)
    return {"x": x, "edge_index": edge_index, "x_slices": x_slices, "edge_slices": edge_slices, "W1": W1, "b1": b1, "W2": W2, "b2": b2, "mu": mu, "sigma": sigma, "Wo": Wo, "bo": bo}


def _forward(x, W1, b1, W2, b2, mu, sigma, Wo, bo, edge_index, x_slices, edge_slices):
    # learnable vertex filtrations: Linear -> SiLU -> Linear
    fv = jax.nn.silu(x @ W1 + b1) @ W2 + b2  # [N, F]
    src = edge_index[0]
    dst = edge_index[1]
    # edge filtration = max over endpoints (gather + max)
    fe = jnp.maximum(fv[src], fv[dst])  # [E, F]
    # dim-0 persistence surrogate: birth = vertex value, death = min incident edge value (scatter-min)
    death0 = jnp.full((N, F), jnp.inf, dtype=fv.dtype)
    death0 = death0.at[src].min(fe)
    death0 = death0.at[dst].min(fe)
    death0 = jnp.where(jnp.isinf(death0), fv, death0)
    # cat per-filtration [N,2] pairs along dim=1 -> [N, 2F]
    p0 = jnp.stack([fv, death0], axis=-1).reshape(N, 2 * F)
    # Gaussian_transform coordinate activation (learnable per-coordinate Gaussian)
    g0 = jnp.exp(-((p0 - mu) ** 2) / (2.0 * sigma ** 2))
    # graph id per edge from edge slices
    edge_graph = jnp.searchsorted(edge_slices, jnp.arange(E), side="right") - 1
    # per-graph max edge filtration (scatter-max)
    gmax = jnp.full((G, F), -jnp.inf, dtype=fv.dtype).at[edge_graph].max(fe)
    # dim-1 persistence surrogate: edges appearing after both endpoint components create cycles
    cyc = fe > jnp.maximum(death0[src], death0[dst])
    birth1 = jnp.where(cyc, fe, 0.0)
    death1 = jnp.where(cyc, gmax[edge_graph], 0.0)
    p1 = jnp.stack([birth1, death1], axis=-1).reshape(E, 2 * F)
    # collapse_dim1: masked per-graph sum (segment-sum)
    mask = jnp.any(p1 != 0, axis=1)
    graph_act = jax.ops.segment_sum(p1 * mask[:, None].astype(p1.dtype), edge_graph, num_segments=G)
    concat = jnp.concatenate([x, g0], axis=1)
    out = jax.nn.silu(concat @ Wo + bo)
    return (out, graph_act)


def reference(x, edge_index, x_slices, edge_slices, W1, b1, W2, b2, mu, sigma, Wo, bo):
    return _forward(x, W1, b1, W2, b2, mu, sigma, Wo, bo, edge_index, x_slices, edge_slices)

if __name__ == "__main__":
    import jax
    _d = setup_inputs()
    print(jax.jit(kernel)(*tuple(_d.values())))

</pallas_src>

<mosaic_0001>
#map = affine_map<(d0, d1) -> (0, 0, 0)>
#map1 = affine_map<(d0, d1) -> (0)>
module attributes {stable_mosaic.version = 14 : i64} {
  func.func @_sc_body(%arg0: i32, %arg1: i32, %arg2: memref<5x8x2048xf32, #tpu.memory_space<hbm>>, %arg3: memref<1250x2x128xi32, #tpu.memory_space<hbm>>, %arg4: memref<5x8x2048xf32, #tpu.memory_space<hbm>>, %arg5: memref<1600xf32, #tpu.memory_space<hbm>>, %arg6: memref<400xf32, #tpu.memory_space<vmem>>, %arg7: memref<400xf32, #tpu.memory_space<vmem>>, %arg8: memref<400xf32, #tpu.memory_space<vmem>>, %arg9: memref<400xf32, #tpu.memory_space<vmem>>, %arg10: memref<400xf32, #tpu.memory_space<vmem>>, %arg11: memref<400xf32, #tpu.memory_space<vmem>>, %arg12: memref<400xf32, #tpu.memory_space<vmem>>, %arg13: memref<400xf32, #tpu.memory_space<vmem>>, %arg14: memref<400xf32, #tpu.memory_space<vmem>>, %arg15: memref<400xf32, #tpu.memory_space<vmem>>, %arg16: memref<50x2x128xi32, #tpu.memory_space<vmem>>, %arg17: memref<8000xf32, #tpu.memory_space<vmem>>, %arg18: memref<64xf32, #tpu.memory_space<vmem>>, %arg19: memref<!tpu.dma_semaphore, #tpu.memory_space<semaphore_mem>>, %arg20: memref<1792xf32, #tpu.memory_space<vmem>>, %arg21: memref<1792xf32, #tpu.memory_space<vmem>>, %arg22: memref<1792xf32, #tpu.memory_space<vmem>>, %arg23: memref<1792xf32, #tpu.memory_space<vmem>>, %arg24: memref<1792xf32, #tpu.memory_space<vmem>>, %arg25: memref<1792xf32, #tpu.memory_space<vmem>>, %arg26: memref<1792xf32, #tpu.memory_space<vmem>>, %arg27: memref<1792xf32, #tpu.memory_space<vmem>>, %arg28: memref<1792xf32, #tpu.memory_space<vmem>>, %arg29: memref<1792xf32, #tpu.memory_space<vmem>>) attributes {dimension_semantics = [#tpu.dimension_semantics<core_parallel>, #tpu.dimension_semantics<subcore_parallel>], iteration_bounds = array<i64: 2, 16>, scalar_prefetch = 0 : i64, scratch_operands = 24 : i64, tpu.core_type = #tpu.core_type<sc_vector_subcore>, window_params = [{transform_indices = #map}, {transform_indices = #map}, {transform_indices = #map}, {transform_indices = #map1}]} {
    %mul3A = arith.constant 2 : i32
    %mul3A_0 = arith.muli %arg1, %mul3A : i32
    %add3A = arith.addi %mul3A_0, %arg0 : i32
    %mul3A_1 = arith.constant 4 : i32
    %mul3A_2 = arith.muli %add3A, %mul3A_1 : i32
    %min3A = arith.constant 96 : i32
    %min3A_3 = arith.minsi %mul3A_2, %min3A : i32
    %jit3A = arith.constant 4 : i32
    %div3A = arith.divsi %min3A_3, %jit3A : i32
    %sign3A = arith.constant 0 : i32
    %sign3A_4 = arith.cmpi sgt, %min3A_3, %sign3A : i32
    %sign3A_5 = arith.extui %sign3A_4 : i1 to i32
    %sign3A_6 = arith.constant 0 : i32
    %sign3A_7 = arith.cmpi slt, %min3A_3, %sign3A_6 : i32
    %sign3A_8 = arith.extui %sign3A_7 : i1 to i32
    %sign3A_9 = arith.subi %sign3A_5, %sign3A_8 : i32
    %sign3A_10 = arith.constant 0 : i32
    %sign3A_11 = arith.cmpi sgt, %jit3A, %sign3A_10 : i32
    %sign3A_12 = arith.extui %sign3A_11 : i1 to i32
    %sign3A_13 = arith.constant 0 : i32
    %sign3A_14 = arith.cmpi slt, %jit3A, %sign3A_13 : i32
    %sign3A_15 = arith.extui %sign3A_14 : i1 to i32
    %sign3A_16 = arith.subi %sign3A_12, %sign3A_15 : i32
    %ne3A = arith.cmpi ne, %sign3A_9, %sign3A_16 : i32
    %rem3A = arith.remsi %min3A_3, %jit3A : i32
    %ne3A_17 = arith.constant 0 : i32
    %ne3A_18 = arith.cmpi ne, %rem3A, %ne3A_17 : i32
    %and3A = arith.andi %ne3A, %ne3A_18 : i1
    %sub3A = arith.constant 1 : i32
    %sub3A_19 = arith.subi %div3A, %sub3A : i32
    %select_n3A = arith.select %and3A, %sub3A_19, %div3A : i32
    %mul3A_20 = arith.constant 100 : i32
    %mul3A_21 = arith.muli %min3A_3, %mul3A_20 : i32
    %iota3A = tpu.iota {dimensions = array<i32: 0>} : vector<16xi32>
    %mul3A_22 = arith.constant 112 : i32
    %mul3A_23 = vector.broadcast %mul3A_22 : i32 to vector<16xi32>
    %mul3A_24 = arith.muli %iota3A, %mul3A_23 : vector<16xi32>
    %broadcast_in_dim3A = arith.constant 0x7F800000 : f32
    %broadcast_in_dim3A_25 = vector.broadcast %broadcast_in_dim3A : f32 to vector<16xf32>
    %broadcast_in_dim3A_26 = arith.constant 0.000000e+00 : f32
    %broadcast_in_dim3A_27 = vector.broadcast %broadcast_in_dim3A_26 : f32 to vector<16xf32>
    %broadcast_in_dim3A_28 = arith.constant 0xFF800000 : f32
    %broadcast_in_dim3A_29 = vector.broadcast %broadcast_in_dim3A_28 : f32 to vector<16xf32>
    %add3A_30 = arith.constant 0 : i32
    %add3A_31 = arith.addi %mul3A_21, %add3A_30 : i32
    %jit3A_32 = arith.constant 2000 : i32
    %div3A_33 = arith.divsi %add3A_31, %jit3A_32 : i32
    %sign3A_34 = arith.constant 0 : i32
    %sign3A_35 = arith.cmpi sgt, %add3A_31, %sign3A_34 : i32
    %sign3A_36 = arith.extui %sign3A_35 : i1 to i32
    %sign3A_37 = arith.constant 0 : i32
    %sign3A_38 = arith.cmpi slt, %add3A_31, %sign3A_37 : i32
    %sign3A_39 = arith.extui %sign3A_38 : i1 to i32
    %sign3A_40 = arith.subi %sign3A_36, %sign3A_39 : i32
    %sign3A_41 = arith.constant 0 : i32
    %sign3A_42 = arith.cmpi sgt, %jit3A_32, %sign3A_41 : i32
    %sign3A_43 = arith.extui %sign3A_42 : i1 to i32
    %sign3A_44 = arith.constant 0 : i32
    %sign3A_45 = arith.cmpi slt, %jit3A_32, %sign3A_44 : i32
    %sign3A_46 = arith.extui %sign3A_45 : i1 to i32
    %sign3A_47 = arith.subi %sign3A_43, %sign3A_46 : i32
    %ne3A_48 = arith.cmpi ne, %sign3A_40, %sign3A_47 : i32
    %rem3A_49 = arith.remsi %add3A_31, %jit3A_32 : i32
    %ne3A_50 = arith.constant 0 : i32
    %ne3A_51 = arith.cmpi ne, %rem3A_49, %ne3A_50 : i32
    %and3A_52 = arith.andi %ne3A_48, %ne3A_51 : i1
    %sub3A_53 = arith.constant 1 : i32
    %sub3A_54 = arith.subi %div3A_33, %sub3A_53 : i32
    %select_n3A_55 = arith.select %and3A_52, %sub3A_54, %div3A_33 : i32
    %mul3A_56 = arith.constant 2000 : i32
    %mul3A_57 = arith.muli %select_n3A_55, %mul3A_56 : i32
    %sub3A_58 = arith.subi %add3A_31, %mul3A_57 : i32
    %add3A_59 = arith.constant 200 : i32
    %add3A_60 = arith.addi %mul3A_21, %add3A_59 : i32
    %jit3A_61 = arith.constant 2000 : i32
    %div3A_62 = arith.divsi %add3A_60, %jit3A_61 : i32
    %sign3A_63 = arith.constant 0 : i32
    %sign3A_64 = arith.cmpi sgt, %add3A_60, %sign3A_63 : i32
    %sign3A_65 = arith.extui %sign3A_64 : i1 to i32
    %sign3A_66 = arith.constant 0 : i32
    %sign3A_67 = arith.cmpi slt, %add3A_60, %sign3A_66 : i32
    %sign3A_68 = arith.extui %sign3A_67 : i1 to i32
    %sign3A_69 = arith.subi %sign3A_65, %sign3A_68 : i32
    %sign3A_70 = arith.constant 0 : i32
    %sign3A_71 = arith.cmpi sgt, %jit3A_61, %sign3A_70 : i32
    %sign3A_72 = arith.extui %sign3A_71 : i1 to i32
    %sign3A_73 = arith.constant 0 : i32
    %sign3A_74 = arith.cmpi slt, %jit3A_61, %sign3A_73 : i32
    %sign3A_75 = arith.extui %sign3A_74 : i1 to i32
    %sign3A_76 = arith.subi %sign3A_72, %sign3A_75 : i32
    %ne3A_77 = arith.cmpi ne, %sign3A_69, %sign3A_76 : i32
    %rem3A_78 = arith.remsi %add3A_60, %jit3A_61 : i32
    %ne3A_79 = arith.constant 0 : i32
    %ne3A_80 = arith.cmpi ne, %rem3A_78, %ne3A_79 : i32
    %and3A_81 = arith.andi %ne3A_77, %ne3A_80 : i1
    %sub3A_82 = arith.constant 1 : i32
    %sub3A_83 = arith.subi %div3A_62, %sub3A_82 : i32
    %select_n3A_84 = arith.select %and3A_81, %sub3A_83, %div3A_62 : i32
    %mul3A_85 = arith.constant 2000 : i32
    %mul3A_86 = arith.muli %select_n3A_84, %mul3A_85 : i32
    %sub3A_87 = arith.subi %add3A_60, %mul3A_86 : i32
    %mul3A_88 = arith.constant 50 : i32
    %mul3A_89 = arith.muli %select_n3A, %mul3A_88 : i32
    %dma_start3A = arith.constant 0 : i32
    %dma_start3A_90 = arith.constant 0 : i32
    %dma_start3A_91 = tpu.memref_slice %arg6[%dma_start3A_90] : memref<400xf32, #tpu.memory_space<vmem>> -> memref<200xf32, #tpu.memory_space<vmem>>
    %dma_start3A_92 = tpu.memref_slice %arg2[%select_n3A_55, %dma_start3A, %sub3A_58] : memref<5x8x2048xf32, #tpu.memory_space<hbm>> -> memref<1x1x200xf32, #tpu.memory_space<hbm>>
    %dma_start3A_93 = tpu.memref_squeeze %dma_start3A_92 : memref<1x1x200xf32, #tpu.memory_space<hbm>> -> memref<200xf32, #tpu.memory_space<hbm>>
    %dma_start3A_94 = arith.constant 0 : i32
    %dma_start3A_95 = tpu.memref_slice %arg6[%dma_start3A_94] : memref<400xf32, #tpu.memory_space<vmem>> -> memref<200xf32, #tpu.memory_space<vmem>>
    %dma_start3A_96 = tpu.memref_slice %arg2[%select_n3A_55, %dma_start3A, %sub3A_58] : memref<5x8x2048xf32, #tpu.memory_space<hbm>> -> memref<1x1x200xf32, #tpu.memory_space<hbm>>
    %dma_start3A_97 = tpu.memref_squeeze %dma_start3A_96 : memref<1x1x200xf32, #tpu.memory_space<hbm>> -> memref<200xf32, #tpu.memory_space<hbm>>
    tpu.enqueue_dma source(%dma_start3A_97 : memref<200xf32, #tpu.memory_space<hbm>>) target(%dma_start3A_95 : memref<200xf32, #tpu.memory_space<vmem>>) target_semaphore(%arg19 : memref<!tpu.dma_semaphore, #tpu.memory_space<semaphore_mem>>)
    %dma_start3A_98 = arith.constant 0 : i32
    %dma_start3A_99 = arith.constant 200 : i32
    %dma_start3A_100 = tpu.memref_slice %arg6[%dma_start3A_99] : memref<400xf32, #tpu.memory_space<vmem>> -> memref<200xf32, #tpu.memory_space<vmem>>
    %dma_start3A_101 = tpu.memref_slice %arg2[%select_n3A_84, %dma_start3A_98, %sub3A_87] : memref<5x8x2048xf32, #tpu.memory_space<hbm>> -> memref<1x1x200xf32, #tpu.memory_space<hbm>>
    %dma_start3A_102 = tpu.memref_squeeze %dma_start3A_101 : memref<1x1x200xf32, #tpu.memory_space<hbm>> -> memref<200xf32, #tpu.memory_space<hbm>>
    %dma_start3A_103 = arith.constant 200 : i32
    %dma_start3A_104 = tpu.memref_slice %arg6[%dma_start3A_103] : memref<400xf32, #tpu.memory_space<vmem>> -> memref<200xf32, #tpu.memory_space<vmem>>
    %dma_start3A_105 = tpu.memref_slice %arg2[%select_n3A_84, %dma_start3A_98, %sub3A_87] : memref<5x8x2048xf32, #tpu.memory_space<hbm>> -> memref<1x1x200xf32, #tpu.memory_space<hbm>>
    %dma_start3A_106 = tpu.memref_squeeze %dma_start3A_105 : memref<1x1x200xf32, #tpu.memory_space<hbm>> -> memref<200xf32, #tpu.memory_space<hbm>>
    tpu.enqueue_dma source(%dma_start3A_106 : memref<200xf32, #tpu.memory_space<hbm>>) target(%dma_start3A_104 : memref<200xf32, #tpu.memory_space<vmem>>) target_semaphore(%arg19 : memref<!tpu.dma_semaphore, #tpu.memory_space<semaphore_mem>>)
    %dma_start3A_107 = arith.constant 1 : i32
    %dma_start3A_108 = arith.constant 0 : i32
    %dma_start3A_109 = tpu.memref_slice %arg7[%dma_start3A_108] : memref<400xf32, #tpu.memory_space<vmem>> -> memref<200xf32, #tpu.memory_space<vmem>>
    %dma_start3A_110 = tpu.memref_slice %arg2[%select_n3A_55, %dma_start3A_107, %sub3A_58] : memref<5x8x2048xf32, #tpu.memory_space<hbm>> -> memref<1x1x200xf32, #tpu.memory_space<hbm>>
    %dma_start3A_111 = tpu.memref_squeeze %dma_start3A_110 : memref<1x1x200xf32, #tpu.memory_space<hbm>> -> memref<200xf32, #tpu.memory_space<hbm>>
    %dma_start3A_112 = arith.constant 0 : i32
    %dma_start3A_113 = tpu.memref_slice %arg7[%dma_start3A_112] : memref<400xf32, #tpu.memory_space<vmem>> -> memref<200xf32, #tpu.memory_space<vmem>>
    %dma_start3A_114 = tpu.memref_slice %arg2[%select_n3A_55, %dma_start3A_107, %sub3A_58] : memref<5x8x2048xf32, #tpu.memory_space<hbm>> -> memref<1x1x200xf32, #tpu.memory_space<hbm>>
    %dma_start3A_115 = tpu.memref_squeeze %dma_start3A_114 : memref<1x1x200xf32, #tpu.memory_space<hbm>> -> memref<200xf32, #tpu.memory_space<hbm>>
    tpu.enqueue_dma source(%dma_start3A_115 : memref<200xf32, #tpu.memory_space<hbm>>) target(%dma_start3A_113 : memref<200xf32, #tpu.memory_space<vmem>>) target_semaphore(%arg19 : memref<!tpu.dma_semaphore, #tpu.memory_space<semaphore_mem>>)
    %dma_start3A_116 = arith.constant 1 : i32
    %dma_start3A_117 = arith.constant 200 : i32
    %dma_start3A_118 = tpu.memref_slice %arg7[%dma_start3A_117] : memref<400xf32, #tpu.memory_space<vmem>> -> memref<200xf32, #tpu.memory_space<vmem>>
    %dma_start3A_119 = tpu.memref_slice %arg2[%select_n3A_84, %dma_start3A_116, %sub3A_87] : memref<5x8x2048xf32, #tpu.memory_space<hbm>> -> memref<1x1x200xf32, #tpu.memory_space<hbm>>
    %dma_start3A_120 = tpu.memref_squeeze %dma_start3A_119 : memref<1x1x200xf32, #tpu.memory_space<hbm>> -> memref<200xf32, #tpu.memory_space<hbm>>
    %dma_start3A_121 = arith.constant 200 : i32
    %dma_start3A_122 = tpu.memref_slice %arg7[%dma_start3A_121] : memref<400xf32, #tpu.memory_space<vmem>> -> memref<200xf32, #tpu.memory_space<vmem>>
    %dma_start3A_123 = tpu.memref_slice %arg2[%select_n3A_84, %dma_start3A_116, %sub3A_87] : memref<5x8x2048xf32, #tpu.memory_space<hbm>> -> memref<1x1x200xf32, #tpu.memory_space<hbm>>
    %dma_start3A_124 = tpu.memref_squeeze %dma_start3A_123 : memref<1x1x200xf32, #tpu.memory_space<hbm>> -> memref<200xf32, #tpu.memory_space<hbm>>
    tpu.enqueue_dma source(%dma_start3A_124 : memref<200xf32, #tpu.memory_space<hbm>>) target(%dma_start3A_122 : memref<200xf32, #tpu.memory_space<vmem>>) target_semaphore(%arg19 : memref<!tpu.dma_semaphore, #tpu.memory_space<semaphore_mem>>)
    %dma_start3A_125 = arith.constant 2 : i32
    %dma_start3A_126 = arith.constant 0 : i32
    %dma_start3A_127 = tpu.memref_slice %arg8[%dma_start3A_126] : memref<400xf32, #tpu.memory_space<vmem>> -> memref<200xf32, #tpu.memory_space<vmem>>
    %dma_start3A_128 = tpu.memref_slice %arg2[%select_n3A_55, %dma_start3A_125, %sub3A_58] : memref<5x8x2048xf32, #tpu.memory_space<hbm>> -> memref<1x1x200xf32, #tpu.memory_space<hbm>>
    %dma_start3A_129 = tpu.memref_squeeze %dma_start3A_128 : memref<1x1x200xf32, #tpu.memory_space<hbm>> -> memref<200xf32, #tpu.memory_space<hbm>>
    %dma_start3A_130 = arith.constant 0 : i32
    %dma_start3A_131 = tpu.memref_slice %arg8[%dma_start3A_130] : memref<400xf32, #tpu.memory_space<vmem>> -> memref<200xf32, #tpu.memory_space<vmem>>
    %dma_start3A_132 = tpu.memref_slice %arg2[%select_n3A_55, %dma_start3A_125, %sub3A_58] : memref<5x8x2048xf32, #tpu.memory_space<hbm>> -> memref<1x1x200xf32, #tpu.memory_space<hbm>>
    %dma_start3A_133 = tpu.memref_squeeze %dma_start3A_132 : memref<1x1x200xf32, #tpu.memory_space<hbm>> -> memref<200xf32, #tpu.memory_space<hbm>>
    tpu.enqueue_dma source(%dma_start3A_133 : memref<200xf32, #tpu.memory_space<hbm>>) target(%dma_start3A_131 : memref<200xf32, #tpu.memory_space<vmem>>) target_semaphore(%arg19 : memref<!tpu.dma_semaphore, #tpu.memory_space<semaphore_mem>>)
    %dma_start3A_134 = arith.constant 2 : i32
    %dma_start3A_135 = arith.constant 200 : i32
    %dma_start3A_136 = tpu.memref_slice %arg8[%dma_start3A_135] : memref<400xf32, #tpu.memory_space<vmem>> -> memref<200xf32, #tpu.memory_space<vmem>>
    %dma_start3A_137 = tpu.memref_slice %arg2[%select_n3A_84, %dma_start3A_134, %sub3A_87] : memref<5x8x2048xf32, #tpu.memory_space<hbm>> -> memref<1x1x200xf32, #tpu.memory_space<hbm>>
    %dma_start3A_138 = tpu.memref_squeeze %dma_start3A_137 : memref<1x1x200xf32, #tpu.memory_space<hbm>> -> memref<200xf32, #tpu.memory_space<hbm>>
    %dma_start3A_139 = arith.constant 200 : i32
    %dma_start3A_140 = tpu.memref_slice %arg8[%dma_start3A_139] : memref<400xf32, #tpu.memory_space<vmem>> -> memref<200xf32, #tpu.memory_space<vmem>>
    %dma_start3A_141 = tpu.memref_slice %arg2[%select_n3A_84, %dma_start3A_134, %sub3A_87] : memref<5x8x2048xf32, #tpu.memory_space<hbm>> -> memref<1x1x200xf32, #tpu.memory_space<hbm>>
    %dma_start3A_142 = tpu.memref_squeeze %dma_start3A_141 : memref<1x1x200xf32, #tpu.memory_space<hbm>> -> memref<200xf32, #tpu.memory_space<hbm>>
    tpu.enqueue_dma source(%dma_start3A_142 : memref<200xf32, #tpu.memory_space<hbm>>) target(%dma_start3A_140 : memref<200xf32, #tpu.memory_space<vmem>>) target_semaphore(%arg19 : memref<!tpu.dma_semaphore, #tpu.memory_space<semaphore_mem>>)
    %dma_start3A_143 = arith.constant 3 : i32
    %dma_start3A_144 = arith.constant 0 : i32
    %dma_start3A_145 = tpu.memref_slice %arg9[%dma_start3A_144] : memref<400xf32, #tpu.memory_space<vmem>> -> memref<200xf32, #tpu.memory_space<vmem>>
    %dma_start3A_146 = tpu.memref_slice %arg2[%select_n3A_55, %dma_start3A_143, %sub3A_58] : memref<5x8x2048xf32, #tpu.memory_space<hbm>> -> memref<1x1x200xf32, #tpu.memory_space<hbm>>
    %dma_start3A_147 = tpu.memref_squeeze %dma_start3A_146 : memref<1x1x200xf32, #tpu.memory_space<hbm>> -> memref<200xf32, #tpu.memory_space<hbm>>
    %dma_start3A_148 = arith.constant 0 : i32
    %dma_start3A_149 = tpu.memref_slice %arg9[%dma_start3A_148] : memref<400xf32, #tpu.memory_space<vmem>> -> memref<200xf32, #tpu.memory_space<vmem>>
    %dma_start3A_150 = tpu.memref_slice %arg2[%select_n3A_55, %dma_start3A_143, %sub3A_58] : memref<5x8x2048xf32, #tpu.memory_space<hbm>> -> memref<1x1x200xf32, #tpu.memory_space<hbm>>
    %dma_start3A_151 = tpu.memref_squeeze %dma_start3A_150 : memref<1x1x200xf32, #tpu.memory_space<hbm>> -> memref<200xf32, #tpu.memory_space<hbm>>
    tpu.enqueue_dma source(%dma_start3A_151 : memref<200xf32, #tpu.memory_space<hbm>>) target(%dma_start3A_149 : memref<200xf32, #tpu.memory_space<vmem>>) target_semaphore(%arg19 : memref<!tpu.dma_semaphore, #tpu.memory_space<semaphore_mem>>)
    %dma_start3A_152 = arith.constant 3 : i32
    %dma_start3A_153 = arith.constant 200 : i32
    %dma_start3A_154 = tpu.memref_slice %arg9[%dma_start3A_153] : memref<400xf32, #tpu.memory_space<vmem>> -> memref<200xf32, #tpu.memory_space<vmem>>
    %dma_start3A_155 = tpu.memref_slice %arg2[%select_n3A_84, %dma_start3A_152, %sub3A_87] : memref<5x8x2048xf32, #tpu.memory_space<hbm>> -> memref<1x1x200xf32, #tpu.memory_space<hbm>>
    %dma_start3A_156 = tpu.memref_squeeze %dma_start3A_155 : memref<1x1x200xf32, #tpu.memory_space<hbm>> -> memref<200xf32, #tpu.memory_space<hbm>>
    %dma_start3A_157 = arith.constant 200 : i32
    %dma_start3A_158 = tpu.memref_slice %arg9[%dma_start3A_157] : memref<400xf32, #tpu.memory_space<vmem>> -> memref<200xf32, #tpu.memory_space<vmem>>
    %dma_start3A_159 = tpu.memref_slice %arg2[%select_n3A_84, %dma_start3A_152, %sub3A_87] : memref<5x8x2048xf32, #tpu.memory_space<hbm>> -> memref<1x1x200xf32, #tpu.memory_space<hbm>>
    %dma_start3A_160 = tpu.memref_squeeze %dma_start3A_159 : memref<1x1x200xf32, #tpu.memory_space<hbm>> -> memref<200xf32, #tpu.memory_space<hbm>>
    tpu.enqueue_dma source(%dma_start3A_160 : memref<200xf32, #tpu.memory_space<hbm>>) target(%dma_start3A_158 : memref<200xf32, #tpu.memory_space<vmem>>) target_semaphore(%arg19 : memref<!tpu.dma_semaphore, #tpu.memory_space<semaphore_mem>>)
    %dma_start3A_161 = arith.constant 4 : i32
    %dma_start3A_162 = arith.constant 0 : i32
    %dma_start3A_163 = tpu.memref_slice %arg10[%dma_start3A_162] : memref<400xf32, #tpu.memory_space<vmem>> -> memref<200xf32, #tpu.memory_space<vmem>>
    %dma_start3A_164 = tpu.memref_slice %arg2[%select_n3A_55, %dma_start3A_161, %sub3A_58] : memref<5x8x2048xf32, #tpu.memory_space<hbm>> -> memref<1x1x200xf32, #tpu.memory_space<hbm>>
    %dma_start3A_165 = tpu.memref_squeeze %dma_start3A_164 : memref<1x1x200xf32, #tpu.memory_space<hbm>> -> memref<200xf32, #tpu.memory_space<hbm>>
    %dma_start3A_166 = arith.constant 0 : i32
    %dma_start3A_167 = tpu.memref_slice %arg10[%dma_start3A_166] : memref<400xf32, #tpu.memory_space<vmem>> -> memref<200xf32, #tpu.memory_space<vmem>>
    %dma_start3A_168 = tpu.memref_slice %arg2[%select_n3A_55, %dma_start3A_161, %sub3A_58] : memref<5x8x2048xf32, #tpu.memory_space<hbm>> -> memref<1x1x200xf32, #tpu.memory_space<hbm>>
    %dma_start3A_169 = tpu.memref_squeeze %dma_start3A_168 : memref<1x1x200xf32, #tpu.memory_space<hbm>> -> memref<200xf32, #tpu.memory_space<hbm>>
    tpu.enqueue_dma source(%dma_start3A_169 : memref<200xf32, #tpu.memory_space<hbm>>) target(%dma_start3A_167 : memref<200xf32, #tpu.memory_space<vmem>>) target_semaphore(%arg19 : memref<!tpu.dma_semaphore, #tpu.memory_space<semaphore_mem>>)
    %dma_start3A_170 = arith.constant 4 : i32
    %dma_start3A_171 = arith.constant 200 : i32
    %dma_start3A_172 = tpu.memref_slice %arg10[%dma_start3A_171] : memref<400xf32, #tpu.memory_space<vmem>> -> memref<200xf32, #tpu.memory_space<vmem>>
    %dma_start3A_173 = tpu.memref_slice %arg2[%select_n3A_84, %dma_start3A_170, %sub3A_87] : memref<5x8x2048xf32, #tpu.memory_space<hbm>> -> memref<1x1x200xf32, #tpu.memory_space<hbm>>
    %dma_start3A_174 = tpu.memref_squeeze %dma_start3A_173 : memref<1x1x200xf32, #tpu.memory_space<hbm>> -> memref<200xf32, #tpu.memory_space<hbm>>
    %dma_start3A_175 = arith.constant 200 : i32
    %dma_start3A_176 = tpu.memref_slice %arg10[%dma_start3A_175] : memref<400xf32, #tpu.memory_space<vmem>> -> memref<200xf32, #tpu.memory_space<vmem>>
    %dma_start3A_177 = tpu.memref_slice %arg2[%select_n3A_84, %dma_start3A_170, %sub3A_87] : memref<5x8x2048xf32, #tpu.memory_space<hbm>> -> memref<1x1x200xf32, #tpu.memory_space<hbm>>
    %dma_start3A_178 = tpu.memref_squeeze %dma_start3A_177 : memref<1x1x200xf32, #tpu.memory_space<hbm>> -> memref<200xf32, #tpu.memory_space<hbm>>
    tpu.enqueue_dma source(%dma_start3A_178 : memref<200xf32, #tpu.memory_space<hbm>>) target(%dma_start3A_176 : memref<200xf32, #tpu.memory_space<vmem>>) target_semaphore(%arg19 : memref<!tpu.dma_semaphore, #tpu.memory_space<semaphore_mem>>)
    %dma_start3A_179 = arith.constant 0 : i32
    %dma_start3A_180 = arith.constant 0 : i32
    %dma_start3A_181 = tpu.memref_slice %arg3[%mul3A_89, %dma_start3A_179, %dma_start3A_180] : memref<1250x2x128xi32, #tpu.memory_space<hbm>> -> memref<50x2x128xi32, #tpu.memory_space<hbm>>
    %dma_start3A_182 = arith.constant 0 : i32
    %dma_start3A_183 = arith.constant 0 : i32
    %dma_start3A_184 = tpu.memref_slice %arg3[%mul3A_89, %dma_start3A_182, %dma_start3A_183] : memref<1250x2x128xi32, #tpu.memory_space<hbm>> -> memref<50x2x128xi32, #tpu.memory_space<hbm>>
    tpu.enqueue_dma source(%dma_start3A_184 : memref<50x2x128xi32, #tpu.memory_space<hbm>>) target(%arg16 : memref<50x2x128xi32, #tpu.memory_space<vmem>>) target_semaphore(%arg19 : memref<!tpu.dma_semaphore, #tpu.memory_space<semaphore_mem>>)
    %parallel_loop3A = arith.constant 0 : i32
    %parallel_loop3A_185 = arith.constant 112 : i32
    %parallel_loop3A_186 = arith.constant 1 : i32
    scf.for %parallel_loop3A_473 = %parallel_loop3A to %parallel_loop3A_185 step %parallel_loop3A_186  : i32 {
      %parallel_loop3A_474 = arith.constant 16 : i32
      %parallel_loop3A_475 = arith.muli %parallel_loop3A_473, %parallel_loop3A_474 : i32
      %parallel_loop3A_476 = arith.index_cast %parallel_loop3A_475 : i32 to index
      %parallel_loop3A_477 = tpu.vector_load %arg20[%parallel_loop3A_476] {strides = array<i32>} : memref<1792xf32, #tpu.memory_space<vmem>>, vector<16xf32>,
      tpu.vector_store %arg20[%parallel_loop3A_476], %broadcast_in_dim3A_25 {strides = array<i32>} : memref<1792xf32, #tpu.memory_space<vmem>>, vector<16xf32>,
      %parallel_loop3A_478 = arith.constant 16 : i32
      %parallel_loop3A_479 = arith.muli %parallel_loop3A_473, %parallel_loop3A_478 : i32
      %parallel_loop3A_480 = arith.index_cast %parallel_loop3A_479 : i32 to index
      %parallel_loop3A_481 = tpu.vector_load %arg21[%parallel_loop3A_480] {strides = array<i32>} : memref<1792xf32, #tpu.memory_space<vmem>>, vector<16xf32>,
      tpu.vector_store %arg21[%parallel_loop3A_480], %broadcast_in_dim3A_25 {strides = array<i32>} : memref<1792xf32, #tpu.memory_space<vmem>>, vector<16xf32>,
      %parallel_loop3A_482 = arith.constant 16 : i32
      %parallel_loop3A_483 = arith.muli %parallel_loop3A_473, %parallel_loop3A_482 : i32
      %parallel_loop3A_484 = arith.index_cast %parallel_loop3A_483 : i32 to index
      %parallel_loop3A_485 = tpu.vector_load %arg22[%parallel_loop3A_484] {strides = array<i32>} : memref<1792xf32, #tpu.memory_space<vmem>>, vector<16xf32>,
      tpu.vector_store %arg22[%parallel_loop3A_484], %broadcast_in_dim3A_25 {strides = array<i32>} : memref<1792xf32, #tpu.memory_space<vmem>>, vector<16xf32>,
      %parallel_loop3A_486 = arith.constant 16 : i32
      %parallel_loop3A_487 = arith.muli %parallel_loop3A_473, %parallel_loop3A_486 : i32
      %parallel_loop3A_488 = arith.index_cast %parallel_loop3A_487 : i32 to index
      %parallel_loop3A_489 = tpu.vector_load %arg23[%parallel_loop3A_488] {strides = array<i32>} : memref<1792xf32, #tpu.memory_space<vmem>>, vector<16xf32>,
      tpu.vector_store %arg23[%parallel_loop3A_488], %broadcast_in_dim3A_25 {strides = array<i32>} : memref<1792xf32, #tpu.memory_space<vmem>>, vector<16xf32>,
      %parallel_loop3A_490 = arith.constant 16 : i32
      %parallel_loop3A_491 = arith.muli %parallel_loop3A_473, %parallel_loop3A_490 : i32
      %parallel_loop3A_492 = arith.index_cast %parallel_loop3A_491 : i32 to index
      %parallel_loop3A_493 = tpu.vector_load %arg24[%parallel_loop3A_492] {strides = array<i32>} : memref<1792xf32, #tpu.memory_space<vmem>>, vector<16xf32>,
      tpu.vector_store %arg24[%parallel_loop3A_492], %broadcast_in_dim3A_25 {strides = array<i32>} : memref<1792xf32, #tpu.memory_space<vmem>>, vector<16xf32>,
      %parallel_loop3A_494 = arith.constant 16 : i32
      %parallel_loop3A_495 = arith.muli %parallel_loop3A_473, %parallel_loop3A_494 : i32
      %parallel_loop3A_496 = arith.index_cast %parallel_loop3A_495 : i32 to index
      %parallel_loop3A_497 = tpu.vector_load %arg25[%parallel_loop3A_496] {strides = array<i32>} : memref<1792xf32, #tpu.memory_space<vmem>>, vector<16xf32>,
      tpu.vector_store %arg25[%parallel_loop3A_496], %broadcast_in_dim3A_25 {strides = array<i32>} : memref<1792xf32, #tpu.memory_space<vmem>>, vector<16xf32>,
      %parallel_loop3A_498 = arith.constant 16 : i32
      %parallel_loop3A_499 = arith.muli %parallel_loop3A_473, %parallel_loop3A_498 : i32
      %parallel_loop3A_500 = arith.index_cast %parallel_loop3A_499 : i32 to index
      %parallel_loop3A_501 = tpu.vector_load %arg26[%parallel_loop3A_500] {strides = array<i32>} : memref<1792xf32, #tpu.memory_space<vmem>>, vector<16xf32>,
      tpu.vector_store %arg26[%parallel_loop3A_500], %broadcast_in_dim3A_25 {strides = array<i32>} : memref<1792xf32, #tpu.memory_space<vmem>>, vector<16xf32>,
      %parallel_loop3A_502 = arith.constant 16 : i32
      %parallel_loop3A_503 = arith.muli %parallel_loop3A_473, %parallel_loop3A_502 : i32
      %parallel_loop3A_504 = arith.index_cast %parallel_loop3A_503 : i32 to index
      %parallel_loop3A_505 = tpu.vector_load %arg27[%parallel_loop3A_504] {strides = array<i32>} : memref<1792xf32, #tpu.memory_space<vmem>>, vector<16xf32>,
      tpu.vector_store %arg27[%parallel_loop3A_504], %broadcast_in_dim3A_25 {strides = array<i32>} : memref<1792xf32, #tpu.memory_space<vmem>>, vector<16xf32>,
      %parallel_loop3A_506 = arith.constant 16 : i32
      %parallel_loop3A_507 = arith.muli %parallel_loop3A_473, %parallel_loop3A_506 : i32
      %parallel_loop3A_508 = arith.index_cast %parallel_loop3A_507 : i32 to index
      %parallel_loop3A_509 = tpu.vector_load %arg28[%parallel_loop3A_508] {strides = array<i32>} : memref<1792xf32, #tpu.memory_space<vmem>>, vector<16xf32>,
      tpu.vector_store %arg28[%parallel_loop3A_508], %broadcast_in_dim3A_25 {strides = array<i32>} : memref<1792xf32, #tpu.memory_space<vmem>>, vector<16xf32>,
      %parallel_loop3A_510 = arith.constant 16 : i32
      %parallel_loop3A_511 = arith.muli %parallel_loop3A_473, %parallel_loop3A_510 : i32
      %parallel_loop3A_512 = arith.index_cast %parallel_loop3A_511 : i32 to index
      %parallel_loop3A_513 = tpu.vector_load %arg29[%parallel_loop3A_512] {strides = array<i32>} : memref<1792xf32, #tpu.memory_space<vmem>>, vector<16xf32>,
      tpu.vector_store %arg29[%parallel_loop3A_512], %broadcast_in_dim3A_25 {strides = array<i32>} : memref<1792xf32, #tpu.memory_space<vmem>>, vector<16xf32>,
    } {sc.loop_unroll_factor = 1 : i64, sc.parallel_access}
    %dma_wait3A = arith.constant 0 : i32
    %dma_wait3A_187 = arith.constant 0 : i32
    %dma_wait3A_188 = tpu.memref_slice %arg6[%dma_wait3A_187] : memref<400xf32, #tpu.memory_space<vmem>> -> memref<200xf32, #tpu.memory_space<vmem>>
    %dma_wait3A_189 = tpu.memref_slice %arg2[%select_n3A_55, %dma_wait3A, %sub3A_58] : memref<5x8x2048xf32, #tpu.memory_space<hbm>> -> memref<1x1x200xf32, #tpu.memory_space<hbm>>
    %dma_wait3A_190 = tpu.memref_squeeze %dma_wait3A_189 : memref<1x1x200xf32, #tpu.memory_space<hbm>> -> memref<200xf32, #tpu.memory_space<hbm>>
    %dma_wait3A_191 = arith.constant 0 : i32
    %dma_wait3A_192 = tpu.memref_slice %arg6[%dma_wait3A_191] : memref<400xf32, #tpu.memory_space<vmem>> -> memref<200xf32, #tpu.memory_space<vmem>>
    %dma_wait3A_193 = tpu.memref_slice %arg2[%select_n3A_55, %dma_wait3A, %sub3A_58] : memref<5x8x2048xf32, #tpu.memory_space<hbm>> -> memref<1x1x200xf32, #tpu.memory_space<hbm>>
    %dma_wait3A_194 = tpu.memref_squeeze %dma_wait3A_193 : memref<1x1x200xf32, #tpu.memory_space<hbm>> -> memref<200xf32, #tpu.memory_space<hbm>>
    tpu.wait_dma2 semaphore(%arg19 : memref<!tpu.dma_semaphore, #tpu.memory_space<semaphore_mem>>) src(%dma_wait3A_194 : memref<200xf32, #tpu.memory_space<hbm>>) dst(%dma_wait3A_192 : memref<200xf32, #tpu.memory_space<vmem>>)
    %dma_wait3A_195 = arith.constant 0 : i32
    %dma_wait3A_196 = arith.constant 200 : i32
    %dma_wait3A_197 = tpu.memref_slice %arg6[%dma_wait3A_196] : memref<400xf32, #tpu.memory_space<vmem>> -> memref<200xf32, #tpu.memory_space<vmem>>
    %dma_wait3A_198 = tpu.memref_slice %arg2[%select_n3A_84, %dma_wait3A_195, %sub3A_87] : memref<5x8x2048xf32, #tpu.memory_space<hbm>> -> memref<1x1x200xf32, #tpu.memory_space<hbm>>
    %dma_wait3A_199 = tpu.memref_squeeze %dma_wait3A_198 : memref<1x1x200xf32, #tpu.memory_space<hbm>> -> memref<200xf32, #tpu.memory_space<hbm>>
    %dma_wait3A_200 = arith.constant 200 : i32
    %dma_wait3A_201 = tpu.memref_slice %arg6[%dma_wait3A_200] : memref<400xf32, #tpu.memory_space<vmem>> -> memref<200xf32, #tpu.memory_space<vmem>>
    %dma_wait3A_202 = tpu.memref_slice %arg2[%select_n3A_84, %dma_wait3A_195, %sub3A_87] : memref<5x8x2048xf32, #tpu.memory_space<hbm>> -> memref<1x1x200xf32, #tpu.memory_space<hbm>>
    %dma_wait3A_203 = tpu.memref_squeeze %dma_wait3A_202 : memref<1x1x200xf32, #tpu.memory_space<hbm>> -> memref<200xf32, #tpu.memory_space<hbm>>
    tpu.wait_dma2 semaphore(%arg19 : memref<!tpu.dma_semaphore, #tpu.memory_space<semaphore_mem>>) src(%dma_wait3A_203 : memref<200xf32, #tpu.memory_space<hbm>>) dst(%dma_wait3A_201 : memref<200xf32, #tpu.memory_space<vmem>>)
    %dma_wait3A_204 = arith.constant 1 : i32
    %dma_wait3A_205 = arith.constant 0 : i32
    %dma_wait3A_206 = tpu.memref_slice %arg7[%dma_wait3A_205] : memref<400xf32, #tpu.memory_space<vmem>> -> memref<200xf32, #tpu.memory_space<vmem>>
    %dma_wait3A_207 = tpu.memref_slice %arg2[%select_n3A_55, %dma_wait3A_204, %sub3A_58] : memref<5x8x2048xf32, #tpu.memory_space<hbm>> -> memref<1x1x200xf32, #tpu.memory_space<hbm>>
    %dma_wait3A_208 = tpu.memref_squeeze %dma_wait3A_207 : memref<1x1x200xf32, #tpu.memory_space<hbm>> -> memref<200xf32, #tpu.memory_space<hbm>>
    %dma_wait3A_209 = arith.constant 0 : i32
    %dma_wait3A_210 = tpu.memref_slice %arg7[%dma_wait3A_209] : memref<400xf32, #tpu.memory_space<vmem>> -> memref<200xf32, #tpu.memory_space<vmem>>
    %dma_wait3A_211 = tpu.memref_slice %arg2[%select_n3A_55, %dma_wait3A_204, %sub3A_58] : memref<5x8x2048xf32, #tpu.memory_space<hbm>> -> memref<1x1x200xf32, #tpu.memory_space<hbm>>
    %dma_wait3A_212 = tpu.memref_squeeze %dma_wait3A_211 : memref<1x1x200xf32, #tpu.memory_space<hbm>> -> memref<200xf32, #tpu.memory_space<hbm>>
    tpu.wait_dma2 semaphore(%arg19 : memref<!tpu.dma_semaphore, #tpu.memory_space<semaphore_mem>>) src(%dma_wait3A_212 : memref<200xf32, #tpu.memory_space<hbm>>) dst(%dma_wait3A_210 : memref<200xf32, #tpu.memory_space<vmem>>)
    %dma_wait3A_213 = arith.constant 1 : i32
    %dma_wait3A_214 = arith.constant 200 : i32
    %dma_wait3A_215 = tpu.memref_slice %arg7[%dma_wait3A_214] : memref<400xf32, #tpu.memory_space<vmem>> -> memref<200xf32, #tpu.memory_space<vmem>>
    %dma_wait3A_216 = tpu.memref_slice %arg2[%select_n3A_84, %dma_wait3A_213, %sub3A_87] : memref<5x8x2048xf32, #tpu.memory_space<hbm>> -> memref<1x1x200xf32, #tpu.memory_space<hbm>>
    %dma_wait3A_217 = tpu.memref_squeeze %dma_wait3A_216 : memref<1x1x200xf32, #tpu.memory_space<hbm>> -> memref<200xf32, #tpu.memory_space<hbm>>
    %dma_wait3A_218 = arith.constant 200 : i32
    %dma_wait3A_219 = tpu.memref_slice %arg7[%dma_wait3A_218] : memref<400xf32, #tpu.memory_space<vmem>> -> memref<200xf32, #tpu.memory_space<vmem>>
    %dma_wait3A_220 = tpu.memref_slice %arg2[%select_n3A_84, %dma_wait3A_213, %sub3A_87] : memref<5x8x2048xf32, #tpu.memory_space<hbm>> -> memref<1x1x200xf32, #tpu.memory_space<hbm>>
    %dma_wait3A_221 = tpu.memref_squeeze %dma_wait3A_220 : memref<1x1x200xf32, #tpu.memory_space<hbm>> -> memref<200xf32, #tpu.memory_space<hbm>>
    tpu.wait_dma2 semaphore(%arg19 : memref<!tpu.dma_semaphore, #tpu.memory_space<semaphore_mem>>) src(%dma_wait3A_221 : memref<200xf32, #tpu.memory_space<hbm>>) dst(%dma_wait3A_219 : memref<200xf32, #tpu.memory_space<vmem>>)
    %dma_wait3A_222 = arith.constant 2 : i32
    %dma_wait3A_223 = arith.constant 0 : i32
    %dma_wait3A_224 = tpu.memref_slice %arg8[%dma_wait3A_223] : memref<400xf32, #tpu.memory_space<vmem>> -> memref<200xf32, #tpu.memory_space<vmem>>
    %dma_wait3A_225 = tpu.memref_slice %arg2[%select_n3A_55, %dma_wait3A_222, %sub3A_58] : memref<5x8x2048xf32, #tpu.memory_space<hbm>> -> memref<1x1x200xf32, #tpu.memory_space<hbm>>
    %dma_wait3A_226 = tpu.memref_squeeze %dma_wait3A_225 : memref<1x1x200xf32, #tpu.memory_space<hbm>> -> memref<200xf32, #tpu.memory_space<hbm>>
    %dma_wait3A_227 = arith.constant 0 : i32
    %dma_wait3A_228 = tpu.memref_slice %arg8[%dma_wait3A_227] : memref<400xf32, #tpu.memory_space<vmem>> -> memref<200xf32, #tpu.memory_space<vmem>>
    %dma_wait3A_229 = tpu.memref_slice %arg2[%select_n3A_55, %dma_wait3A_222, %sub3A_58] : memref<5x8x2048xf32, #tpu.memory_space<hbm>> -> memref<1x1x200xf32, #tpu.memory_space<hbm>>
    %dma_wait3A_230 = tpu.memref_squeeze %dma_wait3A_229 : memref<1x1x200xf32, #tpu.memory_space<hbm>> -> memref<200xf32, #tpu.memory_space<hbm>>
    tpu.wait_dma2 semaphore(%arg19 : memref<!tpu.dma_semaphore, #tpu.memory_space<semaphore_mem>>) src(%dma_wait3A_230 : memref<200xf32, #tpu.memory_space<hbm>>) dst(%dma_wait3A_228 : memref<200xf32, #tpu.memory_space<vmem>>)
    %dma_wait3A_231 = arith.constant 2 : i32
    %dma_wait3A_232 = arith.constant 200 : i32
    %dma_wait3A_233 = tpu.memref_slice %arg8[%dma_wait3A_232] : memref<400xf32, #tpu.memory_space<vmem>> -> memref<200xf32, #tpu.memory_space<vmem>>
    %dma_wait3A_234 = tpu.memref_slice %arg2[%select_n3A_84, %dma_wait3A_231, %sub3A_87] : memref<5x8x2048xf32, #tpu.memory_space<hbm>> -> memref<1x1x200xf32, #tpu.memory_space<hbm>>
    %dma_wait3A_235 = tpu.memref_squeeze %dma_wait3A_234 : memref<1x1x200xf32, #tpu.memory_space<hbm>> -> memref<200xf32, #tpu.memory_space<hbm>>
    %dma_wait3A_236 = arith.constant 200 : i32
    %dma_wait3A_237 = tpu.memref_slice %arg8[%dma_wait3A_236] : memref<400xf32, #tpu.memory_space<vmem>> -> memref<200xf32, #tpu.memory_space<vmem>>
    %dma_wait3A_238 = tpu.memref_slice %arg2[%select_n3A_84, %dma_wait3A_231, %sub3A_87] : memref<5x8x2048xf32, #tpu.memory_space<hbm>> -> memref<1x1x200xf32, #tpu.memory_space<hbm>>
    %dma_wait3A_239 = tpu.memref_squeeze %dma_wait3A_238 : memref<1x1x200xf32, #tpu.memory_space<hbm>> -> memref<200xf32, #tpu.memory_space<hbm>>
    tpu.wait_dma2 semaphore(%arg19 : memref<!tpu.dma_semaphore, #tpu.memory_space<semaphore_mem>>) src(%dma_wait3A_239 : memref<200xf32, #tpu.memory_space<hbm>>) dst(%dma_wait3A_237 : memref<200xf32, #tpu.memory_space<vmem>>)
    %dma_wait3A_240 = arith.constant 3 : i32
    %dma_wait3A_241 = arith.constant 0 : i32
    %dma_wait3A_242 = tpu.memref_slice %arg9[%dma_wait3A_241] : memref<400xf32, #tpu.memory_space<vmem>> -> memref<200xf32, #tpu.memory_space<vmem>>
    %dma_wait3A_243 = tpu.memref_slice %arg2[%select_n3A_55, %dma_wait3A_240, %sub3A_58] : memref<5x8x2048xf32, #tpu.memory_space<hbm>> -> memref<1x1x200xf32, #tpu.memory_space<hbm>>
    %dma_wait3A_244 = tpu.memref_squeeze %dma_wait3A_243 : memref<1x1x200xf32, #tpu.memory_space<hbm>> -> memref<200xf32, #tpu.memory_space<hbm>>
    %dma_wait3A_245 = arith.constant 0 : i32
    %dma_wait3A_246 = tpu.memref_slice %arg9[%dma_wait3A_245] : memref<400xf32, #tpu.memory_space<vmem>> -> memref<200xf32, #tpu.memory_space<vmem>>
    %dma_wait3A_247 = tpu.memref_slice %arg2[%select_n3A_55, %dma_wait3A_240, %sub3A_58] : memref<5x8x2048xf32, #tpu.memory_space<hbm>> -> memref<1x1x200xf32, #tpu.memory_space<hbm>>
    %dma_wait3A_248 = tpu.memref_squeeze %dma_wait3A_247 : memref<1x1x200xf32, #tpu.memory_space<hbm>> -> memref<200xf32, #tpu.memory_space<hbm>>
    tpu.wait_dma2 semaphore(%arg19 : memref<!tpu.dma_semaphore, #tpu.memory_space<semaphore_mem>>) src(%dma_wait3A_248 : memref<200xf32, #tpu.memory_space<hbm>>) dst(%dma_wait3A_246 : memref<200xf32, #tpu.memory_space<vmem>>)
    %dma_wait3A_249 = arith.constant 3 : i32
    %dma_wait3A_250 = arith.constant 200 : i32
    %dma_wait3A_251 = tpu.memref_slice %arg9[%dma_wait3A_250] : memref<400xf32, #tpu.memory_space<vmem>> -> memref<200xf32, #tpu.memory_space<vmem>>
    %dma_wait3A_252 = tpu.memref_slice %arg2[%select_n3A_84, %dma_wait3A_249, %sub3A_87] : memref<5x8x2048xf32, #tpu.memory_space<hbm>> -> memref<1x1x200xf32, #tpu.memory_space<hbm>>
    %dma_wait3A_253 = tpu.memref_squeeze %dma_wait3A_252 : memref<1x1x200xf32, #tpu.memory_space<hbm>> -> memref<200xf32, #tpu.memory_space<hbm>>
    %dma_wait3A_254 = arith.constant 200 : i32
    %dma_wait3A_255 = tpu.memref_slice %arg9[%dma_wait3A_254] : memref<400xf32, #tpu.memory_space<vmem>> -> memref<200xf32, #tpu.memory_space<vmem>>
    %dma_wait3A_256 = tpu.memref_slice %arg2[%select_n3A_84, %dma_wait3A_249, %sub3A_87] : memref<5x8x2048xf32, #tpu.memory_space<hbm>> -> memref<1x1x200xf32, #tpu.memory_space<hbm>>
    %dma_wait3A_257 = tpu.memref_squeeze %dma_wait3A_256 : memref<1x1x200xf32, #tpu.memory_space<hbm>> -> memref<200xf32, #tpu.memory_space<hbm>>
    tpu.wait_dma2 semaphore(%arg19 : memref<!tpu.dma_semaphore, #tpu.memory_space<semaphore_mem>>) src(%dma_wait3A_257 : memref<200xf32, #tpu.memory_space<hbm>>) dst(%dma_wait3A_255 : memref<200xf32, #tpu.memory_space<vmem>>)
    %dma_wait3A_258 = arith.constant 4 : i32
    %dma_wait3A_259 = arith.constant 0 : i32
    %dma_wait3A_260 = tpu.memref_slice %arg10[%dma_wait3A_259] : memref<400xf32, #tpu.memory_space<vmem>> -> memref<200xf32, #tpu.memory_space<vmem>>
    %dma_wait3A_261 = tpu.memref_slice %arg2[%select_n3A_55, %dma_wait3A_258, %sub3A_58] : memref<5x8x2048xf32, #tpu.memory_space<hbm>> -> memref<1x1x200xf32, #tpu.memory_space<hbm>>
    %dma_wait3A_262 = tpu.memref_squeeze %dma_wait3A_261 : memref<1x1x200xf32, #tpu.memory_space<hbm>> -> memref<200xf32, #tpu.memory_space<hbm>>
    %dma_wait3A_263 = arith.constant 0 : i32
    %dma_wait3A_264 = tpu.memref_slice %arg10[%dma_wait3A_263] : memref<400xf32, #tpu.memory_space<vmem>> -> memref<200xf32, #tpu.memory_space<vmem>>
    %dma_wait3A_265 = tpu.memref_slice %arg2[%select_n3A_55, %dma_wait3A_258, %sub3A_58] : memref<5x8x2048xf32, #tpu.memory_space<hbm>> -> memref<1x1x200xf32, #tpu.memory_space<hbm>>
    %dma_wait3A_266 = tpu.memref_squeeze %dma_wait3A_265 : memref<1x1x200xf32, #tpu.memory_space<hbm>> -> memref<200xf32, #tpu.memory_space<hbm>>
    tpu.wait_dma2 semaphore(%arg19 : memref<!tpu.dma_semaphore, #tpu.memory_space<semaphore_mem>>) src(%dma_wait3A_266 : memref<200xf32, #tpu.memory_space<hbm>>) dst(%dma_wait3A_264 : memref<200xf32, #tpu.memory_space<vmem>>)
    %dma_wait3A_267 = arith.constant 4 : i32
    %dma_wait3A_268 = arith.constant 200 : i32
    %dma_wait3A_269 = tpu.memref_slice %arg10[%dma_wait3A_268] : memref<400xf32, #tpu.memory_space<vmem>> -> memref<200xf32, #tpu.memory_space<vmem>>
    %dma_wait3A_270 = tpu.memref_slice %arg2[%select_n3A_84, %dma_wait3A_267, %sub3A_87] : memref<5x8x2048xf32, #tpu.memory_space<hbm>> -> memref<1x1x200xf32, #tpu.memory_space<hbm>>
    %dma_wait3A_271 = tpu.memref_squeeze %dma_wait3A_270 : memref<1x1x200xf32, #tpu.memory_space<hbm>> -> memref<200xf32, #tpu.memory_space<hbm>>
    %dma_wait3A_272 = arith.constant 200 : i32
    %dma_wait3A_273 = tpu.memref_slice %arg10[%dma_wait3A_272] : memref<400xf32, #tpu.memory_space<vmem>> -> memref<200xf32, #tpu.memory_space<vmem>>
    %dma_wait3A_274 = tpu.memref_slice %arg2[%select_n3A_84, %dma_wait3A_267, %sub3A_87] : memref<5x8x2048xf32, #tpu.memory_space<hbm>> -> memref<1x1x200xf32, #tpu.memory_space<hbm>>
    %dma_wait3A_275 = tpu.memref_squeeze %dma_wait3A_274 : memref<1x1x200xf32, #tpu.memory_space<hbm>> -> memref<200xf32, #tpu.memory_space<hbm>>
    tpu.wait_dma2 semaphore(%arg19 : memref<!tpu.dma_semaphore, #tpu.memory_space<semaphore_mem>>) src(%dma_wait3A_275 : memref<200xf32, #tpu.memory_space<hbm>>) dst(%dma_wait3A_273 : memref<200xf32, #tpu.memory_space<vmem>>)
    %dma_wait3A_276 = arith.constant 0 : i32
    %dma_wait3A_277 = arith.constant 0 : i32
    %dma_wait3A_278 = tpu.memref_slice %arg3[%mul3A_89, %dma_wait3A_276, %dma_wait3A_277] : memref<1250x2x128xi32, #tpu.memory_space<hbm>> -> memref<50x2x128xi32, #tpu.memory_space<hbm>>
    %dma_wait3A_279 = arith.constant 0 : i32
    %dma_wait3A_280 = arith.constant 0 : i32
    %dma_wait3A_281 = tpu.memref_slice %arg3[%mul3A_89, %dma_wait3A_279, %dma_wait3A_280] : memref<1250x2x128xi32, #tpu.memory_space<hbm>> -> memref<50x2x128xi32, #tpu.memory_space<hbm>>
    tpu.wait_dma2 semaphore(%arg19 : memref<!tpu.dma_semaphore, #tpu.memory_space<semaphore_mem>>) src(%dma_wait3A_281 : memref<50x2x128xi32, #tpu.memory_space<hbm>>) dst(%arg16 : memref<50x2x128xi32, #tpu.memory_space<vmem>>)
    %scan3A = arith.constant 0 : i32
    %scan3A_282 = arith.constant 0 : i32
    %scan3A_283 = arith.constant 4 : i32
    %scan3A_284 = arith.addi %scan3A_282, %scan3A_283 : i32
    %scan3A_285 = arith.constant 1 : i32
    scf.for %scan3A_473 = %scan3A_282 to %scan3A_284 step %scan3A_285  : i32 {
      %add3A_474 = arith.addi %min3A_3, %scan3A_473 : i32
      %mul3A_475 = arith.constant 100 : i32
      %mul3A_476 = arith.muli %add3A_474, %mul3A_475 : i32
      %mul3A_477 = arith.constant 100 : i32
      %mul3A_478 = arith.muli %scan3A_473, %mul3A_477 : i32
      %scan3A_479 = arith.constant 0 : i32
      %scan3A_480 = arith.constant 0 : i32
      %scan3A_481 = arith.constant 100 : i32
      %scan3A_482 = arith.addi %scan3A_480, %scan3A_481 : i32
      %scan3A_483 = arith.constant 2 : i32
      scf.for %scan3A_607 = %scan3A_480 to %scan3A_482 step %scan3A_483  : i32 {
        %mul3A_608 = arith.constant 1600 : i32
        %mul3A_609 = arith.muli %scan3A_473, %mul3A_608 : i32
        %mul3A_610 = arith.constant 16 : i32
        %mul3A_611 = arith.muli %scan3A_607, %mul3A_610 : i32
        %add3A_612 = arith.addi %mul3A_609, %mul3A_611 : i32
        %jit3A_613 = arith.constant 128 : i32
        %div3A_614 = arith.divsi %add3A_612, %jit3A_613 : i32
        %sign3A_615 = arith.constant 0 : i32
        %sign3A_616 = arith.cmpi sgt, %add3A_612, %sign3A_615 : i32
        %sign3A_617 = arith.extui %sign3A_616 : i1 to i32
        %sign3A_618 = arith.constant 0 : i32
        %sign3A_619 = arith.cmpi slt, %add3A_612, %sign3A_618 : i32
        %sign3A_620 = arith.extui %sign3A_619 : i1 to i32
        %sign3A_621 = arith.subi %sign3A_617, %sign3A_620 : i32
        %sign3A_622 = arith.constant 0 : i32
        %sign3A_623 = arith.cmpi sgt, %jit3A_613, %sign3A_622 : i32
        %sign3A_624 = arith.extui %sign3A_623 : i1 to i32
        %sign3A_625 = arith.constant 0 : i32
        %sign3A_626 = arith.cmpi slt, %jit3A_613, %sign3A_625 : i32
        %sign3A_627 = arith.extui %sign3A_626 : i1 to i32
        %sign3A_628 = arith.subi %sign3A_624, %sign3A_627 : i32
        %ne3A_629 = arith.cmpi ne, %sign3A_621, %sign3A_628 : i32
        %rem3A_630 = arith.remsi %add3A_612, %jit3A_613 : i32
        %ne3A_631 = arith.constant 0 : i32
        %ne3A_632 = arith.cmpi ne, %rem3A_630, %ne3A_631 : i32
        %and3A_633 = arith.andi %ne3A_629, %ne3A_632 : i1
        %sub3A_634 = arith.constant 1 : i32
        %sub3A_635 = arith.subi %div3A_614, %sub3A_634 : i32
        %select_n3A_636 = arith.select %and3A_633, %sub3A_635, %div3A_614 : i32
        %mul3A_637 = arith.constant 128 : i32
        %mul3A_638 = arith.muli %select_n3A_636, %mul3A_637 : i32
        %sub3A_639 = arith.subi %add3A_612, %mul3A_638 : i32
        %get3A = arith.constant 0 : i32
        %get3A_640 = arith.index_cast %select_n3A_636 : i32 to index
        %get3A_641 = arith.index_cast %get3A : i32 to index
        %get3A_642 = arith.index_cast %sub3A_639 : i32 to index
        %get3A_643 = tpu.vector_load %arg16[%get3A_640, %get3A_641, %get3A_642] {strides = array<i32>} : memref<50x2x128xi32, #tpu.memory_space<vmem>>, vector<16xi32>,
        %get3A_644 = arith.constant 1 : i32
        %get3A_645 = arith.index_cast %select_n3A_636 : i32 to index
        %get3A_646 = arith.index_cast %get3A_644 : i32 to index
        %get3A_647 = arith.index_cast %sub3A_639 : i32 to index
        %get3A_648 = tpu.vector_load %arg16[%get3A_645, %get3A_646, %get3A_647] {strides = array<i32>} : memref<50x2x128xi32, #tpu.memory_space<vmem>>, vector<16xi32>,
        %sub3A_649 = vector.broadcast %mul3A_476 : i32 to vector<16xi32>
        %sub3A_650 = arith.subi %get3A_643, %sub3A_649 : vector<16xi32>
        %sub3A_651 = vector.broadcast %mul3A_476 : i32 to vector<16xi32>
        %sub3A_652 = arith.subi %get3A_648, %sub3A_651 : vector<16xi32>
        %add3A_653 = vector.broadcast %mul3A_478 : i32 to vector<16xi32>
        %add3A_654 = arith.addi %add3A_653, %sub3A_650 : vector<16xi32>
        %add3A_655 = vector.broadcast %mul3A_478 : i32 to vector<16xi32>
        %add3A_656 = arith.addi %add3A_655, %sub3A_652 : vector<16xi32>
        %add3A_657 = arith.addi %mul3A_24, %sub3A_650 : vector<16xi32>
        %add3A_658 = arith.addi %mul3A_24, %sub3A_652 : vector<16xi32>
        %gather3A = tpu.vector_load_idx %arg6[%add3A_654] : memref<400xf32, #tpu.memory_space<vmem>>[vector<16xi32>], vector<16xf32>,
        %gather3A_659 = tpu.vector_load_idx %arg6[%add3A_656] : memref<400xf32, #tpu.memory_space<vmem>>[vector<16xi32>], vector<16xf32>,
        %max3A = arith.maximumf %gather3A, %gather3A_659 : vector<16xf32>
        %gather3A_660 = tpu.vector_load_idx %arg7[%add3A_654] : memref<400xf32, #tpu.memory_space<vmem>>[vector<16xi32>], vector<16xf32>,
        %gather3A_661 = tpu.vector_load_idx %arg7[%add3A_656] : memref<400xf32, #tpu.memory_space<vmem>>[vector<16xi32>], vector<16xf32>,
        %max3A_662 = arith.maximumf %gather3A_660, %gather3A_661 : vector<16xf32>
        %gather3A_663 = tpu.vector_load_idx %arg8[%add3A_654] : memref<400xf32, #tpu.memory_space<vmem>>[vector<16xi32>], vector<16xf32>,
        %gather3A_664 = tpu.vector_load_idx %arg8[%add3A_656] : memref<400xf32, #tpu.memory_space<vmem>>[vector<16xi32>], vector<16xf32>,
        %max3A_665 = arith.maximumf %gather3A_663, %gather3A_664 : vector<16xf32>
        %gather3A_666 = tpu.vector_load_idx %arg9[%add3A_654] : memref<400xf32, #tpu.memory_space<vmem>>[vector<16xi32>], vector<16xf32>,
        %gather3A_667 = tpu.vector_load_idx %arg9[%add3A_656] : memref<400xf32, #tpu.memory_space<vmem>>[vector<16xi32>], vector<16xf32>,
        %max3A_668 = arith.maximumf %gather3A_666, %gather3A_667 : vector<16xf32>
        %gather3A_669 = tpu.vector_load_idx %arg10[%add3A_654] : memref<400xf32, #tpu.memory_space<vmem>>[vector<16xi32>], vector<16xf32>,
        %gather3A_670 = tpu.vector_load_idx %arg10[%add3A_656] : memref<400xf32, #tpu.memory_space<vmem>>[vector<16xi32>], vector<16xf32>,
        %max3A_671 = arith.maximumf %gather3A_669, %gather3A_670 : vector<16xf32>
        %gather3A_672 = tpu.vector_load_idx %arg20[%add3A_657] : memref<1792xf32, #tpu.memory_space<vmem>>[vector<16xi32>], vector<16xf32>,
        %gather3A_673 = tpu.vector_load_idx %arg25[%add3A_658] : memref<1792xf32, #tpu.memory_space<vmem>>[vector<16xi32>], vector<16xf32>,
        %gather3A_674 = tpu.vector_load_idx %arg21[%add3A_657] : memref<1792xf32, #tpu.memory_space<vmem>>[vector<16xi32>], vector<16xf32>,
        %gather3A_675 = tpu.vector_load_idx %arg26[%add3A_658] : memref<1792xf32, #tpu.memory_space<vmem>>[vector<16xi32>], vector<16xf32>,
        %gather3A_676 = tpu.vector_load_idx %arg22[%add3A_657] : memref<1792xf32, #tpu.memory_space<vmem>>[vector<16xi32>], vector<16xf32>,
        %gather3A_677 = tpu.vector_load_idx %arg27[%add3A_658] : memref<1792xf32, #tpu.memory_space<vmem>>[vector<16xi32>], vector<16xf32>,
        %gather3A_678 = tpu.vector_load_idx %arg23[%add3A_657] : memref<1792xf32, #tpu.memory_space<vmem>>[vector<16xi32>], vector<16xf32>,
        %gather3A_679 = tpu.vector_load_idx %arg28[%add3A_658] : memref<1792xf32, #tpu.memory_space<vmem>>[vector<16xi32>], vector<16xf32>,
        %gather3A_680 = tpu.vector_load_idx %arg24[%add3A_657] : memref<1792xf32, #tpu.memory_space<vmem>>[vector<16xi32>], vector<16xf32>,
        %gather3A_681 = tpu.vector_load_idx %arg29[%add3A_658] : memref<1792xf32, #tpu.memory_space<vmem>>[vector<16xi32>], vector<16xf32>,
        %mul3A_682 = arith.constant 16 : i32
        %mul3A_683 = arith.muli %scan3A_607, %mul3A_682 : i32
        %add3A_684 = arith.constant 0 : i32
        %add3A_685 = arith.addi %add3A_684, %mul3A_683 : i32
        %swap3A_686 = arith.index_cast %add3A_685 : i32 to index
        %swap3A_687 = tpu.vector_load %arg17[%swap3A_686] {strides = array<i32>} : memref<8000xf32, #tpu.memory_space<vmem>>, vector<16xf32>,
        tpu.vector_store %arg17[%swap3A_686], %max3A {strides = array<i32>} : memref<8000xf32, #tpu.memory_space<vmem>>, vector<16xf32>,
        %mul3A_688 = arith.constant 16 : i32
        %mul3A_689 = arith.muli %scan3A_607, %mul3A_688 : i32
        %add3A_690 = arith.constant 1600 : i32
        %add3A_691 = arith.addi %add3A_690, %mul3A_689 : i32
        %swap3A_692 = arith.index_cast %add3A_691 : i32 to index
        %swap3A_693 = tpu.vector_load %arg17[%swap3A_692] {strides = array<i32>} : memref<8000xf32, #tpu.memory_space<vmem>>, vector<16xf32>,
        tpu.vector_store %arg17[%swap3A_692], %max3A_662 {strides = array<i32>} : memref<8000xf32, #tpu.memory_space<vmem>>, vector<16xf32>,
        %mul3A_694 = arith.constant 16 : i32
        %mul3A_695 = arith.muli %scan3A_607, %mul3A_694 : i32
        %add3A_696 = arith.constant 3200 : i32
        %add3A_697 = arith.addi %add3A_696, %mul3A_695 : i32
        %swap3A_698 = arith.index_cast %add3A_697 : i32 to index
        %swap3A_699 = tpu.vector_load %arg17[%swap3A_698] {strides = array<i32>} : memref<8000xf32, #tpu.memory_space<vmem>>, vector<16xf32>,
        tpu.vector_store %arg17[%swap3A_698], %max3A_665 {strides = array<i32>} : memref<8000xf32, #tpu.memory_space<vmem>>, vector<16xf32>,
        %mul3A_700 = arith.constant 16 : i32
        %mul3A_701 = arith.muli %scan3A_607, %mul3A_700 : i32
        %add3A_702 = arith.constant 4800 : i32
        %add3A_703 = arith.addi %add3A_702, %mul3A_701 : i32
        %swap3A_704 = arith.index_cast %add3A_703 : i32 to index
        %swap3A_705 = tpu.vector_load %arg17[%swap3A_704] {strides = array<i32>} : memref<8000xf32, #tpu.memory_space<vmem>>, vector<16xf32>,
        tpu.vector_store %arg17[%swap3A_704], %max3A_668 {strides = array<i32>} : memref<8000xf32, #tpu.memory_space<vmem>>, vector<16xf32>,
        %mul3A_706 = arith.constant 16 : i32
        %mul3A_707 = arith.muli %scan3A_607, %mul3A_706 : i32
        %add3A_708 = arith.constant 6400 : i32
        %add3A_709 = arith.addi %add3A_708, %mul3A_707 : i32
        %swap3A_710 = arith.index_cast %add3A_709 : i32 to index
        %swap3A_711 = tpu.vector_load %arg17[%swap3A_710] {strides = array<i32>} : memref<8000xf32, #tpu.memory_space<vmem>>, vector<16xf32>,
        tpu.vector_store %arg17[%swap3A_710], %max3A_671 {strides = array<i32>} : memref<8000xf32, #tpu.memory_space<vmem>>, vector<16xf32>,
        %min3A_712 = arith.minimumf %gather3A_672, %max3A : vector<16xf32>
        tpu.vector_store_idx %arg20[%add3A_657], %min3A_712 : memref<1792xf32, #tpu.memory_space<vmem>>[vector<16xi32>], vector<16xf32>,
        %min3A_713 = arith.minimumf %gather3A_673, %max3A : vector<16xf32>
        tpu.vector_store_idx %arg25[%add3A_658], %min3A_713 : memref<1792xf32, #tpu.memory_space<vmem>>[vector<16xi32>], vector<16xf32>,
        %min3A_714 = arith.minimumf %gather3A_674, %max3A_662 : vector<16xf32>
        tpu.vector_store_idx %arg21[%add3A_657], %min3A_714 : memref<1792xf32, #tpu.memory_space<vmem>>[vector<16xi32>], vector<16xf32>,
        %min3A_715 = arith.minimumf %gather3A_675, %max3A_662 : vector<16xf32>
        tpu.vector_store_idx %arg26[%add3A_658], %min3A_715 : memref<1792xf32, #tpu.memory_space<vmem>>[vector<16xi32>], vector<16xf32>,
        %min3A_716 = arith.minimumf %gather3A_676, %max3A_665 : vector<16xf32>
        tpu.vector_store_idx %arg22[%add3A_657], %min3A_716 : memref<1792xf32, #tpu.memory_space<vmem>>[vector<16xi32>], vector<16xf32>,
        %min3A_717 = arith.minimumf %gather3A_677, %max3A_665 : vector<16xf32>
        tpu.vector_store_idx %arg27[%add3A_658], %min3A_717 : memref<1792xf32, #tpu.memory_space<vmem>>[vector<16xi32>], vector<16xf32>,
        %min3A_718 = arith.minimumf %gather3A_678, %max3A_668 : vector<16xf32>
        tpu.vector_store_idx %arg23[%add3A_657], %min3A_718 : memref<1792xf32, #tpu.memory_space<vmem>>[vector<16xi32>], vector<16xf32>,
        %min3A_719 = arith.minimumf %gather3A_679, %max3A_668 : vector<16xf32>
        tpu.vector_store_idx %arg28[%add3A_658], %min3A_719 : memref<1792xf32, #tpu.memory_space<vmem>>[vector<16xi32>], vector<16xf32>,
        %min3A_720 = arith.minimumf %gather3A_680, %max3A_671 : vector<16xf32>
        tpu.vector_store_idx %arg24[%add3A_657], %min3A_720 : memref<1792xf32, #tpu.memory_space<vmem>>[vector<16xi32>], vector<16xf32>,
        %min3A_721 = arith.minimumf %gather3A_681, %max3A_671 : vector<16xf32>
        tpu.vector_store_idx %arg29[%add3A_658], %min3A_721 : memref<1792xf32, #tpu.memory_space<vmem>>[vector<16xi32>], vector<16xf32>,
        %scan3A_722 = arith.constant 1 : i32
        %scan3A_723 = arith.addi %scan3A_607, %scan3A_722 : i32
        %mul3A_724 = arith.constant 1600 : i32
        %mul3A_725 = arith.muli %scan3A_473, %mul3A_724 : i32
        %mul3A_726 = arith.constant 16 : i32
        %mul3A_727 = arith.muli %scan3A_723, %mul3A_726 : i32
        %add3A_728 = arith.addi %mul3A_725, %mul3A_727 : i32
        %jit3A_729 = arith.constant 128 : i32
        %div3A_730 = arith.divsi %add3A_728, %jit3A_729 : i32
        %sign3A_731 = arith.constant 0 : i32
        %sign3A_732 = arith.cmpi sgt, %add3A_728, %sign3A_731 : i32
        %sign3A_733 = arith.extui %sign3A_732 : i1 to i32
        %sign3A_734 = arith.constant 0 : i32
        %sign3A_735 = arith.cmpi slt, %add3A_728, %sign3A_734 : i32
        %sign3A_736 = arith.extui %sign3A_735 : i1 to i32
        %sign3A_737 = arith.subi %sign3A_733, %sign3A_736 : i32
        %sign3A_738 = arith.constant 0 : i32
        %sign3A_739 = arith.cmpi sgt, %jit3A_729, %sign3A_738 : i32
        %sign3A_740 = arith.extui %sign3A_739 : i1 to i32
        %sign3A_741 = arith.constant 0 : i32
        %sign3A_742 = arith.cmpi slt, %jit3A_729, %sign3A_741 : i32
        %sign3A_743 = arith.extui %sign3A_742 : i1 to i32
        %sign3A_744 = arith.subi %sign3A_740, %sign3A_743 : i32
        %ne3A_745 = arith.cmpi ne, %sign3A_737, %sign3A_744 : i32
        %rem3A_746 = arith.remsi %add3A_728, %jit3A_729 : i32
        %ne3A_747 = arith.constant 0 : i32
        %ne3A_748 = arith.cmpi ne, %rem3A_746, %ne3A_747 : i32
        %and3A_749 = arith.andi %ne3A_745, %ne3A_748 : i1
        %sub3A_750 = arith.constant 1 : i32
        %sub3A_751 = arith.subi %div3A_730, %sub3A_750 : i32
        %select_n3A_752 = arith.select %and3A_749, %sub3A_751, %div3A_730 : i32
        %mul3A_753 = arith.constant 128 : i32
        %mul3A_754 = arith.muli %select_n3A_752, %mul3A_753 : i32
        %sub3A_755 = arith.subi %add3A_728, %mul3A_754 : i32
        %get3A_756 = arith.constant 0 : i32
        %get3A_757 = arith.index_cast %select_n3A_752 : i32 to index
        %get3A_758 = arith.index_cast %get3A_756 : i32 to index
        %get3A_759 = arith.index_cast %sub3A_755 : i32 to index
        %get3A_760 = tpu.vector_load %arg16[%get3A_757, %get3A_758, %get3A_759] {strides = array<i32>} : memref<50x2x128xi32, #tpu.memory_space<vmem>>, vector<16xi32>,
        %get3A_761 = arith.constant 1 : i32
        %get3A_762 = arith.index_cast %select_n3A_752 : i32 to index
        %get3A_763 = arith.index_cast %get3A_761 : i32 to index
        %get3A_764 = arith.index_cast %sub3A_755 : i32 to index
        %get3A_765 = tpu.vector_load %arg16[%get3A_762, %get3A_763, %get3A_764] {strides = array<i32>} : memref<50x2x128xi32, #tpu.memory_space<vmem>>, vector<16xi32>,
        %sub3A_766 = vector.broadcast %mul3A_476 : i32 to vector<16xi32>
        %sub3A_767 = arith.subi %get3A_760, %sub3A_766 : vector<16xi32>
        %sub3A_768 = vector.broadcast %mul3A_476 : i32 to vector<16xi32>
        %sub3A_769 = arith.subi %get3A_765, %sub3A_768 : vector<16xi32>
        %add3A_770 = vector.broadcast %mul3A_478 : i32 to vector<16xi32>
        %add3A_771 = arith.addi %add3A_770, %sub3A_767 : vector<16xi32>
        %add3A_772 = vector.broadcast %mul3A_478 : i32 to vector<16xi32>
        %add3A_773 = arith.addi %add3A_772, %sub3A_769 : vector<16xi32>
        %add3A_774 = arith.addi %mul3A_24, %sub3A_767 : vector<16xi32>
        %add3A_775 = arith.addi %mul3A_24, %sub3A_769 : vector<16xi32>
        %gather3A_776 = tpu.vector_load_idx %arg6[%add3A_771] : memref<400xf32, #tpu.memory_space<vmem>>[vector<16xi32>], vector<16xf32>,
        %gather3A_777 = tpu.vector_load_idx %arg6[%add3A_773] : memref<400xf32, #tpu.memory_space<vmem>>[vector<16xi32>], vector<16xf32>,
        %max3A_778 = arith.maximumf %gather3A_776, %gather3A_777 : vector<16xf32>
        %gather3A_779 = tpu.vector_load_idx %arg7[%add3A_771] : memref<400xf32, #tpu.memory_space<vmem>>[vector<16xi32>], vector<16xf32>,
        %gather3A_780 = tpu.vector_load_idx %arg7[%add3A_773] : memref<400xf32, #tpu.memory_space<vmem>>[vector<16xi32>], vector<16xf32>,
        %max3A_781 = arith.maximumf %gather3A_779, %gather3A_780 : vector<16xf32>
        %gather3A_782 = tpu.vector_load_idx %arg8[%add3A_771] : memref<400xf32, #tpu.memory_space<vmem>>[vector<16xi32>], vector<16xf32>,
        %gather3A_783 = tpu.vector_load_idx %arg8[%add3A_773] : memref<400xf32, #tpu.memory_space<vmem>>[vector<16xi32>], vector<16xf32>,
        %max3A_784 = arith.maximumf %gather3A_782, %gather3A_783 : vector<16xf32>
        %gather3A_785 = tpu.vector_load_idx %arg9[%add3A_771] : memref<400xf32, #tpu.memory_space<vmem>>[vector<16xi32>], vector<16xf32>,
        %gather3A_786 = tpu.vector_load_idx %arg9[%add3A_773] : memref<400xf32, #tpu.memory_space<vmem>>[vector<16xi32>], vector<16xf32>,
        %max3A_787 = arith.maximumf %gather3A_785, %gather3A_786 : vector<16xf32>
        %gather3A_788 = tpu.vector_load_idx %arg10[%add3A_771] : memref<400xf32, #tpu.memory_space<vmem>>[vector<16xi32>], vector<16xf32>,
        %gather3A_789 = tpu.vector_load_idx %arg10[%add3A_773] : memref<400xf32, #tpu.memory_space<vmem>>[vector<16xi32>], vector<16xf32>,
        %max3A_790 = arith.maximumf %gather3A_788, %gather3A_789 : vector<16xf32>
        %gather3A_791 = tpu.vector_load_idx %arg20[%add3A_774] : memref<1792xf32, #tpu.memory_space<vmem>>[vector<16xi32>], vector<16xf32>,
        %gather3A_792 = tpu.vector_load_idx %arg25[%add3A_775] : memref<1792xf32, #tpu.memory_space<vmem>>[vector<16xi32>], vector<16xf32>,
        %gather3A_793 = tpu.vector_load_idx %arg21[%add3A_774] : memref<1792xf32, #tpu.memory_space<vmem>>[vector<16xi32>], vector<16xf32>,
        %gather3A_794 = tpu.vector_load_idx %arg26[%add3A_775] : memref<1792xf32, #tpu.memory_space<vmem>>[vector<16xi32>], vector<16xf32>,
        %gather3A_795 = tpu.vector_load_idx %arg22[%add3A_774] : memref<1792xf32, #tpu.memory_space<vmem>>[vector<16xi32>], vector<16xf32>,
        %gather3A_796 = tpu.vector_load_idx %arg27[%add3A_775] : memref<1792xf32, #tpu.memory_space<vmem>>[vector<16xi32>], vector<16xf32>,
        %gather3A_797 = tpu.vector_load_idx %arg23[%add3A_774] : memref<1792xf32, #tpu.memory_space<vmem>>[vector<16xi32>], vector<16xf32>,
        %gather3A_798 = tpu.vector_load_idx %arg28[%add3A_775] : memref<1792xf32, #tpu.memory_space<vmem>>[vector<16xi32>], vector<16xf32>,
        %gather3A_799 = tpu.vector_load_idx %arg24[%add3A_774] : memref<1792xf32, #tpu.memory_space<vmem>>[vector<16xi32>], vector<16xf32>,
        %gather3A_800 = tpu.vector_load_idx %arg29[%add3A_775] : memref<1792xf32, #tpu.memory_space<vmem>>[vector<16xi32>], vector<16xf32>,
        %mul3A_801 = arith.constant 16 : i32
        %mul3A_802 = arith.muli %scan3A_723, %mul3A_801 : i32
        %add3A_803 = arith.constant 0 : i32
        %add3A_804 = arith.addi %add3A_803, %mul3A_802 : i32
        %swap3A_805 = arith.index_cast %add3A_804 : i32 to index
        %swap3A_806 = tpu.vector_load %arg17[%swap3A_805] {strides = array<i32>} : memref<8000xf32, #tpu.memory_space<vmem>>, vector<16xf32>,
        tpu.vector_store %arg17[%swap3A_805], %max3A_778 {strides = array<i32>} : memref<8000xf32, #tpu.memory_space<vmem>>, vector<16xf32>,
        %mul3A_807 = arith.constant 16 : i32
        %mul3A_808 = arith.muli %scan3A_723, %mul3A_807 : i32
        %add3A_809 = arith.constant 1600 : i32
        %add3A_810 = arith.addi %add3A_809, %mul3A_808 : i32
        %swap3A_811 = arith.index_cast %add3A_810 : i32 to index
        %swap3A_812 = tpu.vector_load %arg17[%swap3A_811] {strides = array<i32>} : memref<8000xf32, #tpu.memory_space<vmem>>, vector<16xf32>,
        tpu.vector_store %arg17[%swap3A_811], %max3A_781 {strides = array<i32>} : memref<8000xf32, #tpu.memory_space<vmem>>, vector<16xf32>,
        %mul3A_813 = arith.constant 16 : i32
        %mul3A_814 = arith.muli %scan3A_723, %mul3A_813 : i32
        %add3A_815 = arith.constant 3200 : i32
        %add3A_816 = arith.addi %add3A_815, %mul3A_814 : i32
        %swap3A_817 = arith.index_cast %add3A_816 : i32 to index
        %swap3A_818 = tpu.vector_load %arg17[%swap3A_817] {strides = array<i32>} : memref<8000xf32, #tpu.memory_space<vmem>>, vector<16xf32>,
        tpu.vector_store %arg17[%swap3A_817], %max3A_784 {strides = array<i32>} : memref<8000xf32, #tpu.memory_space<vmem>>, vector<16xf32>,
        %mul3A_819 = arith.constant 16 : i32
        %mul3A_820 = arith.muli %scan3A_723, %mul3A_819 : i32
        %add3A_821 = arith.constant 4800 : i32
        %add3A_822 = arith.addi %add3A_821, %mul3A_820 : i32
        %swap3A_823 = arith.index_cast %add3A_822 : i32 to index
        %swap3A_824 = tpu.vector_load %arg17[%swap3A_823] {strides = array<i32>} : memref<8000xf32, #tpu.memory_space<vmem>>, vector<16xf32>,
        tpu.vector_store %arg17[%swap3A_823], %max3A_787 {strides = array<i32>} : memref<8000xf32, #tpu.memory_space<vmem>>, vector<16xf32>,
        %mul3A_825 = arith.constant 16 : i32
        %mul3A_826 = arith.muli %scan3A_723, %mul3A_825 : i32
        %add3A_827 = arith.constant 6400 : i32
        %add3A_828 = arith.addi %add3A_827, %mul3A_826 : i32
        %swap3A_829 = arith.index_cast %add3A_828 : i32 to index
        %swap3A_830 = tpu.vector_load %arg17[%swap3A_829] {strides = array<i32>} : memref<8000xf32, #tpu.memory_space<vmem>>, vector<16xf32>,
        tpu.vector_store %arg17[%swap3A_829], %max3A_790 {strides = array<i32>} : memref<8000xf32, #tpu.memory_space<vmem>>, vector<16xf32>,
        %min3A_831 = arith.minimumf %gather3A_791, %max3A_778 : vector<16xf32>
        tpu.vector_store_idx %arg20[%add3A_774], %min3A_831 : memref<1792xf32, #tpu.memory_space<vmem>>[vector<16xi32>], vector<16xf32>,
        %min3A_832 = arith.minimumf %gather3A_792, %max3A_778 : vector<16xf32>
        tpu.vector_store_idx %arg25[%add3A_775], %min3A_832 : memref<1792xf32, #tpu.memory_space<vmem>>[vector<16xi32>], vector<16xf32>,
        %min3A_833 = arith.minimumf %gather3A_793, %max3A_781 : vector<16xf32>
        tpu.vector_store_idx %arg21[%add3A_774], %min3A_833 : memref<1792xf32, #tpu.memory_space<vmem>>[vector<16xi32>], vector<16xf32>,
        %min3A_834 = arith.minimumf %gather3A_794, %max3A_781 : vector<16xf32>
        tpu.vector_store_idx %arg26[%add3A_775], %min3A_834 : memref<1792xf32, #tpu.memory_space<vmem>>[vector<16xi32>], vector<16xf32>,
        %min3A_835 = arith.minimumf %gather3A_795, %max3A_784 : vector<16xf32>
        tpu.vector_store_idx %arg22[%add3A_774], %min3A_835 : memref<1792xf32, #tpu.memory_space<vmem>>[vector<16xi32>], vector<16xf32>,
        %min3A_836 = arith.minimumf %gather3A_796, %max3A_784 : vector<16xf32>
        tpu.vector_store_idx %arg27[%add3A_775], %min3A_836 : memref<1792xf32, #tpu.memory_space<vmem>>[vector<16xi32>], vector<16xf32>,
        %min3A_837 = arith.minimumf %gather3A_797, %max3A_787 : vector<16xf32>
        tpu.vector_store_idx %arg23[%add3A_774], %min3A_837 : memref<1792xf32, #tpu.memory_space<vmem>>[vector<16xi32>], vector<16xf32>,
        %min3A_838 = arith.minimumf %gather3A_798, %max3A_787 : vector<16xf32>
        tpu.vector_store_idx %arg28[%add3A_775], %min3A_838 : memref<1792xf32, #tpu.memory_space<vmem>>[vector<16xi32>], vector<16xf32>,
        %min3A_839 = arith.minimumf %gather3A_799, %max3A_790 : vector<16xf32>
        tpu.vector_store_idx %arg24[%add3A_774], %min3A_839 : memref<1792xf32, #tpu.memory_space<vmem>>[vector<16xi32>], vector<16xf32>,
        %min3A_840 = arith.minimumf %gather3A_800, %max3A_790 : vector<16xf32>
        tpu.vector_store_idx %arg29[%add3A_775], %min3A_840 : memref<1792xf32, #tpu.memory_space<vmem>>[vector<16xi32>], vector<16xf32>,
      }
      %scan3A_484 = arith.constant 100 : i32
      %parallel_loop3A_485 = arith.constant 0 : i32
      %parallel_loop3A_486 = arith.constant 7 : i32
      %parallel_loop3A_487 = arith.constant 1 : i32
      scf.for %parallel_loop3A_607 = %parallel_loop3A_485 to %parallel_loop3A_486 step %parallel_loop3A_487  : i32 {
        %parallel_loop3A_608 = arith.constant 16 : i32
        %parallel_loop3A_609 = arith.muli %parallel_loop3A_607, %parallel_loop3A_608 : i32
        %parallel_loop3A_610 = vector.broadcast %parallel_loop3A_609 : i32 to vector<16xi32>
        %parallel_loop3A_611 = arith.addi %parallel_loop3A_610, %iota3A : vector<16xi32>
        %parallel_loop3A_612 = arith.constant 100 : i32
        %parallel_loop3A_613 = vector.broadcast %parallel_loop3A_612 : i32 to vector<16xi32>
        %parallel_loop3A_614 = arith.cmpi slt, %parallel_loop3A_611, %parallel_loop3A_613 : vector<16xi32>
        %parallel_loop3A_615 = vector.broadcast %mul3A_478 : i32 to vector<16xi32>
        %parallel_loop3A_616 = arith.addi %parallel_loop3A_615, %parallel_loop3A_611 : vector<16xi32>
        %parallel_loop3A_617 = arith.constant 16 : i32
        %parallel_loop3A_618 = arith.muli %parallel_loop3A_607, %parallel_loop3A_617 : i32
        %parallel_loop3A_619 = arith.constant 0 : i32
        %parallel_loop3A_620 = arith.addi %parallel_loop3A_619, %parallel_loop3A_618 : i32
        %parallel_loop3A_621 = arith.index_cast %parallel_loop3A_620 : i32 to index
        %parallel_loop3A_622 = tpu.vector_load %arg20[%parallel_loop3A_621] {strides = array<i32>} : memref<1792xf32, #tpu.memory_space<vmem>>, vector<16xf32>,
        %parallel_loop3A_623 = arith.constant 16 : i32
        %parallel_loop3A_624 = arith.muli %parallel_loop3A_607, %parallel_loop3A_623 : i32
        %parallel_loop3A_625 = arith.constant 112 : i32
        %parallel_loop3A_626 = arith.addi %parallel_loop3A_625, %parallel_loop3A_624 : i32
        %parallel_loop3A_627 = arith.index_cast %parallel_loop3A_626 : i32 to index
        %parallel_loop3A_628 = tpu.vector_load %arg20[%parallel_loop3A_627] {strides = array<i32>} : memref<1792xf32, #tpu.memory_space<vmem>>, vector<16xf32>,
        %parallel_loop3A_629 = arith.constant 16 : i32
        %parallel_loop3A_630 = arith.muli %parallel_loop3A_607, %parallel_loop3A_629 : i32
        %parallel_loop3A_631 = arith.constant 224 : i32
        %parallel_loop3A_632 = arith.addi %parallel_loop3A_631, %parallel_loop3A_630 : i32
        %parallel_loop3A_633 = arith.index_cast %parallel_loop3A_632 : i32 to index
        %parallel_loop3A_634 = tpu.vector_load %arg20[%parallel_loop3A_633] {strides = array<i32>} : memref<1792xf32, #tpu.memory_space<vmem>>, vector<16xf32>,
        %parallel_loop3A_635 = arith.constant 16 : i32
        %parallel_loop3A_636 = arith.muli %parallel_loop3A_607, %parallel_loop3A_635 : i32
        %parallel_loop3A_637 = arith.constant 336 : i32
        %parallel_loop3A_638 = arith.addi %parallel_loop3A_637, %parallel_loop3A_636 : i32
        %parallel_loop3A_639 = arith.index_cast %parallel_loop3A_638 : i32 to index
        %parallel_loop3A_640 = tpu.vector_load %arg20[%parallel_loop3A_639] {strides = array<i32>} : memref<1792xf32, #tpu.memory_space<vmem>>, vector<16xf32>,
        %parallel_loop3A_641 = arith.constant 16 : i32
        %parallel_loop3A_642 = arith.muli %parallel_loop3A_607, %parallel_loop3A_641 : i32
        %parallel_loop3A_643 = arith.constant 448 : i32
        %parallel_loop3A_644 = arith.addi %parallel_loop3A_643, %parallel_loop3A_642 : i32
        %parallel_loop3A_645 = arith.index_cast %parallel_loop3A_644 : i32 to index
        %parallel_loop3A_646 = tpu.vector_load %arg20[%parallel_loop3A_645] {strides = array<i32>} : memref<1792xf32, #tpu.memory_space<vmem>>, vector<16xf32>,
        %parallel_loop3A_647 = arith.minimumf %parallel_loop3A_622, %parallel_loop3A_646 : vector<16xf32>
        %parallel_loop3A_648 = arith.constant 16 : i32
        %parallel_loop3A_649 = arith.muli %parallel_loop3A_607, %parallel_loop3A_648 : i32
        %parallel_loop3A_650 = arith.constant 560 : i32
        %parallel_loop3A_651 = arith.addi %parallel_loop3A_650, %parallel_loop3A_649 : i32
        %parallel_loop3A_652 = arith.index_cast %parallel_loop3A_651 : i32 to index
        %parallel_loop3A_653 = tpu.vector_load %arg20[%parallel_loop3A_652] {strides = array<i32>} : memref<1792xf32, #tpu.memory_space<vmem>>, vector<16xf32>,
        %parallel_loop3A_654 = arith.minimumf %parallel_loop3A_628, %parallel_loop3A_653 : vector<16xf32>
        %parallel_loop3A_655 = arith.constant 16 : i32
        %parallel_loop3A_656 = arith.muli %parallel_loop3A_607, %parallel_loop3A_655 : i32
        %parallel_loop3A_657 = arith.constant 672 : i32
        %parallel_loop3A_658 = arith.addi %parallel_loop3A_657, %parallel_loop3A_656 : i32
        %parallel_loop3A_659 = arith.index_cast %parallel_loop3A_658 : i32 to index
        %parallel_loop3A_660 = tpu.vector_load %arg20[%parallel_loop3A_659] {strides = array<i32>} : memref<1792xf32, #tpu.memory_space<vmem>>, vector<16xf32>,
        %parallel_loop3A_661 = arith.minimumf %parallel_loop3A_634, %parallel_loop3A_660 : vector<16xf32>
        %parallel_loop3A_662 = arith.constant 16 : i32
        %parallel_loop3A_663 = arith.muli %parallel_loop3A_607, %parallel_loop3A_662 : i32
        %parallel_loop3A_664 = arith.constant 784 : i32
        %parallel_loop3A_665 = arith.addi %parallel_loop3A_664, %parallel_loop3A_663 : i32
        %parallel_loop3A_666 = arith.index_cast %parallel_loop3A_665 : i32 to index
        %parallel_loop3A_667 = tpu.vector_load %arg20[%parallel_loop3A_666] {strides = array<i32>} : memref<1792xf32, #tpu.memory_space<vmem>>, vector<16xf32>,
        %parallel_loop3A_668 = arith.minimumf %parallel_loop3A_640, %parallel_loop3A_667 : vector<16xf32>
        %parallel_loop3A_669 = arith.constant 16 : i32
        %parallel_loop3A_670 = arith.muli %parallel_loop3A_607, %parallel_loop3A_669 : i32
        %parallel_loop3A_671 = arith.constant 896 : i32
        %parallel_loop3A_672 = arith.addi %parallel_loop3A_671, %parallel_loop3A_670 : i32
        %parallel_loop3A_673 = arith.index_cast %parallel_loop3A_672 : i32 to index
        %parallel_loop3A_674 = tpu.vector_load %arg20[%parallel_loop3A_673] {strides = array<i32>} : memref<1792xf32, #tpu.memory_space<vmem>>, vector<16xf32>,
        %parallel_loop3A_675 = arith.minimumf %parallel_loop3A_647, %parallel_loop3A_674 : vector<16xf32>
        %parallel_loop3A_676 = arith.constant 16 : i32
        %parallel_loop3A_677 = arith.muli %parallel_loop3A_607, %parallel_loop3A_676 : i32
        %parallel_loop3A_678 = arith.constant 1008 : i32
        %parallel_loop3A_679 = arith.addi %parallel_loop3A_678, %parallel_loop3A_677 : i32
        %parallel_loop3A_680 = arith.index_cast %parallel_loop3A_679 : i32 to index
        %parallel_loop3A_681 = tpu.vector_load %arg20[%parallel_loop3A_680] {strides = array<i32>} : memref<1792xf32, #tpu.memory_space<vmem>>, vector<16xf32>,
        %parallel_loop3A_682 = arith.minimumf %parallel_loop3A_654, %parallel_loop3A_681 : vector<16xf32>
        %parallel_loop3A_683 = arith.constant 16 : i32
        %parallel_loop3A_684 = arith.muli %parallel_loop3A_607, %parallel_loop3A_683 : i32
        %parallel_loop3A_685 = arith.constant 1120 : i32
        %parallel_loop3A_686 = arith.addi %parallel_loop3A_685, %parallel_loop3A_684 : i32
        %parallel_loop3A_687 = arith.index_cast %parallel_loop3A_686 : i32 to index
        %parallel_loop3A_688 = tpu.vector_load %arg20[%parallel_loop3A_687] {strides = array<i32>} : memref<1792xf32, #tpu.memory_space<vmem>>, vector<16xf32>,
        %parallel_loop3A_689 = arith.minimumf %parallel_loop3A_661, %parallel_loop3A_688 : vector<16xf32>
        %parallel_loop3A_690 = arith.constant 16 : i32
        %parallel_loop3A_691 = arith.muli %parallel_loop3A_607, %parallel_loop3A_690 : i32
        %parallel_loop3A_692 = arith.constant 1232 : i32
        %parallel_loop3A_693 = arith.addi %parallel_loop3A_692, %parallel_loop3A_691 : i32
        %parallel_loop3A_694 = arith.index_cast %parallel_loop3A_693 : i32 to index
        %parallel_loop3A_695 = tpu.vector_load %arg20[%parallel_loop3A_694] {strides = array<i32>} : memref<1792xf32, #tpu.memory_space<vmem>>, vector<16xf32>,
        %parallel_loop3A_696 = arith.minimumf %parallel_loop3A_668, %parallel_loop3A_695 : vector<16xf32>
        %parallel_loop3A_697 = arith.constant 16 : i32
        %parallel_loop3A_698 = arith.muli %parallel_loop3A_607, %parallel_loop3A_697 : i32
        %parallel_loop3A_699 = arith.constant 1344 : i32
        %parallel_loop3A_700 = arith.addi %parallel_loop3A_699, %parallel_loop3A_698 : i32
        %parallel_loop3A_701 = arith.index_cast %parallel_loop3A_700 : i32 to index
        %parallel_loop3A_702 = tpu.vector_load %arg20[%parallel_loop3A_701] {strides = array<i32>} : memref<1792xf32, #tpu.memory_space<vmem>>, vector<16xf32>,
        %parallel_loop3A_703 = arith.minimumf %parallel_loop3A_675, %parallel_loop3A_702 : vector<16xf32>
        %parallel_loop3A_704 = arith.constant 16 : i32
        %parallel_loop3A_705 = arith.muli %parallel_loop3A_607, %parallel_loop3A_704 : i32
        %parallel_loop3A_706 = arith.constant 1456 : i32
        %parallel_loop3A_707 = arith.addi %parallel_loop3A_706, %parallel_loop3A_705 : i32
        %parallel_loop3A_708 = arith.index_cast %parallel_loop3A_707 : i32 to index
        %parallel_loop3A_709 = tpu.vector_load %arg20[%parallel_loop3A_708] {strides = array<i32>} : memref<1792xf32, #tpu.memory_space<vmem>>, vector<16xf32>,
        %parallel_loop3A_710 = arith.minimumf %parallel_loop3A_682, %parallel_loop3A_709 : vector<16xf32>
        %parallel_loop3A_711 = arith.constant 16 : i32
        %parallel_loop3A_712 = arith.muli %parallel_loop3A_607, %parallel_loop3A_711 : i32
        %parallel_loop3A_713 = arith.constant 1568 : i32
        %parallel_loop3A_714 = arith.addi %parallel_loop3A_713, %parallel_loop3A_712 : i32
        %parallel_loop3A_715 = arith.index_cast %parallel_loop3A_714 : i32 to index
        %parallel_loop3A_716 = tpu.vector_load %arg20[%parallel_loop3A_715] {strides = array<i32>} : memref<1792xf32, #tpu.memory_space<vmem>>, vector<16xf32>,
        %parallel_loop3A_717 = arith.minimumf %parallel_loop3A_689, %parallel_loop3A_716 : vector<16xf32>
        %parallel_loop3A_718 = arith.constant 16 : i32
        %parallel_loop3A_719 = arith.muli %parallel_loop3A_607, %parallel_loop3A_718 : i32
        %parallel_loop3A_720 = arith.constant 1680 : i32
        %parallel_loop3A_721 = arith.addi %parallel_loop3A_720, %parallel_loop3A_719 : i32
        %parallel_loop3A_722 = arith.index_cast %parallel_loop3A_721 : i32 to index
        %parallel_loop3A_723 = tpu.vector_load %arg20[%parallel_loop3A_722] {strides = array<i32>} : memref<1792xf32, #tpu.memory_space<vmem>>, vector<16xf32>,
        %parallel_loop3A_724 = arith.minimumf %parallel_loop3A_696, %parallel_loop3A_723 : vector<16xf32>
        %parallel_loop3A_725 = arith.constant 16 : i32
        %parallel_loop3A_726 = arith.muli %parallel_loop3A_607, %parallel_loop3A_725 : i32
        %parallel_loop3A_727 = arith.constant 0 : i32
        %parallel_loop3A_728 = arith.addi %parallel_loop3A_727, %parallel_loop3A_726 : i32
        %parallel_loop3A_729 = arith.index_cast %parallel_loop3A_728 : i32 to index
        %parallel_loop3A_730 = tpu.vector_load %arg25[%parallel_loop3A_729] {strides = array<i32>} : memref<1792xf32, #tpu.memory_space<vmem>>, vector<16xf32>,
        %parallel_loop3A_731 = arith.minimumf %parallel_loop3A_703, %parallel_loop3A_730 : vector<16xf32>
        %parallel_loop3A_732 = arith.constant 16 : i32
        %parallel_loop3A_733 = arith.muli %parallel_loop3A_607, %parallel_loop3A_732 : i32
        %parallel_loop3A_734 = arith.constant 112 : i32
        %parallel_loop3A_735 = arith.addi %parallel_loop3A_734, %parallel_loop3A_733 : i32
        %parallel_loop3A_736 = arith.index_cast %parallel_loop3A_735 : i32 to index
        %parallel_loop3A_737 = tpu.vector_load %arg25[%parallel_loop3A_736] {strides = array<i32>} : memref<1792xf32, #tpu.memory_space<vmem>>, vector<16xf32>,
        %parallel_loop3A_738 = arith.minimumf %parallel_loop3A_710, %parallel_loop3A_737 : vector<16xf32>
        %parallel_loop3A_739 = arith.constant 16 : i32
        %parallel_loop3A_740 = arith.muli %parallel_loop3A_607, %parallel_loop3A_739 : i32
        %parallel_loop3A_741 = arith.constant 224 : i32
        %parallel_loop3A_742 = arith.addi %parallel_loop3A_741, %parallel_loop3A_740 : i32
        %parallel_loop3A_743 = arith.index_cast %parallel_loop3A_742 : i32 to index
        %parallel_loop3A_744 = tpu.vector_load %arg25[%parallel_loop3A_743] {strides = array<i32>} : memref<1792xf32, #tpu.memory_space<vmem>>, vector<16xf32>,
        %parallel_loop3A_745 = arith.minimumf %parallel_loop3A_717, %parallel_loop3A_744 : vector<16xf32>
        %parallel_loop3A_746 = arith.constant 16 : i32
        %parallel_loop3A_747 = arith.muli %parallel_loop3A_607, %parallel_loop3A_746 : i32
        %parallel_loop3A_748 = arith.constant 336 : i32
        %parallel_loop3A_749 = arith.addi %parallel_loop3A_748, %parallel_loop3A_747 : i32
        %parallel_loop3A_750 = arith.index_cast %parallel_loop3A_749 : i32 to index
        %parallel_loop3A_751 = tpu.vector_load %arg25[%parallel_loop3A_750] {strides = array<i32>} : memref<1792xf32, #tpu.memory_space<vmem>>, vector<16xf32>,
        %parallel_loop3A_752 = arith.minimumf %parallel_loop3A_724, %parallel_loop3A_751 : vector<16xf32>
        %parallel_loop3A_753 = arith.constant 16 : i32
        %parallel_loop3A_754 = arith.muli %parallel_loop3A_607, %parallel_loop3A_753 : i32
        %parallel_loop3A_755 = arith.constant 448 : i32
        %parallel_loop3A_756 = arith.addi %parallel_loop3A_755, %parallel_loop3A_754 : i32
        %parallel_loop3A_757 = arith.index_cast %parallel_loop3A_756 : i32 to index
        %parallel_loop3A_758 = tpu.vector_load %arg25[%parallel_loop3A_757] {strides = array<i32>} : memref<1792xf32, #tpu.memory_space<vmem>>, vector<16xf32>,
        %parallel_loop3A_759 = arith.minimumf %parallel_loop3A_731, %parallel_loop3A_758 : vector<16xf32>
        %parallel_loop3A_760 = arith.constant 16 : i32
        %parallel_loop3A_761 = arith.muli %parallel_loop3A_607, %parallel_loop3A_760 : i32
        %parallel_loop3A_762 = arith.constant 560 : i32
        %parallel_loop3A_763 = arith.addi %parallel_loop3A_762, %parallel_loop3A_761 : i32
        %parallel_loop3A_764 = arith.index_cast %parallel_loop3A_763 : i32 to index
        %parallel_loop3A_765 = tpu.vector_load %arg25[%parallel_loop3A_764] {strides = array<i32>} : memref<1792xf32, #tpu.memory_space<vmem>>, vector<16xf32>,
        %parallel_loop3A_766 = arith.minimumf %parallel_loop3A_738, %parallel_loop3A_765 : vector<16xf32>
        %parallel_loop3A_767 = arith.constant 16 : i32
        %parallel_loop3A_768 = arith.muli %parallel_loop3A_607, %parallel_loop3A_767 : i32
        %parallel_loop3A_769 = arith.constant 672 : i32
        %parallel_loop3A_770 = arith.addi %parallel_loop3A_769, %parallel_loop3A_768 : i32
        %parallel_loop3A_771 = arith.index_cast %parallel_loop3A_770 : i32 to index
        %parallel_loop3A_772 = tpu.vector_load %arg25[%parallel_loop3A_771] {strides = array<i32>} : memref<1792xf32, #tpu.memory_space<vmem>>, vector<16xf32>,
        %parallel_loop3A_773 = arith.minimumf %parallel_loop3A_745, %parallel_loop3A_772 : vector<16xf32>
        %parallel_loop3A_774 = arith.constant 16 : i32
        %parallel_loop3A_775 = arith.muli %parallel_loop3A_607, %parallel_loop3A_774 : i32
        %parallel_loop3A_776 = arith.constant 784 : i32
        %parallel_loop3A_777 = arith.addi %parallel_loop3A_776, %parallel_loop3A_775 : i32
        %parallel_loop3A_778 = arith.index_cast %parallel_loop3A_777 : i32 to index
        %parallel_loop3A_779 = tpu.vector_load %arg25[%parallel_loop3A_778] {strides = array<i32>} : memref<1792xf32, #tpu.memory_space<vmem>>, vector<16xf32>,
        %parallel_loop3A_780 = arith.minimumf %parallel_loop3A_752, %parallel_loop3A_779 : vector<16xf32>
        %parallel_loop3A_781 = arith.constant 16 : i32
        %parallel_loop3A_782 = arith.muli %parallel_loop3A_607, %parallel_loop3A_781 : i32
        %parallel_loop3A_783 = arith.constant 896 : i32
        %parallel_loop3A_784 = arith.addi %parallel_loop3A_783, %parallel_loop3A_782 : i32
        %parallel_loop3A_785 = arith.index_cast %parallel_loop3A_784 : i32 to index
        %parallel_loop3A_786 = tpu.vector_load %arg25[%parallel_loop3A_785] {strides = array<i32>} : memref<1792xf32, #tpu.memory_space<vmem>>, vector<16xf32>,
        %parallel_loop3A_787 = arith.minimumf %parallel_loop3A_759, %parallel_loop3A_786 : vector<16xf32>
        %parallel_loop3A_788 = arith.constant 16 : i32
        %parallel_loop3A_789 = arith.muli %parallel_loop3A_607, %parallel_loop3A_788 : i32
        %parallel_loop3A_790 = arith.constant 1008 : i32
        %parallel_loop3A_791 = arith.addi %parallel_loop3A_790, %parallel_loop3A_789 : i32
        %parallel_loop3A_792 = arith.index_cast %parallel_loop3A_791 : i32 to index
        %parallel_loop3A_793 = tpu.vector_load %arg25[%parallel_loop3A_792] {strides = array<i32>} : memref<1792xf32, #tpu.memory_space<vmem>>, vector<16xf32>,
        %parallel_loop3A_794 = arith.minimumf %parallel_loop3A_766, %parallel_loop3A_793 : vector<16xf32>
        %parallel_loop3A_795 = arith.constant 16 : i32
        %parallel_loop3A_796 = arith.muli %parallel_loop3A_607, %parallel_loop3A_795 : i32
        %parallel_loop3A_797 = arith.constant 1120 : i32
        %parallel_loop3A_798 = arith.addi %parallel_loop3A_797, %parallel_loop3A_796 : i32
        %parallel_loop3A_799 = arith.index_cast %parallel_loop3A_798 : i32 to index
        %parallel_loop3A_800 = tpu.vector_load %arg25[%parallel_loop3A_799] {strides = array<i32>} : memref<1792xf32, #tpu.memory_space<vmem>>, vector<16xf32>,
        %parallel_loop3A_801 = arith.minimumf %parallel_loop3A_773, %parallel_loop3A_800 : vector<16xf32>
        %parallel_loop3A_802 = arith.constant 16 : i32
        %parallel_loop3A_803 = arith.muli %parallel_loop3A_607, %parallel_loop3A_802 : i32
        %parallel_loop3A_804 = arith.constant 1232 : i32
        %parallel_loop3A_805 = arith.addi %parallel_loop3A_804, %parallel_loop3A_803 : i32
        %parallel_loop3A_806 = arith.index_cast %parallel_loop3A_805 : i32 to index
        %parallel_loop3A_807 = tpu.vector_load %arg25[%parallel_loop3A_806] {strides = array<i32>} : memref<1792xf32, #tpu.memory_space<vmem>>, vector<16xf32>,
        %parallel_loop3A_808 = arith.minimumf %parallel_loop3A_780, %parallel_loop3A_807 : vector<16xf32>
        %parallel_loop3A_809 = arith.constant 16 : i32
        %parallel_loop3A_810 = arith.muli %parallel_loop3A_607, %parallel_loop3A_809 : i32
        %parallel_loop3A_811 = arith.constant 1344 : i32
        %parallel_loop3A_812 = arith.addi %parallel_loop3A_811, %parallel_loop3A_810 : i32
        %parallel_loop3A_813 = arith.index_cast %parallel_loop3A_812 : i32 to index
        %parallel_loop3A_814 = tpu.vector_load %arg25[%parallel_loop3A_813] {strides = array<i32>} : memref<1792xf32, #tpu.memory_space<vmem>>, vector<16xf32>,
        %parallel_loop3A_815 = arith.minimumf %parallel_loop3A_787, %parallel_loop3A_814 : vector<16xf32>
        %parallel_loop3A_816 = arith.constant 16 : i32
        %parallel_loop3A_817 = arith.muli %parallel_loop3A_607, %parallel_loop3A_816 : i32
        %parallel_loop3A_818 = arith.constant 1456 : i32
        %parallel_loop3A_819 = arith.addi %parallel_loop3A_818, %parallel_loop3A_817 : i32
        %parallel_loop3A_820 = arith.index_cast %parallel_loop3A_819 : i32 to index
        %parallel_loop3A_821 = tpu.vector_load %arg25[%parallel_loop3A_820] {strides = array<i32>} : memref<1792xf32, #tpu.memory_space<vmem>>, vector<16xf32>,
        %parallel_loop3A_822 = arith.minimumf %parallel_loop3A_794, %parallel_loop3A_821 : vector<16xf32>
        %parallel_loop3A_823 = arith.constant 16 : i32
        %parallel_loop3A_824 = arith.muli %parallel_loop3A_607, %parallel_loop3A_823 : i32
        %parallel_loop3A_825 = arith.constant 1568 : i32
        %parallel_loop3A_826 = arith.addi %parallel_loop3A_825, %parallel_loop3A_824 : i32
        %parallel_loop3A_827 = arith.index_cast %parallel_loop3A_826 : i32 to index
        %parallel_loop3A_828 = tpu.vector_load %arg25[%parallel_loop3A_827] {strides = array<i32>} : memref<1792xf32, #tpu.memory_space<vmem>>, vector<16xf32>,
        %parallel_loop3A_829 = arith.minimumf %parallel_loop3A_801, %parallel_loop3A_828 : vector<16xf32>
        %parallel_loop3A_830 = arith.constant 16 : i32
        %parallel_loop3A_831 = arith.muli %parallel_loop3A_607, %parallel_loop3A_830 : i32
        %parallel_loop3A_832 = arith.constant 1680 : i32
        %parallel_loop3A_833 = arith.addi %parallel_loop3A_832, %parallel_loop3A_831 : i32
        %parallel_loop3A_834 = arith.index_cast %parallel_loop3A_833 : i32 to index
        %parallel_loop3A_835 = tpu.vector_load %arg25[%parallel_loop3A_834] {strides = array<i32>} : memref<1792xf32, #tpu.memory_space<vmem>>, vector<16xf32>,
        %parallel_loop3A_836 = arith.minimumf %parallel_loop3A_808, %parallel_loop3A_835 : vector<16xf32>
        %parallel_loop3A_837 = arith.minimumf %parallel_loop3A_815, %parallel_loop3A_822 : vector<16xf32>
        %parallel_loop3A_838 = arith.minimumf %parallel_loop3A_829, %parallel_loop3A_836 : vector<16xf32>
        %parallel_loop3A_839 = arith.minimumf %parallel_loop3A_837, %parallel_loop3A_838 : vector<16xf32>
        %parallel_loop3A_840 = arith.constant 16 : i32
        %parallel_loop3A_841 = arith.muli %parallel_loop3A_607, %parallel_loop3A_840 : i32
        %parallel_loop3A_842 = arith.constant 0 : i32
        %parallel_loop3A_843 = arith.addi %parallel_loop3A_842, %parallel_loop3A_841 : i32
        %parallel_loop3A_844 = arith.index_cast %parallel_loop3A_843 : i32 to index
        %parallel_loop3A_845 = tpu.vector_load %arg20[%parallel_loop3A_844] {strides = array<i32>} : memref<1792xf32, #tpu.memory_space<vmem>>, vector<16xf32>,
        tpu.vector_store %arg20[%parallel_loop3A_844], %broadcast_in_dim3A_25 {strides = array<i32>} : memref<1792xf32, #tpu.memory_space<vmem>>, vector<16xf32>,
        %parallel_loop3A_846 = arith.constant 16 : i32
        %parallel_loop3A_847 = arith.muli %parallel_loop3A_607, %parallel_loop3A_846 : i32
        %parallel_loop3A_848 = arith.constant 112 : i32
        %parallel_loop3A_849 = arith.addi %parallel_loop3A_848, %parallel_loop3A_847 : i32
        %parallel_loop3A_850 = arith.index_cast %parallel_loop3A_849 : i32 to index
        %parallel_loop3A_851 = tpu.vector_load %arg20[%parallel_loop3A_850] {strides = array<i32>} : memref<1792xf32, #tpu.memory_space<vmem>>, vector<16xf32>,
        tpu.vector_store %arg20[%parallel_loop3A_850], %broadcast_in_dim3A_25 {strides = array<i32>} : memref<1792xf32, #tpu.memory_space<vmem>>, vector<16xf32>,
        %parallel_loop3A_852 = arith.constant 16 : i32
        %parallel_loop3A_853 = arith.muli %parallel_loop3A_607, %parallel_loop3A_852 : i32
        %parallel_loop3A_854 = arith.constant 224 : i32
        %parallel_loop3A_855 = arith.addi %parallel_loop3A_854, %parallel_loop3A_853 : i32
        %parallel_loop3A_856 = arith.index_cast %parallel_loop3A_855 : i32 to index
        %parallel_loop3A_857 = tpu.vector_load %arg20[%parallel_loop3A_856] {strides = array<i32>} : memref<1792xf32, #tpu.memory_space<vmem>>, vector<16xf32>,
        tpu.vector_store %arg20[%parallel_loop3A_856], %broadcast_in_dim3A_25 {strides = array<i32>} : memref<1792xf32, #tpu.memory_space<vmem>>, vector<16xf32>,
        %parallel_loop3A_858 = arith.constant 16 : i32
        %parallel_loop3A_859 = arith.muli %parallel_loop3A_607, %parallel_loop3A_858 : i32
        %parallel_loop3A_860 = arith.constant 336 : i32
        %parallel_loop3A_861 = arith.addi %parallel_loop3A_860, %parallel_loop3A_859 : i32
        %parallel_loop3A_862 = arith.index_cast %parallel_loop3A_861 : i32 to index
        %parallel_loop3A_863 = tpu.vector_load %arg20[%parallel_loop3A_862] {strides = array<i32>} : memref<1792xf32, #tpu.memory_space<vmem>>, vector<16xf32>,
        tpu.vector_store %arg20[%parallel_loop3A_862], %broadcast_in_dim3A_25 {strides = array<i32>} : memref<1792xf32, #tpu.memory_space<vmem>>, vector<16xf32>,
        %parallel_loop3A_864 = arith.constant 16 : i32
        %parallel_loop3A_865 = arith.muli %parallel_loop3A_607, %parallel_loop3A_864 : i32
        %parallel_loop3A_866 = arith.constant 448 : i32
        %parallel_loop3A_867 = arith.addi %parallel_loop3A_866, %parallel_loop3A_865 : i32
        %parallel_loop3A_868 = arith.index_cast %parallel_loop3A_867 : i32 to index
        %parallel_loop3A_869 = tpu.vector_load %arg20[%parallel_loop3A_868] {strides = array<i32>} : memref<1792xf32, #tpu.memory_space<vmem>>, vector<16xf32>,
        tpu.vector_store %arg20[%parallel_loop3A_868], %broadcast_in_dim3A_25 {strides = array<i32>} : memref<1792xf32, #tpu.memory_space<vmem>>, vector<16xf32>,
        %parallel_loop3A_870 = arith.constant 16 : i32
        %parallel_loop3A_871 = arith.muli %parallel_loop3A_607, %parallel_loop3A_870 : i32
        %parallel_loop3A_872 = arith.constant 560 : i32
        %parallel_loop3A_873 = arith.addi %parallel_loop3A_872, %parallel_loop3A_871 : i32
        %parallel_loop3A_874 = arith.index_cast %parallel_loop3A_873 : i32 to index
        %parallel_loop3A_875 = tpu.vector_load %arg20[%parallel_loop3A_874] {strides = array<i32>} : memref<1792xf32, #tpu.memory_space<vmem>>, vector<16xf32>,
        tpu.vector_store %arg20[%parallel_loop3A_874], %broadcast_in_dim3A_25 {strides = array<i32>} : memref<1792xf32, #tpu.memory_space<vmem>>, vector<16xf32>,
        %parallel_loop3A_876 = arith.constant 16 : i32
        %parallel_loop3A_877 = arith.muli %parallel_loop3A_607, %parallel_loop3A_876 : i32
        %parallel_loop3A_878 = arith.constant 672 : i32
        %parallel_loop3A_879 = arith.addi %parallel_loop3A_878, %parallel_loop3A_877 : i32
        %parallel_loop3A_880 = arith.index_cast %parallel_loop3A_879 : i32 to index
        %parallel_loop3A_881 = tpu.vector_load %arg20[%parallel_loop3A_880] {strides = array<i32>} : memref<1792xf32, #tpu.memory_space<vmem>>, vector<16xf32>,
        tpu.vector_store %arg20[%parallel_loop3A_880], %broadcast_in_dim3A_25 {strides = array<i32>} : memref<1792xf32, #tpu.memory_space<vmem>>, vector<16xf32>,
        %parallel_loop3A_882 = arith.constant 16 : i32
        %parallel_loop3A_883 = arith.muli %parallel_loop3A_607, %parallel_loop3A_882 : i32
        %parallel_loop3A_884 = arith.constant 784 : i32
        %parallel_loop3A_885 = arith.addi %parallel_loop3A_884, %parallel_loop3A_883 : i32
        %parallel_loop3A_886 = arith.index_cast %parallel_loop3A_885 : i32 to index
        %parallel_loop3A_887 = tpu.vector_load %arg20[%parallel_loop3A_886] {strides = array<i32>} : memref<1792xf32, #tpu.memory_space<vmem>>, vector<16xf32>,
        tpu.vector_store %arg20[%parallel_loop3A_886], %broadcast_in_dim3A_25 {strides = array<i32>} : memref<1792xf32, #tpu.memory_space<vmem>>, vector<16xf32>,
        %parallel_loop3A_888 = arith.constant 16 : i32
        %parallel_loop3A_889 = arith.muli %parallel_loop3A_607, %parallel_loop3A_888 : i32
        %parallel_loop3A_890 = arith.constant 896 : i32
        %parallel_loop3A_891 = arith.addi %parallel_loop3A_890, %parallel_loop3A_889 : i32
        %parallel_loop3A_892 = arith.index_cast %parallel_loop3A_891 : i32 to index
        %parallel_loop3A_893 = tpu.vector_load %arg20[%parallel_loop3A_892] {strides = array<i32>} : memref<1792xf32, #tpu.memory_space<vmem>>, vector<16xf32>,
        tpu.vector_store %arg20[%parallel_loop3A_892], %broadcast_in_dim3A_25 {strides = array<i32>} : memref<1792xf32, #tpu.memory_space<vmem>>, vector<16xf32>,
        %parallel_loop3A_894 = arith.constant 16 : i32
        %parallel_loop3A_895 = arith.muli %parallel_loop3A_607, %parallel_loop3A_894 : i32
        %parallel_loop3A_896 = arith.constant 1008 : i32
        %parallel_loop3A_897 = arith.addi %parallel_loop3A_896, %parallel_loop3A_895 : i32
        %parallel_loop3A_898 = arith.index_cast %parallel_loop3A_897 : i32 to index
        %parallel_loop3A_899 = tpu.vector_load %arg20[%parallel_loop3A_898] {strides = array<i32>} : memref<1792xf32, #tpu.memory_space<vmem>>, vector<16xf32>,
        tpu.vector_store %arg20[%parallel_loop3A_898], %broadcast_in_dim3A_25 {strides = array<i32>} : memref<1792xf32, #tpu.memory_space<vmem>>, vector<16xf32>,
        %parallel_loop3A_900 = arith.constant 16 : i32
        %parallel_loop3A_901 = arith.muli %parallel_loop3A_607, %parallel_loop3A_900 : i32
        %parallel_loop3A_902 = arith.constant 1120 : i32
        %parallel_loop3A_903 = arith.addi %parallel_loop3A_902, %parallel_loop3A_901 : i32
        %parallel_loop3A_904 = arith.index_cast %parallel_loop3A_903 : i32 to index
        %parallel_loop3A_905 = tpu.vector_load %arg20[%parallel_loop3A_904] {strides = array<i32>} : memref<1792xf32, #tpu.memory_space<vmem>>, vector<16xf32>,
        tpu.vector_store %arg20[%parallel_loop3A_904], %broadcast_in_dim3A_25 {strides = array<i32>} : memref<1792xf32, #tpu.memory_space<vmem>>, vector<16xf32>,
        %parallel_loop3A_906 = arith.constant 16 : i32
        %parallel_loop3A_907 = arith.muli %parallel_loop3A_607, %parallel_loop3A_906 : i32
        %parallel_loop3A_908 = arith.constant 1232 : i32
        %parallel_loop3A_909 = arith.addi %parallel_loop3A_908, %parallel_loop3A_907 : i32
        %parallel_loop3A_910 = arith.index_cast %parallel_loop3A_909 : i32 to index
        %parallel_loop3A_911 = tpu.vector_load %arg20[%parallel_loop3A_910] {strides = array<i32>} : memref<1792xf32, #tpu.memory_space<vmem>>, vector<16xf32>,
        tpu.vector_store %arg20[%parallel_loop3A_910], %broadcast_in_dim3A_25 {strides = array<i32>} : memref<1792xf32, #tpu.memory_space<vmem>>, vector<16xf32>,
        %parallel_loop3A_912 = arith.constant 16 : i32
        %parallel_loop3A_913 = arith.muli %parallel_loop3A_607, %parallel_loop3A_912 : i32
        %parallel_loop3A_914 = arith.constant 1344 : i32
        %parallel_loop3A_915 = arith.addi %parallel_loop3A_914, %parallel_loop3A_913 : i32
        %parallel_loop3A_916 = arith.index_cast %parallel_loop3A_915 : i32 to index
        %parallel_loop3A_917 = tpu.vector_load %arg20[%parallel_loop3A_916] {strides = array<i32>} : memref<1792xf32, #tpu.memory_space<vmem>>, vector<16xf32>,
        tpu.vector_store %arg20[%parallel_loop3A_916], %broadcast_in_dim3A_25 {strides = array<i32>} : memref<1792xf32, #tpu.memory_space<vmem>>, vector<16xf32>,
        %parallel_loop3A_918 = arith.constant 16 : i32
        %parallel_loop3A_919 = arith.muli %parallel_loop3A_607, %parallel_loop3A_918 : i32
        %parallel_loop3A_920 = arith.constant 1456 : i32
        %parallel_loop3A_921 = arith.addi %parallel_loop3A_920, %parallel_loop3A_919 : i32
        %parallel_loop3A_922 = arith.index_cast %parallel_loop3A_921 : i32 to index
        %parallel_loop3A_923 = tpu.vector_load %arg20[%parallel_loop3A_922] {strides = array<i32>} : memref<1792xf32, #tpu.memory_space<vmem>>, vector<16xf32>,
        tpu.vector_store %arg20[%parallel_loop3A_922], %broadcast_in_dim3A_25 {strides = array<i32>} : memref<1792xf32, #tpu.memory_space<vmem>>, vector<16xf32>,
        %parallel_loop3A_924 = arith.constant 16 : i32
        %parallel_loop3A_925 = arith.muli %parallel_loop3A_607, %parallel_loop3A_924 : i32
        %parallel_loop3A_926 = arith.constant 1568 : i32
        %parallel_loop3A_927 = arith.addi %parallel_loop3A_926, %parallel_loop3A_925 : i32
        %parallel_loop3A_928 = arith.index_cast %parallel_loop3A_927 : i32 to index
        %parallel_loop3A_929 = tpu.vector_load %arg20[%parallel_loop3A_928] {strides = array<i32>} : memref<1792xf32, #tpu.memory_space<vmem>>, vector<16xf32>,
        tpu.vector_store %arg20[%parallel_loop3A_928], %broadcast_in_dim3A_25 {strides = array<i32>} : memref<1792xf32, #tpu.memory_space<vmem>>, vector<16xf32>,
        %parallel_loop3A_930 = arith.constant 16 : i32
        %parallel_loop3A_931 = arith.muli %parallel_loop3A_607, %parallel_loop3A_930 : i32
        %parallel_loop3A_932 = arith.constant 1680 : i32
        %parallel_loop3A_933 = arith.addi %parallel_loop3A_932, %parallel_loop3A_931 : i32
        %parallel_loop3A_934 = arith.index_cast %parallel_loop3A_933 : i32 to index
        %parallel_loop3A_935 = tpu.vector_load %arg20[%parallel_loop3A_934] {strides = array<i32>} : memref<1792xf32, #tpu.memory_space<vmem>>, vector<16xf32>,
        tpu.vector_store %arg20[%parallel_loop3A_934], %broadcast_in_dim3A_25 {strides = array<i32>} : memref<1792xf32, #tpu.memory_space<vmem>>, vector<16xf32>,
        %parallel_loop3A_936 = arith.constant 16 : i32
        %parallel_loop3A_937 = arith.muli %parallel_loop3A_607, %parallel_loop3A_936 : i32
        %parallel_loop3A_938 = arith.constant 0 : i32
        %parallel_loop3A_939 = arith.addi %parallel_loop3A_938, %parallel_loop3A_937 : i32
        %parallel_loop3A_940 = arith.index_cast %parallel_loop3A_939 : i32 to index
        %parallel_loop3A_941 = tpu.vector_load %arg25[%parallel_loop3A_940] {strides = array<i32>} : memref<1792xf32, #tpu.memory_space<vmem>>, vector<16xf32>,
        tpu.vector_store %arg25[%parallel_loop3A_940], %broadcast_in_dim3A_25 {strides = array<i32>} : memref<1792xf32, #tpu.memory_space<vmem>>, vector<16xf32>,
        %parallel_loop3A_942 = arith.constant 16 : i32
        %parallel_loop3A_943 = arith.muli %parallel_loop3A_607, %parallel_loop3A_942 : i32
        %parallel_loop3A_944 = arith.constant 112 : i32
        %parallel_loop3A_945 = arith.addi %parallel_loop3A_944, %parallel_loop3A_943 : i32
        %parallel_loop3A_946 = arith.index_cast %parallel_loop3A_945 : i32 to index
        %parallel_loop3A_947 = tpu.vector_load %arg25[%parallel_loop3A_946] {strides = array<i32>} : memref<1792xf32, #tpu.memory_space<vmem>>, vector<16xf32>,
        tpu.vector_store %arg25[%parallel_loop3A_946], %broadcast_in_dim3A_25 {strides = array<i32>} : memref<1792xf32, #tpu.memory_space<vmem>>, vector<16xf32>,
        %parallel_loop3A_948 = arith.constant 16 : i32
        %parallel_loop3A_949 = arith.muli %parallel_loop3A_607, %parallel_loop3A_948 : i32
        %parallel_loop3A_950 = arith.constant 224 : i32
        %parallel_loop3A_951 = arith.addi %parallel_loop3A_950, %parallel_loop3A_949 : i32
        %parallel_loop3A_952 = arith.index_cast %parallel_loop3A_951 : i32 to index
        %parallel_loop3A_953 = tpu.vector_load %arg25[%parallel_loop3A_952] {strides = array<i32>} : memref<1792xf32, #tpu.memory_space<vmem>>, vector<16xf32>,
        tpu.vector_store %arg25[%parallel_loop3A_952], %broadcast_in_dim3A_25 {strides = array<i32>} : memref<1792xf32, #tpu.memory_space<vmem>>, vector<16xf32>,
        %parallel_loop3A_954 = arith.constant 16 : i32
        %parallel_loop3A_955 = arith.muli %parallel_loop3A_607, %parallel_loop3A_954 : i32
        %parallel_loop3A_956 = arith.constant 336 : i32
        %parallel_loop3A_957 = arith.addi %parallel_loop3A_956, %parallel_loop3A_955 : i32
        %parallel_loop3A_958 = arith.index_cast %parallel_loop3A_957 : i32 to index
        %parallel_loop3A_959 = tpu.vector_load %arg25[%parallel_loop3A_958] {strides = array<i32>} : memref<1792xf32, #tpu.memory_space<vmem>>, vector<16xf32>,
        tpu.vector_store %arg25[%parallel_loop3A_958], %broadcast_in_dim3A_25 {strides = array<i32>} : memref<1792xf32, #tpu.memory_space<vmem>>, vector<16xf32>,
        %parallel_loop3A_960 = arith.constant 16 : i32
        %parallel_loop3A_961 = arith.muli %parallel_loop3A_607, %parallel_loop3A_960 : i32
        %parallel_loop3A_962 = arith.constant 448 : i32
        %parallel_loop3A_963 = arith.addi %parallel_loop3A_962, %parallel_loop3A_961 : i32
        %parallel_loop3A_964 = arith.index_cast %parallel_loop3A_963 : i32 to index
        %parallel_loop3A_965 = tpu.vector_load %arg25[%parallel_loop3A_964] {strides = array<i32>} : memref<1792xf32, #tpu.memory_space<vmem>>, vector<16xf32>,
        tpu.vector_store %arg25[%parallel_loop3A_964], %broadcast_in_dim3A_25 {strides = array<i32>} : memref<1792xf32, #tpu.memory_space<vmem>>, vector<16xf32>,
        %parallel_loop3A_966 = arith.constant 16 : i32
        %parallel_loop3A_967 = arith.muli %parallel_loop3A_607, %parallel_loop3A_966 : i32
        %parallel_loop3A_968 = arith.constant 560 : i32
        %parallel_loop3A_969 = arith.addi %parallel_loop3A_968, %parallel_loop3A_967 : i32
        %parallel_loop3A_970 = arith.index_cast %parallel_loop3A_969 : i32 to index
        %parallel_loop3A_971 = tpu.vector_load %arg25[%parallel_loop3A_970] {strides = array<i32>} : memref<1792xf32, #tpu.memory_space<vmem>>, vector<16xf32>,
        tpu.vector_store %arg25[%parallel_loop3A_970], %broadcast_in_dim3A_25 {strides = array<i32>} : memref<1792xf32, #tpu.memory_space<vmem>>, vector<16xf32>,
        %parallel_loop3A_972 = arith.constant 16 : i32
        %parallel_loop3A_973 = arith.muli %parallel_loop3A_607, %parallel_loop3A_972 : i32
        %parallel_loop3A_974 = arith.constant 672 : i32
        %parallel_loop3A_975 = arith.addi %parallel_loop3A_974, %parallel_loop3A_973 : i32
        %parallel_loop3A_976 = arith.index_cast %parallel_loop3A_975 : i32 to index
        %parallel_loop3A_977 = tpu.vector_load %arg25[%parallel_loop3A_976] {strides = array<i32>} : memref<1792xf32, #tpu.memory_space<vmem>>, vector<16xf32>,
        tpu.vector_store %arg25[%parallel_loop3A_976], %broadcast_in_dim3A_25 {strides = array<i32>} : memref<1792xf32, #tpu.memory_space<vmem>>, vector<16xf32>,
        %parallel_loop3A_978 = arith.constant 16 : i32
        %parallel_loop3A_979 = arith.muli %parallel_loop3A_607, %parallel_loop3A_978 : i32
        %parallel_loop3A_980 = arith.constant 784 : i32
        %parallel_loop3A_981 = arith.addi %parallel_loop3A_980, %parallel_loop3A_979 : i32
        %parallel_loop3A_982 = arith.index_cast %parallel_loop3A_981 : i32 to index
        %parallel_loop3A_983 = tpu.vector_load %arg25[%parallel_loop3A_982] {strides = array<i32>} : memref<1792xf32, #tpu.memory_space<vmem>>, vector<16xf32>,
        tpu.vector_store %arg25[%parallel_loop3A_982], %broadcast_in_dim3A_25 {strides = array<i32>} : memref<1792xf32, #tpu.memory_space<vmem>>, vector<16xf32>,
        %parallel_loop3A_984 = arith.constant 16 : i32
        %parallel_loop3A_985 = arith.muli %parallel_loop3A_607, %parallel_loop3A_984 : i32
        %parallel_loop3A_986 = arith.constant 896 : i32
        %parallel_loop3A_987 = arith.addi %parallel_loop3A_986, %parallel_loop3A_985 : i32
        %parallel_loop3A_988 = arith.index_cast %parallel_loop3A_987 : i32 to index
        %parallel_loop3A_989 = tpu.vector_load %arg25[%parallel_loop3A_988] {strides = array<i32>} : memref<1792xf32, #tpu.memory_space<vmem>>, vector<16xf32>,
        tpu.vector_store %arg25[%parallel_loop3A_988], %broadcast_in_dim3A_25 {strides = array<i32>} : memref<1792xf32, #tpu.memory_space<vmem>>, vector<16xf32>,
        %parallel_loop3A_990 = arith.constant 16 : i32
        %parallel_loop3A_991 = arith.muli %parallel_loop3A_607, %parallel_loop3A_990 : i32
        %parallel_loop3A_992 = arith.constant 1008 : i32
        %parallel_loop3A_993 = arith.addi %parallel_loop3A_992, %parallel_loop3A_991 : i32
        %parallel_loop3A_994 = arith.index_cast %parallel_loop3A_993 : i32 to index
        %parallel_loop3A_995 = tpu.vector_load %arg25[%parallel_loop3A_994] {strides = array<i32>} : memref<1792xf32, #tpu.memory_space<vmem>>, vector<16xf32>,
        tpu.vector_store %arg25[%parallel_loop3A_994], %broadcast_in_dim3A_25 {strides = array<i32>} : memref<1792xf32, #tpu.memory_space<vmem>>, vector<16xf32>,
        %parallel_loop3A_996 = arith.constant 16 : i32
        %parallel_loop3A_997 = arith.muli %parallel_loop3A_607, %parallel_loop3A_996 : i32
        %parallel_loop3A_998 = arith.constant 1120 : i32
        %parallel_loop3A_999 = arith.addi %parallel_loop3A_998, %parallel_loop3A_997 : i32
        %parallel_loop3A_1000 = arith.index_cast %parallel_loop3A_999 : i32 to index
        %parallel_loop3A_1001 = tpu.vector_load %arg25[%parallel_loop3A_1000] {strides = array<i32>} : memref<1792xf32, #tpu.memory_space<vmem>>, vector<16xf32>,
        tpu.vector_store %arg25[%parallel_loop3A_1000], %broadcast_in_dim3A_25 {strides = array<i32>} : memref<1792xf32, #tpu.memory_space<vmem>>, vector<16xf32>,
        %parallel_loop3A_1002 = arith.constant 16 : i32
        %parallel_loop3A_1003 = arith.muli %parallel_loop3A_607, %parallel_loop3A_1002 : i32
        %parallel_loop3A_1004 = arith.constant 1232 : i32
        %parallel_loop3A_1005 = arith.addi %parallel_loop3A_1004, %parallel_loop3A_1003 : i32
        %parallel_loop3A_1006 = arith.index_cast %parallel_loop3A_1005 : i32 to index
        %parallel_loop3A_1007 = tpu.vector_load %arg25[%parallel_loop3A_1006] {strides = array<i32>} : memref<1792xf32, #tpu.memory_space<vmem>>, vector<16xf32>,
        tpu.vector_store %arg25[%parallel_loop3A_1006], %broadcast_in_dim3A_25 {strides = array<i32>} : memref<1792xf32, #tpu.memory_space<vmem>>, vector<16xf32>,
        %parallel_loop3A_1008 = arith.constant 16 : i32
        %parallel_loop3A_1009 = arith.muli %parallel_loop3A_607, %parallel_loop3A_1008 : i32
        %parallel_loop3A_1010 = arith.constant 1344 : i32
        %parallel_loop3A_1011 = arith.addi %parallel_loop3A_1010, %parallel_loop3A_1009 : i32
        %parallel_loop3A_1012 = arith.index_cast %parallel_loop3A_1011 : i32 to index
        %parallel_loop3A_1013 = tpu.vector_load %arg25[%parallel_loop3A_1012] {strides = array<i32>} : memref<1792xf32, #tpu.memory_space<vmem>>, vector<16xf32>,
        tpu.vector_store %arg25[%parallel_loop3A_1012], %broadcast_in_dim3A_25 {strides = array<i32>} : memref<1792xf32, #tpu.memory_space<vmem>>, vector<16xf32>,
        %parallel_loop3A_1014 = arith.constant 16 : i32
        %parallel_loop3A_1015 = arith.muli %parallel_loop3A_607, %parallel_loop3A_1014 : i32
        %parallel_loop3A_1016 = arith.constant 1456 : i32
        %parallel_loop3A_1017 = arith.addi %parallel_loop3A_1016, %parallel_loop3A_1015 : i32
        %parallel_loop3A_1018 = arith.index_cast %parallel_loop3A_1017 : i32 to index
        %parallel_loop3A_1019 = tpu.vector_load %arg25[%parallel_loop3A_1018] {strides = array<i32>} : memref<1792xf32, #tpu.memory_space<vmem>>, vector<16xf32>,
        tpu.vector_store %arg25[%parallel_loop3A_1018], %broadcast_in_dim3A_25 {strides = array<i32>} : memref<1792xf32, #tpu.memory_space<vmem>>, vector<16xf32>,
        %parallel_loop3A_1020 = arith.constant 16 : i32
        %parallel_loop3A_1021 = arith.muli %parallel_loop3A_607, %parallel_loop3A_1020 : i32
        %parallel_loop3A_1022 = arith.constant 1568 : i32
        %parallel_loop3A_1023 = arith.addi %parallel_loop3A_1022, %parallel_loop3A_1021 : i32
        %parallel_loop3A_1024 = arith.index_cast %parallel_loop3A_1023 : i32 to index
        %parallel_loop3A_1025 = tpu.vector_load %arg25[%parallel_loop3A_1024] {strides = array<i32>} : memref<1792xf32, #tpu.memory_space<vmem>>, vector<16xf32>,
        tpu.vector_store %arg25[%parallel_loop3A_1024], %broadcast_in_dim3A_25 {strides = array<i32>} : memref<1792xf32, #tpu.memory_space<vmem>>, vector<16xf32>,
        %parallel_loop3A_1026 = arith.constant 16 : i32
        %parallel_loop3A_1027 = arith.muli %parallel_loop3A_607, %parallel_loop3A_1026 : i32
        %parallel_loop3A_1028 = arith.constant 1680 : i32
        %parallel_loop3A_1029 = arith.addi %parallel_loop3A_1028, %parallel_loop3A_1027 : i32
        %parallel_loop3A_1030 = arith.index_cast %parallel_loop3A_1029 : i32 to index
        %parallel_loop3A_1031 = tpu.vector_load %arg25[%parallel_loop3A_1030] {strides = array<i32>} : memref<1792xf32, #tpu.memory_space<vmem>>, vector<16xf32>,
        tpu.vector_store %arg25[%parallel_loop3A_1030], %broadcast_in_dim3A_25 {strides = array<i32>} : memref<1792xf32, #tpu.memory_space<vmem>>, vector<16xf32>,
        %parallel_loop3A_1032 = tpu.vector_load_idx %arg6[%parallel_loop3A_616] masked %parallel_loop3A_614 : memref<400xf32, #tpu.memory_space<vmem>>[vector<16xi32>], vector<16xf32>, vector<16xi1>
        %parallel_loop3A_1033 = arith.cmpf oeq, %parallel_loop3A_839, %broadcast_in_dim3A_25 : vector<16xf32>
        %parallel_loop3A_1034 = arith.select %parallel_loop3A_1033, %parallel_loop3A_1032, %parallel_loop3A_839 : vector<16xi1>, vector<16xf32>
        tpu.vector_store_idx %arg11[%parallel_loop3A_616], %parallel_loop3A_1034 masked %parallel_loop3A_614 : memref<400xf32, #tpu.memory_space<vmem>>[vector<16xi32>], vector<16xf32>, vector<16xi1>
        %parallel_loop3A_1035 = arith.constant 16 : i32
        %parallel_loop3A_1036 = arith.muli %parallel_loop3A_607, %parallel_loop3A_1035 : i32
        %parallel_loop3A_1037 = arith.constant 0 : i32
        %parallel_loop3A_1038 = arith.addi %parallel_loop3A_1037, %parallel_loop3A_1036 : i32
        %parallel_loop3A_1039 = arith.index_cast %parallel_loop3A_1038 : i32 to index
        %parallel_loop3A_1040 = tpu.vector_load %arg21[%parallel_loop3A_1039] {strides = array<i32>} : memref<1792xf32, #tpu.memory_space<vmem>>, vector<16xf32>,
        %parallel_loop3A_1041 = arith.constant 16 : i32
        %parallel_loop3A_1042 = arith.muli %parallel_loop3A_607, %parallel_loop3A_1041 : i32
        %parallel_loop3A_1043 = arith.constant 112 : i32
        %parallel_loop3A_1044 = arith.addi %parallel_loop3A_1043, %parallel_loop3A_1042 : i32
        %parallel_loop3A_1045 = arith.index_cast %parallel_loop3A_1044 : i32 to index
        %parallel_loop3A_1046 = tpu.vector_load %arg21[%parallel_loop3A_1045] {strides = array<i32>} : memref<1792xf32, #tpu.memory_space<vmem>>, vector<16xf32>,
        %parallel_loop3A_1047 = arith.constant 16 : i32
        %parallel_loop3A_1048 = arith.muli %parallel_loop3A_607, %parallel_loop3A_1047 : i32
        %parallel_loop3A_1049 = arith.constant 224 : i32
        %parallel_loop3A_1050 = arith.addi %parallel_loop3A_1049, %parallel_loop3A_1048 : i32
        %parallel_loop3A_1051 = arith.index_cast %parallel_loop3A_1050 : i32 to index
        %parallel_loop3A_1052 = tpu.vector_load %arg21[%parallel_loop3A_1051] {strides = array<i32>} : memref<1792xf32, #tpu.memory_space<vmem>>, vector<16xf32>,
        %parallel_loop3A_1053 = arith.constant 16 : i32
        %parallel_loop3A_1054 = arith.muli %parallel_loop3A_607, %parallel_loop3A_1053 : i32
        %parallel_loop3A_1055 = arith.constant 336 : i32
        %parallel_loop3A_1056 = arith.addi %parallel_loop3A_1055, %parallel_loop3A_1054 : i32
        %parallel_loop3A_1057 = arith.index_cast %parallel_loop3A_1056 : i32 to index
        %parallel_loop3A_1058 = tpu.vector_load %arg21[%parallel_loop3A_1057] {strides = array<i32>} : memref<1792xf32, #tpu.memory_space<vmem>>, vector<16xf32>,
        %parallel_loop3A_1059 = arith.constant 16 : i32
        %parallel_loop3A_1060 = arith.muli %parallel_loop3A_607, %parallel_loop3A_1059 : i32
        %parallel_loop3A_1061 = arith.constant 448 : i32
        %parallel_loop3A_1062 = arith.addi %parallel_loop3A_1061, %parallel_loop3A_1060 : i32
        %parallel_loop3A_1063 = arith.index_cast %parallel_loop3A_1062 : i32 to index
        %parallel_loop3A_1064 = tpu.vector_load %arg21[%parallel_loop3A_1063] {strides = array<i32>} : memref<1792xf32, #tpu.memory_space<vmem>>, vector<16xf32>,
        %parallel_loop3A_1065 = arith.minimumf %parallel_loop3A_1040, %parallel_loop3A_1064 : vector<16xf32>
        %parallel_loop3A_1066 = arith.constant 16 : i32
        %parallel_loop3A_1067 = arith.muli %parallel_loop3A_607, %parallel_loop3A_1066 : i32
        %parallel_loop3A_1068 = arith.constant 560 : i32
        %parallel_loop3A_1069 = arith.addi %parallel_loop3A_1068, %parallel_loop3A_1067 : i32
        %parallel_loop3A_1070 = arith.index_cast %parallel_loop3A_1069 : i32 to index
        %parallel_loop3A_1071 = tpu.vector_load %arg21[%parallel_loop3A_1070] {strides = array<i32>} : memref<1792xf32, #tpu.memory_space<vmem>>, vector<16xf32>,
        %parallel_loop3A_1072 = arith.minimumf %parallel_loop3A_1046, %parallel_loop3A_1071 : vector<16xf32>
        %parallel_loop3A_1073 = arith.constant 16 : i32
        %parallel_loop3A_1074 = arith.muli %parallel_loop3A_607, %parallel_loop3A_1073 : i32
        %parallel_loop3A_1075 = arith.constant 672 : i32
        %parallel_loop3A_1076 = arith.addi %parallel_loop3A_1075, %parallel_loop3A_1074 : i32
        %parallel_loop3A_1077 = arith.index_cast %parallel_loop3A_1076 : i32 to index
        %parallel_loop3A_1078 = tpu.vector_load %arg21[%parallel_loop3A_1077] {strides = array<i32>} : memref<1792xf32, #tpu.memory_space<vmem>>, vector<16xf32>,
        %parallel_loop3A_1079 = arith.minimumf %parallel_loop3A_1052, %parallel_loop3A_1078 : vector<16xf32>
        %parallel_loop3A_1080 = arith.constant 16 : i32
        %parallel_loop3A_1081 = arith.muli %parallel_loop3A_607, %parallel_loop3A_1080 : i32
        %parallel_loop3A_1082 = arith.constant 784 : i32
        %parallel_loop3A_1083 = arith.addi %parallel_loop3A_1082, %parallel_loop3A_1081 : i32
        %parallel_loop3A_1084 = arith.index_cast %parallel_loop3A_1083 : i32 to index
        %parallel_loop3A_1085 = tpu.vector_load %arg21[%parallel_loop3A_1084] {strides = array<i32>} : memref<1792xf32, #tpu.memory_space<vmem>>, vector<16xf32>,
        %parallel_loop3A_1086 = arith.minimumf %parallel_loop3A_1058, %parallel_loop3A_1085 : vector<16xf32>
        %parallel_loop3A_1087 = arith.constant 16 : i32
        %parallel_loop3A_1088 = arith.muli %parallel_loop3A_607, %parallel_loop3A_1087 : i32
        %parallel_loop3A_1089 = arith.constant 896 : i32
        %parallel_loop3A_1090 = arith.addi %parallel_loop3A_1089, %parallel_loop3A_1088 : i32
        %parallel_loop3A_1091 = arith.index_cast %parallel_loop3A_1090 : i32 to index
        %parallel_loop3A_1092 = tpu.vector_load %arg21[%parallel_loop3A_1091] {strides = array<i32>} : memref<1792xf32, #tpu.memory_space<vmem>>, vector<16xf32>,
        %parallel_loop3A_1093 = arith.minimumf %parallel_loop3A_1065, %parallel_loop3A_1092 : vector<16xf32>
        %parallel_loop3A_1094 = arith.constant 16 : i32
        %parallel_loop3A_1095 = arith.muli %parallel_loop3A_607, %parallel_loop3A_1094 : i32
        %parallel_loop3A_1096 = arith.constant 1008 : i32
        %parallel_loop3A_1097 = arith.addi %parallel_loop3A_1096, %parallel_loop3A_1095 : i32
        %parallel_loop3A_1098 = arith.index_cast %parallel_loop3A_1097 : i32 to index
        %parallel_loop3A_1099 = tpu.vector_load %arg21[%parallel_loop3A_1098] {strides = array<i32>} : memref<1792xf32, #tpu.memory_space<vmem>>, vector<16xf32>,
        %parallel_loop3A_1100 = arith.minimumf %parallel_loop3A_1072, %parallel_loop3A_1099 : vector<16xf32>
        %parallel_loop3A_1101 = arith.constant 16 : i32
        %parallel_loop3A_1102 = arith.muli %parallel_loop3A_607, %parallel_loop3A_1101 : i32
        %parallel_loop3A_1103 = arith.constant 1120 : i32
        %parallel_loop3A_1104 = arith.addi %parallel_loop3A_1103, %parallel_loop3A_1102 : i32
        %parallel_loop3A_1105 = arith.index_cast %parallel_loop3A_1104 : i32 to index
        %parallel_loop3A_1106 = tpu.vector_load %arg21[%parallel_loop3A_1105] {strides = array<i32>} : memref<1792xf32, #tpu.memory_space<vmem>>, vector<16xf32>,
        %parallel_loop3A_1107 = arith.minimumf %parallel_loop3A_1079, %parallel_loop3A_1106 : vector<16xf32>
        %parallel_loop3A_1108 = arith.constant 16 : i32
        %parallel_loop3A_1109 = arith.muli %parallel_loop3A_607, %parallel_loop3A_1108 : i32
        %parallel_loop3A_1110 = arith.constant 1232 : i32
        %parallel_loop3A_1111 = arith.addi %parallel_loop3A_1110, %parallel_loop3A_1109 : i32
        %parallel_loop3A_1112 = arith.index_cast %parallel_loop3A_1111 : i32 to index
        %parallel_loop3A_1113 = tpu.vector_load %arg21[%parallel_loop3A_1112] {strides = array<i32>} : memref<1792xf32, #tpu.memory_space<vmem>>, vector<16xf32>,
        %parallel_loop3A_1114 = arith.minimumf %parallel_loop3A_1086, %parallel_loop3A_1113 : vector<16xf32>
        %parallel_loop3A_1115 = arith.constant 16 : i32
        %parallel_loop3A_1116 = arith.muli %parallel_loop3A_607, %parallel_loop3A_1115 : i32
        %parallel_loop3A_1117 = arith.constant 1344 : i32
        %parallel_loop3A_1118 = arith.addi %parallel_loop3A_1117, %parallel_loop3A_1116 : i32
        %parallel_loop3A_1119 = arith.index_cast %parallel_loop3A_1118 : i32 to index
        %parallel_loop3A_1120 = tpu.vector_load %arg21[%parallel_loop3A_1119] {strides = array<i32>} : memref<1792xf32, #tpu.memory_space<vmem>>, vector<16xf32>,
        %parallel_loop3A_1121 = arith.minimumf %parallel_loop3A_1093, %parallel_loop3A_1120 : vector<16xf32>
        %parallel_loop3A_1122 = arith.constant 16 : i32
        %parallel_loop3A_1123 = arith.muli %parallel_loop3A_607, %parallel_loop3A_1122 : i32
        %parallel_loop3A_1124 = arith.constant 1456 : i32
        %parallel_loop3A_1125 = arith.addi %parallel_loop3A_1124, %parallel_loop3A_1123 : i32
        %parallel_loop3A_1126 = arith.index_cast %parallel_loop3A_1125 : i32 to index
        %parallel_loop3A_1127 = tpu.vector_load %arg21[%parallel_loop3A_1126] {strides = array<i32>} : memref<1792xf32, #tpu.memory_space<vmem>>, vector<16xf32>,
        %parallel_loop3A_1128 = arith.minimumf %parallel_loop3A_1100, %parallel_loop3A_1127 : vector<16xf32>
        %parallel_loop3A_1129 = arith.constant 16 : i32
        %parallel_loop3A_1130 = arith.muli %parallel_loop3A_607, %parallel_loop3A_1129 : i32
        %parallel_loop3A_1131 = arith.constant 1568 : i32
        %parallel_loop3A_1132 = arith.addi %parallel_loop3A_1131, %parallel_loop3A_1130 : i32
        %parallel_loop3A_1133 = arith.index_cast %parallel_loop3A_1132 : i32 to index
        %parallel_loop3A_1134 = tpu.vector_load %arg21[%parallel_loop3A_1133] {strides = array<i32>} : memref<1792xf32, #tpu.memory_space<vmem>>, vector<16xf32>,
        %parallel_loop3A_1135 = arith.minimumf %parallel_loop3A_1107, %parallel_loop3A_1134 : vector<16xf32>
        %parallel_loop3A_1136 = arith.constant 16 : i32
        %parallel_loop3A_1137 = arith.muli %parallel_loop3A_607, %parallel_loop3A_1136 : i32
        %parallel_loop3A_1138 = arith.constant 1680 : i32
        %parallel_loop3A_1139 = arith.addi %parallel_loop3A_1138, %parallel_loop3A_1137 : i32
        %parallel_loop3A_1140 = arith.index_cast %parallel_loop3A_1139 : i32 to index
        %parallel_loop3A_1141 = tpu.vector_load %arg21[%parallel_loop3A_1140] {strides = array<i32>} : memref<1792xf32, #tpu.memory_space<vmem>>, vector<16xf32>,
        %parallel_loop3A_1142 = arith.minimumf %parallel_loop3A_1114, %parallel_loop3A_1141 : vector<16xf32>
        %parallel_loop3A_1143 = arith.constant 16 : i32
        %parallel_loop3A_1144 = arith.muli %parallel_loop3A_607, %parallel_loop3A_1143 : i32
        %parallel_loop3A_1145 = arith.constant 0 : i32
        %parallel_loop3A_1146 = arith.addi %parallel_loop3A_1145, %parallel_loop3A_1144 : i32
        %parallel_loop3A_1147 = arith.index_cast %parallel_loop3A_1146 : i32 to index
        %parallel_loop3A_1148 = tpu.vector_load %arg26[%parallel_loop3A_1147] {strides = array<i32>} : memref<1792xf32, #tpu.memory_space<vmem>>, vector<16xf32>,
        %parallel_loop3A_1149 = arith.minimumf %parallel_loop3A_1121, %parallel_loop3A_1148 : vector<16xf32>
        %parallel_loop3A_1150 = arith.constant 16 : i32
        %parallel_loop3A_1151 = arith.muli %parallel_loop3A_607, %parallel_loop3A_1150 : i32
        %parallel_loop3A_1152 = arith.constant 112 : i32
        %parallel_loop3A_1153 = arith.addi %parallel_loop3A_1152, %parallel_loop3A_1151 : i32
        %parallel_loop3A_1154 = arith.index_cast %parallel_loop3A_1153 : i32 to index
        %parallel_loop3A_1155 = tpu.vector_load %arg26[%parallel_loop3A_1154] {strides = array<i32>} : memref<1792xf32, #tpu.memory_space<vmem>>, vector<16xf32>,
        %parallel_loop3A_1156 = arith.minimumf %parallel_loop3A_1128, %parallel_loop3A_1155 : vector<16xf32>
        %parallel_loop3A_1157 = arith.constant 16 : i32
        %parallel_loop3A_1158 = arith.muli %parallel_loop3A_607, %parallel_loop3A_1157 : i32
        %parallel_loop3A_1159 = arith.constant 224 : i32
        %parallel_loop3A_1160 = arith.addi %parallel_loop3A_1159, %parallel_loop3A_1158 : i32
        %parallel_loop3A_1161 = arith.index_cast %parallel_loop3A_1160 : i32 to index
        %parallel_loop3A_1162 = tpu.vector_load %arg26[%parallel_loop3A_1161] {strides = array<i32>} : memref<1792xf32, #tpu.memory_space<vmem>>, vector<16xf32>,
        %parallel_loop3A_1163 = arith.minimumf %parallel_loop3A_1135, %parallel_loop3A_1162 : vector<16xf32>
        %parallel_loop3A_1164 = arith.constant 16 : i32
        %parallel_loop3A_1165 = arith.muli %parallel_loop3A_607, %parallel_loop3A_1164 : i32
        %parallel_loop3A_1166 = arith.constant 336 : i32
        %parallel_loop3A_1167 = arith.addi %parallel_loop3A_1166, %parallel_loop3A_1165 : i32
        %parallel_loop3A_1168 = arith.index_cast %parallel_loop3A_1167 : i32 to index
        %parallel_loop3A_1169 = tpu.vector_load %arg26[%parallel_loop3A_1168] {strides = array<i32>} : memref<1792xf32, #tpu.memory_space<vmem>>, vector<16xf32>,
        %parallel_loop3A_1170 = arith.minimumf %parallel_loop3A_1142, %parallel_loop3A_1169 : vector<16xf32>
        %parallel_loop3A_1171 = arith.constant 16 : i32
        %parallel_loop3A_1172 = arith.muli %parallel_loop3A_607, %parallel_loop3A_1171 : i32
        %parallel_loop3A_1173 = arith.constant 448 : i32
        %parallel_loop3A_1174 = arith.addi %parallel_loop3A_1173, %parallel_loop3A_1172 : i32
        %parallel_loop3A_1175 = arith.index_cast %parallel_loop3A_1174 : i32 to index
        %parallel_loop3A_1176 = tpu.vector_load %arg26[%parallel_loop3A_1175] {strides = array<i32>} : memref<1792xf32, #tpu.memory_space<vmem>>, vector<16xf32>,
        %parallel_loop3A_1177 = arith.minimumf %parallel_loop3A_1149, %parallel_loop3A_1176 : vector<16xf32>
        %parallel_loop3A_1178 = arith.constant 16 : i32
        %parallel_loop3A_1179 = arith.muli %parallel_loop3A_607, %parallel_loop3A_1178 : i32
        %parallel_loop3A_1180 = arith.constant 560 : i32
        %parallel_loop3A_1181 = arith.addi %parallel_loop3A_1180, %parallel_loop3A_1179 : i32
        %parallel_loop3A_1182 = arith.index_cast %parallel_loop3A_1181 : i32 to index
        %parallel_loop3A_1183 = tpu.vector_load %arg26[%parallel_loop3A_1182] {strides = array<i32>} : memref<1792xf32, #tpu.memory_space<vmem>>, vector<16xf32>,
        %parallel_loop3A_1184 = arith.minimumf %parallel_loop3A_1156, %parallel_loop3A_1183 : vector<16xf32>
        %parallel_loop3A_1185 = arith.constant 16 : i32
        %parallel_loop3A_1186 = arith.muli %parallel_loop3A_607, %parallel_loop3A_1185 : i32
        %parallel_loop3A_1187 = arith.constant 672 : i32
        %parallel_loop3A_1188 = arith.addi %parallel_loop3A_1187, %parallel_loop3A_1186 : i32
        %parallel_loop3A_1189 = arith.index_cast %parallel_loop3A_1188 : i32 to index
        %parallel_loop3A_1190 = tpu.vector_load %arg26[%parallel_loop3A_1189] {strides = array<i32>} : memref<1792xf32, #tpu.memory_space<vmem>>, vector<16xf32>,
        %parallel_loop3A_1191 = arith.minimumf %parallel_loop3A_1163, %parallel_loop3A_1190 : vector<16xf32>
        %parallel_loop3A_1192 = arith.constant 16 : i32
        %parallel_loop3A_1193 = arith.muli %parallel_loop3A_607, %parallel_loop3A_1192 : i32
        %parallel_loop3A_1194 = arith.constant 784 : i32
        %parallel_loop3A_1195 = arith.addi %parallel_loop3A_1194, %parallel_loop3A_1193 : i32
        %parallel_loop3A_1196 = arith.index_cast %parallel_loop3A_1195 : i32 to index
        %parallel_loop3A_1197 = tpu.vector_load %arg26[%parallel_loop3A_1196] {strides = array<i32>} : memref<1792xf32, #tpu.memory_space<vmem>>, vector<16xf32>,
        %parallel_loop3A_1198 = arith.minimumf %parallel_loop3A_1170, %parallel_loop3A_1197 : vector<16xf32>
        %parallel_loop3A_1199 = arith.constant 16 : i32
        %parallel_loop3A_1200 = arith.muli %parallel_loop3A_607, %parallel_loop3A_1199 : i32
        %parallel_loop3A_1201 = arith.constant 896 : i32
        %parallel_loop3A_1202 = arith.addi %parallel_loop3A_1201, %parallel_loop3A_1200 : i32
        %parallel_loop3A_1203 = arith.index_cast %parallel_loop3A_1202 : i32 to index
        %parallel_loop3A_1204 = tpu.vector_load %arg26[%parallel_loop3A_1203] {strides = array<i32>} : memref<1792xf32, #tpu.memory_space<vmem>>, vector<16xf32>,
        %parallel_loop3A_1205 = arith.minimumf %parallel_loop3A_1177, %parallel_loop3A_1204 : vector<16xf32>
        %parallel_loop3A_1206 = arith.constant 16 : i32
        %parallel_loop3A_1207 = arith.muli %parallel_loop3A_607, %parallel_loop3A_1206 : i32
        %parallel_loop3A_1208 = arith.constant 1008 : i32
        %parallel_loop3A_1209 = arith.addi %parallel_loop3A_1208, %parallel_loop3A_1207 : i32
        %parallel_loop3A_1210 = arith.index_cast %parallel_loop3A_1209 : i32 to index
        %parallel_loop3A_1211 = tpu.vector_load %arg26[%parallel_loop3A_1210] {strides = array<i32>} : memref<1792xf32, #tpu.memory_space<vmem>>, vector<16xf32>,
        %parallel_loop3A_1212 = arith.minimumf %parallel_loop3A_1184, %parallel_loop3A_1211 : vector<16xf32>
        %parallel_loop3A_1213 = arith.constant 16 : i32
        %parallel_loop3A_1214 = arith.muli %parallel_loop3A_607, %parallel_loop3A_1213 : i32
        %parallel_loop3A_1215 = arith.constant 1120 : i32
        %parallel_loop3A_1216 = arith.addi %parallel_loop3A_1215, %parallel_loop3A_1214 : i32
        %parallel_loop3A_1217 = arith.index_cast %parallel_loop3A_1216 : i32 to index
        %parallel_loop3A_1218 = tpu.vector_load %arg26[%parallel_loop3A_1217] {strides = array<i32>} : memref<1792xf32, #tpu.memory_space<vmem>>, vector<16xf32>,
        %parallel_loop3A_1219 = arith.minimumf %parallel_loop3A_1191, %parallel_loop3A_1218 : vector<16xf32>
        %parallel_loop3A_1220 = arith.constant 16 : i32
        %parallel_loop3A_1221 = arith.muli %parallel_loop3A_607, %parallel_loop3A_1220 : i32
        %parallel_loop3A_1222 = arith.constant 1232 : i32
        %parallel_loop3A_1223 = arith.addi %parallel_loop3A_1222, %parallel_loop3A_1221 : i32
        %parallel_loop3A_1224 = arith.index_cast %parallel_loop3A_1223 : i32 to index
        %parallel_loop3A_1225 = tpu.vector_load %arg26[%parallel_loop3A_1224] {strides = array<i32>} : memref<1792xf32, #tpu.memory_space<vmem>>, vector<16xf32>,
        %parallel_loop3A_1226 = arith.minimumf %parallel_loop3A_1198, %parallel_loop3A_1225 : vector<16xf32>
        %parallel_loop3A_1227 = arith.constant 16 : i32
        %parallel_loop3A_1228 = arith.muli %parallel_loop3A_607, %parallel_loop3A_1227 : i32
        %parallel_loop3A_1229 = arith.constant 1344 : i32
        %parallel_loop3A_1230 = arith.addi %parallel_loop3A_1229, %parallel_loop3A_1228 : i32
        %parallel_loop3A_1231 = arith.index_cast %parallel_loop3A_1230 : i32 to index
        %parallel_loop3A_1232 = tpu.vector_load %arg26[%parallel_loop3A_1231] {strides = array<i32>} : memref<1792xf32, #tpu.memory_space<vmem>>, vector<16xf32>,
        %parallel_loop3A_1233 = arith.minimumf %parallel_loop3A_1205, %parallel_loop3A_1232 : vector<16xf32>
        %parallel_loop3A_1234 = arith.constant 16 : i32
        %parallel_loop3A_1235 = arith.muli %parallel_loop3A_607, %parallel_loop3A_1234 : i32
        %parallel_loop3A_1236 = arith.constant 1456 : i32
        %parallel_loop3A_1237 = arith.addi %parallel_loop3A_1236, %parallel_loop3A_1235 : i32
        %parallel_loop3A_1238 = arith.index_cast %parallel_loop3A_1237 : i32 to index
        %parallel_loop3A_1239 = tpu.vector_load %arg26[%parallel_loop3A_1238] {strides = array<i32>} : memref<1792xf32, #tpu.memory_space<vmem>>, vector<16xf32>,
        %parallel_loop3A_1240 = arith.minimumf %parallel_loop3A_1212, %parallel_loop3A_1239 : vector<16xf32>
        %parallel_loop3A_1241 = arith.constant 16 : i32
        %parallel_loop3A_1242 = arith.muli %parallel_loop3A_607, %parallel_loop3A_1241 : i32
        %parallel_loop3A_1243 = arith.constant 1568 : i32
        %parallel_loop3A_1244 = arith.addi %parallel_loop3A_1243, %parallel_loop3A_1242 : i32
        %parallel_loop3A_1245 = arith.index_cast %parallel_loop3A_1244 : i32 to index
        %parallel_loop3A_1246 = tpu.vector_load %arg26[%parallel_loop3A_1245] {strides = array<i32>} : memref<1792xf32, #tpu.memory_space<vmem>>, vector<16xf32>,
        %parallel_loop3A_1247 = arith.minimumf %parallel_loop3A_1219, %parallel_loop3A_1246 : vector<16xf32>
        %parallel_loop3A_1248 = arith.constant 16 : i32
        %parallel_loop3A_1249 = arith.muli %parallel_loop3A_607, %parallel_loop3A_1248 : i32
        %parallel_loop3A_1250 = arith.constant 1680 : i32
        %parallel_loop3A_1251 = arith.addi %parallel_loop3A_1250, %parallel_loop3A_1249 : i32
        %parallel_loop3A_1252 = arith.index_cast %parallel_loop3A_1251 : i32 to index
        %parallel_loop3A_1253 = tpu.vector_load %arg26[%parallel_loop3A_1252] {strides = array<i32>} : memref<1792xf32, #tpu.memory_space<vmem>>, vector<16xf32>,
        %parallel_loop3A_1254 = arith.minimumf %parallel_loop3A_1226, %parallel_loop3A_1253 : vector<16xf32>
        %parallel_loop3A_1255 = arith.minimumf %parallel_loop3A_1233, %parallel_loop3A_1240 : vector<16xf32>
        %parallel_loop3A_1256 = arith.minimumf %parallel_loop3A_1247, %parallel_loop3A_1254 : vector<16xf32>
        %parallel_loop3A_1257 = arith.minimumf %parallel_loop3A_1255, %parallel_loop3A_1256 : vector<16xf32>
        %parallel_loop3A_1258 = arith.constant 16 : i32
        %parallel_loop3A_1259 = arith.muli %parallel_loop3A_607, %parallel_loop3A_1258 : i32
        %parallel_loop3A_1260 = arith.constant 0 : i32
        %parallel_loop3A_1261 = arith.addi %parallel_loop3A_1260, %parallel_loop3A_1259 : i32
        %parallel_loop3A_1262 = arith.index_cast %parallel_loop3A_1261 : i32 to index
        %parallel_loop3A_1263 = tpu.vector_load %arg21[%parallel_loop3A_1262] {strides = array<i32>} : memref<1792xf32, #tpu.memory_space<vmem>>, vector<16xf32>,
        tpu.vector_store %arg21[%parallel_loop3A_1262], %broadcast_in_dim3A_25 {strides = array<i32>} : memref<1792xf32, #tpu.memory_space<vmem>>, vector<16xf32>,
        %parallel_loop3A_1264 = arith.constant 16 : i32
        %parallel_loop3A_1265 = arith.muli %parallel_loop3A_607, %parallel_loop3A_1264 : i32
        %parallel_loop3A_1266 = arith.constant 112 : i32
        %parallel_loop3A_1267 = arith.addi %parallel_loop3A_1266, %parallel_loop3A_1265 : i32
        %parallel_loop3A_1268 = arith.index_cast %parallel_loop3A_1267 : i32 to index
        %parallel_loop3A_1269 = tpu.vector_load %arg21[%parallel_loop3A_1268] {strides = array<i32>} : memref<1792xf32, #tpu.memory_space<vmem>>, vector<16xf32>,
        tpu.vector_store %arg21[%parallel_loop3A_1268], %broadcast_in_dim3A_25 {strides = array<i32>} : memref<1792xf32, #tpu.memory_space<vmem>>, vector<16xf32>,
        %parallel_loop3A_1270 = arith.constant 16 : i32
        %parallel_loop3A_1271 = arith.muli %parallel_loop3A_607, %parallel_loop3A_1270 : i32
        %parallel_loop3A_1272 = arith.constant 224 : i32
        %parallel_loop3A_1273 = arith.addi %parallel_loop3A_1272, %parallel_loop3A_1271 : i32
        %parallel_loop3A_1274 = arith.index_cast %parallel_loop3A_1273 : i32 to index
        %parallel_loop3A_1275 = tpu.vector_load %arg21[%parallel_loop3A_1274] {strides = array<i32>} : memref<1792xf32, #tpu.memory_space<vmem>>, vector<16xf32>,
        tpu.vector_store %arg21[%parallel_loop3A_1274], %broadcast_in_dim3A_25 {strides = array<i32>} : memref<1792xf32, #tpu.memory_space<vmem>>, vector<16xf32>,
        %parallel_loop3A_1276 = arith.constant 16 : i32
        %parallel_loop3A_1277 = arith.muli %parallel_loop3A_607, %parallel_loop3A_1276 : i32
        %parallel_loop3A_1278 = arith.constant 336 : i32
        %parallel_loop3A_1279 = arith.addi %parallel_loop3A_1278, %parallel_loop3A_1277 : i32
        %parallel_loop3A_1280 = arith.index_cast %parallel_loop3A_1279 : i32 to index
        %parallel_loop3A_1281 = tpu.vector_load %arg21[%parallel_loop3A_1280] {strides = array<i32>} : memref<1792xf32, #tpu.memory_space<vmem>>, vector<16xf32>,
        tpu.vector_store %arg21[%parallel_loop3A_1280], %broadcast_in_dim3A_25 {strides = array<i32>} : memref<1792xf32, #tpu.memory_space<vmem>>, vector<16xf32>,
        %parallel_loop3A_1282 = arith.constant 16 : i32
        %parallel_loop3A_1283 = arith.muli %parallel_loop3A_607, %parallel_loop3A_1282 : i32
        %parallel_loop3A_1284 = arith.constant 448 : i32
        %parallel_loop3A_1285 = arith.addi %parallel_loop3A_1284, %parallel_loop3A_1283 : i32
        %parallel_loop3A_1286 = arith.index_cast %parallel_loop3A_1285 : i32 to index
        %parallel_loop3A_1287 = tpu.vector_load %arg21[%parallel_loop3A_1286] {strides = array<i32>} : memref<1792xf32, #tpu.memory_space<vmem>>, vector<16xf32>,
        tpu.vector_store %arg21[%parallel_loop3A_1286], %broadcast_in_dim3A_25 {strides = array<i32>} : memref<1792xf32, #tpu.memory_space<vmem>>, vector<16xf32>,
        %parallel_loop3A_1288 = arith.constant 16 : i32
        %parallel_loop3A_1289 = arith.muli %parallel_loop3A_607, %parallel_loop3A_1288 : i32
        %parallel_loop3A_1290 = arith.constant 560 : i32
        %parallel_loop3A_1291 = arith.addi %parallel_loop3A_1290, %parallel_loop3A_1289 : i32
        %parallel_loop3A_1292 = arith.index_cast %parallel_loop3A_1291 : i32 to index
        %parallel_loop3A_1293 = tpu.vector_load %arg21[%parallel_loop3A_1292] {strides = array<i32>} : memref<1792xf32, #tpu.memory_space<vmem>>, vector<16xf32>,
        tpu.vector_store %arg21[%parallel_loop3A_1292], %broadcast_in_dim3A_25 {strides = array<i32>} : memref<1792xf32, #tpu.memory_space<vmem>>, vector<16xf32>,
        %parallel_loop3A_1294 = arith.constant 16 : i32
        %parallel_loop3A_1295 = arith.muli %parallel_loop3A_607, %parallel_loop3A_1294 : i32
        %parallel_loop3A_1296 = arith.constant 672 : i32
        %parallel_loop3A_1297 = arith.addi %parallel_loop3A_1296, %parallel_loop3A_1295 : i32
        %parallel_loop3A_1298 = arith.index_cast %parallel_loop3A_1297 : i32 to index
        %parallel_loop3A_1299 = tpu.vector_load %arg21[%parallel_loop3A_1298] {strides = array<i32>} : memref<1792xf32, #tpu.memory_space<vmem>>, vector<16xf32>,
        tpu.vector_store %arg21[%parallel_loop3A_1298], %broadcast_in_dim3A_25 {strides = array<i32>} : memref<1792xf32, #tpu.memory_space<vmem>>, vector<16xf32>,
        %parallel_loop3A_1300 = arith.constant 16 : i32
        %parallel_loop3A_1301 = arith.muli %parallel_loop3A_607, %parallel_loop3A_1300 : i32
        %parallel_loop3A_1302 = arith.constant 784 : i32
        %parallel_loop3A_1303 = arith.addi %parallel_loop3A_1302, %parallel_loop3A_1301 : i32
        %parallel_loop3A_1304 = arith.index_cast %parallel_loop3A_1303 : i32 to index
        %parallel_loop3A_1305 = tpu.vector_load %arg21[%parallel_loop3A_1304] {strides = array<i32>} : memref<1792xf32, #tpu.memory_space<vmem>>, vector<16xf32>,
        tpu.vector_store %arg21[%parallel_loop3A_1304], %broadcast_in_dim3A_25 {strides = array<i32>} : memref<1792xf32, #tpu.memory_space<vmem>>, vector<16xf32>,
        %parallel_loop3A_1306 = arith.constant 16 : i32
        %parallel_loop3A_1307 = arith.muli %parallel_loop3A_607, %parallel_loop3A_1306 : i32
        %parallel_loop3A_1308 = arith.constant 896 : i32
        %parallel_loop3A_1309 = arith.addi %parallel_loop3A_1308, %parallel_loop3A_1307 : i32
        %parallel_loop3A_1310 = arith.index_cast %parallel_loop3A_1309 : i32 to index
        %parallel_loop3A_1311 = tpu.vector_load %arg21[%parallel_loop3A_1310] {strides = array<i32>} : memref<1792xf32, #tpu.memory_space<vmem>>, vector<16xf32>,
        tpu.vector_store %arg21[%parallel_loop3A_1310], %broadcast_in_dim3A_25 {strides = array<i32>} : memref<1792xf32, #tpu.memory_space<vmem>>, vector<16xf32>,
        %parallel_loop3A_1312 = arith.constant 16 : i32
        %parallel_loop3A_1313 = arith.muli %parallel_loop3A_607, %parallel_loop3A_1312 : i32
        %parallel_loop3A_1314 = arith.constant 1008 : i32
        %parallel_loop3A_1315 = arith.addi %parallel_loop3A_1314, %parallel_loop3A_1313 : i32
        %parallel_loop3A_1316 = arith.index_cast %parallel_loop3A_1315 : i32 to index
        %parallel_loop3A_1317 = tpu.vector_load %arg21[%parallel_loop3A_1316] {strides = array<i32>} : memref<1792xf32, #tpu.memory_space<vmem>>, vector<16xf32>,
        tpu.vector_store %arg21[%parallel_loop3A_1316], %broadcast_in_dim3A_25 {strides = array<i32>} : memref<1792xf32, #tpu.memory_space<vmem>>, vector<16xf32>,
        %parallel_loop3A_1318 = arith.constant 16 : i32
        %parallel_loop3A_1319 = arith.muli %parallel_loop3A_607, %parallel_loop3A_1318 : i32
        %parallel_loop3A_1320 = arith.constant 1120 : i32
        %parallel_loop3A_1321 = arith.addi %parallel_loop3A_1320, %parallel_loop3A_1319 : i32
        %parallel_loop3A_1322 = arith.index_cast %parallel_loop3A_1321 : i32 to index
        %parallel_loop3A_1323 = tpu.vector_load %arg21[%parallel_loop3A_1322] {strides = array<i32>} : memref<1792xf32, #tpu.memory_space<vmem>>, vector<16xf32>,
        tpu.vector_store %arg21[%parallel_loop3A_1322], %broadcast_in_dim3A_25 {strides = array<i32>} : memref<1792xf32, #tpu.memory_space<vmem>>, vector<16xf32>,
        %parallel_loop3A_1324 = arith.constant 16 : i32
        %parallel_loop3A_1325 = arith.muli %parallel_loop3A_607, %parallel_loop3A_1324 : i32
        %parallel_loop3A_1326 = arith.constant 1232 : i32
        %parallel_loop3A_1327 = arith.addi %parallel_loop3A_1326, %parallel_loop3A_1325 : i32
        %parallel_loop3A_1328 = arith.index_cast %parallel_loop3A_1327 : i32 to index
        %parallel_loop3A_1329 = tpu.vector_load %arg21[%parallel_loop3A_1328] {strides = array<i32>} : memref<1792xf32, #tpu.memory_space<vmem>>, vector<16xf32>,
        tpu.vector_store %arg21[%parallel_loop3A_1328], %broadcast_in_dim3A_25 {strides = array<i32>} : memref<1792xf32, #tpu.memory_space<vmem>>, vector<16xf32>,
        %parallel_loop3A_1330 = arith.constant 16 : i32
        %parallel_loop3A_1331 = arith.muli %parallel_loop3A_607, %parallel_loop3A_1330 : i32
        %parallel_loop3A_1332 = arith.constant 1344 : i32
        %parallel_loop3A_1333 = arith.addi %parallel_loop3A_1332, %parallel_loop3A_1331 : i32
        %parallel_loop3A_1334 = arith.index_cast %parallel_loop3A_1333 : i32 to index
        %parallel_loop3A_1335 = tpu.vector_load %arg21[%parallel_loop3A_1334] {strides = array<i32>} : memref<1792xf32, #tpu.memory_space<vmem>>, vector<16xf32>,
        tpu.vector_store %arg21[%parallel_loop3A_1334], %broadcast_in_dim3A_25 {strides = array<i32>} : memref<1792xf32, #tpu.memory_space<vmem>>, vector<16xf32>,
        %parallel_loop3A_1336 = arith.constant 16 : i32
        %parallel_loop3A_1337 = arith.muli %parallel_loop3A_607, %parallel_loop3A_1336 : i32
        %parallel_loop3A_1338 = arith.constant 1456 : i32
        %parallel_loop3A_1339 = arith.addi %parallel_loop3A_1338, %parallel_loop3A_1337 : i32
        %parallel_loop3A_1340 = arith.index_cast %parallel_loop3A_1339 : i32 to index
        %parallel_loop3A_1341 = tpu.vector_load %arg21[%parallel_loop3A_1340] {strides = array<i32>} : memref<1792xf32, #tpu.memory_space<vmem>>, vector<16xf32>,
        tpu.vector_store %arg21[%parallel_loop3A_1340], %broadcast_in_dim3A_25 {strides = array<i32>} : memref<1792xf32, #tpu.memory_space<vmem>>, vector<16xf32>,
        %parallel_loop3A_1342 = arith.constant 16 : i32
        %parallel_loop3A_1343 = arith.muli %parallel_loop3A_607, %parallel_loop3A_1342 : i32
        %parallel_loop3A_1344 = arith.constant 1568 : i32
        %parallel_loop3A_1345 = arith.addi %parallel_loop3A_1344, %parallel_loop3A_1343 : i32
        %parallel_loop3A_1346 = arith.index_cast %parallel_loop3A_1345 : i32 to index
        %parallel_loop3A_1347 = tpu.vector_load %arg21[%parallel_loop3A_1346] {strides = array<i32>} : memref<1792xf32, #tpu.memory_space<vmem>>, vector<16xf32>,
        tpu.vector_store %arg21[%parallel_loop3A_1346], %broadcast_in_dim3A_25 {strides = array<i32>} : memref<1792xf32, #tpu.memory_space<vmem>>, vector<16xf32>,
        %parallel_loop3A_1348 = arith.constant 16 : i32
        %parallel_loop3A_1349 = arith.muli %parallel_loop3A_607, %parallel_loop3A_1348 : i32
        %parallel_loop3A_1350 = arith.constant 1680 : i32
        %parallel_loop3A_1351 = arith.addi %parallel_loop3A_1350, %parallel_loop3A_1349 : i32
        %parallel_loop3A_1352 = arith.index_cast %parallel_loop3A_1351 : i32 to index
        %parallel_loop3A_1353 = tpu.vector_load %arg21[%parallel_loop3A_1352] {strides = array<i32>} : memref<1792xf32, #tpu.memory_space<vmem>>, vector<16xf32>,
        tpu.vector_store %arg21[%parallel_loop3A_1352], %broadcast_in_dim3A_25 {strides = array<i32>} : memref<1792xf32, #tpu.memory_space<vmem>>, vector<16xf32>,
        %parallel_loop3A_1354 = arith.constant 16 : i32
        %parallel_loop3A_1355 = arith.muli %parallel_loop3A_607, %parallel_loop3A_1354 : i32
        %parallel_loop3A_1356 = arith.constant 0 : i32
        %parallel_loop3A_1357 = arith.addi %parallel_loop3A_1356, %parallel_loop3A_1355 : i32
        %parallel_loop3A_1358 = arith.index_cast %parallel_loop3A_1357 : i32 to index
        %parallel_loop3A_1359 = tpu.vector_load %arg26[%parallel_loop3A_1358] {strides = array<i32>} : memref<1792xf32, #tpu.memory_space<vmem>>, vector<16xf32>,
        tpu.vector_store %arg26[%parallel_loop3A_1358], %broadcast_in_dim3A_25 {strides = array<i32>} : memref<1792xf32, #tpu.memory_space<vmem>>, vector<16xf32>,
        %parallel_loop3A_1360 = arith.constant 16 : i32
        %parallel_loop3A_1361 = arith.muli %parallel_loop3A_607, %parallel_loop3A_1360 : i32
        %parallel_loop3A_1362 = arith.constant 112 : i32
        %parallel_loop3A_1363 = arith.addi %parallel_loop3A_1362, %parallel_loop3A_1361 : i32
        %parallel_loop3A_1364 = arith.index_cast %parallel_loop3A_1363 : i32 to index
        %parallel_loop3A_1365 = tpu.vector_load %arg26[%parallel_loop3A_1364] {strides = array<i32>} : memref<1792xf32, #tpu.memory_space<vmem>>, vector<16xf32>,
        tpu.vector_store %arg26[%parallel_loop3A_1364], %broadcast_in_dim3A_25 {strides = array<i32>} : memref<1792xf32, #tpu.memory_space<vmem>>, vector<16xf32>,
        %parallel_loop3A_1366 = arith.constant 16 : i32
        %parallel_loop3A_1367 = arith.muli %parallel_loop3A_607, %parallel_loop3A_1366 : i32
        %parallel_loop3A_1368 = arith.constant 224 : i32
        %parallel_loop3A_1369 = arith.addi %parallel_loop3A_1368, %parallel_loop3A_1367 : i32
        %parallel_loop3A_1370 = arith.index_cast %parallel_loop3A_1369 : i32 to index
        %parallel_loop3A_1371 = tpu.vector_load %arg26[%parallel_loop3A_1370] {strides = array<i32>} : memref<1792xf32, #tpu.memory_space<vmem>>, vector<16xf32>,
        tpu.vector_store %arg26[%parallel_loop3A_1370], %broadcast_in_dim3A_25 {strides = array<i32>} : memref<1792xf32, #tpu.memory_space<vmem>>, vector<16xf32>,
        %parallel_loop3A_1372 = arith.constant 16 : i32
        %parallel_loop3A_1373 = arith.muli %parallel_loop3A_607, %parallel_loop3A_1372 : i32
        %parallel_loop3A_1374 = arith.constant 336 : i32
        %parallel_loop3A_1375 = arith.addi %parallel_loop3A_1374, %parallel_loop3A_1373 : i32
        %parallel_loop3A_1376 = arith.index_cast %parallel_loop3A_1375 : i32 to index
        %parallel_loop3A_1377 = tpu.vector_load %arg26[%parallel_loop3A_1376] {strides = array<i32>} : memref<1792xf32, #tpu.memory_space<vmem>>, vector<16xf32>,
        tpu.vector_store %arg26[%parallel_loop3A_1376], %broadcast_in_dim3A_25 {strides = array<i32>} : memref<1792xf32, #tpu.memory_space<vmem>>, vector<16xf32>,
        %parallel_loop3A_1378 = arith.constant 16 : i32
        %parallel_loop3A_1379 = arith.muli %parallel_loop3A_607, %parallel_loop3A_1378 : i32
        %parallel_loop3A_1380 = arith.constant 448 : i32
        %parallel_loop3A_1381 = arith.addi %parallel_loop3A_1380, %parallel_loop3A_1379 : i32
        %parallel_loop3A_1382 = arith.index_cast %parallel_loop3A_1381 : i32 to index
        %parallel_loop3A_1383 = tpu.vector_load %arg26[%parallel_loop3A_1382] {strides = array<i32>} : memref<1792xf32, #tpu.memory_space<vmem>>, vector<16xf32>,
        tpu.vector_store %arg26[%parallel_loop3A_1382], %broadcast_in_dim3A_25 {strides = array<i32>} : memref<1792xf32, #tpu.memory_space<vmem>>, vector<16xf32>,
        %parallel_loop3A_1384 = arith.constant 16 : i32
        %parallel_loop3A_1385 = arith.muli %parallel_loop3A_607, %parallel_loop3A_1384 : i32
        %parallel_loop3A_1386 = arith.constant 560 : i32
        %parallel_loop3A_1387 = arith.addi %parallel_loop3A_1386, %parallel_loop3A_1385 : i32
        %parallel_loop3A_1388 = arith.index_cast %parallel_loop3A_1387 : i32 to index
        %parallel_loop3A_1389 = tpu.vector_load %arg26[%parallel_loop3A_1388] {strides = array<i32>} : memref<1792xf32, #tpu.memory_space<vmem>>, vector<16xf32>,
        tpu.vector_store %arg26[%parallel_loop3A_1388], %broadcast_in_dim3A_25 {strides = array<i32>} : memref<1792xf32, #tpu.memory_space<vmem>>, vector<16xf32>,
        %parallel_loop3A_1390 = arith.constant 16 : i32
        %parallel_loop3A_1391 = arith.muli %parallel_loop3A_607, %parallel_loop3A_1390 : i32
        %parallel_loop3A_1392 = arith.constant 672 : i32
        %parallel_loop3A_1393 = arith.addi %parallel_loop3A_1392, %parallel_loop3A_1391 : i32
        %parallel_loop3A_1394 = arith.index_cast %parallel_loop3A_1393 : i32 to index
        %parallel_loop3A_1395 = tpu.vector_load %arg26[%parallel_loop3A_1394] {strides = array<i32>} : memref<1792xf32, #tpu.memory_space<vmem>>, vector<16xf32>,
        tpu.vector_store %arg26[%parallel_loop3A_1394], %broadcast_in_dim3A_25 {strides = array<i32>} : memref<1792xf32, #tpu.memory_space<vmem>>, vector<16xf32>,
        %parallel_loop3A_1396 = arith.constant 16 : i32
        %parallel_loop3A_1397 = arith.muli %parallel_loop3A_607, %parallel_loop3A_1396 : i32
        %parallel_loop3A_1398 = arith.constant 784 : i32
        %parallel_loop3A_1399 = arith.addi %parallel_loop3A_1398, %parallel_loop3A_1397 : i32
        %parallel_loop3A_1400 = arith.index_cast %parallel_loop3A_1399 : i32 to index
        %parallel_loop3A_1401 = tpu.vector_load %arg26[%parallel_loop3A_1400] {strides = array<i32>} : memref<1792xf32, #tpu.memory_space<vmem>>, vector<16xf32>,
        tpu.vector_store %arg26[%parallel_loop3A_1400], %broadcast_in_dim3A_25 {strides = array<i32>} : memref<1792xf32, #tpu.memory_space<vmem>>, vector<16xf32>,
        %parallel_loop3A_1402 = arith.constant 16 : i32
        %parallel_loop3A_1403 = arith.muli %parallel_loop3A_607, %parallel_loop3A_1402 : i32
        %parallel_loop3A_1404 = arith.constant 896 : i32
        %parallel_loop3A_1405 = arith.addi %parallel_loop3A_1404, %parallel_loop3A_1403 : i32
        %parallel_loop3A_1406 = arith.index_cast %parallel_loop3A_1405 : i32 to index
        %parallel_loop3A_1407 = tpu.vector_load %arg26[%parallel_loop3A_1406] {strides = array<i32>} : memref<1792xf32, #tpu.memory_space<vmem>>, vector<16xf32>,
        tpu.vector_store %arg26[%parallel_loop3A_1406], %broadcast_in_dim3A_25 {strides = array<i32>} : memref<1792xf32, #tpu.memory_space<vmem>>, vector<16xf32>,
        %parallel_loop3A_1408 = arith.constant 16 : i32
        %parallel_loop3A_1409 = arith.muli %parallel_loop3A_607, %parallel_loop3A_1408 : i32
        %parallel_loop3A_1410 = arith.constant 1008 : i32
        %parallel_loop3A_1411 = arith.addi %parallel_loop3A_1410, %parallel_loop3A_1409 : i32
        %parallel_loop3A_1412 = arith.index_cast %parallel_loop3A_1411 : i32 to index
        %parallel_loop3A_1413 = tpu.vector_load %arg26[%parallel_loop3A_1412] {strides = array<i32>} : memref<1792xf32, #tpu.memory_space<vmem>>, vector<16xf32>,
        tpu.vector_store %arg26[%parallel_loop3A_1412], %broadcast_in_dim3A_25 {strides = array<i32>} : memref<1792xf32, #tpu.memory_space<vmem>>, vector<16xf32>,
        %parallel_loop3A_1414 = arith.constant 16 : i32
        %parallel_loop3A_1415 = arith.muli %parallel_loop3A_607, %parallel_loop3A_1414 : i32
        %parallel_loop3A_1416 = arith.constant 1120 : i32
        %parallel_loop3A_1417 = arith.addi %parallel_loop3A_1416, %parallel_loop3A_1415 : i32
        %parallel_loop3A_1418 = arith.index_cast %parallel_loop3A_1417 : i32 to index
        %parallel_loop3A_1419 = tpu.vector_load %arg26[%parallel_loop3A_1418] {strides = array<i32>} : memref<1792xf32, #tpu.memory_space<vmem>>, vector<16xf32>,
        tpu.vector_store %arg26[%parallel_loop3A_1418], %broadcast_in_dim3A_25 {strides = array<i32>} : memref<1792xf32, #tpu.memory_space<vmem>>, vector<16xf32>,
        %parallel_loop3A_1420 = arith.constant 16 : i32
        %parallel_loop3A_1421 = arith.muli %parallel_loop3A_607, %parallel_loop3A_1420 : i32
        %parallel_loop3A_1422 = arith.constant 1232 : i32
        %parallel_loop3A_1423 = arith.addi %parallel_loop3A_1422, %parallel_loop3A_1421 : i32
        %parallel_loop3A_1424 = arith.index_cast %parallel_loop3A_1423 : i32 to index
        %parallel_loop3A_1425 = tpu.vector_load %arg26[%parallel_loop3A_1424] {strides = array<i32>} : memref<1792xf32, #tpu.memory_space<vmem>>, vector<16xf32>,
        tpu.vector_store %arg26[%parallel_loop3A_1424], %broadcast_in_dim3A_25 {strides = array<i32>} : memref<1792xf32, #tpu.memory_space<vmem>>, vector<16xf32>,
        %parallel_loop3A_1426 = arith.constant 16 : i32
        %parallel_loop3A_1427 = arith.muli %parallel_loop3A_607, %parallel_loop3A_1426 : i32
        %parallel_loop3A_1428 = arith.constant 1344 : i32
        %parallel_loop3A_1429 = arith.addi %parallel_loop3A_1428, %parallel_loop3A_1427 : i32
        %parallel_loop3A_1430 = arith.index_cast %parallel_loop3A_1429 : i32 to index
        %parallel_loop3A_1431 = tpu.vector_load %arg26[%parallel_loop3A_1430] {strides = array<i32>} : memref<1792xf32, #tpu.memory_space<vmem>>, vector<16xf32>,
        tpu.vector_store %arg26[%parallel_loop3A_1430], %broadcast_in_dim3A_25 {strides = array<i32>} : memref<1792xf32, #tpu.memory_space<vmem>>, vector<16xf32>,
        %parallel_loop3A_1432 = arith.constant 16 : i32
        %parallel_loop3A_1433 = arith.muli %parallel_loop3A_607, %parallel_loop3A_1432 : i32
        %parallel_loop3A_1434 = arith.constant 1456 : i32
        %parallel_loop3A_1435 = arith.addi %parallel_loop3A_1434, %parallel_loop3A_1433 : i32
        %parallel_loop3A_1436 = arith.index_cast %parallel_loop3A_1435 : i32 to index
        %parallel_loop3A_1437 = tpu.vector_load %arg26[%parallel_loop3A_1436] {strides = array<i32>} : memref<1792xf32, #tpu.memory_space<vmem>>, vector<16xf32>,
        tpu.vector_store %arg26[%parallel_loop3A_1436], %broadcast_in_dim3A_25 {strides = array<i32>} : memref<1792xf32, #tpu.memory_space<vmem>>, vector<16xf32>,
        %parallel_loop3A_1438 = arith.constant 16 : i32
        %parallel_loop3A_1439 = arith.muli %parallel_loop3A_607, %parallel_loop3A_1438 : i32
        %parallel_loop3A_1440 = arith.constant 1568 : i32
        %parallel_loop3A_1441 = arith.addi %parallel_loop3A_1440, %parallel_loop3A_1439 : i32
        %parallel_loop3A_1442 = arith.index_cast %parallel_loop3A_1441 : i32 to index
        %parallel_loop3A_1443 = tpu.vector_load %arg26[%parallel_loop3A_1442] {strides = array<i32>} : memref<1792xf32, #tpu.memory_space<vmem>>, vector<16xf32>,
        tpu.vector_store %arg26[%parallel_loop3A_1442], %broadcast_in_dim3A_25 {strides = array<i32>} : memref<1792xf32, #tpu.memory_space<vmem>>, vector<16xf32>,
        %parallel_loop3A_1444 = arith.constant 16 : i32
        %parallel_loop3A_1445 = arith.muli %parallel_loop3A_607, %parallel_loop3A_1444 : i32
        %parallel_loop3A_1446 = arith.constant 1680 : i32
        %parallel_loop3A_1447 = arith.addi %parallel_loop3A_1446, %parallel_loop3A_1445 : i32
        %parallel_loop3A_1448 = arith.index_cast %parallel_loop3A_1447 : i32 to index
        %parallel_loop3A_1449 = tpu.vector_load %arg26[%parallel_loop3A_1448] {strides = array<i32>} : memref<1792xf32, #tpu.memory_space<vmem>>, vector<16xf32>,
        tpu.vector_store %arg26[%parallel_loop3A_1448], %broadcast_in_dim3A_25 {strides = array<i32>} : memref<1792xf32, #tpu.memory_space<vmem>>, vector<16xf32>,
        %parallel_loop3A_1450 = tpu.vector_load_idx %arg7[%parallel_loop3A_616] masked %parallel_loop3A_614 : memref<400xf32, #tpu.memory_space<vmem>>[vector<16xi32>], vector<16xf32>, vector<16xi1>
        %parallel_loop3A_1451 = arith.cmpf oeq, %parallel_loop3A_1257, %broadcast_in_dim3A_25 : vector<16xf32>
        %parallel_loop3A_1452 = arith.select %parallel_loop3A_1451, %parallel_loop3A_1450, %parallel_loop3A_1257 : vector<16xi1>, vector<16xf32>
        tpu.vector_store_idx %arg12[%parallel_loop3A_616], %parallel_loop3A_1452 masked %parallel_loop3A_614 : memref<400xf32, #tpu.memory_space<vmem>>[vector<16xi32>], vector<16xf32>, vector<16xi1>
        %parallel_loop3A_1453 = arith.constant 16 : i32
        %parallel_loop3A_1454 = arith.muli %parallel_loop3A_607, %parallel_loop3A_1453 : i32
        %parallel_loop3A_1455 = arith.constant 0 : i32
        %parallel_loop3A_1456 = arith.addi %parallel_loop3A_1455, %parallel_loop3A_1454 : i32
        %parallel_loop3A_1457 = arith.index_cast %parallel_loop3A_1456 : i32 to index
        %parallel_loop3A_1458 = tpu.vector_load %arg22[%parallel_loop3A_1457] {strides = array<i32>} : memref<1792xf32, #tpu.memory_space<vmem>>, vector<16xf32>,
        %parallel_loop3A_1459 = arith.constant 16 : i32
        %parallel_loop3A_1460 = arith.muli %parallel_loop3A_607, %parallel_loop3A_1459 : i32
        %parallel_loop3A_1461 = arith.constant 112 : i32
        %parallel_loop3A_1462 = arith.addi %parallel_loop3A_1461, %parallel_loop3A_1460 : i32
        %parallel_loop3A_1463 = arith.index_cast %parallel_loop3A_1462 : i32 to index
        %parallel_loop3A_1464 = tpu.vector_load %arg22[%parallel_loop3A_1463] {strides = array<i32>} : memref<1792xf32, #tpu.memory_space<vmem>>, vector<16xf32>,
        %parallel_loop3A_1465 = arith.constant 16 : i32
        %parallel_loop3A_1466 = arith.muli %parallel_loop3A_607, %parallel_loop3A_1465 : i32
        %parallel_loop3A_1467 = arith.constant 224 : i32
        %parallel_loop3A_1468 = arith.addi %parallel_loop3A_1467, %parallel_loop3A_1466 : i32
        %parallel_loop3A_1469 = arith.index_cast %parallel_loop3A_1468 : i32 to index
        %parallel_loop3A_1470 = tpu.vector_load %arg22[%parallel_loop3A_1469] {strides = array<i32>} : memref<1792xf32, #tpu.memory_space<vmem>>, vector<16xf32>,
        %parallel_loop3A_1471 = arith.constant 16 : i32
        %parallel_loop3A_1472 = arith.muli %parallel_loop3A_607, %parallel_loop3A_1471 : i32
        %parallel_loop3A_1473 = arith.constant 336 : i32
        %parallel_loop3A_1474 = arith.addi %parallel_loop3A_1473, %parallel_loop3A_1472 : i32
        %parallel_loop3A_1475 = arith.index_cast %parallel_loop3A_1474 : i32 to index
        %parallel_loop3A_1476 = tpu.vector_load %arg22[%parallel_loop3A_1475] {strides = array<i32>} : memref<1792xf32, #tpu.memory_space<vmem>>, vector<16xf32>,
        %parallel_loop3A_1477 = arith.constant 16 : i32
        %parallel_loop3A_1478 = arith.muli %parallel_loop3A_607, %parallel_loop3A_1477 : i32
        %parallel_loop3A_1479 = arith.constant 448 : i32
        %parallel_loop3A_1480 = arith.addi %parallel_loop3A_1479, %parallel_loop3A_1478 : i32
        %parallel_loop3A_1481 = arith.index_cast %parallel_loop3A_1480 : i32 to index
        %parallel_loop3A_1482 = tpu.vector_load %arg22[%parallel_loop3A_1481] {strides = array<i32>} : memref<1792xf32, #tpu.memory_space<vmem>>, vector<16xf32>,
        %parallel_loop3A_1483 = arith.minimumf %parallel_loop3A_1458, %parallel_loop3A_1482 : vector<16xf32>
        %parallel_loop3A_1484 = arith.constant 16 : i32
        %parallel_loop3A_1485 = arith.muli %parallel_loop3A_607, %parallel_loop3A_1484 : i32
        %parallel_loop3A_1486 = arith.constant 560 : i32
        %parallel_loop3A_1487 = arith.addi %parallel_loop3A_1486, %parallel_loop3A_1485 : i32
        %parallel_loop3A_1488 = arith.index_cast %parallel_loop3A_1487 : i32 to index
        %parallel_loop3A_1489 = tpu.vector_load %arg22[%parallel_loop3A_1488] {strides = array<i32>} : memref<1792xf32, #tpu.memory_space<vmem>>, vector<16xf32>,
        %parallel_loop3A_1490 = arith.minimumf %parallel_loop3A_1464, %parallel_loop3A_1489 : vector<16xf32>
        %parallel_loop3A_1491 = arith.constant 16 : i32
        %parallel_loop3A_1492 = arith.muli %parallel_loop3A_607, %parallel_loop3A_1491 : i32
        %parallel_loop3A_1493 = arith.constant 672 : i32
        %parallel_loop3A_1494 = arith.addi %parallel_loop3A_1493, %parallel_loop3A_1492 : i32
        %parallel_loop3A_1495 = arith.index_cast %parallel_loop3A_1494 : i32 to index
        %parallel_loop3A_1496 = tpu.vector_load %arg22[%parallel_loop3A_1495] {strides = array<i32>} : memref<1792xf32, #tpu.memory_space<vmem>>, vector<16xf32>,
        %parallel_loop3A_1497 = arith.minimumf %parallel_loop3A_1470, %parallel_loop3A_1496 : vector<16xf32>
        %parallel_loop3A_1498 = arith.constant 16 : i32
        %parallel_loop3A_1499 = arith.muli %parallel_loop3A_607, %parallel_loop3A_1498 : i32
        %parallel_loop3A_1500 = arith.constant 784 : i32
        %parallel_loop3A_1501 = arith.addi %parallel_loop3A_1500, %parallel_loop3A_1499 : i32
        %parallel_loop3A_1502 = arith.index_cast %parallel_loop3A_1501 : i32 to index
        %parallel_loop3A_1503 = tpu.vector_load %arg22[%parallel_loop3A_1502] {strides = array<i32>} : memref<1792xf32, #tpu.memory_space<vmem>>, vector<16xf32>,
        %parallel_loop3A_1504 = arith.minimumf %parallel_loop3A_1476, %parallel_loop3A_1503 : vector<16xf32>
        %parallel_loop3A_1505 = arith.constant 16 : i32
        %parallel_loop3A_1506 = arith.muli %parallel_loop3A_607, %parallel_loop3A_1505 : i32
        %parallel_loop3A_1507 = arith.constant 896 : i32
        %parallel_loop3A_1508 = arith.addi %parallel_loop3A_1507, %parallel_loop3A_1506 : i32
        %parallel_loop3A_1509 = arith.index_cast %parallel_loop3A_1508 : i32 to index
        %parallel_loop3A_1510 = tpu.vector_load %arg22[%parallel_loop3A_1509] {strides = array<i32>} : memref<1792xf32, #tpu.memory_space<vmem>>, vector<16xf32>,
        %parallel_loop3A_1511 = arith.minimumf %parallel_loop3A_1483, %parallel_loop3A_1510 : vector<16xf32>
        %parallel_loop3A_1512 = arith.constant 16 : i32
        %parallel_loop3A_1513 = arith.muli %parallel_loop3A_607, %parallel_loop3A_1512 : i32
        %parallel_loop3A_1514 = arith.constant 1008 : i32
        %parallel_loop3A_1515 = arith.addi %parallel_loop3A_1514, %parallel_loop3A_1513 : i32
        %parallel_loop3A_1516 = arith.index_cast %parallel_loop3A_1515 : i32 to index
        %parallel_loop3A_1517 = tpu.vector_load %arg22[%parallel_loop3A_1516] {strides = array<i32>} : memref<1792xf32, #tpu.memory_space<vmem>>, vector<16xf32>,
        %parallel_loop3A_1518 = arith.minimumf %parallel_loop3A_1490, %parallel_loop3A_1517 : vector<16xf32>
        %parallel_loop3A_1519 = arith.constant 16 : i32
        %parallel_loop3A_1520 = arith.muli %parallel_loop3A_607, %parallel_loop3A_1519 : i32
        %parallel_loop3A_1521 = arith.constant 1120 : i32
        %parallel_loop3A_1522 = arith.addi %parallel_loop3A_1521, %parallel_loop3A_1520 : i32
        %parallel_loop3A_1523 = arith.index_cast %parallel_loop3A_1522 : i32 to index
        %parallel_loop3A_1524 = tpu.vector_load %arg22[%parallel_loop3A_1523] {strides = array<i32>} : memref<1792xf32, #tpu.memory_space<vmem>>, vector<16xf32>,
        %parallel_loop3A_1525 = arith.minimumf %parallel_loop3A_1497, %parallel_loop3A_1524 : vector<16xf32>
        %parallel_loop3A_1526 = arith.constant 16 : i32
        %parallel_loop3A_1527 = arith.muli %parallel_loop3A_607, %parallel_loop3A_1526 : i32
        %parallel_loop3A_1528 = arith.constant 1232 : i32
        %parallel_loop3A_1529 = arith.addi %parallel_loop3A_1528, %parallel_loop3A_1527 : i32
        %parallel_loop3A_1530 = arith.index_cast %parallel_loop3A_1529 : i32 to index
        %parallel_loop3A_1531 = tpu.vector_load %arg22[%parallel_loop3A_1530] {strides = array<i32>} : memref<1792xf32, #tpu.memory_space<vmem>>, vector<16xf32>,
        %parallel_loop3A_1532 = arith.minimumf %parallel_loop3A_1504, %parallel_loop3A_1531 : vector<16xf32>
        %parallel_loop3A_1533 = arith.constant 16 : i32
        %parallel_loop3A_1534 = arith.muli %parallel_loop3A_607, %parallel_loop3A_1533 : i32
        %parallel_loop3A_1535 = arith.constant 1344 : i32
        %parallel_loop3A_1536 = arith.addi %parallel_loop3A_1535, %parallel_loop3A_1534 : i32
        %parallel_loop3A_1537 = arith.index_cast %parallel_loop3A_1536 : i32 to index
        %parallel_loop3A_1538 = tpu.vector_load %arg22[%parallel_loop3A_1537] {strides = array<i32>} : memref<1792xf32, #tpu.memory_space<vmem>>, vector<16xf32>,
        %parallel_loop3A_1539 = arith.minimumf %parallel_loop3A_1511, %parallel_loop3A_1538 : vector<16xf32>
        %parallel_loop3A_1540 = arith.constant 16 : i32
        %parallel_loop3A_1541 = arith.muli %parallel_loop3A_607, %parallel_loop3A_1540 : i32
        %parallel_loop3A_1542 = arith.constant 1456 : i32
        %parallel_loop3A_1543 = arith.addi %parallel_loop3A_1542, %parallel_loop3A_1541 : i32
        %parallel_loop3A_1544 = arith.index_cast %parallel_loop3A_1543 : i32 to index
        %parallel_loop3A_1545 = tpu.vector_load %arg22[%parallel_loop3A_1544] {strides = array<i32>} : memref<1792xf32, #tpu.memory_space<vmem>>, vector<16xf32>,
        %parallel_loop3A_1546 = arith.minimumf %parallel_loop3A_1518, %parallel_loop3A_1545 : vector<16xf32>
        %parallel_loop3A_1547 = arith.constant 16 : i32
        %parallel_loop3A_1548 = arith.muli %parallel_loop3A_607, %parallel_loop3A_1547 : i32
        %parallel_loop3A_1549 = arith.constant 1568 : i32
        %parallel_loop3A_1550 = arith.addi %parallel_loop3A_1549, %parallel_loop3A_1548 : i32
        %parallel_loop3A_1551 = arith.index_cast %parallel_loop3A_1550 : i32 to index
        %parallel_loop3A_1552 = tpu.vector_load %arg22[%parallel_loop3A_1551] {strides = array<i32>} : memref<1792xf32, #tpu.memory_space<vmem>>, vector<16xf32>,
        %parallel_loop3A_1553 = arith.minimumf %parallel_loop3A_1525, %parallel_loop3A_1552 : vector<16xf32>
        %parallel_loop3A_1554 = arith.constant 16 : i32
        %parallel_loop3A_1555 = arith.muli %parallel_loop3A_607, %parallel_loop3A_1554 : i32
        %parallel_loop3A_1556 = arith.constant 1680 : i32
        %parallel_loop3A_1557 = arith.addi %parallel_loop3A_1556, %parallel_loop3A_1555 : i32
        %parallel_loop3A_1558 = arith.index_cast %parallel_loop3A_1557 : i32 to index
        %parallel_loop3A_1559 = tpu.vector_load %arg22[%parallel_loop3A_1558] {strides = array<i32>} : memref<1792xf32, #tpu.memory_space<vmem>>, vector<16xf32>,
        %parallel_loop3A_1560 = arith.minimumf %parallel_loop3A_1532, %parallel_loop3A_1559 : vector<16xf32>
        %parallel_loop3A_1561 = arith.constant 16 : i32
        %parallel_loop3A_1562 = arith.muli %parallel_loop3A_607, %parallel_loop3A_1561 : i32
        %parallel_loop3A_1563 = arith.constant 0 : i32
        %parallel_loop3A_1564 = arith.addi %parallel_loop3A_1563, %parallel_loop3A_1562 : i32
        %parallel_loop3A_1565 = arith.index_cast %parallel_loop3A_1564 : i32 to index
        %parallel_loop3A_1566 = tpu.vector_load %arg27[%parallel_loop3A_1565] {strides = array<i32>} : memref<1792xf32, #tpu.memory_space<vmem>>, vector<16xf32>,
        %parallel_loop3A_1567 = arith.minimumf %parallel_loop3A_1539, %parallel_loop3A_1566 : vector<16xf32>
        %parallel_loop3A_1568 = arith.constant 16 : i32
        %parallel_loop3A_1569 = arith.muli %parallel_loop3A_607, %parallel_loop3A_1568 : i32
        %parallel_loop3A_1570 = arith.constant 112 : i32
        %parallel_loop3A_1571 = arith.addi %parallel_loop3A_1570, %parallel_loop3A_1569 : i32
        %parallel_loop3A_1572 = arith.index_cast %parallel_loop3A_1571 : i32 to index
        %parallel_loop3A_1573 = tpu.vector_load %arg27[%parallel_loop3A_1572] {strides = array<i32>} : memref<1792xf32, #tpu.memory_space<vmem>>, vector<16xf32>,
        %parallel_loop3A_1574 = arith.minimumf %parallel_loop3A_1546, %parallel_loop3A_1573 : vector<16xf32>
        %parallel_loop3A_1575 = arith.constant 16 : i32
        %parallel_loop3A_1576 = arith.muli %parallel_loop3A_607, %parallel_loop3A_1575 : i32
        %parallel_loop3A_1577 = arith.constant 224 : i32
        %parallel_loop3A_1578 = arith.addi %parallel_loop3A_1577, %parallel_loop3A_1576 : i32
        %parallel_loop3A_1579 = arith.index_cast %parallel_loop3A_1578 : i32 to index
        %parallel_loop3A_1580 = tpu.vector_load %arg27[%parallel_loop3A_1579] {strides = array<i32>} : memref<1792xf32, #tpu.memory_space<vmem>>, vector<16xf32>,
        %parallel_loop3A_1581 = arith.minimumf %parallel_loop3A_1553, %parallel_loop3A_1580 : vector<16xf32>
        %parallel_loop3A_1582 = arith.constant 16 : i32
        %parallel_loop3A_1583 = arith.muli %parallel_loop3A_607, %parallel_loop3A_1582 : i32
        %parallel_loop3A_1584 = arith.constant 336 : i32
        %parallel_loop3A_1585 = arith.addi %parallel_loop3A_1584, %parallel_loop3A_1583 : i32
        %parallel_loop3A_1586 = arith.index_cast %parallel_loop3A_1585 : i32 to index
        %parallel_loop3A_1587 = tpu.vector_load %arg27[%parallel_loop3A_1586] {strides = array<i32>} : memref<1792xf32, #tpu.memory_space<vmem>>, vector<16xf32>,
        %parallel_loop3A_1588 = arith.minimumf %parallel_loop3A_1560, %parallel_loop3A_1587 : vector<16xf32>
        %parallel_loop3A_1589 = arith.constant 16 : i32
        %parallel_loop3A_1590 = arith.muli %parallel_loop3A_607, %parallel_loop3A_1589 : i32
        %parallel_loop3A_1591 = arith.constant 448 : i32
        %parallel_loop3A_1592 = arith.addi %parallel_loop3A_1591, %parallel_loop3A_1590 : i32
        %parallel_loop3A_1593 = arith.index_cast %parallel_loop3A_1592 : i32 to index
        %parallel_loop3A_1594 = tpu.vector_load %arg27[%parallel_loop3A_1593] {strides = array<i32>} : memref<1792xf32, #tpu.memory_space<vmem>>, vector<16xf32>,
        %parallel_loop3A_1595 = arith.minimumf %parallel_loop3A_1567, %parallel_loop3A_1594 : vector<16xf32>
        %parallel_loop3A_1596 = arith.constant 16 : i32
        %parallel_loop3A_1597 = arith.muli %parallel_loop3A_607, %parallel_loop3A_1596 : i32
        %parallel_loop3A_1598 = arith.constant 560 : i32
        %parallel_loop3A_1599 = arith.addi %parallel_loop3A_1598, %parallel_loop3A_1597 : i32
        %parallel_loop3A_1600 = arith.index_cast %parallel_loop3A_1599 : i32 to index
        %parallel_loop3A_1601 = tpu.vector_load %arg27[%parallel_loop3A_1600] {strides = array<i32>} : memref<1792xf32, #tpu.memory_space<vmem>>, vector<16xf32>,
        %parallel_loop3A_1602 = arith.minimumf %parallel_loop3A_1574, %parallel_loop3A_1601 : vector<16xf32>
        %parallel_loop3A_1603 = arith.constant 16 : i32
        %parallel_loop3A_1604 = arith.muli %parallel_loop3A_607, %parallel_loop3A_1603 : i32
        %parallel_loop3A_1605 = arith.constant 672 : i32
        %parallel_loop3A_1606 = arith.addi %parallel_loop3A_1605, %parallel_loop3A_1604 : i32
        %parallel_loop3A_1607 = arith.index_cast %parallel_loop3A_1606 : i32 to index
        %parallel_loop3A_1608 = tpu.vector_load %arg27[%parallel_loop3A_1607] {strides = array<i32>} : memref<1792xf32, #tpu.memory_space<vmem>>, vector<16xf32>,
        %parallel_loop3A_1609 = arith.minimumf %parallel_loop3A_1581, %parallel_loop3A_1608 : vector<16xf32>
        %parallel_loop3A_1610 = arith.constant 16 : i32
        %parallel_loop3A_1611 = arith.muli %parallel_loop3A_607, %parallel_loop3A_1610 : i32
        %parallel_loop3A_1612 = arith.constant 784 : i32
        %parallel_loop3A_1613 = arith.addi %parallel_loop3A_1612, %parallel_loop3A_1611 : i32
        %parallel_loop3A_1614 = arith.index_cast %parallel_loop3A_1613 : i32 to index
        %parallel_loop3A_1615 = tpu.vector_load %arg27[%parallel_loop3A_1614] {strides = array<i32>} : memref<1792xf32, #tpu.memory_space<vmem>>, vector<16xf32>,
        %parallel_loop3A_1616 = arith.minimumf %parallel_loop3A_1588, %parallel_loop3A_1615 : vector<16xf32>
        %parallel_loop3A_1617 = arith.constant 16 : i32
        %parallel_loop3A_1618 = arith.muli %parallel_loop3A_607, %parallel_loop3A_1617 : i32
        %parallel_loop3A_1619 = arith.constant 896 : i32
        %parallel_loop3A_1620 = arith.addi %parallel_loop3A_1619, %parallel_loop3A_1618 : i32
        %parallel_loop3A_1621 = arith.index_cast %parallel_loop3A_1620 : i32 to index
        %parallel_loop3A_1622 = tpu.vector_load %arg27[%parallel_loop3A_1621] {strides = array<i32>} : memref<1792xf32, #tpu.memory_space<vmem>>, vector<16xf32>,
        %parallel_loop3A_1623 = arith.minimumf %parallel_loop3A_1595, %parallel_loop3A_1622 : vector<16xf32>
        %parallel_loop3A_1624 = arith.constant 16 : i32
        %parallel_loop3A_1625 = arith.muli %parallel_loop3A_607, %parallel_loop3A_1624 : i32
        %parallel_loop3A_1626 = arith.constant 1008 : i32
        %parallel_loop3A_1627 = arith.addi %parallel_loop3A_1626, %parallel_loop3A_1625 : i32
        %parallel_loop3A_1628 = arith.index_cast %parallel_loop3A_1627 : i32 to index
        %parallel_loop3A_1629 = tpu.vector_load %arg27[%parallel_loop3A_1628] {strides = array<i32>} : memref<1792xf32, #tpu.memory_space<vmem>>, vector<16xf32>,
        %parallel_loop3A_1630 = arith.minimumf %parallel_loop3A_1602, %parallel_loop3A_1629 : vector<16xf32>
        %parallel_loop3A_1631 = arith.constant 16 : i32
        %parallel_loop3A_1632 = arith.muli %parallel_loop3A_607, %parallel_loop3A_1631 : i32
        %parallel_loop3A_1633 = arith.constant 1120 : i32
        %parallel_loop3A_1634 = arith.addi %parallel_loop3A_1633, %parallel_loop3A_1632 : i32
        %parallel_loop3A_1635 = arith.index_cast %parallel_loop3A_1634 : i32 to index
        %parallel_loop3A_1636 = tpu.vector_load %arg27[%parallel_loop3A_1635] {strides = array<i32>} : memref<1792xf32, #tpu.memory_space<vmem>>, vector<16xf32>,
        %parallel_loop3A_1637 = arith.minimumf %parallel_loop3A_1609, %parallel_loop3A_1636 : vector<16xf32>
        %parallel_loop3A_1638 = arith.constant 16 : i32
        %parallel_loop3A_1639 = arith.muli %parallel_loop3A_607, %parallel_loop3A_1638 : i32
        %parallel_loop3A_1640 = arith.constant 1232 : i32
        %parallel_loop3A_1641 = arith.addi %parallel_loop3A_1640, %parallel_loop3A_1639 : i32
        %parallel_loop3A_1642 = arith.index_cast %parallel_loop3A_1641 : i32 to index
        %parallel_loop3A_1643 = tpu.vector_load %arg27[%parallel_loop3A_1642] {strides = array<i32>} : memref<1792xf32, #tpu.memory_space<vmem>>, vector<16xf32>,
        %parallel_loop3A_1644 = arith.minimumf %parallel_loop3A_1616, %parallel_loop3A_1643 : vector<16xf32>
        %parallel_loop3A_1645 = arith.constant 16 : i32
        %parallel_loop3A_1646 = arith.muli %parallel_loop3A_607, %parallel_loop3A_1645 : i32
        %parallel_loop3A_1647 = arith.constant 1344 : i32
        %parallel_loop3A_1648 = arith.addi %parallel_loop3A_1647, %parallel_loop3A_1646 : i32
        %parallel_loop3A_1649 = arith.index_cast %parallel_loop3A_1648 : i32 to index
        %parallel_loop3A_1650 = tpu.vector_load %arg27[%parallel_loop3A_1649] {strides = array<i32>} : memref<1792xf32, #tpu.memory_space<vmem>>, vector<16xf32>,
        %parallel_loop3A_1651 = arith.minimumf %parallel_loop3A_1623, %parallel_loop3A_1650 : vector<16xf32>
        %parallel_loop3A_1652 = arith.constant 16 : i32
        %parallel_loop3A_1653 = arith.muli %parallel_loop3A_607, %parallel_loop3A_1652 : i32
        %parallel_loop3A_1654 = arith.constant 1456 : i32
        %parallel_loop3A_1655 = arith.addi %parallel_loop3A_1654, %parallel_loop3A_1653 : i32
        %parallel_loop3A_1656 = arith.index_cast %parallel_loop3A_1655 : i32 to index
        %parallel_loop3A_1657 = tpu.vector_load %arg27[%parallel_loop3A_1656] {strides = array<i32>} : memref<1792xf32, #tpu.memory_space<vmem>>, vector<16xf32>,
        %parallel_loop3A_1658 = arith.minimumf %parallel_loop3A_1630, %parallel_loop3A_1657 : vector<16xf32>
        %parallel_loop3A_1659 = arith.constant 16 : i32
        %parallel_loop3A_1660 = arith.muli %parallel_loop3A_607, %parallel_loop3A_1659 : i32
        %parallel_loop3A_1661 = arith.constant 1568 : i32
        %parallel_loop3A_1662 = arith.addi %parallel_loop3A_1661, %parallel_loop3A_1660 : i32
        %parallel_loop3A_1663 = arith.index_cast %parallel_loop3A_1662 : i32 to index
        %parallel_loop3A_1664 = tpu.vector_load %arg27[%parallel_loop3A_1663] {strides = array<i32>} : memref<1792xf32, #tpu.memory_space<vmem>>, vector<16xf32>,
        %parallel_loop3A_1665 = arith.minimumf %parallel_loop3A_1637, %parallel_loop3A_1664 : vector<16xf32>
        %parallel_loop3A_1666 = arith.constant 16 : i32
        %parallel_loop3A_1667 = arith.muli %parallel_loop3A_607, %parallel_loop3A_1666 : i32
        %parallel_loop3A_1668 = arith.constant 1680 : i32
        %parallel_loop3A_1669 = arith.addi %parallel_loop3A_1668, %parallel_loop3A_1667 : i32
        %parallel_loop3A_1670 = arith.index_cast %parallel_loop3A_1669 : i32 to index
        %parallel_loop3A_1671 = tpu.vector_load %arg27[%parallel_loop3A_1670] {strides = array<i32>} : memref<1792xf32, #tpu.memory_space<vmem>>, vector<16xf32>,
        %parallel_loop3A_1672 = arith.minimumf %parallel_loop3A_1644, %parallel_loop3A_1671 : vector<16xf32>
        %parallel_loop3A_1673 = arith.minimumf %parallel_loop3A_1651, %parallel_loop3A_1658 : vector<16xf32>
        %parallel_loop3A_1674 = arith.minimumf %parallel_loop3A_1665, %parallel_loop3A_1672 : vector<16xf32>
        %parallel_loop3A_1675 = arith.minimumf %parallel_loop3A_1673, %parallel_loop3A_1674 : vector<16xf32>
        %parallel_loop3A_1676 = arith.constant 16 : i32
        %parallel_loop3A_1677 = arith.muli %parallel_loop3A_607, %parallel_loop3A_1676 : i32
        %parallel_loop3A_1678 = arith.constant 0 : i32
        %parallel_loop3A_1679 = arith.addi %parallel_loop3A_1678, %parallel_loop3A_1677 : i32
        %parallel_loop3A_1680 = arith.index_cast %parallel_loop3A_1679 : i32 to index
        %parallel_loop3A_1681 = tpu.vector_load %arg22[%parallel_loop3A_1680] {strides = array<i32>} : memref<1792xf32, #tpu.memory_space<vmem>>, vector<16xf32>,
        tpu.vector_store %arg22[%parallel_loop3A_1680], %broadcast_in_dim3A_25 {strides = array<i32>} : memref<1792xf32, #tpu.memory_space<vmem>>, vector<16xf32>,
        %parallel_loop3A_1682 = arith.constant 16 : i32
        %parallel_loop3A_1683 = arith.muli %parallel_loop3A_607, %parallel_loop3A_1682 : i32
        %parallel_loop3A_1684 = arith.constant 112 : i32
        %parallel_loop3A_1685 = arith.addi %parallel_loop3A_1684, %parallel_loop3A_1683 : i32
        %parallel_loop3A_1686 = arith.index_cast %parallel_loop3A_1685 : i32 to index
        %parallel_loop3A_1687 = tpu.vector_load %arg22[%parallel_loop3A_1686] {strides = array<i32>} : memref<1792xf32, #tpu.memory_space<vmem>>, vector<16xf32>,
        tpu.vector_store %arg22[%parallel_loop3A_1686], %broadcast_in_dim3A_25 {strides = array<i32>} : memref<1792xf32, #tpu.memory_space<vmem>>, vector<16xf32>,
        %parallel_loop3A_1688 = arith.constant 16 : i32
        %parallel_loop3A_1689 = arith.muli %parallel_loop3A_607, %parallel_loop3A_1688 : i32
        %parallel_loop3A_1690 = arith.constant 224 : i32
        %parallel_loop3A_1691 = arith.addi %parallel_loop3A_1690, %parallel_loop3A_1689 : i32
        %parallel_loop3A_1692 = arith.index_cast %parallel_loop3A_1691 : i32 to index
        %parallel_loop3A_1693 = tpu.vector_load %arg22[%parallel_loop3A_1692] {strides = array<i32>} : memref<1792xf32, #tpu.memory_space<vmem>>, vector<16xf32>,
        tpu.vector_store %arg22[%parallel_loop3A_1692], %broadcast_in_dim3A_25 {strides = array<i32>} : memref<1792xf32, #tpu.memory_space<vmem>>, vector<16xf32>,
        %parallel_loop3A_1694 = arith.constant 16 : i32
        %parallel_loop3A_1695 = arith.muli %parallel_loop3A_607, %parallel_loop3A_1694 : i32
        %parallel_loop3A_1696 = arith.constant 336 : i32
        %parallel_loop3A_1697 = arith.addi %parallel_loop3A_1696, %parallel_loop3A_1695 : i32
        %parallel_loop3A_1698 = arith.index_cast %parallel_loop3A_1697 : i32 to index
        %parallel_loop3A_1699 = tpu.vector_load %arg22[%parallel_loop3A_1698] {strides = array<i32>} : memref<1792xf32, #tpu.memory_space<vmem>>, vector<16xf32>,
        tpu.vector_store %arg22[%parallel_loop3A_1698], %broadcast_in_dim3A_25 {strides = array<i32>} : memref<1792xf32, #tpu.memory_space<vmem>>, vector<16xf32>,
        %parallel_loop3A_1700 = arith.constant 16 : i32
        %parallel_loop3A_1701 = arith.muli %parallel_loop3A_607, %parallel_loop3A_1700 : i32
        %parallel_loop3A_1702 = arith.constant 448 : i32
        %parallel_loop3A_1703 = arith.addi %parallel_loop3A_1702, %parallel_loop3A_1701 : i32
        %parallel_loop3A_1704 = arith.index_cast %parallel_loop3A_1703 : i32 to index
        %parallel_loop3A_1705 = tpu.vector_load %arg22[%parallel_loop3A_1704] {strides = array<i32>} : memref<1792xf32, #tpu.memory_space<vmem>>, vector<16xf32>,
        tpu.vector_store %arg22[%parallel_loop3A_1704], %broadcast_in_dim3A_25 {strides = array<i32>} : memref<1792xf32, #tpu.memory_space<vmem>>, vector<16xf32>,
        %parallel_loop3A_1706 = arith.constant 16 : i32
        %parallel_loop3A_1707 = arith.muli %parallel_loop3A_607, %parallel_loop3A_1706 : i32
        %parallel_loop3A_1708 = arith.constant 560 : i32
        %parallel_loop3A_1709 = arith.addi %parallel_loop3A_1708, %parallel_loop3A_1707 : i32
        %parallel_loop3A_1710 = arith.index_cast %parallel_loop3A_1709 : i32 to index
        %parallel_loop3A_1711 = tpu.vector_load %arg22[%parallel_loop3A_1710] {strides = array<i32>} : memref<1792xf32, #tpu.memory_space<vmem>>, vector<16xf32>,
        tpu.vector_store %arg22[%parallel_loop3A_1710], %broadcast_in_dim3A_25 {strides = array<i32>} : memref<1792xf32, #tpu.memory_space<vmem>>, vector<16xf32>,
        %parallel_loop3A_1712 = arith.constant 16 : i32
        %parallel_loop3A_1713 = arith.muli %parallel_loop3A_607, %parallel_loop3A_1712 : i32
        %parallel_loop3A_1714 = arith.constant 672 : i32
        %parallel_loop3A_1715 = arith.addi %parallel_loop3A_1714, %parallel_loop3A_1713 : i32
        %parallel_loop3A_1716 = arith.index_cast %parallel_loop3A_1715 : i32 to index
        %parallel_loop3A_1717 = tpu.vector_load %arg22[%parallel_loop3A_1716] {strides = array<i32>} : memref<1792xf32, #tpu.memory_space<vmem>>, vector<16xf32>,
        tpu.vector_store %arg22[%parallel_loop3A_1716], %broadcast_in_dim3A_25 {strides = array<i32>} : memref<1792xf32, #tpu.memory_space<vmem>>, vector<16xf32>,
        %parallel_loop3A_1718 = arith.constant 16 : i32
        %parallel_loop3A_1719 = arith.muli %parallel_loop3A_607, %parallel_loop3A_1718 : i32
        %parallel_loop3A_1720 = arith.constant 784 : i32
        %parallel_loop3A_1721 = arith.addi %parallel_loop3A_1720, %parallel_loop3A_1719 : i32
        %parallel_loop3A_1722 = arith.index_cast %parallel_loop3A_1721 : i32 to index
        %parallel_loop3A_1723 = tpu.vector_load %arg22[%parallel_loop3A_1722] {strides = array<i32>} : memref<1792xf32, #tpu.memory_space<vmem>>, vector<16xf32>,
        tpu.vector_store %arg22[%parallel_loop3A_1722], %broadcast_in_dim3A_25 {strides = array<i32>} : memref<1792xf32, #tpu.memory_space<vmem>>, vector<16xf32>,
        %parallel_loop3A_1724 = arith.constant 16 : i32
        %parallel_loop3A_1725 = arith.muli %parallel_loop3A_607, %parallel_loop3A_1724 : i32
        %parallel_loop3A_1726 = arith.constant 896 : i32
        %parallel_loop3A_1727 = arith.addi %parallel_loop3A_1726, %parallel_loop3A_1725 : i32
        %parallel_loop3A_1728 = arith.index_cast %parallel_loop3A_1727 : i32 to index
        %parallel_loop3A_1729 = tpu.vector_load %arg22[%parallel_loop3A_1728] {strides = array<i32>} : memref<1792xf32, #tpu.memory_space<vmem>>, vector<16xf32>,
        tpu.vector_store %arg22[%parallel_loop3A_1728], %broadcast_in_dim3A_25 {strides = array<i32>} : memref<1792xf32, #tpu.memory_space<vmem>>, vector<16xf32>,
        %parallel_loop3A_1730 = arith.constant 16 : i32
        %parallel_loop3A_1731 = arith.muli %parallel_loop3A_607, %parallel_loop3A_1730 : i32
        %parallel_loop3A_1732 = arith.constant 1008 : i32
        %parallel_loop3A_1733 = arith.addi %parallel_loop3A_1732, %parallel_loop3A_1731 : i32
        %parallel_loop3A_1734 = arith.index_cast %parallel_loop3A_1733 : i32 to index
        %parallel_loop3A_1735 = tpu.vector_load %arg22[%parallel_loop3A_1734] {strides = array<i32>} : memref<1792xf32, #tpu.memory_space<vmem>>, vector<16xf32>,
        tpu.vector_store %arg22[%parallel_loop3A_1734], %broadcast_in_dim3A_25 {strides = array<i32>} : memref<1792xf32, #tpu.memory_space<vmem>>, vector<16xf32>,
        %parallel_loop3A_1736 = arith.constant 16 : i32
        %parallel_loop3A_1737 = arith.muli %parallel_loop3A_607, %parallel_loop3A_1736 : i32
        %parallel_loop3A_1738 = arith.constant 1120 : i32
        %parallel_loop3A_1739 = arith.addi %parallel_loop3A_1738, %parallel_loop3A_1737 : i32
        %parallel_loop3A_1740 = arith.index_cast %parallel_loop3A_1739 : i32 to index
        %parallel_loop3A_1741 = tpu.vector_load %arg22[%parallel_loop3A_1740] {strides = array<i32>} : memref<1792xf32, #tpu.memory_space<vmem>>, vector<16xf32>,
        tpu.vector_store %arg22[%parallel_loop3A_1740], %broadcast_in_dim3A_25 {strides = array<i32>} : memref<1792xf32, #tpu.memory_space<vmem>>, vector<16xf32>,
        %parallel_loop3A_1742 = arith.constant 16 : i32
        %parallel_loop3A_1743 = arith.muli %parallel_loop3A_607, %parallel_loop3A_1742 : i32
        %parallel_loop3A_1744 = arith.constant 1232 : i32
        %parallel_loop3A_1745 = arith.addi %parallel_loop3A_1744, %parallel_loop3A_1743 : i32
        %parallel_loop3A_1746 = arith.index_cast %parallel_loop3A_1745 : i32 to index
        %parallel_loop3A_1747 = tpu.vector_load %arg22[%parallel_loop3A_1746] {strides = array<i32>} : memref<1792xf32, #tpu.memory_space<vmem>>, vector<16xf32>,
        tpu.vector_store %arg22[%parallel_loop3A_1746], %broadcast_in_dim3A_25 {strides = array<i32>} : memref<1792xf32, #tpu.memory_space<vmem>>, vector<16xf32>,
        %parallel_loop3A_1748 = arith.constant 16 : i32
        %parallel_loop3A_1749 = arith.muli %parallel_loop3A_607, %parallel_loop3A_1748 : i32
        %parallel_loop3A_1750 = arith.constant 1344 : i32
        %parallel_loop3A_1751 = arith.addi %parallel_loop3A_1750, %parallel_loop3A_1749 : i32
        %parallel_loop3A_1752 = arith.index_cast %parallel_loop3A_1751 : i32 to index
        %parallel_loop3A_1753 = tpu.vector_load %arg22[%parallel_loop3A_1752] {strides = array<i32>} : memref<1792xf32, #tpu.memory_space<vmem>>, vector<16xf32>,
        tpu.vector_store %arg22[%parallel_loop3A_1752], %broadcast_in_dim3A_25 {strides = array<i32>} : memref<1792xf32, #tpu.memory_space<vmem>>, vector<16xf32>,
        %parallel_loop3A_1754 = arith.constant 16 : i32
        %parallel_loop3A_1755 = arith.muli %parallel_loop3A_607, %parallel_loop3A_1754 : i32
        %parallel_loop3A_1756 = arith.constant 1456 : i32
        %parallel_loop3A_1757 = arith.addi %parallel_loop3A_1756, %parallel_loop3A_1755 : i32
        %parallel_loop3A_1758 = arith.index_cast %parallel_loop3A_1757 : i32 to index
        %parallel_loop3A_1759 = tpu.vector_load %arg22[%parallel_loop3A_1758] {strides = array<i32>} : memref<1792xf32, #tpu.memory_space<vmem>>, vector<16xf32>,
        tpu.vector_store %arg22[%parallel_loop3A_1758], %broadcast_in_dim3A_25 {strides = array<i32>} : memref<1792xf32, #tpu.memory_space<vmem>>, vector<16xf32>,
        %parallel_loop3A_1760 = arith.constant 16 : i32
        %parallel_loop3A_1761 = arith.muli %parallel_loop3A_607, %parallel_loop3A_1760 : i32
        %parallel_loop3A_1762 = arith.constant 1568 : i32
        %parallel_loop3A_1763 = arith.addi %parallel_loop3A_1762, %parallel_loop3A_1761 : i32
        %parallel_loop3A_1764 = arith.index_cast %parallel_loop3A_1763 : i32 to index
        %parallel_loop3A_1765 = tpu.vector_load %arg22[%parallel_loop3A_1764] {strides = array<i32>} : memref<1792xf32, #tpu.memory_space<vmem>>, vector<16xf32>,
        tpu.vector_store %arg22[%parallel_loop3A_1764], %broadcast_in_dim3A_25 {strides = array<i32>} : memref<1792xf32, #tpu.memory_space<vmem>>, vector<16xf32>,
        %parallel_loop3A_1766 = arith.constant 16 : i32
        %parallel_loop3A_1767 = arith.muli %parallel_loop3A_607, %parallel_loop3A_1766 : i32
        %parallel_loop3A_1768 = arith.constant 1680 : i32
        %parallel_loop3A_1769 = arith.addi %parallel_loop3A_1768, %parallel_loop3A_1767 : i32
        %parallel_loop3A_1770 = arith.index_cast %parallel_loop3A_1769 : i32 to index
        %parallel_loop3A_1771 = tpu.vector_load %arg22[%parallel_loop3A_1770] {strides = array<i32>} : memref<1792xf32, #tpu.memory_space<vmem>>, vector<16xf32>,
        tpu.vector_store %arg22[%parallel_loop3A_1770], %broadcast_in_dim3A_25 {strides = array<i32>} : memref<1792xf32, #tpu.memory_space<vmem>>, vector<16xf32>,
        %parallel_loop3A_1772 = arith.constant 16 : i32
        %parallel_loop3A_1773 = arith.muli %parallel_loop3A_607, %parallel_loop3A_1772 : i32
        %parallel_loop3A_1774 = arith.constant 0 : i32
        %parallel_loop3A_1775 = arith.addi %parallel_loop3A_1774, %parallel_loop3A_1773 : i32
        %parallel_loop3A_1776 = arith.index_cast %parallel_loop3A_1775 : i32 to index
        %parallel_loop3A_1777 = tpu.vector_load %arg27[%parallel_loop3A_1776] {strides = array<i32>} : memref<1792xf32, #tpu.memory_space<vmem>>, vector<16xf32>,
        tpu.vector_store %arg27[%parallel_loop3A_1776], %broadcast_in_dim3A_25 {strides = array<i32>} : memref<1792xf32, #tpu.memory_space<vmem>>, vector<16xf32>,
        %parallel_loop3A_1778 = arith.constant 16 : i32
        %parallel_loop3A_1779 = arith.muli %parallel_loop3A_607, %parallel_loop3A_1778 : i32
        %parallel_loop3A_1780 = arith.constant 112 : i32
        %parallel_loop3A_1781 = arith.addi %parallel_loop3A_1780, %parallel_loop3A_1779 : i32
        %parallel_loop3A_1782 = arith.index_cast %parallel_loop3A_1781 : i32 to index
        %parallel_loop3A_1783 = tpu.vector_load %arg27[%parallel_loop3A_1782] {strides = array<i32>} : memref<1792xf32, #tpu.memory_space<vmem>>, vector<16xf32>,
        tpu.vector_store %arg27[%parallel_loop3A_1782], %broadcast_in_dim3A_25 {strides = array<i32>} : memref<1792xf32, #tpu.memory_space<vmem>>, vector<16xf32>,
        %parallel_loop3A_1784 = arith.constant 16 : i32
        %parallel_loop3A_1785 = arith.muli %parallel_loop3A_607, %parallel_loop3A_1784 : i32
        %parallel_loop3A_1786 = arith.constant 224 : i32
        %parallel_loop3A_1787 = arith.addi %parallel_loop3A_1786, %parallel_loop3A_1785 : i32
        %parallel_loop3A_1788 = arith.index_cast %parallel_loop3A_1787 : i32 to index
        %parallel_loop3A_1789 = tpu.vector_load %arg27[%parallel_loop3A_1788] {strides = array<i32>} : memref<1792xf32, #tpu.memory_space<vmem>>, vector<16xf32>,
        tpu.vector_store %arg27[%parallel_loop3A_1788], %broadcast_in_dim3A_25 {strides = array<i32>} : memref<1792xf32, #tpu.memory_space<vmem>>, vector<16xf32>,
        %parallel_loop3A_1790 = arith.constant 16 : i32
        %parallel_loop3A_1791 = arith.muli %parallel_loop3A_607, %parallel_loop3A_1790 : i32
        %parallel_loop3A_1792 = arith.constant 336 : i32
        %parallel_loop3A_1793 = arith.addi %parallel_loop3A_1792, %parallel_loop3A_1791 : i32
        %parallel_loop3A_1794 = arith.index_cast %parallel_loop3A_1793 : i32 to index
        %parallel_loop3A_1795 = tpu.vector_load %arg27[%parallel_loop3A_1794] {strides = array<i32>} : memref<1792xf32, #tpu.memory_space<vmem>>, vector<16xf32>,
        tpu.vector_store %arg27[%parallel_loop3A_1794], %broadcast_in_dim3A_25 {strides = array<i32>} : memref<1792xf32, #tpu.memory_space<vmem>>, vector<16xf32>,
        %parallel_loop3A_1796 = arith.constant 16 : i32
        %parallel_loop3A_1797 = arith.muli %parallel_loop3A_607, %parallel_loop3A_1796 : i32
        %parallel_loop3A_1798 = arith.constant 448 : i32
        %parallel_loop3A_1799 = arith.addi %parallel_loop3A_1798, %parallel_loop3A_1797 : i32
        %parallel_loop3A_1800 = arith.index_cast %parallel_loop3A_1799 : i32 to index
        %parallel_loop3A_1801 = tpu.vector_load %arg27[%parallel_loop3A_1800] {strides = array<i32>} : memref<1792xf32, #tpu.memory_space<vmem>>, vector<16xf32>,
        tpu.vector_store %arg27[%parallel_loop3A_1800], %broadcast_in_dim3A_25 {strides = array<i32>} : memref<1792xf32, #tpu.memory_space<vmem>>, vector<16xf32>,
        %parallel_loop3A_1802 = arith.constant 16 : i32
        %parallel_loop3A_1803 = arith.muli %parallel_loop3A_607, %parallel_loop3A_1802 : i32
        %parallel_loop3A_1804 = arith.constant 560 : i32
        %parallel_loop3A_1805 = arith.addi %parallel_loop3A_1804, %parallel_loop3A_1803 : i32
        %parallel_loop3A_1806 = arith.index_cast %parallel_loop3A_1805 : i32 to index
        %parallel_loop3A_1807 = tpu.vector_load %arg27[%parallel_loop3A_1806] {strides = array<i32>} : memref<1792xf32, #tpu.memory_space<vmem>>, vector<16xf32>,
        tpu.vector_store %arg27[%parallel_loop3A_1806], %broadcast_in_dim3A_25 {strides = array<i32>} : memref<1792xf32, #tpu.memory_space<vmem>>, vector<16xf32>,
        %parallel_loop3A_1808 = arith.constant 16 : i32
        %parallel_loop3A_1809 = arith.muli %parallel_loop3A_607, %parallel_loop3A_1808 : i32
        %parallel_loop3A_1810 = arith.constant 672 : i32
        %parallel_loop3A_1811 = arith.addi %parallel_loop3A_1810, %parallel_loop3A_1809 : i32
        %parallel_loop3A_1812 = arith.index_cast %parallel_loop3A_1811 : i32 to index
        %parallel_loop3A_1813 = tpu.vector_load %arg27[%parallel_loop3A_1812] {strides = array<i32>} : memref<1792xf32, #tpu.memory_space<vmem>>, vector<16xf32>,
        tpu.vector_store %arg27[%parallel_loop3A_1812], %broadcast_in_dim3A_25 {strides = array<i32>} : memref<1792xf32, #tpu.memory_space<vmem>>, vector<16xf32>,
        %parallel_loop3A_1814 = arith.constant 16 : i32
        %parallel_loop3A_1815 = arith.muli %parallel_loop3A_607, %parallel_loop3A_1814 : i32
        %parallel_loop3A_1816 = arith.constant 784 : i32
        %parallel_loop3A_1817 = arith.addi %parallel_loop3A_1816, %parallel_loop3A_1815 : i32
        %parallel_loop3A_1818 = arith.index_cast %parallel_loop3A_1817 : i32 to index
        %parallel_loop3A_1819 = tpu.vector_load %arg27[%parallel_loop3A_1818] {strides = array<i32>} : memref<1792xf32, #tpu.memory_space<vmem>>, vector<16xf32>,
        tpu.vector_store %arg27[%parallel_loop3A_1818], %broadcast_in_dim3A_25 {strides = array<i32>} : memref<1792xf32, #tpu.memory_space<vmem>>, vector<16xf32>,
        %parallel_loop3A_1820 = arith.constant 16 : i32
        %parallel_loop3A_1821 = arith.muli %parallel_loop3A_607, %parallel_loop3A_1820 : i32
        %parallel_loop3A_1822 = arith.constant 896 : i32
        %parallel_loop3A_1823 = arith.addi %parallel_loop3A_1822, %parallel_loop3A_1821 : i32
        %parallel_loop3A_1824 = arith.index_cast %parallel_loop3A_1823 : i32 to index
        %parallel_loop3A_1825 = tpu.vector_load %arg27[%parallel_loop3A_1824] {strides = array<i32>} : memref<1792xf32, #tpu.memory_space<vmem>>, vector<16xf32>,
        tpu.vector_store %arg27[%parallel_loop3A_1824], %broadcast_in_dim3A_25 {strides = array<i32>} : memref<1792xf32, #tpu.memory_space<vmem>>, vector<16xf32>,
        %parallel_loop3A_1826 = arith.constant 16 : i32
        %parallel_loop3A_1827 = arith.muli %parallel_loop3A_607, %parallel_loop3A_1826 : i32
        %parallel_loop3A_1828 = arith.constant 1008 : i32
        %parallel_loop3A_1829 = arith.addi %parallel_loop3A_1828, %parallel_loop3A_1827 : i32
        %parallel_loop3A_1830 = arith.index_cast %parallel_loop3A_1829 : i32 to index
        %parallel_loop3A_1831 = tpu.vector_load %arg27[%parallel_loop3A_1830] {strides = array<i32>} : memref<1792xf32, #tpu.memory_space<vmem>>, vector<16xf32>,
        tpu.vector_store %arg27[%parallel_loop3A_1830], %broadcast_in_dim3A_25 {strides = array<i32>} : memref<1792xf32, #tpu.memory_space<vmem>>, vector<16xf32>,
        %parallel_loop3A_1832 = arith.constant 16 : i32
        %parallel_loop3A_1833 = arith.muli %parallel_loop3A_607, %parallel_loop3A_1832 : i32
        %parallel_loop3A_1834 = arith.constant 1120 : i32
        %parallel_loop3A_1835 = arith.addi %parallel_loop3A_1834, %parallel_loop3A_1833 : i32
        %parallel_loop3A_1836 = arith.index_cast %parallel_loop3A_1835 : i32 to index
        %parallel_loop3A_1837 = tpu.vector_load %arg27[%parallel_loop3A_1836] {strides = array<i32>} : memref<1792xf32, #tpu.memory_space<vmem>>, vector<16xf32>,
        tpu.vector_store %arg27[%parallel_loop3A_1836], %broadcast_in_dim3A_25 {strides = array<i32>} : memref<1792xf32, #tpu.memory_space<vmem>>, vector<16xf32>,
        %parallel_loop3A_1838 = arith.constant 16 : i32
        %parallel_loop3A_1839 = arith.muli %parallel_loop3A_607, %parallel_loop3A_1838 : i32
        %parallel_loop3A_1840 = arith.constant 1232 : i32
        %parallel_loop3A_1841 = arith.addi %parallel_loop3A_1840, %parallel_loop3A_1839 : i32
        %parallel_loop3A_1842 = arith.index_cast %parallel_loop3A_1841 : i32 to index
        %parallel_loop3A_1843 = tpu.vector_load %arg27[%parallel_loop3A_1842] {strides = array<i32>} : memref<1792xf32, #tpu.memory_space<vmem>>, vector<16xf32>,
        tpu.vector_store %arg27[%parallel_loop3A_1842], %broadcast_in_dim3A_25 {strides = array<i32>} : memref<1792xf32, #tpu.memory_space<vmem>>, vector<16xf32>,
        %parallel_loop3A_1844 = arith.constant 16 : i32
        %parallel_loop3A_1845 = arith.muli %parallel_loop3A_607, %parallel_loop3A_1844 : i32
        %parallel_loop3A_1846 = arith.constant 1344 : i32
        %parallel_loop3A_1847 = arith.addi %parallel_loop3A_1846, %parallel_loop3A_1845 : i32
        %parallel_loop3A_1848 = arith.index_cast %parallel_loop3A_1847 : i32 to index
        %parallel_loop3A_1849 = tpu.vector_load %arg27[%parallel_loop3A_1848] {strides = array<i32>} : memref<1792xf32, #tpu.memory_space<vmem>>, vector<16xf32>,
        tpu.vector_store %arg27[%parallel_loop3A_1848], %broadcast_in_dim3A_25 {strides = array<i32>} : memref<1792xf32, #tpu.memory_space<vmem>>, vector<16xf32>,
        %parallel_loop3A_1850 = arith.constant 16 : i32
        %parallel_loop3A_1851 = arith.muli %parallel_loop3A_607, %parallel_loop3A_1850 : i32
        %parallel_loop3A_1852 = arith.constant 1456 : i32
        %parallel_loop3A_1853 = arith.addi %parallel_loop3A_1852, %parallel_loop3A_1851 : i32
        %parallel_loop3A_1854 = arith.index_cast %parallel_loop3A_1853 : i32 to index
        %parallel_loop3A_1855 = tpu.vector_load %arg27[%parallel_loop3A_1854] {strides = array<i32>} : memref<1792xf32, #tpu.memory_space<vmem>>, vector<16xf32>,
        tpu.vector_store %arg27[%parallel_loop3A_1854], %broadcast_in_dim3A_25 {strides = array<i32>} : memref<1792xf32, #tpu.memory_space<vmem>>, vector<16xf32>,
        %parallel_loop3A_1856 = arith.constant 16 : i32
        %parallel_loop3A_1857 = arith.muli %parallel_loop3A_607, %parallel_loop3A_1856 : i32
        %parallel_loop3A_1858 = arith.constant 1568 : i32
        %parallel_loop3A_1859 = arith.addi %parallel_loop3A_1858, %parallel_loop3A_1857 : i32
        %parallel_loop3A_1860 = arith.index_cast %parallel_loop3A_1859 : i32 to index
        %parallel_loop3A_1861 = tpu.vector_load %arg27[%parallel_loop3A_1860] {strides = array<i32>} : memref<1792xf32, #tpu.memory_space<vmem>>, vector<16xf32>,
        tpu.vector_store %arg27[%parallel_loop3A_1860], %broadcast_in_dim3A_25 {strides = array<i32>} : memref<1792xf32, #tpu.memory_space<vmem>>, vector<16xf32>,
        %parallel_loop3A_1862 = arith.constant 16 : i32
        %parallel_loop3A_1863 = arith.muli %parallel_loop3A_607, %parallel_loop3A_1862 : i32
        %parallel_loop3A_1864 = arith.constant 1680 : i32
        %parallel_loop3A_1865 = arith.addi %parallel_loop3A_1864, %parallel_loop3A_1863 : i32
        %parallel_loop3A_1866 = arith.index_cast %parallel_loop3A_1865 : i32 to index
        %parallel_loop3A_1867 = tpu.vector_load %arg27[%parallel_loop3A_1866] {strides = array<i32>} : memref<1792xf32, #tpu.memory_space<vmem>>, vector<16xf32>,
        tpu.vector_store %arg27[%parallel_loop3A_1866], %broadcast_in_dim3A_25 {strides = array<i32>} : memref<1792xf32, #tpu.memory_space<vmem>>, vector<16xf32>,
        %parallel_loop3A_1868 = tpu.vector_load_idx %arg8[%parallel_loop3A_616] masked %parallel_loop3A_614 : memref<400xf32, #tpu.memory_space<vmem>>[vector<16xi32>], vector<16xf32>, vector<16xi1>
        %parallel_loop3A_1869 = arith.cmpf oeq, %parallel_loop3A_1675, %broadcast_in_dim3A_25 : vector<16xf32>
        %parallel_loop3A_1870 = arith.select %parallel_loop3A_1869, %parallel_loop3A_1868, %parallel_loop3A_1675 : vector<16xi1>, vector<16xf32>
        tpu.vector_store_idx %arg13[%parallel_loop3A_616], %parallel_loop3A_1870 masked %parallel_loop3A_614 : memref<400xf32, #tpu.memory_space<vmem>>[vector<16xi32>], vector<16xf32>, vector<16xi1>
        %parallel_loop3A_1871 = arith.constant 16 : i32
        %parallel_loop3A_1872 = arith.muli %parallel_loop3A_607, %parallel_loop3A_1871 : i32
        %parallel_loop3A_1873 = arith.constant 0 : i32
        %parallel_loop3A_1874 = arith.addi %parallel_loop3A_1873, %parallel_loop3A_1872 : i32
        %parallel_loop3A_1875 = arith.index_cast %parallel_loop3A_1874 : i32 to index
        %parallel_loop3A_1876 = tpu.vector_load %arg23[%parallel_loop3A_1875] {strides = array<i32>} : memref<1792xf32, #tpu.memory_space<vmem>>, vector<16xf32>,
        %parallel_loop3A_1877 = arith.constant 16 : i32
        %parallel_loop3A_1878 = arith.muli %parallel_loop3A_607, %parallel_loop3A_1877 : i32
        %parallel_loop3A_1879 = arith.constant 112 : i32
        %parallel_loop3A_1880 = arith.addi %parallel_loop3A_1879, %parallel_loop3A_1878 : i32
        %parallel_loop3A_1881 = arith.index_cast %parallel_loop3A_1880 : i32 to index
        %parallel_loop3A_1882 = tpu.vector_load %arg23[%parallel_loop3A_1881] {strides = array<i32>} : memref<1792xf32, #tpu.memory_space<vmem>>, vector<16xf32>,
        %parallel_loop3A_1883 = arith.constant 16 : i32
        %parallel_loop3A_1884 = arith.muli %parallel_loop3A_607, %parallel_loop3A_1883 : i32
        %parallel_loop3A_1885 = arith.constant 224 : i32
        %parallel_loop3A_1886 = arith.addi %parallel_loop3A_1885, %parallel_loop3A_1884 : i32
        %parallel_loop3A_1887 = arith.index_cast %parallel_loop3A_1886 : i32 to index
        %parallel_loop3A_1888 = tpu.vector_load %arg23[%parallel_loop3A_1887] {strides = array<i32>} : memref<1792xf32, #tpu.memory_space<vmem>>, vector<16xf32>,
        %parallel_loop3A_1889 = arith.constant 16 : i32
        %parallel_loop3A_1890 = arith.muli %parallel_loop3A_607, %parallel_loop3A_1889 : i32
        %parallel_loop3A_1891 = arith.constant 336 : i32
        %parallel_loop3A_1892 = arith.addi %parallel_loop3A_1891, %parallel_loop3A_1890 : i32
        %parallel_loop3A_1893 = arith.index_cast %parallel_loop3A_1892 : i32 to index
        %parallel_loop3A_1894 = tpu.vector_load %arg23[%parallel_loop3A_1893] {strides = array<i32>} : memref<1792xf32, #tpu.memory_space<vmem>>, vector<16xf32>,
        %parallel_loop3A_1895 = arith.constant 16 : i32
        %parallel_loop3A_1896 = arith.muli %parallel_loop3A_607, %parallel_loop3A_1895 : i32
        %parallel_loop3A_1897 = arith.constant 448 : i32
        %parallel_loop3A_1898 = arith.addi %parallel_loop3A_1897, %parallel_loop3A_1896 : i32
        %parallel_loop3A_1899 = arith.index_cast %parallel_loop3A_1898 : i32 to index
        %parallel_loop3A_1900 = tpu.vector_load %arg23[%parallel_loop3A_1899] {strides = array<i32>} : memref<1792xf32, #tpu.memory_space<vmem>>, vector<16xf32>,
        %parallel_loop3A_1901 = arith.minimumf %parallel_loop3A_1876, %parallel_loop3A_1900 : vector<16xf32>
        %parallel_loop3A_1902 = arith.constant 16 : i32
        %parallel_loop3A_1903 = arith.muli %parallel_loop3A_607, %parallel_loop3A_1902 : i32
        %parallel_loop3A_1904 = arith.constant 560 : i32
        %parallel_loop3A_1905 = arith.addi %parallel_loop3A_1904, %parallel_loop3A_1903 : i32
        %parallel_loop3A_1906 = arith.index_cast %parallel_loop3A_1905 : i32 to index
        %parallel_loop3A_1907 = tpu.vector_load %arg23[%parallel_loop3A_1906] {strides = array<i32>} : memref<1792xf32, #tpu.memory_space<vmem>>, vector<16xf32>,
        %parallel_loop3A_1908 = arith.minimumf %parallel_loop3A_1882, %parallel_loop3A_1907 : vector<16xf32>
        %parallel_loop3A_1909 = arith.constant 16 : i32
        %parallel_loop3A_1910 = arith.muli %parallel_loop3A_607, %parallel_loop3A_1909 : i32
        %parallel_loop3A_1911 = arith.constant 672 : i32
        %parallel_loop3A_1912 = arith.addi %parallel_loop3A_1911, %parallel_loop3A_1910 : i32
        %parallel_loop3A_1913 = arith.index_cast %parallel_loop3A_1912 : i32 to index
        %parallel_loop3A_1914 = tpu.vector_load %arg23[%parallel_loop3A_1913] {strides = array<i32>} : memref<1792xf32, #tpu.memory_space<vmem>>, vector<16xf32>,
        %parallel_loop3A_1915 = arith.minimumf %parallel_loop3A_1888, %parallel_loop3A_1914 : vector<16xf32>
        %parallel_loop3A_1916 = arith.constant 16 : i32
        %parallel_loop3A_1917 = arith.muli %parallel_loop3A_607, %parallel_loop3A_1916 : i32
        %parallel_loop3A_1918 = arith.constant 784 : i32
        %parallel_loop3A_1919 = arith.addi %parallel_loop3A_1918, %parallel_loop3A_1917 : i32
        %parallel_loop3A_1920 = arith.index_cast %parallel_loop3A_1919 : i32 to index
        %parallel_loop3A_1921 = tpu.vector_load %arg23[%parallel_loop3A_1920] {strides = array<i32>} : memref<1792xf32, #tpu.memory_space<vmem>>, vector<16xf32>,
        %parallel_loop3A_1922 = arith.minimumf %parallel_loop3A_1894, %parallel_loop3A_1921 : vector<16xf32>
        %parallel_loop3A_1923 = arith.constant 16 : i32
        %parallel_loop3A_1924 = arith.muli %parallel_loop3A_607, %parallel_loop3A_1923 : i32
        %parallel_loop3A_1925 = arith.constant 896 : i32
        %parallel_loop3A_1926 = arith.addi %parallel_loop3A_1925, %parallel_loop3A_1924 : i32
        %parallel_loop3A_1927 = arith.index_cast %parallel_loop3A_1926 : i32 to index
        %parallel_loop3A_1928 = tpu.vector_load %arg23[%parallel_loop3A_1927] {strides = array<i32>} : memref<1792xf32, #tpu.memory_space<vmem>>, vector<16xf32>,
        %parallel_loop3A_1929 = arith.minimumf %parallel_loop3A_1901, %parallel_loop3A_1928 : vector<16xf32>
        %parallel_loop3A_1930 = arith.constant 16 : i32
        %parallel_loop3A_1931 = arith.muli %parallel_loop3A_607, %parallel_loop3A_1930 : i32
        %parallel_loop3A_1932 = arith.constant 1008 : i32
        %parallel_loop3A_1933 = arith.addi %parallel_loop3A_1932, %parallel_loop3A_1931 : i32
        %parallel_loop3A_1934 = arith.index_cast %parallel_loop3A_1933 : i32 to index
        %parallel_loop3A_1935 = tpu.vector_load %arg23[%parallel_loop3A_1934] {strides = array<i32>} : memref<1792xf32, #tpu.memory_space<vmem>>, vector<16xf32>,
        %parallel_loop3A_1936 = arith.minimumf %parallel_loop3A_1908, %parallel_loop3A_1935 : vector<16xf32>
        %parallel_loop3A_1937 = arith.constant 16 : i32
        %parallel_loop3A_1938 = arith.muli %parallel_loop3A_607, %parallel_loop3A_1937 : i32
        %parallel_loop3A_1939 = arith.constant 1120 : i32
        %parallel_loop3A_1940 = arith.addi %parallel_loop3A_1939, %parallel_loop3A_1938 : i32
        %parallel_loop3A_1941 = arith.index_cast %parallel_loop3A_1940 : i32 to index
        %parallel_loop3A_1942 = tpu.vector_load %arg23[%parallel_loop3A_1941] {strides = array<i32>} : memref<1792xf32, #tpu.memory_space<vmem>>, vector<16xf32>,
        %parallel_loop3A_1943 = arith.minimumf %parallel_loop3A_1915, %parallel_loop3A_1942 : vector<16xf32>
        %parallel_loop3A_1944 = arith.constant 16 : i32
        %parallel_loop3A_1945 = arith.muli %parallel_loop3A_607, %parallel_loop3A_1944 : i32
        %parallel_loop3A_1946 = arith.constant 1232 : i32
        %parallel_loop3A_1947 = arith.addi %parallel_loop3A_1946, %parallel_loop3A_1945 : i32
        %parallel_loop3A_1948 = arith.index_cast %parallel_loop3A_1947 : i32 to index
        %parallel_loop3A_1949 = tpu.vector_load %arg23[%parallel_loop3A_1948] {strides = array<i32>} : memref<1792xf32, #tpu.memory_space<vmem>>, vector<16xf32>,
        %parallel_loop3A_1950 = arith.minimumf %parallel_loop3A_1922, %parallel_loop3A_1949 : vector<16xf32>
        %parallel_loop3A_1951 = arith.constant 16 : i32
        %parallel_loop3A_1952 = arith.muli %parallel_loop3A_607, %parallel_loop3A_1951 : i32
        %parallel_loop3A_1953 = arith.constant 1344 : i32
        %parallel_loop3A_1954 = arith.addi %parallel_loop3A_1953, %parallel_loop3A_1952 : i32
        %parallel_loop3A_1955 = arith.index_cast %parallel_loop3A_1954 : i32 to index
        %parallel_loop3A_1956 = tpu.vector_load %arg23[%parallel_loop3A_1955] {strides = array<i32>} : memref<1792xf32, #tpu.memory_space<vmem>>, vector<16xf32>,
        %parallel_loop3A_1957 = arith.minimumf %parallel_loop3A_1929, %parallel_loop3A_1956 : vector<16xf32>
        %parallel_loop3A_1958 = arith.constant 16 : i32
        %parallel_loop3A_1959 = arith.muli %parallel_loop3A_607, %parallel_loop3A_1958 : i32
        %parallel_loop3A_1960 = arith.constant 1456 : i32
        %parallel_loop3A_1961 = arith.addi %parallel_loop3A_1960, %parallel_loop3A_1959 : i32
        %parallel_loop3A_1962 = arith.index_cast %parallel_loop3A_1961 : i32 to index
        %parallel_loop3A_1963 = tpu.vector_load %arg23[%parallel_loop3A_1962] {strides = array<i32>} : memref<1792xf32, #tpu.memory_space<vmem>>, vector<16xf32>,
        %parallel_loop3A_1964 = arith.minimumf %parallel_loop3A_1936, %parallel_loop3A_1963 : vector<16xf32>
        %parallel_loop3A_1965 = arith.constant 16 : i32
        %parallel_loop3A_1966 = arith.muli %parallel_loop3A_607, %parallel_loop3A_1965 : i32
        %parallel_loop3A_1967 = arith.constant 1568 : i32
        %parallel_loop3A_1968 = arith.addi %parallel_loop3A_1967, %parallel_loop3A_1966 : i32
        %parallel_loop3A_1969 = arith.index_cast %parallel_loop3A_1968 : i32 to index
        %parallel_loop3A_1970 = tpu.vector_load %arg23[%parallel_loop3A_1969] {strides = array<i32>} : memref<1792xf32, #tpu.memory_space<vmem>>, vector<16xf32>,
        %parallel_loop3A_1971 = arith.minimumf %parallel_loop3A_1943, %parallel_loop3A_1970 : vector<16xf32>
        %parallel_loop3A_1972 = arith.constant 16 : i32
        %parallel_loop3A_1973 = arith.muli %parallel_loop3A_607, %parallel_loop3A_1972 : i32
        %parallel_loop3A_1974 = arith.constant 1680 : i32
        %parallel_loop3A_1975 = arith.addi %parallel_loop3A_1974, %parallel_loop3A_1973 : i32
        %parallel_loop3A_1976 = arith.index_cast %parallel_loop3A_1975 : i32 to index
        %parallel_loop3A_1977 = tpu.vector_load %arg23[%parallel_loop3A_1976] {strides = array<i32>} : memref<1792xf32, #tpu.memory_space<vmem>>, vector<16xf32>,
        %parallel_loop3A_1978 = arith.minimumf %parallel_loop3A_1950, %parallel_loop3A_1977 : vector<16xf32>
        %parallel_loop3A_1979 = arith.constant 16 : i32
        %parallel_loop3A_1980 = arith.muli %parallel_loop3A_607, %parallel_loop3A_1979 : i32
        %parallel_loop3A_1981 = arith.constant 0 : i32
        %parallel_loop3A_1982 = arith.addi %parallel_loop3A_1981, %parallel_loop3A_1980 : i32
        %parallel_loop3A_1983 = arith.index_cast %parallel_loop3A_1982 : i32 to index
        %parallel_loop3A_1984 = tpu.vector_load %arg28[%parallel_loop3A_1983] {strides = array<i32>} : memref<1792xf32, #tpu.memory_space<vmem>>, vector<16xf32>,
        %parallel_loop3A_1985 = arith.minimumf %parallel_loop3A_1957, %parallel_loop3A_1984 : vector<16xf32>
        %parallel_loop3A_1986 = arith.constant 16 : i32
        %parallel_loop3A_1987 = arith.muli %parallel_loop3A_607, %parallel_loop3A_1986 : i32
        %parallel_loop3A_1988 = arith.constant 112 : i32
        %parallel_loop3A_1989 = arith.addi %parallel_loop3A_1988, %parallel_loop3A_1987 : i32
        %parallel_loop3A_1990 = arith.index_cast %parallel_loop3A_1989 : i32 to index
        %parallel_loop3A_1991 = tpu.vector_load %arg28[%parallel_loop3A_1990] {strides = array<i32>} : memref<1792xf32, #tpu.memory_space<vmem>>, vector<16xf32>,
        %parallel_loop3A_1992 = arith.minimumf %parallel_loop3A_1964, %parallel_loop3A_1991 : vector<16xf32>
        %parallel_loop3A_1993 = arith.constant 16 : i32
        %parallel_loop3A_1994 = arith.muli %parallel_loop3A_607, %parallel_loop3A_1993 : i32
        %parallel_loop3A_1995 = arith.constant 224 : i32
        %parallel_loop3A_1996 = arith.addi %parallel_loop3A_1995, %parallel_loop3A_1994 : i32
        %parallel_loop3A_1997 = arith.index_cast %parallel_loop3A_1996 : i32 to index
        %parallel_loop3A_1998 = tpu.vector_load %arg28[%parallel_loop3A_1997] {strides = array<i32>} : memref<1792xf32, #tpu.memory_space<vmem>>, vector<16xf32>,
        %parallel_loop3A_1999 = arith.minimumf %parallel_loop3A_1971, %parallel_loop3A_1998 : vector<16xf32>
        %parallel_loop3A_2000 = arith.constant 16 : i32
        %parallel_loop3A_2001 = arith.muli %parallel_loop3A_607, %parallel_loop3A_2000 : i32
        %parallel_loop3A_2002 = arith.constant 336 : i32
        %parallel_loop3A_2003 = arith.addi %parallel_loop3A_2002, %parallel_loop3A_2001 : i32
        %parallel_loop3A_2004 = arith.index_cast %parallel_loop3A_2003 : i32 to index
        %parallel_loop3A_2005 = tpu.vector_load %arg28[%parallel_loop3A_2004] {strides = array<i32>} : memref<1792xf32, #tpu.memory_space<vmem>>, vector<16xf32>,
        %parallel_loop3A_2006 = arith.minimumf %parallel_loop3A_1978, %parallel_loop3A_2005 : vector<16xf32>
        %parallel_loop3A_2007 = arith.constant 16 : i32
        %parallel_loop3A_2008 = arith.muli %parallel_loop3A_607, %parallel_loop3A_2007 : i32
        %parallel_loop3A_2009 = arith.constant 448 : i32
        %parallel_loop3A_2010 = arith.addi %parallel_loop3A_2009, %parallel_loop3A_2008 : i32
        %parallel_loop3A_2011 = arith.index_cast %parallel_loop3A_2010 : i32 to index
        %parallel_loop3A_2012 = tpu.vector_load %arg28[%parallel_loop3A_2011] {strides = array<i32>} : memref<1792xf32, #tpu.memory_space<vmem>>, vector<16xf32>,
        %parallel_loop3A_2013 = arith.minimumf %parallel_loop3A_1985, %parallel_loop3A_2012 : vector<16xf32>
        %parallel_loop3A_2014 = arith.constant 16 : i32
        %parallel_loop3A_2015 = arith.muli %parallel_loop3A_607, %parallel_loop3A_2014 : i32
        %parallel_loop3A_2016 = arith.constant 560 : i32
        %parallel_loop3A_2017 = arith.addi %parallel_loop3A_2016, %parallel_loop3A_2015 : i32
        %parallel_loop3A_2018 = arith.index_cast %parallel_loop3A_2017 : i32 to index
        %parallel_loop3A_2019 = tpu.vector_load %arg28[%parallel_loop3A_2018] {strides = array<i32>} : memref<1792xf32, #tpu.memory_space<vmem>>, vector<16xf32>,
        %parallel_loop3A_2020 = arith.minimumf %parallel_loop3A_1992, %parallel_loop3A_2019 : vector<16xf32>
        %parallel_loop3A_2021 = arith.constant 16 : i32
        %parallel_loop3A_2022 = arith.muli %parallel_loop3A_607, %parallel_loop3A_2021 : i32
        %parallel_loop3A_2023 = arith.constant 672 : i32
        %parallel_loop3A_2024 = arith.addi %parallel_loop3A_2023, %parallel_loop3A_2022 : i32
        %parallel_loop3A_2025 = arith.index_cast %parallel_loop3A_2024 : i32 to index
        %parallel_loop3A_2026 = tpu.vector_load %arg28[%parallel_loop3A_2025] {strides = array<i32>} : memref<1792xf32, #tpu.memory_space<vmem>>, vector<16xf32>,
        %parallel_loop3A_2027 = arith.minimumf %parallel_loop3A_1999, %parallel_loop3A_2026 : vector<16xf32>
        %parallel_loop3A_2028 = arith.constant 16 : i32
        %parallel_loop3A_2029 = arith.muli %parallel_loop3A_607, %parallel_loop3A_2028 : i32
        %parallel_loop3A_2030 = arith.constant 784 : i32
        %parallel_loop3A_2031 = arith.addi %parallel_loop3A_2030, %parallel_loop3A_2029 : i32
        %parallel_loop3A_2032 = arith.index_cast %parallel_loop3A_2031 : i32 to index
        %parallel_loop3A_2033 = tpu.vector_load %arg28[%parallel_loop3A_2032] {strides = array<i32>} : memref<1792xf32, #tpu.memory_space<vmem>>, vector<16xf32>,
        %parallel_loop3A_2034 = arith.minimumf %parallel_loop3A_2006, %parallel_loop3A_2033 : vector<16xf32>
        %parallel_loop3A_2035 = arith.constant 16 : i32
        %parallel_loop3A_2036 = arith.muli %parallel_loop3A_607, %parallel_loop3A_2035 : i32
        %parallel_loop3A_2037 = arith.constant 896 : i32
        %parallel_loop3A_2038 = arith.addi %parallel_loop3A_2037, %parallel_loop3A_2036 : i32
        %parallel_loop3A_2039 = arith.index_cast %parallel_loop3A_2038 : i32 to index
        %parallel_loop3A_2040 = tpu.vector_load %arg28[%parallel_loop3A_2039] {strides = array<i32>} : memref<1792xf32, #tpu.memory_space<vmem>>, vector<16xf32>,
        %parallel_loop3A_2041 = arith.minimumf %parallel_loop3A_2013, %parallel_loop3A_2040 : vector<16xf32>
        %parallel_loop3A_2042 = arith.constant 16 : i32
        %parallel_loop3A_2043 = arith.muli %parallel_loop3A_607, %parallel_loop3A_2042 : i32
        %parallel_loop3A_2044 = arith.constant 1008 : i32
        %parallel_loop3A_2045 = arith.addi %parallel_loop3A_2044, %parallel_loop3A_2043 : i32
        %parallel_loop3A_2046 = arith.index_cast %parallel_loop3A_2045 : i32 to index
        %parallel_loop3A_2047 = tpu.vector_load %arg28[%parallel_loop3A_2046] {strides = array<i32>} : memref<1792xf32, #tpu.memory_space<vmem>>, vector<16xf32>,
        %parallel_loop3A_2048 = arith.minimumf %parallel_loop3A_2020, %parallel_loop3A_2047 : vector<16xf32>
        %parallel_loop3A_2049 = arith.constant 16 : i32
        %parallel_loop3A_2050 = arith.muli %parallel_loop3A_607, %parallel_loop3A_2049 : i32
        %parallel_loop3A_2051 = arith.constant 1120 : i32
        %parallel_loop3A_2052 = arith.addi %parallel_loop3A_2051, %parallel_loop3A_2050 : i32
        %parallel_loop3A_2053 = arith.index_cast %parallel_loop3A_2052 : i32 to index
        %parallel_loop3A_2054 = tpu.vector_load %arg28[%parallel_loop3A_2053] {strides = array<i32>} : memref<1792xf32, #tpu.memory_space<vmem>>, vector<16xf32>,
        %parallel_loop3A_2055 = arith.minimumf %parallel_loop3A_2027, %parallel_loop3A_2054 : vector<16xf32>
        %parallel_loop3A_2056 = arith.constant 16 : i32
        %parallel_loop3A_2057 = arith.muli %parallel_loop3A_607, %parallel_loop3A_2056 : i32
        %parallel_loop3A_2058 = arith.constant 1232 : i32
        %parallel_loop3A_2059 = arith.addi %parallel_loop3A_2058, %parallel_loop3A_2057 : i32
        %parallel_loop3A_2060 = arith.index_cast %parallel_loop3A_2059 : i32 to index
        %parallel_loop3A_2061 = tpu.vector_load %arg28[%parallel_loop3A_2060] {strides = array<i32>} : memref<1792xf32, #tpu.memory_space<vmem>>, vector<16xf32>,
        %parallel_loop3A_2062 = arith.minimumf %parallel_loop3A_2034, %parallel_loop3A_2061 : vector<16xf32>
        %parallel_loop3A_2063 = arith.constant 16 : i32
        %parallel_loop3A_2064 = arith.muli %parallel_loop3A_607, %parallel_loop3A_2063 : i32
        %parallel_loop3A_2065 = arith.constant 1344 : i32
        %parallel_loop3A_2066 = arith.addi %parallel_loop3A_2065, %parallel_loop3A_2064 : i32
        %parallel_loop3A_2067 = arith.index_cast %parallel_loop3A_2066 : i32 to index
        %parallel_loop3A_2068 = tpu.vector_load %arg28[%parallel_loop3A_2067] {strides = array<i32>} : memref<1792xf32, #tpu.memory_space<vmem>>, vector<16xf32>,
        %parallel_loop3A_2069 = arith.minimumf %parallel_loop3A_2041, %parallel_loop3A_2068 : vector<16xf32>
        %parallel_loop3A_2070 = arith.constant 16 : i32
        %parallel_loop3A_2071 = arith.muli %parallel_loop3A_607, %parallel_loop3A_2070 : i32
        %parallel_loop3A_2072 = arith.constant 1456 : i32
        %parallel_loop3A_2073 = arith.addi %parallel_loop3A_2072, %parallel_loop3A_2071 : i32
        %parallel_loop3A_2074 = arith.index_cast %parallel_loop3A_2073 : i32 to index
        %parallel_loop3A_2075 = tpu.vector_load %arg28[%parallel_loop3A_2074] {strides = array<i32>} : memref<1792xf32, #tpu.memory_space<vmem>>, vector<16xf32>,
        %parallel_loop3A_2076 = arith.minimumf %parallel_loop3A_2048, %parallel_loop3A_2075 : vector<16xf32>
        %parallel_loop3A_2077 = arith.constant 16 : i32
        %parallel_loop3A_2078 = arith.muli %parallel_loop3A_607, %parallel_loop3A_2077 : i32
        %parallel_loop3A_2079 = arith.constant 1568 : i32
        %parallel_loop3A_2080 = arith.addi %parallel_loop3A_2079, %parallel_loop3A_2078 : i32
        %parallel_loop3A_2081 = arith.index_cast %parallel_loop3A_2080 : i32 to index
        %parallel_loop3A_2082 = tpu.vector_load %arg28[%parallel_loop3A_2081] {strides = array<i32>} : memref<1792xf32, #tpu.memory_space<vmem>>, vector<16xf32>,
        %parallel_loop3A_2083 = arith.minimumf %parallel_loop3A_2055, %parallel_loop3A_2082 : vector<16xf32>
        %parallel_loop3A_2084 = arith.constant 16 : i32
        %parallel_loop3A_2085 = arith.muli %parallel_loop3A_607, %parallel_loop3A_2084 : i32
        %parallel_loop3A_2086 = arith.constant 1680 : i32
        %parallel_loop3A_2087 = arith.addi %parallel_loop3A_2086, %parallel_loop3A_2085 : i32
        %parallel_loop3A_2088 = arith.index_cast %parallel_loop3A_2087 : i32 to index
        %parallel_loop3A_2089 = tpu.vector_load %arg28[%parallel_loop3A_2088] {strides = array<i32>} : memref<1792xf32, #tpu.memory_space<vmem>>, vector<16xf32>,
        %parallel_loop3A_2090 = arith.minimumf %parallel_loop3A_2062, %parallel_loop3A_2089 : vector<16xf32>
        %parallel_loop3A_2091 = arith.minimumf %parallel_loop3A_2069, %parallel_loop3A_2076 : vector<16xf32>
        %parallel_loop3A_2092 = arith.minimumf %parallel_loop3A_2083, %parallel_loop3A_2090 : vector<16xf32>
        %parallel_loop3A_2093 = arith.minimumf %parallel_loop3A_2091, %parallel_loop3A_2092 : vector<16xf32>
        %parallel_loop3A_2094 = arith.constant 16 : i32
        %parallel_loop3A_2095 = arith.muli %parallel_loop3A_607, %parallel_loop3A_2094 : i32
        %parallel_loop3A_2096 = arith.constant 0 : i32
        %parallel_loop3A_2097 = arith.addi %parallel_loop3A_2096, %parallel_loop3A_2095 : i32
        %parallel_loop3A_2098 = arith.index_cast %parallel_loop3A_2097 : i32 to index
        %parallel_loop3A_2099 = tpu.vector_load %arg23[%parallel_loop3A_2098] {strides = array<i32>} : memref<1792xf32, #tpu.memory_space<vmem>>, vector<16xf32>,
        tpu.vector_store %arg23[%parallel_loop3A_2098], %broadcast_in_dim3A_25 {strides = array<i32>} : memref<1792xf32, #tpu.memory_space<vmem>>, vector<16xf32>,
        %parallel_loop3A_2100 = arith.constant 16 : i32
        %parallel_loop3A_2101 = arith.muli %parallel_loop3A_607, %parallel_loop3A_2100 : i32
        %parallel_loop3A_2102 = arith.constant 112 : i32
        %parallel_loop3A_2103 = arith.addi %parallel_loop3A_2102, %parallel_loop3A_2101 : i32
        %parallel_loop3A_2104 = arith.index_cast %parallel_loop3A_2103 : i32 to index
        %parallel_loop3A_2105 = tpu.vector_load %arg23[%parallel_loop3A_2104] {strides = array<i32>} : memref<1792xf32, #tpu.memory_space<vmem>>, vector<16xf32>,
        tpu.vector_store %arg23[%parallel_loop3A_2104], %broadcast_in_dim3A_25 {strides = array<i32>} : memref<1792xf32, #tpu.memory_space<vmem>>, vector<16xf32>,
        %parallel_loop3A_2106 = arith.constant 16 : i32
        %parallel_loop3A_2107 = arith.muli %parallel_loop3A_607, %parallel_loop3A_2106 : i32
        %parallel_loop3A_2108 = arith.constant 224 : i32
        %parallel_loop3A_2109 = arith.addi %parallel_loop3A_2108, %parallel_loop3A_2107 : i32
        %parallel_loop3A_2110 = arith.index_cast %parallel_loop3A_2109 : i32 to index
        %parallel_loop3A_2111 = tpu.vector_load %arg23[%parallel_loop3A_2110] {strides = array<i32>} : memref<1792xf32, #tpu.memory_space<vmem>>, vector<16xf32>,
        tpu.vector_store %arg23[%parallel_loop3A_2110], %broadcast_in_dim3A_25 {strides = array<i32>} : memref<1792xf32, #tpu.memory_space<vmem>>, vector<16xf32>,
        %parallel_loop3A_2112 = arith.constant 16 : i32
        %parallel_loop3A_2113 = arith.muli %parallel_loop3A_607, %parallel_loop3A_2112 : i32
        %parallel_loop3A_2114 = arith.constant 336 : i32
        %parallel_loop3A_2115 = arith.addi %parallel_loop3A_2114, %parallel_loop3A_2113 : i32
        %parallel_loop3A_2116 = arith.index_cast %parallel_loop3A_2115 : i32 to index
        %parallel_loop3A_2117 = tpu.vector_load %arg23[%parallel_loop3A_2116] {strides = array<i32>} : memref<1792xf32, #tpu.memory_space<vmem>>, vector<16xf32>,
        tpu.vector_store %arg23[%parallel_loop3A_2116], %broadcast_in_dim3A_25 {strides = array<i32>} : memref<1792xf32, #tpu.memory_space<vmem>>, vector<16xf32>,
        %parallel_loop3A_2118 = arith.constant 16 : i32
        %parallel_loop3A_2119 = arith.muli %parallel_loop3A_607, %parallel_loop3A_2118 : i32
        %parallel_loop3A_2120 = arith.constant 448 : i32
        %parallel_loop3A_2121 = arith.addi %parallel_loop3A_2120, %parallel_loop3A_2119 : i32
        %parallel_loop3A_2122 = arith.index_cast %parallel_loop3A_2121 : i32 to index
        %parallel_loop3A_2123 = tpu.vector_load %arg23[%parallel_loop3A_2122] {strides = array<i32>} : memref<1792xf32, #tpu.memory_space<vmem>>, vector<16xf32>,
        tpu.vector_store %arg23[%parallel_loop3A_2122], %broadcast_in_dim3A_25 {strides = array<i32>} : memref<1792xf32, #tpu.memory_space<vmem>>, vector<16xf32>,
        %parallel_loop3A_2124 = arith.constant 16 : i32
        %parallel_loop3A_2125 = arith.muli %parallel_loop3A_607, %parallel_loop3A_2124 : i32
        %parallel_loop3A_2126 = arith.constant 560 : i32
        %parallel_loop3A_2127 = arith.addi %parallel_loop3A_2126, %parallel_loop3A_2125 : i32
        %parallel_loop3A_2128 = arith.index_cast %parallel_loop3A_2127 : i32 to index
        %parallel_loop3A_2129 = tpu.vector_load %arg23[%parallel_loop3A_2128] {strides = array<i32>} : memref<1792xf32, #tpu.memory_space<vmem>>, vector<16xf32>,
        tpu.vector_store %arg23[%parallel_loop3A_2128], %broadcast_in_dim3A_25 {strides = array<i32>} : memref<1792xf32, #tpu.memory_space<vmem>>, vector<16xf32>,
        %parallel_loop3A_2130 = arith.constant 16 : i32
        %parallel_loop3A_2131 = arith.muli %parallel_loop3A_607, %parallel_loop3A_2130 : i32
        %parallel_loop3A_2132 = arith.constant 672 : i32
        %parallel_loop3A_2133 = arith.addi %parallel_loop3A_2132, %parallel_loop3A_2131 : i32
        %parallel_loop3A_2134 = arith.index_cast %parallel_loop3A_2133 : i32 to index
        %parallel_loop3A_2135 = tpu.vector_load %arg23[%parallel_loop3A_2134] {strides = array<i32>} : memref<1792xf32, #tpu.memory_space<vmem>>, vector<16xf32>,
        tpu.vector_store %arg23[%parallel_loop3A_2134], %broadcast_in_dim3A_25 {strides = array<i32>} : memref<1792xf32, #tpu.memory_space<vmem>>, vector<16xf32>,
        %parallel_loop3A_2136 = arith.constant 16 : i32
        %parallel_loop3A_2137 = arith.muli %parallel_loop3A_607, %parallel_loop3A_2136 : i32
        %parallel_loop3A_2138 = arith.constant 784 : i32
        %parallel_loop3A_2139 = arith.addi %parallel_loop3A_2138, %parallel_loop3A_2137 : i32
        %parallel_loop3A_2140 = arith.index_cast %parallel_loop3A_2139 : i32 to index
        %parallel_loop3A_2141 = tpu.vector_load %arg23[%parallel_loop3A_2140] {strides = array<i32>} : memref<1792xf32, #tpu.memory_space<vmem>>, vector<16xf32>,
        tpu.vector_store %arg23[%parallel_loop3A_2140], %broadcast_in_dim3A_25 {strides = array<i32>} : memref<1792xf32, #tpu.memory_space<vmem>>, vector<16xf32>,
        %parallel_loop3A_2142 = arith.constant 16 : i32
        %parallel_loop3A_2143 = arith.muli %parallel_loop3A_607, %parallel_loop3A_2142 : i32
        %parallel_loop3A_2144 = arith.constant 896 : i32
        %parallel_loop3A_2145 = arith.addi %parallel_loop3A_2144, %parallel_loop3A_2143 : i32
        %parallel_loop3A_2146 = arith.index_cast %parallel_loop3A_2145 : i32 to index
        %parallel_loop3A_2147 = tpu.vector_load %arg23[%parallel_loop3A_2146] {strides = array<i32>} : memref<1792xf32, #tpu.memory_space<vmem>>, vector<16xf32>,
        tpu.vector_store %arg23[%parallel_loop3A_2146], %broadcast_in_dim3A_25 {strides = array<i32>} : memref<1792xf32, #tpu.memory_space<vmem>>, vector<16xf32>,
        %parallel_loop3A_2148 = arith.constant 16 : i32
        %parallel_loop3A_2149 = arith.muli %parallel_loop3A_607, %parallel_loop3A_2148 : i32
        %parallel_loop3A_2150 = arith.constant 1008 : i32
        %parallel_loop3A_2151 = arith.addi %parallel_loop3A_2150, %parallel_loop3A_2149 : i32
        %parallel_loop3A_2152 = arith.index_cast %parallel_loop3A_2151 : i32 to index
        %parallel_loop3A_2153 = tpu.vector_load %arg23[%parallel_loop3A_2152] {strides = array<i32>} : memref<1792xf32, #tpu.memory_space<vmem>>, vector<16xf32>,
        tpu.vector_store %arg23[%parallel_loop3A_2152], %broadcast_in_dim3A_25 {strides = array<i32>} : memref<1792xf32, #tpu.memory_space<vmem>>, vector<16xf32>,
        %parallel_loop3A_2154 = arith.constant 16 : i32
        %parallel_loop3A_2155 = arith.muli %parallel_loop3A_607, %parallel_loop3A_2154 : i32
        %parallel_loop3A_2156 = arith.constant 1120 : i32
        %parallel_loop3A_2157 = arith.addi %parallel_loop3A_2156, %parallel_loop3A_2155 : i32
        %parallel_loop3A_2158 = arith.index_cast %parallel_loop3A_2157 : i32 to index
        %parallel_loop3A_2159 = tpu.vector_load %arg23[%parallel_loop3A_2158] {strides = array<i32>} : memref<1792xf32, #tpu.memory_space<vmem>>, vector<16xf32>,
        tpu.vector_store %arg23[%parallel_loop3A_2158], %broadcast_in_dim3A_25 {strides = array<i32>} : memref<1792xf32, #tpu.memory_space<vmem>>, vector<16xf32>,
        %parallel_loop3A_2160 = arith.constant 16 : i32
        %parallel_loop3A_2161 = arith.muli %parallel_loop3A_607, %parallel_loop3A_2160 : i32
        %parallel_loop3A_2162 = arith.constant 1232 : i32
        %parallel_loop3A_2163 = arith.addi %parallel_loop3A_2162, %parallel_loop3A_2161 : i32
        %parallel_loop3A_2164 = arith.index_cast %parallel_loop3A_2163 : i32 to index
        %parallel_loop3A_2165 = tpu.vector_load %arg23[%parallel_loop3A_2164] {strides = array<i32>} : memref<1792xf32, #tpu.memory_space<vmem>>, vector<16xf32>,
        tpu.vector_store %arg23[%parallel_loop3A_2164], %broadcast_in_dim3A_25 {strides = array<i32>} : memref<1792xf32, #tpu.memory_space<vmem>>, vector<16xf32>,
        %parallel_loop3A_2166 = arith.constant 16 : i32
        %parallel_loop3A_2167 = arith.muli %parallel_loop3A_607, %parallel_loop3A_2166 : i32
        %parallel_loop3A_2168 = arith.constant 1344 : i32
        %parallel_loop3A_2169 = arith.addi %parallel_loop3A_2168, %parallel_loop3A_2167 : i32
        %parallel_loop3A_2170 = arith.index_cast %parallel_loop3A_2169 : i32 to index
        %parallel_loop3A_2171 = tpu.vector_load %arg23[%parallel_loop3A_2170] {strides = array<i32>} : memref<1792xf32, #tpu.memory_space<vmem>>, vector<16xf32>,
        tpu.vector_store %arg23[%parallel_loop3A_2170], %broadcast_in_dim3A_25 {strides = array<i32>} : memref<1792xf32, #tpu.memory_space<vmem>>, vector<16xf32>,
        %parallel_loop3A_2172 = arith.constant 16 : i32
        %parallel_loop3A_2173 = arith.muli %parallel_loop3A_607, %parallel_loop3A_2172 : i32
        %parallel_loop3A_2174 = arith.constant 1456 : i32
        %parallel_loop3A_2175 = arith.addi %parallel_loop3A_2174, %parallel_loop3A_2173 : i32
        %parallel_loop3A_2176 = arith.index_cast %parallel_loop3A_2175 : i32 to index
        %parallel_loop3A_2177 = tpu.vector_load %arg23[%parallel_loop3A_2176] {strides = array<i32>} : memref<1792xf32, #tpu.memory_space<vmem>>, vector<16xf32>,
        tpu.vector_store %arg23[%parallel_loop3A_2176], %broadcast_in_dim3A_25 {strides = array<i32>} : memref<1792xf32, #tpu.memory_space<vmem>>, vector<16xf32>,
        %parallel_loop3A_2178 = arith.constant 16 : i32
        %parallel_loop3A_2179 = arith.muli %parallel_loop3A_607, %parallel_loop3A_2178 : i32
        %parallel_loop3A_2180 = arith.constant 1568 : i32
        %parallel_loop3A_2181 = arith.addi %parallel_loop3A_2180, %parallel_loop3A_2179 : i32
        %parallel_loop3A_2182 = arith.index_cast %parallel_loop3A_2181 : i32 to index
        %parallel_loop3A_2183 = tpu.vector_load %arg23[%parallel_loop3A_2182] {strides = array<i32>} : memref<1792xf32, #tpu.memory_space<vmem>>, vector<16xf32>,
        tpu.vector_store %arg23[%parallel_loop3A_2182], %broadcast_in_dim3A_25 {strides = array<i32>} : memref<1792xf32, #tpu.memory_space<vmem>>, vector<16xf32>,
        %parallel_loop3A_2184 = arith.constant 16 : i32
        %parallel_loop3A_2185 = arith.muli %parallel_loop3A_607, %parallel_loop3A_2184 : i32
        %parallel_loop3A_2186 = arith.constant 1680 : i32
        %parallel_loop3A_2187 = arith.addi %parallel_loop3A_2186, %parallel_loop3A_2185 : i32
        %parallel_loop3A_2188 = arith.index_cast %parallel_loop3A_2187 : i32 to index
        %parallel_loop3A_2189 = tpu.vector_load %arg23[%parallel_loop3A_2188] {strides = array<i32>} : memref<1792xf32, #tpu.memory_space<vmem>>, vector<16xf32>,
        tpu.vector_store %arg23[%parallel_loop3A_2188], %broadcast_in_dim3A_25 {strides = array<i32>} : memref<1792xf32, #tpu.memory_space<vmem>>, vector<16xf32>,
        %parallel_loop3A_2190 = arith.constant 16 : i32
        %parallel_loop3A_2191 = arith.muli %parallel_loop3A_607, %parallel_loop3A_2190 : i32
        %parallel_loop3A_2192 = arith.constant 0 : i32
        %parallel_loop3A_2193 = arith.addi %parallel_loop3A_2192, %parallel_loop3A_2191 : i32
        %parallel_loop3A_2194 = arith.index_cast %parallel_loop3A_2193 : i32 to index
        %parallel_loop3A_2195 = tpu.vector_load %arg28[%parallel_loop3A_2194] {strides = array<i32>} : memref<1792xf32, #tpu.memory_space<vmem>>, vector<16xf32>,
        tpu.vector_store %arg28[%parallel_loop3A_2194], %broadcast_in_dim3A_25 {strides = array<i32>} : memref<1792xf32, #tpu.memory_space<vmem>>, vector<16xf32>,
        %parallel_loop3A_2196 = arith.constant 16 : i32
        %parallel_loop3A_2197 = arith.muli %parallel_loop3A_607, %parallel_loop3A_2196 : i32
        %parallel_loop3A_2198 = arith.constant 112 : i32
        %parallel_loop3A_2199 = arith.addi %parallel_loop3A_2198, %parallel_loop3A_2197 : i32
        %parallel_loop3A_2200 = arith.index_cast %parallel_loop3A_2199 : i32 to index
        %parallel_loop3A_2201 = tpu.vector_load %arg28[%parallel_loop3A_2200] {strides = array<i32>} : memref<1792xf32, #tpu.memory_space<vmem>>, vector<16xf32>,
        tpu.vector_store %arg28[%parallel_loop3A_2200], %broadcast_in_dim3A_25 {strides = array<i32>} : memref<1792xf32, #tpu.memory_space<vmem>>, vector<16xf32>,
        %parallel_loop3A_2202 = arith.constant 16 : i32
        %parallel_loop3A_2203 = arith.muli %parallel_loop3A_607, %parallel_loop3A_2202 : i32
        %parallel_loop3A_2204 = arith.constant 224 : i32
        %parallel_loop3A_2205 = arith.addi %parallel_loop3A_2204, %parallel_loop3A_2203 : i32
        %parallel_loop3A_2206 = arith.index_cast %parallel_loop3A_2205 : i32 to index
        %parallel_loop3A_2207 = tpu.vector_load %arg28[%parallel_loop3A_2206] {strides = array<i32>} : memref<1792xf32, #tpu.memory_space<vmem>>, vector<16xf32>,
        tpu.vector_store %arg28[%parallel_loop3A_2206], %broadcast_in_dim3A_25 {strides = array<i32>} : memref<1792xf32, #tpu.memory_space<vmem>>, vector<16xf32>,
        %parallel_loop3A_2208 = arith.constant 16 : i32
        %parallel_loop3A_2209 = arith.muli %parallel_loop3A_607, %parallel_loop3A_2208 : i32
        %parallel_loop3A_2210 = arith.constant 336 : i32
        %parallel_loop3A_2211 = arith.addi %parallel_loop3A_2210, %parallel_loop3A_2209 : i32
        %parallel_loop3A_2212 = arith.index_cast %parallel_loop3A_2211 : i32 to index
        %parallel_loop3A_2213 = tpu.vector_load %arg28[%parallel_loop3A_2212] {strides = array<i32>} : memref<1792xf32, #tpu.memory_space<vmem>>, vector<16xf32>,
        tpu.vector_store %arg28[%parallel_loop3A_2212], %broadcast_in_dim3A_25 {strides = array<i32>} : memref<1792xf32, #tpu.memory_space<vmem>>, vector<16xf32>,
        %parallel_loop3A_2214 = arith.constant 16 : i32
        %parallel_loop3A_2215 = arith.muli %parallel_loop3A_607, %parallel_loop3A_2214 : i32
        %parallel_loop3A_2216 = arith.constant 448 : i32
        %parallel_loop3A_2217 = arith.addi %parallel_loop3A_2216, %parallel_loop3A_2215 : i32
        %parallel_loop3A_2218 = arith.index_cast %parallel_loop3A_2217 : i32 to index
        %parallel_loop3A_2219 = tpu.vector_load %arg28[%parallel_loop3A_2218] {strides = array<i32>} : memref<1792xf32, #tpu.memory_space<vmem>>, vector<16xf32>,
        tpu.vector_store %arg28[%parallel_loop3A_2218], %broadcast_in_dim3A_25 {strides = array<i32>} : memref<1792xf32, #tpu.memory_space<vmem>>, vector<16xf32>,
        %parallel_loop3A_2220 = arith.constant 16 : i32
        %parallel_loop3A_2221 = arith.muli %parallel_loop3A_607, %parallel_loop3A_2220 : i32
        %parallel_loop3A_2222 = arith.constant 560 : i32
        %parallel_loop3A_2223 = arith.addi %parallel_loop3A_2222, %parallel_loop3A_2221 : i32
        %parallel_loop3A_2224 = arith.index_cast %parallel_loop3A_2223 : i32 to index
        %parallel_loop3A_2225 = tpu.vector_load %arg28[%parallel_loop3A_2224] {strides = array<i32>} : memref<1792xf32, #tpu.memory_space<vmem>>, vector<16xf32>,
        tpu.vector_store %arg28[%parallel_loop3A_2224], %broadcast_in_dim3A_25 {strides = array<i32>} : memref<1792xf32, #tpu.memory_space<vmem>>, vector<16xf32>,
        %parallel_loop3A_2226 = arith.constant 16 : i32
        %parallel_loop3A_2227 = arith.muli %parallel_loop3A_607, %parallel_loop3A_2226 : i32
        %parallel_loop3A_2228 = arith.constant 672 : i32
        %parallel_loop3A_2229 = arith.addi %parallel_loop3A_2228, %parallel_loop3A_2227 : i32
        %parallel_loop3A_2230 = arith.index_cast %parallel_loop3A_2229 : i32 to index
        %parallel_loop3A_2231 = tpu.vector_load %arg28[%parallel_loop3A_2230] {strides = array<i32>} : memref<1792xf32, #tpu.memory_space<vmem>>, vector<16xf32>,
        tpu.vector_store %arg28[%parallel_loop3A_2230], %broadcast_in_dim3A_25 {strides = array<i32>} : memref<1792xf32, #tpu.memory_space<vmem>>, vector<16xf32>,
        %parallel_loop3A_2232 = arith.constant 16 : i32
        %parallel_loop3A_2233 = arith.muli %parallel_loop3A_607, %parallel_loop3A_2232 : i32
        %parallel_loop3A_2234 = arith.constant 784 : i32
        %parallel_loop3A_2235 = arith.addi %parallel_loop3A_2234, %parallel_loop3A_2233 : i32
        %parallel_loop3A_2236 = arith.index_cast %parallel_loop3A_2235 : i32 to index
        %parallel_loop3A_2237 = tpu.vector_load %arg28[%parallel_loop3A_2236] {strides = array<i32>} : memref<1792xf32, #tpu.memory_space<vmem>>, vector<16xf32>,
        tpu.vector_store %arg28[%parallel_loop3A_2236], %broadcast_in_dim3A_25 {strides = array<i32>} : memref<1792xf32, #tpu.memory_space<vmem>>, vector<16xf32>,
        %parallel_loop3A_2238 = arith.constant 16 : i32
        %parallel_loop3A_2239 = arith.muli %parallel_loop3A_607, %parallel_loop3A_2238 : i32
        %parallel_loop3A_2240 = arith.constant 896 : i32
        %parallel_loop3A_2241 = arith.addi %parallel_loop3A_2240, %parallel_loop3A_2239 : i32
        %parallel_loop3A_2242 = arith.index_cast %parallel_loop3A_2241 : i32 to index
        %parallel_loop3A_2243 = tpu.vector_load %arg28[%parallel_loop3A_2242] {strides = array<i32>} : memref<1792xf32, #tpu.memory_space<vmem>>, vector<16xf32>,
        tpu.vector_store %arg28[%parallel_loop3A_2242], %broadcast_in_dim3A_25 {strides = array<i32>} : memref<1792xf32, #tpu.memory_space<vmem>>, vector<16xf32>,
        %parallel_loop3A_2244 = arith.constant 16 : i32
        %parallel_loop3A_2245 = arith.muli %parallel_loop3A_607, %parallel_loop3A_2244 : i32
        %parallel_loop3A_2246 = arith.constant 1008 : i32
        %parallel_loop3A_2247 = arith.addi %parallel_loop3A_2246, %parallel_loop3A_2245 : i32
        %parallel_loop3A_2248 = arith.index_cast %parallel_loop3A_2247 : i32 to index
        %parallel_loop3A_2249 = tpu.vector_load %arg28[%parallel_loop3A_2248] {strides = array<i32>} : memref<1792xf32, #tpu.memory_space<vmem>>, vector<16xf32>,
        tpu.vector_store %arg28[%parallel_loop3A_2248], %broadcast_in_dim3A_25 {strides = array<i32>} : memref<1792xf32, #tpu.memory_space<vmem>>, vector<16xf32>,
        %parallel_loop3A_2250 = arith.constant 16 : i32
        %parallel_loop3A_2251 = arith.muli %parallel_loop3A_607, %parallel_loop3A_2250 : i32
        %parallel_loop3A_2252 = arith.constant 1120 : i32
        %parallel_loop3A_2253 = arith.addi %parallel_loop3A_2252, %parallel_loop3A_2251 : i32
        %parallel_loop3A_2254 = arith.index_cast %parallel_loop3A_2253 : i32 to index
        %parallel_loop3A_2255 = tpu.vector_load %arg28[%parallel_loop3A_2254] {strides = array<i32>} : memref<1792xf32, #tpu.memory_space<vmem>>, vector<16xf32>,
        tpu.vector_store %arg28[%parallel_loop3A_2254], %broadcast_in_dim3A_25 {strides = array<i32>} : memref<1792xf32, #tpu.memory_space<vmem>>, vector<16xf32>,
        %parallel_loop3A_2256 = arith.constant 16 : i32
        %parallel_loop3A_2257 = arith.muli %parallel_loop3A_607, %parallel_loop3A_2256 : i32
        %parallel_loop3A_2258 = arith.constant 1232 : i32
        %parallel_loop3A_2259 = arith.addi %parallel_loop3A_2258, %parallel_loop3A_2257 : i32
        %parallel_loop3A_2260 = arith.index_cast %parallel_loop3A_2259 : i32 to index
        %parallel_loop3A_2261 = tpu.vector_load %arg28[%parallel_loop3A_2260] {strides = array<i32>} : memref<1792xf32, #tpu.memory_space<vmem>>, vector<16xf32>,
        tpu.vector_store %arg28[%parallel_loop3A_2260], %broadcast_in_dim3A_25 {strides = array<i32>} : memref<1792xf32, #tpu.memory_space<vmem>>, vector<16xf32>,
        %parallel_loop3A_2262 = arith.constant 16 : i32
        %parallel_loop3A_2263 = arith.muli %parallel_loop3A_607, %parallel_loop3A_2262 : i32
        %parallel_loop3A_2264 = arith.constant 1344 : i32
        %parallel_loop3A_2265 = arith.addi %parallel_loop3A_2264, %parallel_loop3A_2263 : i32
        %parallel_loop3A_2266 = arith.index_cast %parallel_loop3A_2265 : i32 to index
        %parallel_loop3A_2267 = tpu.vector_load %arg28[%parallel_loop3A_2266] {strides = array<i32>} : memref<1792xf32, #tpu.memory_space<vmem>>, vector<16xf32>,
        tpu.vector_store %arg28[%parallel_loop3A_2266], %broadcast_in_dim3A_25 {strides = array<i32>} : memref<1792xf32, #tpu.memory_space<vmem>>, vector<16xf32>,
        %parallel_loop3A_2268 = arith.constant 16 : i32
        %parallel_loop3A_2269 = arith.muli %parallel_loop3A_607, %parallel_loop3A_2268 : i32
        %parallel_loop3A_2270 = arith.constant 1456 : i32
        %parallel_loop3A_2271 = arith.addi %parallel_loop3A_2270, %parallel_loop3A_2269 : i32
        %parallel_loop3A_2272 = arith.index_cast %parallel_loop3A_2271 : i32 to index
        %parallel_loop3A_2273 = tpu.vector_load %arg28[%parallel_loop3A_2272] {strides = array<i32>} : memref<1792xf32, #tpu.memory_space<vmem>>, vector<16xf32>,
        tpu.vector_store %arg28[%parallel_loop3A_2272], %broadcast_in_dim3A_25 {strides = array<i32>} : memref<1792xf32, #tpu.memory_space<vmem>>, vector<16xf32>,
        %parallel_loop3A_2274 = arith.constant 16 : i32
        %parallel_loop3A_2275 = arith.muli %parallel_loop3A_607, %parallel_loop3A_2274 : i32
        %parallel_loop3A_2276 = arith.constant 1568 : i32
        %parallel_loop3A_2277 = arith.addi %parallel_loop3A_2276, %parallel_loop3A_2275 : i32
        %parallel_loop3A_2278 = arith.index_cast %parallel_loop3A_2277 : i32 to index
        %parallel_loop3A_2279 = tpu.vector_load %arg28[%parallel_loop3A_2278] {strides = array<i32>} : memref<1792xf32, #tpu.memory_space<vmem>>, vector<16xf32>,
        tpu.vector_store %arg28[%parallel_loop3A_2278], %broadcast_in_dim3A_25 {strides = array<i32>} : memref<1792xf32, #tpu.memory_space<vmem>>, vector<16xf32>,
        %parallel_loop3A_2280 = arith.constant 16 : i32
        %parallel_loop3A_2281 = arith.muli %parallel_loop3A_607, %parallel_loop3A_2280 : i32
        %parallel_loop3A_2282 = arith.constant 1680 : i32
        %parallel_loop3A_2283 = arith.addi %parallel_loop3A_2282, %parallel_loop3A_2281 : i32
        %parallel_loop3A_2284 = arith.index_cast %parallel_loop3A_2283 : i32 to index
        %parallel_loop3A_2285 = tpu.vector_load %arg28[%parallel_loop3A_2284] {strides = array<i32>} : memref<1792xf32, #tpu.memory_space<vmem>>, vector<16xf32>,
        tpu.vector_store %arg28[%parallel_loop3A_2284], %broadcast_in_dim3A_25 {strides = array<i32>} : memref<1792xf32, #tpu.memory_space<vmem>>, vector<16xf32>,
        %parallel_loop3A_2286 = tpu.vector_load_idx %arg9[%parallel_loop3A_616] masked %parallel_loop3A_614 : memref<400xf32, #tpu.memory_space<vmem>>[vector<16xi32>], vector<16xf32>, vector<16xi1>
        %parallel_loop3A_2287 = arith.cmpf oeq, %parallel_loop3A_2093, %broadcast_in_dim3A_25 : vector<16xf32>
        %parallel_loop3A_2288 = arith.select %parallel_loop3A_2287, %parallel_loop3A_2286, %parallel_loop3A_2093 : vector<16xi1>, vector<16xf32>
        tpu.vector_store_idx %arg14[%parallel_loop3A_616], %parallel_loop3A_2288 masked %parallel_loop3A_614 : memref<400xf32, #tpu.memory_space<vmem>>[vector<16xi32>], vector<16xf32>, vector<16xi1>
        %parallel_loop3A_2289 = arith.constant 16 : i32
        %parallel_loop3A_2290 = arith.muli %parallel_loop3A_607, %parallel_loop3A_2289 : i32
        %parallel_loop3A_2291 = arith.constant 0 : i32
        %parallel_loop3A_2292 = arith.addi %parallel_loop3A_2291, %parallel_loop3A_2290 : i32
        %parallel_loop3A_2293 = arith.index_cast %parallel_loop3A_2292 : i32 to index
        %parallel_loop3A_2294 = tpu.vector_load %arg24[%parallel_loop3A_2293] {strides = array<i32>} : memref<1792xf32, #tpu.memory_space<vmem>>, vector<16xf32>,
        %parallel_loop3A_2295 = arith.constant 16 : i32
        %parallel_loop3A_2296 = arith.muli %parallel_loop3A_607, %parallel_loop3A_2295 : i32
        %parallel_loop3A_2297 = arith.constant 112 : i32
        %parallel_loop3A_2298 = arith.addi %parallel_loop3A_2297, %parallel_loop3A_2296 : i32
        %parallel_loop3A_2299 = arith.index_cast %parallel_loop3A_2298 : i32 to index
        %parallel_loop3A_2300 = tpu.vector_load %arg24[%parallel_loop3A_2299] {strides = array<i32>} : memref<1792xf32, #tpu.memory_space<vmem>>, vector<16xf32>,
        %parallel_loop3A_2301 = arith.constant 16 : i32
        %parallel_loop3A_2302 = arith.muli %parallel_loop3A_607, %parallel_loop3A_2301 : i32
        %parallel_loop3A_2303 = arith.constant 224 : i32
        %parallel_loop3A_2304 = arith.addi %parallel_loop3A_2303, %parallel_loop3A_2302 : i32
        %parallel_loop3A_2305 = arith.index_cast %parallel_loop3A_2304 : i32 to index
        %parallel_loop3A_2306 = tpu.vector_load %arg24[%parallel_loop3A_2305] {strides = array<i32>} : memref<1792xf32, #tpu.memory_space<vmem>>, vector<16xf32>,
        %parallel_loop3A_2307 = arith.constant 16 : i32
        %parallel_loop3A_2308 = arith.muli %parallel_loop3A_607, %parallel_loop3A_2307 : i32
        %parallel_loop3A_2309 = arith.constant 336 : i32
        %parallel_loop3A_2310 = arith.addi %parallel_loop3A_2309, %parallel_loop3A_2308 : i32
        %parallel_loop3A_2311 = arith.index_cast %parallel_loop3A_2310 : i32 to index
        %parallel_loop3A_2312 = tpu.vector_load %arg24[%parallel_loop3A_2311] {strides = array<i32>} : memref<1792xf32, #tpu.memory_space<vmem>>, vector<16xf32>,
        %parallel_loop3A_2313 = arith.constant 16 : i32
        %parallel_loop3A_2314 = arith.muli %parallel_loop3A_607, %parallel_loop3A_2313 : i32
        %parallel_loop3A_2315 = arith.constant 448 : i32
        %parallel_loop3A_2316 = arith.addi %parallel_loop3A_2315, %parallel_loop3A_2314 : i32
        %parallel_loop3A_2317 = arith.index_cast %parallel_loop3A_2316 : i32 to index
        %parallel_loop3A_2318 = tpu.vector_load %arg24[%parallel_loop3A_2317] {strides = array<i32>} : memref<1792xf32, #tpu.memory_space<vmem>>, vector<16xf32>,
        %parallel_loop3A_2319 = arith.minimumf %parallel_loop3A_2294, %parallel_loop3A_2318 : vector<16xf32>
        %parallel_loop3A_2320 = arith.constant 16 : i32
        %parallel_loop3A_2321 = arith.muli %parallel_loop3A_607, %parallel_loop3A_2320 : i32
        %parallel_loop3A_2322 = arith.constant 560 : i32
        %parallel_loop3A_2323 = arith.addi %parallel_loop3A_2322, %parallel_loop3A_2321 : i32
        %parallel_loop3A_2324 = arith.index_cast %parallel_loop3A_2323 : i32 to index
        %parallel_loop3A_2325 = tpu.vector_load %arg24[%parallel_loop3A_2324] {strides = array<i32>} : memref<1792xf32, #tpu.memory_space<vmem>>, vector<16xf32>,
        %parallel_loop3A_2326 = arith.minimumf %parallel_loop3A_2300, %parallel_loop3A_2325 : vector<16xf32>
        %parallel_loop3A_2327 = arith.constant 16 : i32
        %parallel_loop3A_2328 = arith.muli %parallel_loop3A_607, %parallel_loop3A_2327 : i32
        %parallel_loop3A_2329 = arith.constant 672 : i32
        %parallel_loop3A_2330 = arith.addi %parallel_loop3A_2329, %parallel_loop3A_2328 : i32
        %parallel_loop3A_2331 = arith.index_cast %parallel_loop3A_2330 : i32 to index
        %parallel_loop3A_2332 = tpu.vector_load %arg24[%parallel_loop3A_2331] {strides = array<i32>} : memref<1792xf32, #tpu.memory_space<vmem>>, vector<16xf32>,
        %parallel_loop3A_2333 = arith.minimumf %parallel_loop3A_2306, %parallel_loop3A_2332 : vector<16xf32>
        %parallel_loop3A_2334 = arith.constant 16 : i32
        %parallel_loop3A_2335 = arith.muli %parallel_loop3A_607, %parallel_loop3A_2334 : i32
        %parallel_loop3A_2336 = arith.constant 784 : i32
        %parallel_loop3A_2337 = arith.addi %parallel_loop3A_2336, %parallel_loop3A_2335 : i32
        %parallel_loop3A_2338 = arith.index_cast %parallel_loop3A_2337 : i32 to index
        %parallel_loop3A_2339 = tpu.vector_load %arg24[%parallel_loop3A_2338] {strides = array<i32>} : memref<1792xf32, #tpu.memory_space<vmem>>, vector<16xf32>,
        %parallel_loop3A_2340 = arith.minimumf %parallel_loop3A_2312, %parallel_loop3A_2339 : vector<16xf32>
        %parallel_loop3A_2341 = arith.constant 16 : i32
        %parallel_loop3A_2342 = arith.muli %parallel_loop3A_607, %parallel_loop3A_2341 : i32
        %parallel_loop3A_2343 = arith.constant 896 : i32
        %parallel_loop3A_2344 = arith.addi %parallel_loop3A_2343, %parallel_loop3A_2342 : i32
        %parallel_loop3A_2345 = arith.index_cast %parallel_loop3A_2344 : i32 to index
        %parallel_loop3A_2346 = tpu.vector_load %arg24[%parallel_loop3A_2345] {strides = array<i32>} : memref<1792xf32, #tpu.memory_space<vmem>>, vector<16xf32>,
        %parallel_loop3A_2347 = arith.minimumf %parallel_loop3A_2319, %parallel_loop3A_2346 : vector<16xf32>
        %parallel_loop3A_2348 = arith.constant 16 : i32
        %parallel_loop3A_2349 = arith.muli %parallel_loop3A_607, %parallel_loop3A_2348 : i32
        %parallel_loop3A_2350 = arith.constant 1008 : i32
        %parallel_loop3A_2351 = arith.addi %parallel_loop3A_2350, %parallel_loop3A_2349 : i32
        %parallel_loop3A_2352 = arith.index_cast %parallel_loop3A_2351 : i32 to index
        %parallel_loop3A_2353 = tpu.vector_load %arg24[%parallel_loop3A_2352] {strides = array<i32>} : memref<1792xf32, #tpu.memory_space<vmem>>, vector<16xf32>,
        %parallel_loop3A_2354 = arith.minimumf %parallel_loop3A_2326, %parallel_loop3A_2353 : vector<16xf32>
        %parallel_loop3A_2355 = arith.constant 16 : i32
        %parallel_loop3A_2356 = arith.muli %parallel_loop3A_607, %parallel_loop3A_2355 : i32
        %parallel_loop3A_2357 = arith.constant 1120 : i32
        %parallel_loop3A_2358 = arith.addi %parallel_loop3A_2357, %parallel_loop3A_2356 : i32
        %parallel_loop3A_2359 = arith.index_cast %parallel_loop3A_2358 : i32 to index
        %parallel_loop3A_2360 = tpu.vector_load %arg24[%parallel_loop3A_2359] {strides = array<i32>} : memref<1792xf32, #tpu.memory_space<vmem>>, vector<16xf32>,
        %parallel_loop3A_2361 = arith.minimumf %parallel_loop3A_2333, %parallel_loop3A_2360 : vector<16xf32>
        %parallel_loop3A_2362 = arith.constant 16 : i32
        %parallel_loop3A_2363 = arith.muli %parallel_loop3A_607, %parallel_loop3A_2362 : i32
        %parallel_loop3A_2364 = arith.constant 1232 : i32
        %parallel_loop3A_2365 = arith.addi %parallel_loop3A_2364, %parallel_loop3A_2363 : i32
        %parallel_loop3A_2366 = arith.index_cast %parallel_loop3A_2365 : i32 to index
        %parallel_loop3A_2367 = tpu.vector_load %arg24[%parallel_loop3A_2366] {strides = array<i32>} : memref<1792xf32, #tpu.memory_space<vmem>>, vector<16xf32>,
        %parallel_loop3A_2368 = arith.minimumf %parallel_loop3A_2340, %parallel_loop3A_2367 : vector<16xf32>
        %parallel_loop3A_2369 = arith.constant 16 : i32
        %parallel_loop3A_2370 = arith.muli %parallel_loop3A_607, %parallel_loop3A_2369 : i32
        %parallel_loop3A_2371 = arith.constant 1344 : i32
        %parallel_loop3A_2372 = arith.addi %parallel_loop3A_2371, %parallel_loop3A_2370 : i32
        %parallel_loop3A_2373 = arith.index_cast %parallel_loop3A_2372 : i32 to index
        %parallel_loop3A_2374 = tpu.vector_load %arg24[%parallel_loop3A_2373] {strides = array<i32>} : memref<1792xf32, #tpu.memory_space<vmem>>, vector<16xf32>,
        %parallel_loop3A_2375 = arith.minimumf %parallel_loop3A_2347, %parallel_loop3A_2374 : vector<16xf32>
        %parallel_loop3A_2376 = arith.constant 16 : i32
        %parallel_loop3A_2377 = arith.muli %parallel_loop3A_607, %parallel_loop3A_2376 : i32
        %parallel_loop3A_2378 = arith.constant 1456 : i32
        %parallel_loop3A_2379 = arith.addi %parallel_loop3A_2378, %parallel_loop3A_2377 : i32
        %parallel_loop3A_2380 = arith.index_cast %parallel_loop3A_2379 : i32 to index
        %parallel_loop3A_2381 = tpu.vector_load %arg24[%parallel_loop3A_2380] {strides = array<i32>} : memref<1792xf32, #tpu.memory_space<vmem>>, vector<16xf32>,
        %parallel_loop3A_2382 = arith.minimumf %parallel_loop3A_2354, %parallel_loop3A_2381 : vector<16xf32>
        %parallel_loop3A_2383 = arith.constant 16 : i32
        %parallel_loop3A_2384 = arith.muli %parallel_loop3A_607, %parallel_loop3A_2383 : i32
        %parallel_loop3A_2385 = arith.constant 1568 : i32
        %parallel_loop3A_2386 = arith.addi %parallel_loop3A_2385, %parallel_loop3A_2384 : i32
        %parallel_loop3A_2387 = arith.index_cast %parallel_loop3A_2386 : i32 to index
        %parallel_loop3A_2388 = tpu.vector_load %arg24[%parallel_loop3A_2387] {strides = array<i32>} : memref<1792xf32, #tpu.memory_space<vmem>>, vector<16xf32>,
        %parallel_loop3A_2389 = arith.minimumf %parallel_loop3A_2361, %parallel_loop3A_2388 : vector<16xf32>
        %parallel_loop3A_2390 = arith.constant 16 : i32
        %parallel_loop3A_2391 = arith.muli %parallel_loop3A_607, %parallel_loop3A_2390 : i32
        %parallel_loop3A_2392 = arith.constant 1680 : i32
        %parallel_loop3A_2393 = arith.addi %parallel_loop3A_2392, %parallel_loop3A_2391 : i32
        %parallel_loop3A_2394 = arith.index_cast %parallel_loop3A_2393 : i32 to index
        %parallel_loop3A_2395 = tpu.vector_load %arg24[%parallel_loop3A_2394] {strides = array<i32>} : memref<1792xf32, #tpu.memory_space<vmem>>, vector<16xf32>,
        %parallel_loop3A_2396 = arith.minimumf %parallel_loop3A_2368, %parallel_loop3A_2395 : vector<16xf32>
        %parallel_loop3A_2397 = arith.constant 16 : i32
        %parallel_loop3A_2398 = arith.muli %parallel_loop3A_607, %parallel_loop3A_2397 : i32
        %parallel_loop3A_2399 = arith.constant 0 : i32
        %parallel_loop3A_2400 = arith.addi %parallel_loop3A_2399, %parallel_loop3A_2398 : i32
        %parallel_loop3A_2401 = arith.index_cast %parallel_loop3A_2400 : i32 to index
        %parallel_loop3A_2402 = tpu.vector_load %arg29[%parallel_loop3A_2401] {strides = array<i32>} : memref<1792xf32, #tpu.memory_space<vmem>>, vector<16xf32>,
        %parallel_loop3A_2403 = arith.minimumf %parallel_loop3A_2375, %parallel_loop3A_2402 : vector<16xf32>
        %parallel_loop3A_2404 = arith.constant 16 : i32
        %parallel_loop3A_2405 = arith.muli %parallel_loop3A_607, %parallel_loop3A_2404 : i32
        %parallel_loop3A_2406 = arith.constant 112 : i32
        %parallel_loop3A_2407 = arith.addi %parallel_loop3A_2406, %parallel_loop3A_2405 : i32
        %parallel_loop3A_2408 = arith.index_cast %parallel_loop3A_2407 : i32 to index
        %parallel_loop3A_2409 = tpu.vector_load %arg29[%parallel_loop3A_2408] {strides = array<i32>} : memref<1792xf32, #tpu.memory_space<vmem>>, vector<16xf32>,
        %parallel_loop3A_2410 = arith.minimumf %parallel_loop3A_2382, %parallel_loop3A_2409 : vector<16xf32>
        %parallel_loop3A_2411 = arith.constant 16 : i32
        %parallel_loop3A_2412 = arith.muli %parallel_loop3A_607, %parallel_loop3A_2411 : i32
        %parallel_loop3A_2413 = arith.constant 224 : i32
        %parallel_loop3A_2414 = arith.addi %parallel_loop3A_2413, %parallel_loop3A_2412 : i32
        %parallel_loop3A_2415 = arith.index_cast %parallel_loop3A_2414 : i32 to index
        %parallel_loop3A_2416 = tpu.vector_load %arg29[%parallel_loop3A_2415] {strides = array<i32>} : memref<1792xf32, #tpu.memory_space<vmem>>, vector<16xf32>,
        %parallel_loop3A_2417 = arith.minimumf %parallel_loop3A_2389, %parallel_loop3A_2416 : vector<16xf32>
        %parallel_loop3A_2418 = arith.constant 16 : i32
        %parallel_loop3A_2419 = arith.muli %parallel_loop3A_607, %parallel_loop3A_2418 : i32
        %parallel_loop3A_2420 = arith.constant 336 : i32
        %parallel_loop3A_2421 = arith.addi %parallel_loop3A_2420, %parallel_loop3A_2419 : i32
        %parallel_loop3A_2422 = arith.index_cast %parallel_loop3A_2421 : i32 to index
        %parallel_loop3A_2423 = tpu.vector_load %arg29[%parallel_loop3A_2422] {strides = array<i32>} : memref<1792xf32, #tpu.memory_space<vmem>>, vector<16xf32>,
        %parallel_loop3A_2424 = arith.minimumf %parallel_loop3A_2396, %parallel_loop3A_2423 : vector<16xf32>
        %parallel_loop3A_2425 = arith.constant 16 : i32
        %parallel_loop3A_2426 = arith.muli %parallel_loop3A_607, %parallel_loop3A_2425 : i32
        %parallel_loop3A_2427 = arith.constant 448 : i32
        %parallel_loop3A_2428 = arith.addi %parallel_loop3A_2427, %parallel_loop3A_2426 : i32
        %parallel_loop3A_2429 = arith.index_cast %parallel_loop3A_2428 : i32 to index
        %parallel_loop3A_2430 = tpu.vector_load %arg29[%parallel_loop3A_2429] {strides = array<i32>} : memref<1792xf32, #tpu.memory_space<vmem>>, vector<16xf32>,
        %parallel_loop3A_2431 = arith.minimumf %parallel_loop3A_2403, %parallel_loop3A_2430 : vector<16xf32>
        %parallel_loop3A_2432 = arith.constant 16 : i32
        %parallel_loop3A_2433 = arith.muli %parallel_loop3A_607, %parallel_loop3A_2432 : i32
        %parallel_loop3A_2434 = arith.constant 560 : i32
        %parallel_loop3A_2435 = arith.addi %parallel_loop3A_2434, %parallel_loop3A_2433 : i32
        %parallel_loop3A_2436 = arith.index_cast %parallel_loop3A_2435 : i32 to index
        %parallel_loop3A_2437 = tpu.vector_load %arg29[%parallel_loop3A_2436] {strides = array<i32>} : memref<1792xf32, #tpu.memory_space<vmem>>, vector<16xf32>,
        %parallel_loop3A_2438 = arith.minimumf %parallel_loop3A_2410, %parallel_loop3A_2437 : vector<16xf32>
        %parallel_loop3A_2439 = arith.constant 16 : i32
        %parallel_loop3A_2440 = arith.muli %parallel_loop3A_607, %parallel_loop3A_2439 : i32
        %parallel_loop3A_2441 = arith.constant 672 : i32
        %parallel_loop3A_2442 = arith.addi %parallel_loop3A_2441, %parallel_loop3A_2440 : i32
        %parallel_loop3A_2443 = arith.index_cast %parallel_loop3A_2442 : i32 to index
        %parallel_loop3A_2444 = tpu.vector_load %arg29[%parallel_loop3A_2443] {strides = array<i32>} : memref<1792xf32, #tpu.memory_space<vmem>>, vector<16xf32>,
        %parallel_loop3A_2445 = arith.minimumf %parallel_loop3A_2417, %parallel_loop3A_2444 : vector<16xf32>
        %parallel_loop3A_2446 = arith.constant 16 : i32
        %parallel_loop3A_2447 = arith.muli %parallel_loop3A_607, %parallel_loop3A_2446 : i32
        %parallel_loop3A_2448 = arith.constant 784 : i32
        %parallel_loop3A_2449 = arith.addi %parallel_loop3A_2448, %parallel_loop3A_2447 : i32
        %parallel_loop3A_2450 = arith.index_cast %parallel_loop3A_2449 : i32 to index
        %parallel_loop3A_2451 = tpu.vector_load %arg29[%parallel_loop3A_2450] {strides = array<i32>} : memref<1792xf32, #tpu.memory_space<vmem>>, vector<16xf32>,
        %parallel_loop3A_2452 = arith.minimumf %parallel_loop3A_2424, %parallel_loop3A_2451 : vector<16xf32>
        %parallel_loop3A_2453 = arith.constant 16 : i32
        %parallel_loop3A_2454 = arith.muli %parallel_loop3A_607, %parallel_loop3A_2453 : i32
        %parallel_loop3A_2455 = arith.constant 896 : i32
        %parallel_loop3A_2456 = arith.addi %parallel_loop3A_2455, %parallel_loop3A_2454 : i32
        %parallel_loop3A_2457 = arith.index_cast %parallel_loop3A_2456 : i32 to index
        %parallel_loop3A_2458 = tpu.vector_load %arg29[%parallel_loop3A_2457] {strides = array<i32>} : memref<1792xf32, #tpu.memory_space<vmem>>, vector<16xf32>,
        %parallel_loop3A_2459 = arith.minimumf %parallel_loop3A_2431, %parallel_loop3A_2458 : vector<16xf32>
        %parallel_loop3A_2460 = arith.constant 16 : i32
        %parallel_loop3A_2461 = arith.muli %parallel_loop3A_607, %parallel_loop3A_2460 : i32
        %parallel_loop3A_2462 = arith.constant 1008 : i32
        %parallel_loop3A_2463 = arith.addi %parallel_loop3A_2462, %parallel_loop3A_2461 : i32
        %parallel_loop3A_2464 = arith.index_cast %parallel_loop3A_2463 : i32 to index
        %parallel_loop3A_2465 = tpu.vector_load %arg29[%parallel_loop3A_2464] {strides = array<i32>} : memref<1792xf32, #tpu.memory_space<vmem>>, vector<16xf32>,
        %parallel_loop3A_2466 = arith.minimumf %parallel_loop3A_2438, %parallel_loop3A_2465 : vector<16xf32>
        %parallel_loop3A_2467 = arith.constant 16 : i32
        %parallel_loop3A_2468 = arith.muli %parallel_loop3A_607, %parallel_loop3A_2467 : i32
        %parallel_loop3A_2469 = arith.constant 1120 : i32
        %parallel_loop3A_2470 = arith.addi %parallel_loop3A_2469, %parallel_loop3A_2468 : i32
        %parallel_loop3A_2471 = arith.index_cast %parallel_loop3A_2470 : i32 to index
        %parallel_loop3A_2472 = tpu.vector_load %arg29[%parallel_loop3A_2471] {strides = array<i32>} : memref<1792xf32, #tpu.memory_space<vmem>>, vector<16xf32>,
        %parallel_loop3A_2473 = arith.minimumf %parallel_loop3A_2445, %parallel_loop3A_2472 : vector<16xf32>
        %parallel_loop3A_2474 = arith.constant 16 : i32
        %parallel_loop3A_2475 = arith.muli %parallel_loop3A_607, %parallel_loop3A_2474 : i32
        %parallel_loop3A_2476 = arith.constant 1232 : i32
        %parallel_loop3A_2477 = arith.addi %parallel_loop3A_2476, %parallel_loop3A_2475 : i32
        %parallel_loop3A_2478 = arith.index_cast %parallel_loop3A_2477 : i32 to index
        %parallel_loop3A_2479 = tpu.vector_load %arg29[%parallel_loop3A_2478] {strides = array<i32>} : memref<1792xf32, #tpu.memory_space<vmem>>, vector<16xf32>,
        %parallel_loop3A_2480 = arith.minimumf %parallel_loop3A_2452, %parallel_loop3A_2479 : vector<16xf32>
        %parallel_loop3A_2481 = arith.constant 16 : i32
        %parallel_loop3A_2482 = arith.muli %parallel_loop3A_607, %parallel_loop3A_2481 : i32
        %parallel_loop3A_2483 = arith.constant 1344 : i32
        %parallel_loop3A_2484 = arith.addi %parallel_loop3A_2483, %parallel_loop3A_2482 : i32
        %parallel_loop3A_2485 = arith.index_cast %parallel_loop3A_2484 : i32 to index
        %parallel_loop3A_2486 = tpu.vector_load %arg29[%parallel_loop3A_2485] {strides = array<i32>} : memref<1792xf32, #tpu.memory_space<vmem>>, vector<16xf32>,
        %parallel_loop3A_2487 = arith.minimumf %parallel_loop3A_2459, %parallel_loop3A_2486 : vector<16xf32>
        %parallel_loop3A_2488 = arith.constant 16 : i32
        %parallel_loop3A_2489 = arith.muli %parallel_loop3A_607, %parallel_loop3A_2488 : i32
        %parallel_loop3A_2490 = arith.constant 1456 : i32
        %parallel_loop3A_2491 = arith.addi %parallel_loop3A_2490, %parallel_loop3A_2489 : i32
        %parallel_loop3A_2492 = arith.index_cast %parallel_loop3A_2491 : i32 to index
        %parallel_loop3A_2493 = tpu.vector_load %arg29[%parallel_loop3A_2492] {strides = array<i32>} : memref<1792xf32, #tpu.memory_space<vmem>>, vector<16xf32>,
        %parallel_loop3A_2494 = arith.minimumf %parallel_loop3A_2466, %parallel_loop3A_2493 : vector<16xf32>
        %parallel_loop3A_2495 = arith.constant 16 : i32
        %parallel_loop3A_2496 = arith.muli %parallel_loop3A_607, %parallel_loop3A_2495 : i32
        %parallel_loop3A_2497 = arith.constant 1568 : i32
        %parallel_loop3A_2498 = arith.addi %parallel_loop3A_2497, %parallel_loop3A_2496 : i32
        %parallel_loop3A_2499 = arith.index_cast %parallel_loop3A_2498 : i32 to index
        %parallel_loop3A_2500 = tpu.vector_load %arg29[%parallel_loop3A_2499] {strides = array<i32>} : memref<1792xf32, #tpu.memory_space<vmem>>, vector<16xf32>,
        %parallel_loop3A_2501 = arith.minimumf %parallel_loop3A_2473, %parallel_loop3A_2500 : vector<16xf32>
        %parallel_loop3A_2502 = arith.constant 16 : i32
        %parallel_loop3A_2503 = arith.muli %parallel_loop3A_607, %parallel_loop3A_2502 : i32
        %parallel_loop3A_2504 = arith.constant 1680 : i32
        %parallel_loop3A_2505 = arith.addi %parallel_loop3A_2504, %parallel_loop3A_2503 : i32
        %parallel_loop3A_2506 = arith.index_cast %parallel_loop3A_2505 : i32 to index
        %parallel_loop3A_2507 = tpu.vector_load %arg29[%parallel_loop3A_2506] {strides = array<i32>} : memref<1792xf32, #tpu.memory_space<vmem>>, vector<16xf32>,
        %parallel_loop3A_2508 = arith.minimumf %parallel_loop3A_2480, %parallel_loop3A_2507 : vector<16xf32>
        %parallel_loop3A_2509 = arith.minimumf %parallel_loop3A_2487, %parallel_loop3A_2494 : vector<16xf32>
        %parallel_loop3A_2510 = arith.minimumf %parallel_loop3A_2501, %parallel_loop3A_2508 : vector<16xf32>
        %parallel_loop3A_2511 = arith.minimumf %parallel_loop3A_2509, %parallel_loop3A_2510 : vector<16xf32>
        %parallel_loop3A_2512 = arith.constant 16 : i32
        %parallel_loop3A_2513 = arith.muli %parallel_loop3A_607, %parallel_loop3A_2512 : i32
        %parallel_loop3A_2514 = arith.constant 0 : i32
        %parallel_loop3A_2515 = arith.addi %parallel_loop3A_2514, %parallel_loop3A_2513 : i32
        %parallel_loop3A_2516 = arith.index_cast %parallel_loop3A_2515 : i32 to index
        %parallel_loop3A_2517 = tpu.vector_load %arg24[%parallel_loop3A_2516] {strides = array<i32>} : memref<1792xf32, #tpu.memory_space<vmem>>, vector<16xf32>,
        tpu.vector_store %arg24[%parallel_loop3A_2516], %broadcast_in_dim3A_25 {strides = array<i32>} : memref<1792xf32, #tpu.memory_space<vmem>>, vector<16xf32>,
        %parallel_loop3A_2518 = arith.constant 16 : i32
        %parallel_loop3A_2519 = arith.muli %parallel_loop3A_607, %parallel_loop3A_2518 : i32
        %parallel_loop3A_2520 = arith.constant 112 : i32
        %parallel_loop3A_2521 = arith.addi %parallel_loop3A_2520, %parallel_loop3A_2519 : i32
        %parallel_loop3A_2522 = arith.index_cast %parallel_loop3A_2521 : i32 to index
        %parallel_loop3A_2523 = tpu.vector_load %arg24[%parallel_loop3A_2522] {strides = array<i32>} : memref<1792xf32, #tpu.memory_space<vmem>>, vector<16xf32>,
        tpu.vector_store %arg24[%parallel_loop3A_2522], %broadcast_in_dim3A_25 {strides = array<i32>} : memref<1792xf32, #tpu.memory_space<vmem>>, vector<16xf32>,
        %parallel_loop3A_2524 = arith.constant 16 : i32
        %parallel_loop3A_2525 = arith.muli %parallel_loop3A_607, %parallel_loop3A_2524 : i32
        %parallel_loop3A_2526 = arith.constant 224 : i32
        %parallel_loop3A_2527 = arith.addi %parallel_loop3A_2526, %parallel_loop3A_2525 : i32
        %parallel_loop3A_2528 = arith.index_cast %parallel_loop3A_2527 : i32 to index
        %parallel_loop3A_2529 = tpu.vector_load %arg24[%parallel_loop3A_2528] {strides = array<i32>} : memref<1792xf32, #tpu.memory_space<vmem>>, vector<16xf32>,
        tpu.vector_store %arg24[%parallel_loop3A_2528], %broadcast_in_dim3A_25 {strides = array<i32>} : memref<1792xf32, #tpu.memory_space<vmem>>, vector<16xf32>,
        %parallel_loop3A_2530 = arith.constant 16 : i32
        %parallel_loop3A_2531 = arith.muli %parallel_loop3A_607, %parallel_loop3A_2530 : i32
        %parallel_loop3A_2532 = arith.constant 336 : i32
        %parallel_loop3A_2533 = arith.addi %parallel_loop3A_2532, %parallel_loop3A_2531 : i32
        %parallel_loop3A_2534 = arith.index_cast %parallel_loop3A_2533 : i32 to index
        %parallel_loop3A_2535 = tpu.vector_load %arg24[%parallel_loop3A_2534] {strides = array<i32>} : memref<1792xf32, #tpu.memory_space<vmem>>, vector<16xf32>,
        tpu.vector_store %arg24[%parallel_loop3A_2534], %broadcast_in_dim3A_25 {strides = array<i32>} : memref<1792xf32, #tpu.memory_space<vmem>>, vector<16xf32>,
        %parallel_loop3A_2536 = arith.constant 16 : i32
        %parallel_loop3A_2537 = arith.muli %parallel_loop3A_607, %parallel_loop3A_2536 : i32
        %parallel_loop3A_2538 = arith.constant 448 : i32
        %parallel_loop3A_2539 = arith.addi %parallel_loop3A_2538, %parallel_loop3A_2537 : i32
        %parallel_loop3A_2540 = arith.index_cast %parallel_loop3A_2539 : i32 to index
        %parallel_loop3A_2541 = tpu.vector_load %arg24[%parallel_loop3A_2540] {strides = array<i32>} : memref<1792xf32, #tpu.memory_space<vmem>>, vector<16xf32>,
        tpu.vector_store %arg24[%parallel_loop3A_2540], %broadcast_in_dim3A_25 {strides = array<i32>} : memref<1792xf32, #tpu.memory_space<vmem>>, vector<16xf32>,
        %parallel_loop3A_2542 = arith.constant 16 : i32
        %parallel_loop3A_2543 = arith.muli %parallel_loop3A_607, %parallel_loop3A_2542 : i32
        %parallel_loop3A_2544 = arith.constant 560 : i32
        %parallel_loop3A_2545 = arith.addi %parallel_loop3A_2544, %parallel_loop3A_2543 : i32
        %parallel_loop3A_2546 = arith.index_cast %parallel_loop3A_2545 : i32 to index
        %parallel_loop3A_2547 = tpu.vector_load %arg24[%parallel_loop3A_2546] {strides = array<i32>} : memref<1792xf32, #tpu.memory_space<vmem>>, vector<16xf32>,
        tpu.vector_store %arg24[%parallel_loop3A_2546], %broadcast_in_dim3A_25 {strides = array<i32>} : memref<1792xf32, #tpu.memory_space<vmem>>, vector<16xf32>,
        %parallel_loop3A_2548 = arith.constant 16 : i32
        %parallel_loop3A_2549 = arith.muli %parallel_loop3A_607, %parallel_loop3A_2548 : i32
        %parallel_loop3A_2550 = arith.constant 672 : i32
        %parallel_loop3A_2551 = arith.addi %parallel_loop3A_2550, %parallel_loop3A_2549 : i32
        %parallel_loop3A_2552 = arith.index_cast %parallel_loop3A_2551 : i32 to index
        %parallel_loop3A_2553 = tpu.vector_load %arg24[%parallel_loop3A_2552] {strides = array<i32>} : memref<1792xf32, #tpu.memory_space<vmem>>, vector<16xf32>,
        tpu.vector_store %arg24[%parallel_loop3A_2552], %broadcast_in_dim3A_25 {strides = array<i32>} : memref<1792xf32, #tpu.memory_space<vmem>>, vector<16xf32>,
        %parallel_loop3A_2554 = arith.constant 16 : i32
        %parallel_loop3A_2555 = arith.muli %parallel_loop3A_607, %parallel_loop3A_2554 : i32
        %parallel_loop3A_2556 = arith.constant 784 : i32
        %parallel_loop3A_2557 = arith.addi %parallel_loop3A_2556, %parallel_loop3A_2555 : i32
        %parallel_loop3A_2558 = arith.index_cast %parallel_loop3A_2557 : i32 to index
        %parallel_loop3A_2559 = tpu.vector_load %arg24[%parallel_loop3A_2558] {strides = array<i32>} : memref<1792xf32, #tpu.memory_space<vmem>>, vector<16xf32>,
        tpu.vector_store %arg24[%parallel_loop3A_2558], %broadcast_in_dim3A_25 {strides = array<i32>} : memref<1792xf32, #tpu.memory_space<vmem>>, vector<16xf32>,
        %parallel_loop3A_2560 = arith.constant 16 : i32
        %parallel_loop3A_2561 = arith.muli %parallel_loop3A_607, %parallel_loop3A_2560 : i32
        %parallel_loop3A_2562 = arith.constant 896 : i32
        %parallel_loop3A_2563 = arith.addi %parallel_loop3A_2562, %parallel_loop3A_2561 : i32
        %parallel_loop3A_2564 = arith.index_cast %parallel_loop3A_2563 : i32 to index
        %parallel_loop3A_2565 = tpu.vector_load %arg24[%parallel_loop3A_2564] {strides = array<i32>} : memref<1792xf32, #tpu.memory_space<vmem>>, vector<16xf32>,
        tpu.vector_store %arg24[%parallel_loop3A_2564], %broadcast_in_dim3A_25 {strides = array<i32>} : memref<1792xf32, #tpu.memory_space<vmem>>, vector<16xf32>,
        %parallel_loop3A_2566 = arith.constant 16 : i32
        %parallel_loop3A_2567 = arith.muli %parallel_loop3A_607, %parallel_loop3A_2566 : i32
        %parallel_loop3A_2568 = arith.constant 1008 : i32
        %parallel_loop3A_2569 = arith.addi %parallel_loop3A_2568, %parallel_loop3A_2567 : i32
        %parallel_loop3A_2570 = arith.index_cast %parallel_loop3A_2569 : i32 to index
        %parallel_loop3A_2571 = tpu.vector_load %arg24[%parallel_loop3A_2570] {strides = array<i32>} : memref<1792xf32, #tpu.memory_space<vmem>>, vector<16xf32>,
        tpu.vector_store %arg24[%parallel_loop3A_2570], %broadcast_in_dim3A_25 {strides = array<i32>} : memref<1792xf32, #tpu.memory_space<vmem>>, vector<16xf32>,
        %parallel_loop3A_2572 = arith.constant 16 : i32
        %parallel_loop3A_2573 = arith.muli %parallel_loop3A_607, %parallel_loop3A_2572 : i32
        %parallel_loop3A_2574 = arith.constant 1120 : i32
        %parallel_loop3A_2575 = arith.addi %parallel_loop3A_2574, %parallel_loop3A_2573 : i32
        %parallel_loop3A_2576 = arith.index_cast %parallel_loop3A_2575 : i32 to index
        %parallel_loop3A_2577 = tpu.vector_load %arg24[%parallel_loop3A_2576] {strides = array<i32>} : memref<1792xf32, #tpu.memory_space<vmem>>, vector<16xf32>,
        tpu.vector_store %arg24[%parallel_loop3A_2576], %broadcast_in_dim3A_25 {strides = array<i32>} : memref<1792xf32, #tpu.memory_space<vmem>>, vector<16xf32>,
        %parallel_loop3A_2578 = arith.constant 16 : i32
        %parallel_loop3A_2579 = arith.muli %parallel_loop3A_607, %parallel_loop3A_2578 : i32
        %parallel_loop3A_2580 = arith.constant 1232 : i32
        %parallel_loop3A_2581 = arith.addi %parallel_loop3A_2580, %parallel_loop3A_2579 : i32
        %parallel_loop3A_2582 = arith.index_cast %parallel_loop3A_2581 : i32 to index
        %parallel_loop3A_2583 = tpu.vector_load %arg24[%parallel_loop3A_2582] {strides = array<i32>} : memref<1792xf32, #tpu.memory_space<vmem>>, vector<16xf32>,
        tpu.vector_store %arg24[%parallel_loop3A_2582], %broadcast_in_dim3A_25 {strides = array<i32>} : memref<1792xf32, #tpu.memory_space<vmem>>, vector<16xf32>,
        %parallel_loop3A_2584 = arith.constant 16 : i32
        %parallel_loop3A_2585 = arith.muli %parallel_loop3A_607, %parallel_loop3A_2584 : i32
        %parallel_loop3A_2586 = arith.constant 1344 : i32
        %parallel_loop3A_2587 = arith.addi %parallel_loop3A_2586, %parallel_loop3A_2585 : i32
        %parallel_loop3A_2588 = arith.index_cast %parallel_loop3A_2587 : i32 to index
        %parallel_loop3A_2589 = tpu.vector_load %arg24[%parallel_loop3A_2588] {strides = array<i32>} : memref<1792xf32, #tpu.memory_space<vmem>>, vector<16xf32>,
        tpu.vector_store %arg24[%parallel_loop3A_2588], %broadcast_in_dim3A_25 {strides = array<i32>} : memref<1792xf32, #tpu.memory_space<vmem>>, vector<16xf32>,
        %parallel_loop3A_2590 = arith.constant 16 : i32
        %parallel_loop3A_2591 = arith.muli %parallel_loop3A_607, %parallel_loop3A_2590 : i32
        %parallel_loop3A_2592 = arith.constant 1456 : i32
        %parallel_loop3A_2593 = arith.addi %parallel_loop3A_2592, %parallel_loop3A_2591 : i32
        %parallel_loop3A_2594 = arith.index_cast %parallel_loop3A_2593 : i32 to index
        %parallel_loop3A_2595 = tpu.vector_load %arg24[%parallel_loop3A_2594] {strides = array<i32>} : memref<1792xf32, #tpu.memory_space<vmem>>, vector<16xf32>,
        tpu.vector_store %arg24[%parallel_loop3A_2594], %broadcast_in_dim3A_25 {strides = array<i32>} : memref<1792xf32, #tpu.memory_space<vmem>>, vector<16xf32>,
        %parallel_loop3A_2596 = arith.constant 16 : i32
        %parallel_loop3A_2597 = arith.muli %parallel_loop3A_607, %parallel_loop3A_2596 : i32
        %parallel_loop3A_2598 = arith.constant 1568 : i32
        %parallel_loop3A_2599 = arith.addi %parallel_loop3A_2598, %parallel_loop3A_2597 : i32
        %parallel_loop3A_2600 = arith.index_cast %parallel_loop3A_2599 : i32 to index
        %parallel_loop3A_2601 = tpu.vector_load %arg24[%parallel_loop3A_2600] {strides = array<i32>} : memref<1792xf32, #tpu.memory_space<vmem>>, vector<16xf32>,
        tpu.vector_store %arg24[%parallel_loop3A_2600], %broadcast_in_dim3A_25 {strides = array<i32>} : memref<1792xf32, #tpu.memory_space<vmem>>, vector<16xf32>,
        %parallel_loop3A_2602 = arith.constant 16 : i32
        %parallel_loop3A_2603 = arith.muli %parallel_loop3A_607, %parallel_loop3A_2602 : i32
        %parallel_loop3A_2604 = arith.constant 1680 : i32
        %parallel_loop3A_2605 = arith.addi %parallel_loop3A_2604, %parallel_loop3A_2603 : i32
        %parallel_loop3A_2606 = arith.index_cast %parallel_loop3A_2605 : i32 to index
        %parallel_loop3A_2607 = tpu.vector_load %arg24[%parallel_loop3A_2606] {strides = array<i32>} : memref<1792xf32, #tpu.memory_space<vmem>>, vector<16xf32>,
        tpu.vector_store %arg24[%parallel_loop3A_2606], %broadcast_in_dim3A_25 {strides = array<i32>} : memref<1792xf32, #tpu.memory_space<vmem>>, vector<16xf32>,
        %parallel_loop3A_2608 = arith.constant 16 : i32
        %parallel_loop3A_2609 = arith.muli %parallel_loop3A_607, %parallel_loop3A_2608 : i32
        %parallel_loop3A_2610 = arith.constant 0 : i32
        %parallel_loop3A_2611 = arith.addi %parallel_loop3A_2610, %parallel_loop3A_2609 : i32
        %parallel_loop3A_2612 = arith.index_cast %parallel_loop3A_2611 : i32 to index
        %parallel_loop3A_2613 = tpu.vector_load %arg29[%parallel_loop3A_2612] {strides = array<i32>} : memref<1792xf32, #tpu.memory_space<vmem>>, vector<16xf32>,
        tpu.vector_store %arg29[%parallel_loop3A_2612], %broadcast_in_dim3A_25 {strides = array<i32>} : memref<1792xf32, #tpu.memory_space<vmem>>, vector<16xf32>,
        %parallel_loop3A_2614 = arith.constant 16 : i32
        %parallel_loop3A_2615 = arith.muli %parallel_loop3A_607, %parallel_loop3A_2614 : i32
        %parallel_loop3A_2616 = arith.constant 112 : i32
        %parallel_loop3A_2617 = arith.addi %parallel_loop3A_2616, %parallel_loop3A_2615 : i32
        %parallel_loop3A_2618 = arith.index_cast %parallel_loop3A_2617 : i32 to index
        %parallel_loop3A_2619 = tpu.vector_load %arg29[%parallel_loop3A_2618] {strides = array<i32>} : memref<1792xf32, #tpu.memory_space<vmem>>, vector<16xf32>,
        tpu.vector_store %arg29[%parallel_loop3A_2618], %broadcast_in_dim3A_25 {strides = array<i32>} : memref<1792xf32, #tpu.memory_space<vmem>>, vector<16xf32>,
        %parallel_loop3A_2620 = arith.constant 16 : i32
        %parallel_loop3A_2621 = arith.muli %parallel_loop3A_607, %parallel_loop3A_2620 : i32
        %parallel_loop3A_2622 = arith.constant 224 : i32
        %parallel_loop3A_2623 = arith.addi %parallel_loop3A_2622, %parallel_loop3A_2621 : i32
        %parallel_loop3A_2624 = arith.index_cast %parallel_loop3A_2623 : i32 to index
        %parallel_loop3A_2625 = tpu.vector_load %arg29[%parallel_loop3A_2624] {strides = array<i32>} : memref<1792xf32, #tpu.memory_space<vmem>>, vector<16xf32>,
        tpu.vector_store %arg29[%parallel_loop3A_2624], %broadcast_in_dim3A_25 {strides = array<i32>} : memref<1792xf32, #tpu.memory_space<vmem>>, vector<16xf32>,
        %parallel_loop3A_2626 = arith.constant 16 : i32
        %parallel_loop3A_2627 = arith.muli %parallel_loop3A_607, %parallel_loop3A_2626 : i32
        %parallel_loop3A_2628 = arith.constant 336 : i32
        %parallel_loop3A_2629 = arith.addi %parallel_loop3A_2628, %parallel_loop3A_2627 : i32
        %parallel_loop3A_2630 = arith.index_cast %parallel_loop3A_2629 : i32 to index
        %parallel_loop3A_2631 = tpu.vector_load %arg29[%parallel_loop3A_2630] {strides = array<i32>} : memref<1792xf32, #tpu.memory_space<vmem>>, vector<16xf32>,
        tpu.vector_store %arg29[%parallel_loop3A_2630], %broadcast_in_dim3A_25 {strides = array<i32>} : memref<1792xf32, #tpu.memory_space<vmem>>, vector<16xf32>,
        %parallel_loop3A_2632 = arith.constant 16 : i32
        %parallel_loop3A_2633 = arith.muli %parallel_loop3A_607, %parallel_loop3A_2632 : i32
        %parallel_loop3A_2634 = arith.constant 448 : i32
        %parallel_loop3A_2635 = arith.addi %parallel_loop3A_2634, %parallel_loop3A_2633 : i32
        %parallel_loop3A_2636 = arith.index_cast %parallel_loop3A_2635 : i32 to index
        %parallel_loop3A_2637 = tpu.vector_load %arg29[%parallel_loop3A_2636] {strides = array<i32>} : memref<1792xf32, #tpu.memory_space<vmem>>, vector<16xf32>,
        tpu.vector_store %arg29[%parallel_loop3A_2636], %broadcast_in_dim3A_25 {strides = array<i32>} : memref<1792xf32, #tpu.memory_space<vmem>>, vector<16xf32>,
        %parallel_loop3A_2638 = arith.constant 16 : i32
        %parallel_loop3A_2639 = arith.muli %parallel_loop3A_607, %parallel_loop3A_2638 : i32
        %parallel_loop3A_2640 = arith.constant 560 : i32
        %parallel_loop3A_2641 = arith.addi %parallel_loop3A_2640, %parallel_loop3A_2639 : i32
        %parallel_loop3A_2642 = arith.index_cast %parallel_loop3A_2641 : i32 to index
        %parallel_loop3A_2643 = tpu.vector_load %arg29[%parallel_loop3A_2642] {strides = array<i32>} : memref<1792xf32, #tpu.memory_space<vmem>>, vector<16xf32>,
        tpu.vector_store %arg29[%parallel_loop3A_2642], %broadcast_in_dim3A_25 {strides = array<i32>} : memref<1792xf32, #tpu.memory_space<vmem>>, vector<16xf32>,
        %parallel_loop3A_2644 = arith.constant 16 : i32
        %parallel_loop3A_2645 = arith.muli %parallel_loop3A_607, %parallel_loop3A_2644 : i32
        %parallel_loop3A_2646 = arith.constant 672 : i32
        %parallel_loop3A_2647 = arith.addi %parallel_loop3A_2646, %parallel_loop3A_2645 : i32
        %parallel_loop3A_2648 = arith.index_cast %parallel_loop3A_2647 : i32 to index
        %parallel_loop3A_2649 = tpu.vector_load %arg29[%parallel_loop3A_2648] {strides = array<i32>} : memref<1792xf32, #tpu.memory_space<vmem>>, vector<16xf32>,
        tpu.vector_store %arg29[%parallel_loop3A_2648], %broadcast_in_dim3A_25 {strides = array<i32>} : memref<1792xf32, #tpu.memory_space<vmem>>, vector<16xf32>,
        %parallel_loop3A_2650 = arith.constant 16 : i32
        %parallel_loop3A_2651 = arith.muli %parallel_loop3A_607, %parallel_loop3A_2650 : i32
        %parallel_loop3A_2652 = arith.constant 784 : i32
        %parallel_loop3A_2653 = arith.addi %parallel_loop3A_2652, %parallel_loop3A_2651 : i32
        %parallel_loop3A_2654 = arith.index_cast %parallel_loop3A_2653 : i32 to index
        %parallel_loop3A_2655 = tpu.vector_load %arg29[%parallel_loop3A_2654] {strides = array<i32>} : memref<1792xf32, #tpu.memory_space<vmem>>, vector<16xf32>,
        tpu.vector_store %arg29[%parallel_loop3A_2654], %broadcast_in_dim3A_25 {strides = array<i32>} : memref<1792xf32, #tpu.memory_space<vmem>>, vector<16xf32>,
        %parallel_loop3A_2656 = arith.constant 16 : i32
        %parallel_loop3A_2657 = arith.muli %parallel_loop3A_607, %parallel_loop3A_2656 : i32
        %parallel_loop3A_2658 = arith.constant 896 : i32
        %parallel_loop3A_2659 = arith.addi %parallel_loop3A_2658, %parallel_loop3A_2657 : i32
        %parallel_loop3A_2660 = arith.index_cast %parallel_loop3A_2659 : i32 to index
        %parallel_loop3A_2661 = tpu.vector_load %arg29[%parallel_loop3A_2660] {strides = array<i32>} : memref<1792xf32, #tpu.memory_space<vmem>>, vector<16xf32>,
        tpu.vector_store %arg29[%parallel_loop3A_2660], %broadcast_in_dim3A_25 {strides = array<i32>} : memref<1792xf32, #tpu.memory_space<vmem>>, vector<16xf32>,
        %parallel_loop3A_2662 = arith.constant 16 : i32
        %parallel_loop3A_2663 = arith.muli %parallel_loop3A_607, %parallel_loop3A_2662 : i32
        %parallel_loop3A_2664 = arith.constant 1008 : i32
        %parallel_loop3A_2665 = arith.addi %parallel_loop3A_2664, %parallel_loop3A_2663 : i32
        %parallel_loop3A_2666 = arith.index_cast %parallel_loop3A_2665 : i32 to index
        %parallel_loop3A_2667 = tpu.vector_load %arg29[%parallel_loop3A_2666] {strides = array<i32>} : memref<1792xf32, #tpu.memory_space<vmem>>, vector<16xf32>,
        tpu.vector_store %arg29[%parallel_loop3A_2666], %broadcast_in_dim3A_25 {strides = array<i32>} : memref<1792xf32, #tpu.memory_space<vmem>>, vector<16xf32>,
        %parallel_loop3A_2668 = arith.constant 16 : i32
        %parallel_loop3A_2669 = arith.muli %parallel_loop3A_607, %parallel_loop3A_2668 : i32
        %parallel_loop3A_2670 = arith.constant 1120 : i32
        %parallel_loop3A_2671 = arith.addi %parallel_loop3A_2670, %parallel_loop3A_2669 : i32
        %parallel_loop3A_2672 = arith.index_cast %parallel_loop3A_2671 : i32 to index
        %parallel_loop3A_2673 = tpu.vector_load %arg29[%parallel_loop3A_2672] {strides = array<i32>} : memref<1792xf32, #tpu.memory_space<vmem>>, vector<16xf32>,
        tpu.vector_store %arg29[%parallel_loop3A_2672], %broadcast_in_dim3A_25 {strides = array<i32>} : memref<1792xf32, #tpu.memory_space<vmem>>, vector<16xf32>,
        %parallel_loop3A_2674 = arith.constant 16 : i32
        %parallel_loop3A_2675 = arith.muli %parallel_loop3A_607, %parallel_loop3A_2674 : i32
        %parallel_loop3A_2676 = arith.constant 1232 : i32
        %parallel_loop3A_2677 = arith.addi %parallel_loop3A_2676, %parallel_loop3A_2675 : i32
        %parallel_loop3A_2678 = arith.index_cast %parallel_loop3A_2677 : i32 to index
        %parallel_loop3A_2679 = tpu.vector_load %arg29[%parallel_loop3A_2678] {strides = array<i32>} : memref<1792xf32, #tpu.memory_space<vmem>>, vector<16xf32>,
        tpu.vector_store %arg29[%parallel_loop3A_2678], %broadcast_in_dim3A_25 {strides = array<i32>} : memref<1792xf32, #tpu.memory_space<vmem>>, vector<16xf32>,
        %parallel_loop3A_2680 = arith.constant 16 : i32
        %parallel_loop3A_2681 = arith.muli %parallel_loop3A_607, %parallel_loop3A_2680 : i32
        %parallel_loop3A_2682 = arith.constant 1344 : i32
        %parallel_loop3A_2683 = arith.addi %parallel_loop3A_2682, %parallel_loop3A_2681 : i32
        %parallel_loop3A_2684 = arith.index_cast %parallel_loop3A_2683 : i32 to index
        %parallel_loop3A_2685 = tpu.vector_load %arg29[%parallel_loop3A_2684] {strides = array<i32>} : memref<1792xf32, #tpu.memory_space<vmem>>, vector<16xf32>,
        tpu.vector_store %arg29[%parallel_loop3A_2684], %broadcast_in_dim3A_25 {strides = array<i32>} : memref<1792xf32, #tpu.memory_space<vmem>>, vector<16xf32>,
        %parallel_loop3A_2686 = arith.constant 16 : i32
        %parallel_loop3A_2687 = arith.muli %parallel_loop3A_607, %parallel_loop3A_2686 : i32
        %parallel_loop3A_2688 = arith.constant 1456 : i32
        %parallel_loop3A_2689 = arith.addi %parallel_loop3A_2688, %parallel_loop3A_2687 : i32
        %parallel_loop3A_2690 = arith.index_cast %parallel_loop3A_2689 : i32 to index
        %parallel_loop3A_2691 = tpu.vector_load %arg29[%parallel_loop3A_2690] {strides = array<i32>} : memref<1792xf32, #tpu.memory_space<vmem>>, vector<16xf32>,
        tpu.vector_store %arg29[%parallel_loop3A_2690], %broadcast_in_dim3A_25 {strides = array<i32>} : memref<1792xf32, #tpu.memory_space<vmem>>, vector<16xf32>,
        %parallel_loop3A_2692 = arith.constant 16 : i32
        %parallel_loop3A_2693 = arith.muli %parallel_loop3A_607, %parallel_loop3A_2692 : i32
        %parallel_loop3A_2694 = arith.constant 1568 : i32
        %parallel_loop3A_2695 = arith.addi %parallel_loop3A_2694, %parallel_loop3A_2693 : i32
        %parallel_loop3A_2696 = arith.index_cast %parallel_loop3A_2695 : i32 to index
        %parallel_loop3A_2697 = tpu.vector_load %arg29[%parallel_loop3A_2696] {strides = array<i32>} : memref<1792xf32, #tpu.memory_space<vmem>>, vector<16xf32>,
        tpu.vector_store %arg29[%parallel_loop3A_2696], %broadcast_in_dim3A_25 {strides = array<i32>} : memref<1792xf32, #tpu.memory_space<vmem>>, vector<16xf32>,
        %parallel_loop3A_2698 = arith.constant 16 : i32
        %parallel_loop3A_2699 = arith.muli %parallel_loop3A_607, %parallel_loop3A_2698 : i32
        %parallel_loop3A_2700 = arith.constant 1680 : i32
        %parallel_loop3A_2701 = arith.addi %parallel_loop3A_2700, %parallel_loop3A_2699 : i32
        %parallel_loop3A_2702 = arith.index_cast %parallel_loop3A_2701 : i32 to index
        %parallel_loop3A_2703 = tpu.vector_load %arg29[%parallel_loop3A_2702] {strides = array<i32>} : memref<1792xf32, #tpu.memory_space<vmem>>, vector<16xf32>,
        tpu.vector_store %arg29[%parallel_loop3A_2702], %broadcast_in_dim3A_25 {strides = array<i32>} : memref<1792xf32, #tpu.memory_space<vmem>>, vector<16xf32>,
        %parallel_loop3A_2704 = tpu.vector_load_idx %arg10[%parallel_loop3A_616] masked %parallel_loop3A_614 : memref<400xf32, #tpu.memory_space<vmem>>[vector<16xi32>], vector<16xf32>, vector<16xi1>
        %parallel_loop3A_2705 = arith.cmpf oeq, %parallel_loop3A_2511, %broadcast_in_dim3A_25 : vector<16xf32>
        %parallel_loop3A_2706 = arith.select %parallel_loop3A_2705, %parallel_loop3A_2704, %parallel_loop3A_2511 : vector<16xi1>, vector<16xf32>
        tpu.vector_store_idx %arg15[%parallel_loop3A_616], %parallel_loop3A_2706 masked %parallel_loop3A_614 : memref<400xf32, #tpu.memory_space<vmem>>[vector<16xi32>], vector<16xf32>, vector<16xi1>
      } {sc.loop_unroll_factor = 1 : i64, sc.parallel_access}
      %parallel_loop3A_488 = arith.constant 0 : i32
      %parallel_loop3A_489 = arith.constant 100 : i32
      %parallel_loop3A_490 = arith.constant 1 : i32
      %parallel_loop3A_491:15 = scf.for %parallel_loop3A_607 = %parallel_loop3A_488 to %parallel_loop3A_489 step %parallel_loop3A_490 iter_args(%parallel_loop3A_608 = %broadcast_in_dim3A_27, %parallel_loop3A_609 = %broadcast_in_dim3A_27, %parallel_loop3A_610 = %broadcast_in_dim3A_27, %parallel_loop3A_611 = %broadcast_in_dim3A_27, %parallel_loop3A_612 = %broadcast_in_dim3A_27, %parallel_loop3A_613 = %broadcast_in_dim3A_27, %parallel_loop3A_614 = %broadcast_in_dim3A_27, %parallel_loop3A_615 = %broadcast_in_dim3A_27, %parallel_loop3A_616 = %broadcast_in_dim3A_27, %parallel_loop3A_617 = %broadcast_in_dim3A_27, %parallel_loop3A_618 = %broadcast_in_dim3A_29, %parallel_loop3A_619 = %broadcast_in_dim3A_29, %parallel_loop3A_620 = %broadcast_in_dim3A_29, %parallel_loop3A_621 = %broadcast_in_dim3A_29, %parallel_loop3A_622 = %broadcast_in_dim3A_29) -> (vector<16xf32>, vector<16xf32>, vector<16xf32>, vector<16xf32>, vector<16xf32>, vector<16xf32>, vector<16xf32>, vector<16xf32>, vector<16xf32>, vector<16xf32>, vector<16xf32>, vector<16xf32>, vector<16xf32>, vector<16xf32>, vector<16xf32>)  : i32 {
        %parallel_loop3A_623 = arith.constant 1600 : i32
        %parallel_loop3A_624 = arith.muli %scan3A_473, %parallel_loop3A_623 : i32
        %parallel_loop3A_625 = arith.constant 16 : i32
        %parallel_loop3A_626 = arith.muli %parallel_loop3A_607, %parallel_loop3A_625 : i32
        %parallel_loop3A_627 = arith.addi %parallel_loop3A_624, %parallel_loop3A_626 : i32
        %parallel_loop3A_628 = arith.constant 128 : i32
        %parallel_loop3A_629 = arith.divsi %parallel_loop3A_627, %parallel_loop3A_628 : i32
        %parallel_loop3A_630 = arith.constant 0 : i32
        %parallel_loop3A_631 = arith.cmpi sgt, %parallel_loop3A_627, %parallel_loop3A_630 : i32
        %parallel_loop3A_632 = arith.extui %parallel_loop3A_631 : i1 to i32
        %parallel_loop3A_633 = arith.constant 0 : i32
        %parallel_loop3A_634 = arith.cmpi slt, %parallel_loop3A_627, %parallel_loop3A_633 : i32
        %parallel_loop3A_635 = arith.extui %parallel_loop3A_634 : i1 to i32
        %parallel_loop3A_636 = arith.subi %parallel_loop3A_632, %parallel_loop3A_635 : i32
        %parallel_loop3A_637 = arith.constant 0 : i32
        %parallel_loop3A_638 = arith.cmpi sgt, %parallel_loop3A_628, %parallel_loop3A_637 : i32
        %parallel_loop3A_639 = arith.extui %parallel_loop3A_638 : i1 to i32
        %parallel_loop3A_640 = arith.constant 0 : i32
        %parallel_loop3A_641 = arith.cmpi slt, %parallel_loop3A_628, %parallel_loop3A_640 : i32
        %parallel_loop3A_642 = arith.extui %parallel_loop3A_641 : i1 to i32
        %parallel_loop3A_643 = arith.subi %parallel_loop3A_639, %parallel_loop3A_642 : i32
        %parallel_loop3A_644 = arith.cmpi ne, %parallel_loop3A_636, %parallel_loop3A_643 : i32
        %parallel_loop3A_645 = arith.remsi %parallel_loop3A_627, %parallel_loop3A_628 : i32
        %parallel_loop3A_646 = arith.constant 0 : i32
        %parallel_loop3A_647 = arith.cmpi ne, %parallel_loop3A_645, %parallel_loop3A_646 : i32
        %parallel_loop3A_648 = arith.andi %parallel_loop3A_644, %parallel_loop3A_647 : i1
        %parallel_loop3A_649 = arith.constant 1 : i32
        %parallel_loop3A_650 = arith.subi %parallel_loop3A_629, %parallel_loop3A_649 : i32
        %parallel_loop3A_651 = arith.select %parallel_loop3A_648, %parallel_loop3A_650, %parallel_loop3A_629 : i32
        %parallel_loop3A_652 = arith.constant 128 : i32
        %parallel_loop3A_653 = arith.muli %parallel_loop3A_651, %parallel_loop3A_652 : i32
        %parallel_loop3A_654 = arith.subi %parallel_loop3A_627, %parallel_loop3A_653 : i32
        %parallel_loop3A_655 = arith.constant 0 : i32
        %parallel_loop3A_656 = arith.index_cast %parallel_loop3A_651 : i32 to index
        %parallel_loop3A_657 = arith.index_cast %parallel_loop3A_655 : i32 to index
        %parallel_loop3A_658 = arith.index_cast %parallel_loop3A_654 : i32 to index
        %parallel_loop3A_659 = tpu.vector_load %arg16[%parallel_loop3A_656, %parallel_loop3A_657, %parallel_loop3A_658] {strides = array<i32>} : memref<50x2x128xi32, #tpu.memory_space<vmem>>, vector<16xi32>,
        %parallel_loop3A_660 = arith.constant 1 : i32
        %parallel_loop3A_661 = arith.index_cast %parallel_loop3A_651 : i32 to index
        %parallel_loop3A_662 = arith.index_cast %parallel_loop3A_660 : i32 to index
        %parallel_loop3A_663 = arith.index_cast %parallel_loop3A_654 : i32 to index
        %parallel_loop3A_664 = tpu.vector_load %arg16[%parallel_loop3A_661, %parallel_loop3A_662, %parallel_loop3A_663] {strides = array<i32>} : memref<50x2x128xi32, #tpu.memory_space<vmem>>, vector<16xi32>,
        %parallel_loop3A_665 = vector.broadcast %mul3A_478 : i32 to vector<16xi32>
        %parallel_loop3A_666 = arith.addi %parallel_loop3A_665, %parallel_loop3A_659 : vector<16xi32>
        %parallel_loop3A_667 = vector.broadcast %mul3A_476 : i32 to vector<16xi32>
        %parallel_loop3A_668 = arith.subi %parallel_loop3A_666, %parallel_loop3A_667 : vector<16xi32>
        %parallel_loop3A_669 = vector.broadcast %mul3A_478 : i32 to vector<16xi32>
        %parallel_loop3A_670 = arith.addi %parallel_loop3A_669, %parallel_loop3A_664 : vector<16xi32>
        %parallel_loop3A_671 = vector.broadcast %mul3A_476 : i32 to vector<16xi32>
        %parallel_loop3A_672 = arith.subi %parallel_loop3A_670, %parallel_loop3A_671 : vector<16xi32>
        %parallel_loop3A_673 = arith.constant 16 : i32
        %parallel_loop3A_674 = arith.muli %parallel_loop3A_607, %parallel_loop3A_673 : i32
        %parallel_loop3A_675 = arith.constant 0 : i32
        %parallel_loop3A_676 = arith.addi %parallel_loop3A_675, %parallel_loop3A_674 : i32
        %parallel_loop3A_677 = arith.index_cast %parallel_loop3A_676 : i32 to index
        %parallel_loop3A_678 = tpu.vector_load %arg17[%parallel_loop3A_677] {strides = array<i32>} : memref<8000xf32, #tpu.memory_space<vmem>>, vector<16xf32>,
        %parallel_loop3A_679 = tpu.vector_load_idx %arg11[%parallel_loop3A_668] : memref<400xf32, #tpu.memory_space<vmem>>[vector<16xi32>], vector<16xf32>,
        %parallel_loop3A_680 = tpu.vector_load_idx %arg11[%parallel_loop3A_672] : memref<400xf32, #tpu.memory_space<vmem>>[vector<16xi32>], vector<16xf32>,
        %parallel_loop3A_681 = arith.maximumf %parallel_loop3A_679, %parallel_loop3A_680 : vector<16xf32>
        %parallel_loop3A_682 = arith.cmpf ogt, %parallel_loop3A_678, %parallel_loop3A_681 : vector<16xf32>
        %parallel_loop3A_683 = arith.constant 0.000000e+00 : f32
        %parallel_loop3A_684 = vector.broadcast %parallel_loop3A_683 : f32 to vector<16xf32>
        %parallel_loop3A_685 = arith.select %parallel_loop3A_682, %parallel_loop3A_678, %parallel_loop3A_684 : vector<16xi1>, vector<16xf32>
        %parallel_loop3A_686 = arith.addf %parallel_loop3A_608, %parallel_loop3A_685 : vector<16xf32>
        %parallel_loop3A_687 = arith.constant 1.000000e+00 : f32
        %parallel_loop3A_688 = arith.constant 0.000000e+00 : f32
        %parallel_loop3A_689 = vector.broadcast %parallel_loop3A_687 : f32 to vector<16xf32>
        %parallel_loop3A_690 = vector.broadcast %parallel_loop3A_688 : f32 to vector<16xf32>
        %parallel_loop3A_691 = arith.select %parallel_loop3A_682, %parallel_loop3A_689, %parallel_loop3A_690 : vector<16xi1>, vector<16xf32>
        %parallel_loop3A_692 = arith.addf %parallel_loop3A_613, %parallel_loop3A_691 : vector<16xf32>
        %parallel_loop3A_693 = arith.maximumf %parallel_loop3A_618, %parallel_loop3A_678 : vector<16xf32>
        %parallel_loop3A_694 = arith.constant 16 : i32
        %parallel_loop3A_695 = arith.muli %parallel_loop3A_607, %parallel_loop3A_694 : i32
        %parallel_loop3A_696 = arith.constant 1600 : i32
        %parallel_loop3A_697 = arith.addi %parallel_loop3A_696, %parallel_loop3A_695 : i32
        %parallel_loop3A_698 = arith.index_cast %parallel_loop3A_697 : i32 to index
        %parallel_loop3A_699 = tpu.vector_load %arg17[%parallel_loop3A_698] {strides = array<i32>} : memref<8000xf32, #tpu.memory_space<vmem>>, vector<16xf32>,
        %parallel_loop3A_700 = tpu.vector_load_idx %arg12[%parallel_loop3A_668] : memref<400xf32, #tpu.memory_space<vmem>>[vector<16xi32>], vector<16xf32>,
        %parallel_loop3A_701 = tpu.vector_load_idx %arg12[%parallel_loop3A_672] : memref<400xf32, #tpu.memory_space<vmem>>[vector<16xi32>], vector<16xf32>,
        %parallel_loop3A_702 = arith.maximumf %parallel_loop3A_700, %parallel_loop3A_701 : vector<16xf32>
        %parallel_loop3A_703 = arith.cmpf ogt, %parallel_loop3A_699, %parallel_loop3A_702 : vector<16xf32>
        %parallel_loop3A_704 = arith.constant 0.000000e+00 : f32
        %parallel_loop3A_705 = vector.broadcast %parallel_loop3A_704 : f32 to vector<16xf32>
        %parallel_loop3A_706 = arith.select %parallel_loop3A_703, %parallel_loop3A_699, %parallel_loop3A_705 : vector<16xi1>, vector<16xf32>
        %parallel_loop3A_707 = arith.addf %parallel_loop3A_609, %parallel_loop3A_706 : vector<16xf32>
        %parallel_loop3A_708 = arith.constant 1.000000e+00 : f32
        %parallel_loop3A_709 = arith.constant 0.000000e+00 : f32
        %parallel_loop3A_710 = vector.broadcast %parallel_loop3A_708 : f32 to vector<16xf32>
        %parallel_loop3A_711 = vector.broadcast %parallel_loop3A_709 : f32 to vector<16xf32>
        %parallel_loop3A_712 = arith.select %parallel_loop3A_703, %parallel_loop3A_710, %parallel_loop3A_711 : vector<16xi1>, vector<16xf32>
        %parallel_loop3A_713 = arith.addf %parallel_loop3A_614, %parallel_loop3A_712 : vector<16xf32>
        %parallel_loop3A_714 = arith.maximumf %parallel_loop3A_619, %parallel_loop3A_699 : vector<16xf32>
        %parallel_loop3A_715 = arith.constant 16 : i32
        %parallel_loop3A_716 = arith.muli %parallel_loop3A_607, %parallel_loop3A_715 : i32
        %parallel_loop3A_717 = arith.constant 3200 : i32
        %parallel_loop3A_718 = arith.addi %parallel_loop3A_717, %parallel_loop3A_716 : i32
        %parallel_loop3A_719 = arith.index_cast %parallel_loop3A_718 : i32 to index
        %parallel_loop3A_720 = tpu.vector_load %arg17[%parallel_loop3A_719] {strides = array<i32>} : memref<8000xf32, #tpu.memory_space<vmem>>, vector<16xf32>,
        %parallel_loop3A_721 = tpu.vector_load_idx %arg13[%parallel_loop3A_668] : memref<400xf32, #tpu.memory_space<vmem>>[vector<16xi32>], vector<16xf32>,
        %parallel_loop3A_722 = tpu.vector_load_idx %arg13[%parallel_loop3A_672] : memref<400xf32, #tpu.memory_space<vmem>>[vector<16xi32>], vector<16xf32>,
        %parallel_loop3A_723 = arith.maximumf %parallel_loop3A_721, %parallel_loop3A_722 : vector<16xf32>
        %parallel_loop3A_724 = arith.cmpf ogt, %parallel_loop3A_720, %parallel_loop3A_723 : vector<16xf32>
        %parallel_loop3A_725 = arith.constant 0.000000e+00 : f32
        %parallel_loop3A_726 = vector.broadcast %parallel_loop3A_725 : f32 to vector<16xf32>
        %parallel_loop3A_727 = arith.select %parallel_loop3A_724, %parallel_loop3A_720, %parallel_loop3A_726 : vector<16xi1>, vector<16xf32>
        %parallel_loop3A_728 = arith.addf %parallel_loop3A_610, %parallel_loop3A_727 : vector<16xf32>
        %parallel_loop3A_729 = arith.constant 1.000000e+00 : f32
        %parallel_loop3A_730 = arith.constant 0.000000e+00 : f32
        %parallel_loop3A_731 = vector.broadcast %parallel_loop3A_729 : f32 to vector<16xf32>
        %parallel_loop3A_732 = vector.broadcast %parallel_loop3A_730 : f32 to vector<16xf32>
        %parallel_loop3A_733 = arith.select %parallel_loop3A_724, %parallel_loop3A_731, %parallel_loop3A_732 : vector<16xi1>, vector<16xf32>
        %parallel_loop3A_734 = arith.addf %parallel_loop3A_615, %parallel_loop3A_733 : vector<16xf32>
        %parallel_loop3A_735 = arith.maximumf %parallel_loop3A_620, %parallel_loop3A_720 : vector<16xf32>
        %parallel_loop3A_736 = arith.constant 16 : i32
        %parallel_loop3A_737 = arith.muli %parallel_loop3A_607, %parallel_loop3A_736 : i32
        %parallel_loop3A_738 = arith.constant 4800 : i32
        %parallel_loop3A_739 = arith.addi %parallel_loop3A_738, %parallel_loop3A_737 : i32
        %parallel_loop3A_740 = arith.index_cast %parallel_loop3A_739 : i32 to index
        %parallel_loop3A_741 = tpu.vector_load %arg17[%parallel_loop3A_740] {strides = array<i32>} : memref<8000xf32, #tpu.memory_space<vmem>>, vector<16xf32>,
        %parallel_loop3A_742 = tpu.vector_load_idx %arg14[%parallel_loop3A_668] : memref<400xf32, #tpu.memory_space<vmem>>[vector<16xi32>], vector<16xf32>,
        %parallel_loop3A_743 = tpu.vector_load_idx %arg14[%parallel_loop3A_672] : memref<400xf32, #tpu.memory_space<vmem>>[vector<16xi32>], vector<16xf32>,
        %parallel_loop3A_744 = arith.maximumf %parallel_loop3A_742, %parallel_loop3A_743 : vector<16xf32>
        %parallel_loop3A_745 = arith.cmpf ogt, %parallel_loop3A_741, %parallel_loop3A_744 : vector<16xf32>
        %parallel_loop3A_746 = arith.constant 0.000000e+00 : f32
        %parallel_loop3A_747 = vector.broadcast %parallel_loop3A_746 : f32 to vector<16xf32>
        %parallel_loop3A_748 = arith.select %parallel_loop3A_745, %parallel_loop3A_741, %parallel_loop3A_747 : vector<16xi1>, vector<16xf32>
        %parallel_loop3A_749 = arith.addf %parallel_loop3A_611, %parallel_loop3A_748 : vector<16xf32>
        %parallel_loop3A_750 = arith.constant 1.000000e+00 : f32
        %parallel_loop3A_751 = arith.constant 0.000000e+00 : f32
        %parallel_loop3A_752 = vector.broadcast %parallel_loop3A_750 : f32 to vector<16xf32>
        %parallel_loop3A_753 = vector.broadcast %parallel_loop3A_751 : f32 to vector<16xf32>
        %parallel_loop3A_754 = arith.select %parallel_loop3A_745, %parallel_loop3A_752, %parallel_loop3A_753 : vector<16xi1>, vector<16xf32>
        %parallel_loop3A_755 = arith.addf %parallel_loop3A_616, %parallel_loop3A_754 : vector<16xf32>
        %parallel_loop3A_756 = arith.maximumf %parallel_loop3A_621, %parallel_loop3A_741 : vector<16xf32>
        %parallel_loop3A_757 = arith.constant 16 : i32
        %parallel_loop3A_758 = arith.muli %parallel_loop3A_607, %parallel_loop3A_757 : i32
        %parallel_loop3A_759 = arith.constant 6400 : i32
        %parallel_loop3A_760 = arith.addi %parallel_loop3A_759, %parallel_loop3A_758 : i32
        %parallel_loop3A_761 = arith.index_cast %parallel_loop3A_760 : i32 to index
        %parallel_loop3A_762 = tpu.vector_load %arg17[%parallel_loop3A_761] {strides = array<i32>} : memref<8000xf32, #tpu.memory_space<vmem>>, vector<16xf32>,
        %parallel_loop3A_763 = tpu.vector_load_idx %arg15[%parallel_loop3A_668] : memref<400xf32, #tpu.memory_space<vmem>>[vector<16xi32>], vector<16xf32>,
        %parallel_loop3A_764 = tpu.vector_load_idx %arg15[%parallel_loop3A_672] : memref<400xf32, #tpu.memory_space<vmem>>[vector<16xi32>], vector<16xf32>,
        %parallel_loop3A_765 = arith.maximumf %parallel_loop3A_763, %parallel_loop3A_764 : vector<16xf32>
        %parallel_loop3A_766 = arith.cmpf ogt, %parallel_loop3A_762, %parallel_loop3A_765 : vector<16xf32>
        %parallel_loop3A_767 = arith.constant 0.000000e+00 : f32
        %parallel_loop3A_768 = vector.broadcast %parallel_loop3A_767 : f32 to vector<16xf32>
        %parallel_loop3A_769 = arith.select %parallel_loop3A_766, %parallel_loop3A_762, %parallel_loop3A_768 : vector<16xi1>, vector<16xf32>
        %parallel_loop3A_770 = arith.addf %parallel_loop3A_612, %parallel_loop3A_769 : vector<16xf32>
        %parallel_loop3A_771 = arith.constant 1.000000e+00 : f32
        %parallel_loop3A_772 = arith.constant 0.000000e+00 : f32
        %parallel_loop3A_773 = vector.broadcast %parallel_loop3A_771 : f32 to vector<16xf32>
        %parallel_loop3A_774 = vector.broadcast %parallel_loop3A_772 : f32 to vector<16xf32>
        %parallel_loop3A_775 = arith.select %parallel_loop3A_766, %parallel_loop3A_773, %parallel_loop3A_774 : vector<16xi1>, vector<16xf32>
        %parallel_loop3A_776 = arith.addf %parallel_loop3A_617, %parallel_loop3A_775 : vector<16xf32>
        %parallel_loop3A_777 = arith.maximumf %parallel_loop3A_622, %parallel_loop3A_762 : vector<16xf32>
        scf.yield %parallel_loop3A_686, %parallel_loop3A_707, %parallel_loop3A_728, %parallel_loop3A_749, %parallel_loop3A_770, %parallel_loop3A_692, %parallel_loop3A_713, %parallel_loop3A_734, %parallel_loop3A_755, %parallel_loop3A_776, %parallel_loop3A_693, %parallel_loop3A_714, %parallel_loop3A_735, %parallel_loop3A_756, %parallel_loop3A_777 : vector<16xf32>, vector<16xf32>, vector<16xf32>, vector<16xf32>, vector<16xf32>, vector<16xf32>, vector<16xf32>, vector<16xf32>, vector<16xf32>, vector<16xf32>, vector<16xf32>, vector<16xf32>, vector<16xf32>, vector<16xf32>, vector<16xf32>
      } {sc.loop_unroll_factor = 1 : i64, sc.parallel_access}
      %reduce_sum3A = arith.constant true
      %reduce_sum3A_492 = vector.broadcast %reduce_sum3A : i1 to vector<16xi1>
      %reduce_sum3A_493 = tpu.scan <sum>, %parallel_loop3A_491#0 masked %reduce_sum3A_492 : vector<16xf32>, vector<16xi1> -> vector<16xf32>
      %reduce_sum3A_494 = vector.extract %reduce_sum3A_493[15] : f32 from vector<16xf32>
      %reduce_max3A = arith.constant true
      %reduce_max3A_495 = vector.broadcast %reduce_max3A : i1 to vector<16xi1>
      %reduce_max3A_496 = tpu.scan <max>, %parallel_loop3A_491#10 masked %reduce_max3A_495 : vector<16xf32>, vector<16xi1> -> vector<16xf32>
      %reduce_max3A_497 = vector.extract %reduce_max3A_496[15] : f32 from vector<16xf32>
      %reduce_sum3A_498 = arith.constant true
      %reduce_sum3A_499 = vector.broadcast %reduce_sum3A_498 : i1 to vector<16xi1>
      %reduce_sum3A_500 = tpu.scan <sum>, %parallel_loop3A_491#5 masked %reduce_sum3A_499 : vector<16xf32>, vector<16xi1> -> vector<16xf32>
      %reduce_sum3A_501 = vector.extract %reduce_sum3A_500[15] : f32 from vector<16xf32>
      %mul3A_502 = arith.mulf %reduce_max3A_497, %reduce_sum3A_501 : f32
      %eq3A = arith.constant 0 : i32
      %eq3A_503 = vector.broadcast %eq3A : i32 to vector<16xi32>
      %eq3A_504 = arith.cmpi eq, %iota3A, %eq3A_503 : vector<16xi32>
      %broadcast_in_dim3A_505 = vector.broadcast %reduce_sum3A_494 : f32 to vector<16xf32>
      %select_n3A_506 = arith.select %eq3A_504, %broadcast_in_dim3A_505, %broadcast_in_dim3A_27 : vector<16xi1>, vector<16xf32>
      %eq3A_507 = arith.constant 1 : i32
      %eq3A_508 = vector.broadcast %eq3A_507 : i32 to vector<16xi32>
      %eq3A_509 = arith.cmpi eq, %iota3A, %eq3A_508 : vector<16xi32>
      %broadcast_in_dim3A_510 = vector.broadcast %mul3A_502 : f32 to vector<16xf32>
      %select_n3A_511 = arith.select %eq3A_509, %broadcast_in_dim3A_510, %select_n3A_506 : vector<16xi1>, vector<16xf32>
      %reduce_sum3A_512 = arith.constant true
      %reduce_sum3A_513 = vector.broadcast %reduce_sum3A_512 : i1 to vector<16xi1>
      %reduce_sum3A_514 = tpu.scan <sum>, %parallel_loop3A_491#1 masked %reduce_sum3A_513 : vector<16xf32>, vector<16xi1> -> vector<16xf32>
      %reduce_sum3A_515 = vector.extract %reduce_sum3A_514[15] : f32 from vector<16xf32>
      %reduce_max3A_516 = arith.constant true
      %reduce_max3A_517 = vector.broadcast %reduce_max3A_516 : i1 to vector<16xi1>
      %reduce_max3A_518 = tpu.scan <max>, %parallel_loop3A_491#11 masked %reduce_max3A_517 : vector<16xf32>, vector<16xi1> -> vector<16xf32>
      %reduce_max3A_519 = vector.extract %reduce_max3A_518[15] : f32 from vector<16xf32>
      %reduce_sum3A_520 = arith.constant true
      %reduce_sum3A_521 = vector.broadcast %reduce_sum3A_520 : i1 to vector<16xi1>
      %reduce_sum3A_522 = tpu.scan <sum>, %parallel_loop3A_491#6 masked %reduce_sum3A_521 : vector<16xf32>, vector<16xi1> -> vector<16xf32>
      %reduce_sum3A_523 = vector.extract %reduce_sum3A_522[15] : f32 from vector<16xf32>
      %mul3A_524 = arith.mulf %reduce_max3A_519, %reduce_sum3A_523 : f32
      %eq3A_525 = arith.constant 2 : i32
      %eq3A_526 = vector.broadcast %eq3A_525 : i32 to vector<16xi32>
      %eq3A_527 = arith.cmpi eq, %iota3A, %eq3A_526 : vector<16xi32>
      %broadcast_in_dim3A_528 = vector.broadcast %reduce_sum3A_515 : f32 to vector<16xf32>
      %select_n3A_529 = arith.select %eq3A_527, %broadcast_in_dim3A_528, %select_n3A_511 : vector<16xi1>, vector<16xf32>
      %eq3A_530 = arith.constant 3 : i32
      %eq3A_531 = vector.broadcast %eq3A_530 : i32 to vector<16xi32>
      %eq3A_532 = arith.cmpi eq, %iota3A, %eq3A_531 : vector<16xi32>
      %broadcast_in_dim3A_533 = vector.broadcast %mul3A_524 : f32 to vector<16xf32>
      %select_n3A_534 = arith.select %eq3A_532, %broadcast_in_dim3A_533, %select_n3A_529 : vector<16xi1>, vector<16xf32>
      %reduce_sum3A_535 = arith.constant true
      %reduce_sum3A_536 = vector.broadcast %reduce_sum3A_535 : i1 to vector<16xi1>
      %reduce_sum3A_537 = tpu.scan <sum>, %parallel_loop3A_491#2 masked %reduce_sum3A_536 : vector<16xf32>, vector<16xi1> -> vector<16xf32>
      %reduce_sum3A_538 = vector.extract %reduce_sum3A_537[15] : f32 from vector<16xf32>
      %reduce_max3A_539 = arith.constant true
      %reduce_max3A_540 = vector.broadcast %reduce_max3A_539 : i1 to vector<16xi1>
      %reduce_max3A_541 = tpu.scan <max>, %parallel_loop3A_491#12 masked %reduce_max3A_540 : vector<16xf32>, vector<16xi1> -> vector<16xf32>
      %reduce_max3A_542 = vector.extract %reduce_max3A_541[15] : f32 from vector<16xf32>
      %reduce_sum3A_543 = arith.constant true
      %reduce_sum3A_544 = vector.broadcast %reduce_sum3A_543 : i1 to vector<16xi1>
      %reduce_sum3A_545 = tpu.scan <sum>, %parallel_loop3A_491#7 masked %reduce_sum3A_544 : vector<16xf32>, vector<16xi1> -> vector<16xf32>
      %reduce_sum3A_546 = vector.extract %reduce_sum3A_545[15] : f32 from vector<16xf32>
      %mul3A_547 = arith.mulf %reduce_max3A_542, %reduce_sum3A_546 : f32
      %eq3A_548 = arith.constant 4 : i32
      %eq3A_549 = vector.broadcast %eq3A_548 : i32 to vector<16xi32>
      %eq3A_550 = arith.cmpi eq, %iota3A, %eq3A_549 : vector<16xi32>
      %broadcast_in_dim3A_551 = vector.broadcast %reduce_sum3A_538 : f32 to vector<16xf32>
      %select_n3A_552 = arith.select %eq3A_550, %broadcast_in_dim3A_551, %select_n3A_534 : vector<16xi1>, vector<16xf32>
      %eq3A_553 = arith.constant 5 : i32
      %eq3A_554 = vector.broadcast %eq3A_553 : i32 to vector<16xi32>
      %eq3A_555 = arith.cmpi eq, %iota3A, %eq3A_554 : vector<16xi32>
      %broadcast_in_dim3A_556 = vector.broadcast %mul3A_547 : f32 to vector<16xf32>
      %select_n3A_557 = arith.select %eq3A_555, %broadcast_in_dim3A_556, %select_n3A_552 : vector<16xi1>, vector<16xf32>
      %reduce_sum3A_558 = arith.constant true
      %reduce_sum3A_559 = vector.broadcast %reduce_sum3A_558 : i1 to vector<16xi1>
      %reduce_sum3A_560 = tpu.scan <sum>, %parallel_loop3A_491#3 masked %reduce_sum3A_559 : vector<16xf32>, vector<16xi1> -> vector<16xf32>
      %reduce_sum3A_561 = vector.extract %reduce_sum3A_560[15] : f32 from vector<16xf32>
      %reduce_max3A_562 = arith.constant true
      %reduce_max3A_563 = vector.broadcast %reduce_max3A_562 : i1 to vector<16xi1>
      %reduce_max3A_564 = tpu.scan <max>, %parallel_loop3A_491#13 masked %reduce_max3A_563 : vector<16xf32>, vector<16xi1> -> vector<16xf32>
      %reduce_max3A_565 = vector.extract %reduce_max3A_564[15] : f32 from vector<16xf32>
      %reduce_sum3A_566 = arith.constant true
      %reduce_sum3A_567 = vector.broadcast %reduce_sum3A_566 : i1 to vector<16xi1>
      %reduce_sum3A_568 = tpu.scan <sum>, %parallel_loop3A_491#8 masked %reduce_sum3A_567 : vector<16xf32>, vector<16xi1> -> vector<16xf32>
      %reduce_sum3A_569 = vector.extract %reduce_sum3A_568[15] : f32 from vector<16xf32>
      %mul3A_570 = arith.mulf %reduce_max3A_565, %reduce_sum3A_569 : f32
      %eq3A_571 = arith.constant 6 : i32
      %eq3A_572 = vector.broadcast %eq3A_571 : i32 to vector<16xi32>
      %eq3A_573 = arith.cmpi eq, %iota3A, %eq3A_572 : vector<16xi32>
      %broadcast_in_dim3A_574 = vector.broadcast %reduce_sum3A_561 : f32 to vector<16xf32>
      %select_n3A_575 = arith.select %eq3A_573, %broadcast_in_dim3A_574, %select_n3A_557 : vector<16xi1>, vector<16xf32>
      %eq3A_576 = arith.constant 7 : i32
      %eq3A_577 = vector.broadcast %eq3A_576 : i32 to vector<16xi32>
      %eq3A_578 = arith.cmpi eq, %iota3A, %eq3A_577 : vector<16xi32>
      %broadcast_in_dim3A_579 = vector.broadcast %mul3A_570 : f32 to vector<16xf32>
      %select_n3A_580 = arith.select %eq3A_578, %broadcast_in_dim3A_579, %select_n3A_575 : vector<16xi1>, vector<16xf32>
      %reduce_sum3A_581 = arith.constant true
      %reduce_sum3A_582 = vector.broadcast %reduce_sum3A_581 : i1 to vector<16xi1>
      %reduce_sum3A_583 = tpu.scan <sum>, %parallel_loop3A_491#4 masked %reduce_sum3A_582 : vector<16xf32>, vector<16xi1> -> vector<16xf32>
      %reduce_sum3A_584 = vector.extract %reduce_sum3A_583[15] : f32 from vector<16xf32>
      %reduce_max3A_585 = arith.constant true
      %reduce_max3A_586 = vector.broadcast %reduce_max3A_585 : i1 to vector<16xi1>
      %reduce_max3A_587 = tpu.scan <max>, %parallel_loop3A_491#14 masked %reduce_max3A_586 : vector<16xf32>, vector<16xi1> -> vector<16xf32>
      %reduce_max3A_588 = vector.extract %reduce_max3A_587[15] : f32 from vector<16xf32>
      %reduce_sum3A_589 = arith.constant true
      %reduce_sum3A_590 = vector.broadcast %reduce_sum3A_589 : i1 to vector<16xi1>
      %reduce_sum3A_591 = tpu.scan <sum>, %parallel_loop3A_491#9 masked %reduce_sum3A_590 : vector<16xf32>, vector<16xi1> -> vector<16xf32>
      %reduce_sum3A_592 = vector.extract %reduce_sum3A_591[15] : f32 from vector<16xf32>
      %mul3A_593 = arith.mulf %reduce_max3A_588, %reduce_sum3A_592 : f32
      %eq3A_594 = arith.constant 8 : i32
      %eq3A_595 = vector.broadcast %eq3A_594 : i32 to vector<16xi32>
      %eq3A_596 = arith.cmpi eq, %iota3A, %eq3A_595 : vector<16xi32>
      %broadcast_in_dim3A_597 = vector.broadcast %reduce_sum3A_584 : f32 to vector<16xf32>
      %select_n3A_598 = arith.select %eq3A_596, %broadcast_in_dim3A_597, %select_n3A_580 : vector<16xi1>, vector<16xf32>
      %eq3A_599 = arith.constant 9 : i32
      %eq3A_600 = vector.broadcast %eq3A_599 : i32 to vector<16xi32>
      %eq3A_601 = arith.cmpi eq, %iota3A, %eq3A_600 : vector<16xi32>
      %broadcast_in_dim3A_602 = vector.broadcast %mul3A_593 : f32 to vector<16xf32>
      %select_n3A_603 = arith.select %eq3A_601, %broadcast_in_dim3A_602, %select_n3A_598 : vector<16xi1>, vector<16xf32>
      %mul3A_604 = arith.constant 16 : i32
      %mul3A_605 = arith.muli %scan3A_473, %mul3A_604 : i32
      %swap3A = arith.index_cast %mul3A_605 : i32 to index
      %swap3A_606 = tpu.vector_load %arg18[%swap3A] {strides = array<i32>} : memref<64xf32, #tpu.memory_space<vmem>>, vector<16xf32>,
      tpu.vector_store %arg18[%swap3A], %select_n3A_603 {strides = array<i32>} : memref<64xf32, #tpu.memory_space<vmem>>, vector<16xf32>,
    }
    %scan3A_286 = arith.constant 4 : i32
    %mul3A_287 = arith.constant 16 : i32
    %mul3A_288 = arith.muli %min3A_3, %mul3A_287 : i32
    %multiple_of3A = tpu.assume_multiple %mul3A_288, 8 : i32
    %dma_start3A_289 = arith.constant 0 : i32
    %dma_start3A_290 = arith.constant 0 : i32
    %dma_start3A_291 = tpu.memref_slice %arg11[%dma_start3A_290] : memref<400xf32, #tpu.memory_space<vmem>> -> memref<200xf32, #tpu.memory_space<vmem>>
    %dma_start3A_292 = tpu.memref_slice %arg4[%select_n3A_55, %dma_start3A_289, %sub3A_58] : memref<5x8x2048xf32, #tpu.memory_space<hbm>> -> memref<1x1x200xf32, #tpu.memory_space<hbm>>
    %dma_start3A_293 = tpu.memref_squeeze %dma_start3A_292 : memref<1x1x200xf32, #tpu.memory_space<hbm>> -> memref<200xf32, #tpu.memory_space<hbm>>
    %dma_start3A_294 = tpu.memref_slice %arg4[%select_n3A_55, %dma_start3A_289, %sub3A_58] : memref<5x8x2048xf32, #tpu.memory_space<hbm>> -> memref<1x1x200xf32, #tpu.memory_space<hbm>>
    %dma_start3A_295 = tpu.memref_squeeze %dma_start3A_294 : memref<1x1x200xf32, #tpu.memory_space<hbm>> -> memref<200xf32, #tpu.memory_space<hbm>>
    %dma_start3A_296 = arith.constant 0 : i32
    %dma_start3A_297 = tpu.memref_slice %arg11[%dma_start3A_296] : memref<400xf32, #tpu.memory_space<vmem>> -> memref<200xf32, #tpu.memory_space<vmem>>
    tpu.enqueue_dma source(%dma_start3A_297 : memref<200xf32, #tpu.memory_space<vmem>>) target(%dma_start3A_295 : memref<200xf32, #tpu.memory_space<hbm>>) target_semaphore(%arg19 : memref<!tpu.dma_semaphore, #tpu.memory_space<semaphore_mem>>)
    %dma_start3A_298 = arith.constant 0 : i32
    %dma_start3A_299 = arith.constant 200 : i32
    %dma_start3A_300 = tpu.memref_slice %arg11[%dma_start3A_299] : memref<400xf32, #tpu.memory_space<vmem>> -> memref<200xf32, #tpu.memory_space<vmem>>
    %dma_start3A_301 = tpu.memref_slice %arg4[%select_n3A_84, %dma_start3A_298, %sub3A_87] : memref<5x8x2048xf32, #tpu.memory_space<hbm>> -> memref<1x1x200xf32, #tpu.memory_space<hbm>>
    %dma_start3A_302 = tpu.memref_squeeze %dma_start3A_301 : memref<1x1x200xf32, #tpu.memory_space<hbm>> -> memref<200xf32, #tpu.memory_space<hbm>>
    %dma_start3A_303 = tpu.memref_slice %arg4[%select_n3A_84, %dma_start3A_298, %sub3A_87] : memref<5x8x2048xf32, #tpu.memory_space<hbm>> -> memref<1x1x200xf32, #tpu.memory_space<hbm>>
    %dma_start3A_304 = tpu.memref_squeeze %dma_start3A_303 : memref<1x1x200xf32, #tpu.memory_space<hbm>> -> memref<200xf32, #tpu.memory_space<hbm>>
    %dma_start3A_305 = arith.constant 200 : i32
    %dma_start3A_306 = tpu.memref_slice %arg11[%dma_start3A_305] : memref<400xf32, #tpu.memory_space<vmem>> -> memref<200xf32, #tpu.memory_space<vmem>>
    tpu.enqueue_dma source(%dma_start3A_306 : memref<200xf32, #tpu.memory_space<vmem>>) target(%dma_start3A_304 : memref<200xf32, #tpu.memory_space<hbm>>) target_semaphore(%arg19 : memref<!tpu.dma_semaphore, #tpu.memory_space<semaphore_mem>>)
    %dma_start3A_307 = arith.constant 1 : i32
    %dma_start3A_308 = arith.constant 0 : i32
    %dma_start3A_309 = tpu.memref_slice %arg12[%dma_start3A_308] : memref<400xf32, #tpu.memory_space<vmem>> -> memref<200xf32, #tpu.memory_space<vmem>>
    %dma_start3A_310 = tpu.memref_slice %arg4[%select_n3A_55, %dma_start3A_307, %sub3A_58] : memref<5x8x2048xf32, #tpu.memory_space<hbm>> -> memref<1x1x200xf32, #tpu.memory_space<hbm>>
    %dma_start3A_311 = tpu.memref_squeeze %dma_start3A_310 : memref<1x1x200xf32, #tpu.memory_space<hbm>> -> memref<200xf32, #tpu.memory_space<hbm>>
    %dma_start3A_312 = tpu.memref_slice %arg4[%select_n3A_55, %dma_start3A_307, %sub3A_58] : memref<5x8x2048xf32, #tpu.memory_space<hbm>> -> memref<1x1x200xf32, #tpu.memory_space<hbm>>
    %dma_start3A_313 = tpu.memref_squeeze %dma_start3A_312 : memref<1x1x200xf32, #tpu.memory_space<hbm>> -> memref<200xf32, #tpu.memory_space<hbm>>
    %dma_start3A_314 = arith.constant 0 : i32
    %dma_start3A_315 = tpu.memref_slice %arg12[%dma_start3A_314] : memref<400xf32, #tpu.memory_space<vmem>> -> memref<200xf32, #tpu.memory_space<vmem>>
    tpu.enqueue_dma source(%dma_start3A_315 : memref<200xf32, #tpu.memory_space<vmem>>) target(%dma_start3A_313 : memref<200xf32, #tpu.memory_space<hbm>>) target_semaphore(%arg19 : memref<!tpu.dma_semaphore, #tpu.memory_space<semaphore_mem>>)
    %dma_start3A_316 = arith.constant 1 : i32
    %dma_start3A_317 = arith.constant 200 : i32
    %dma_start3A_318 = tpu.memref_slice %arg12[%dma_start3A_317] : memref<400xf32, #tpu.memory_space<vmem>> -> memref<200xf32, #tpu.memory_space<vmem>>
    %dma_start3A_319 = tpu.memref_slice %arg4[%select_n3A_84, %dma_start3A_316, %sub3A_87] : memref<5x8x2048xf32, #tpu.memory_space<hbm>> -> memref<1x1x200xf32, #tpu.memory_space<hbm>>
    %dma_start3A_320 = tpu.memref_squeeze %dma_start3A_319 : memref<1x1x200xf32, #tpu.memory_space<hbm>> -> memref<200xf32, #tpu.memory_space<hbm>>
    %dma_start3A_321 = tpu.memref_slice %arg4[%select_n3A_84, %dma_start3A_316, %sub3A_87] : memref<5x8x2048xf32, #tpu.memory_space<hbm>> -> memref<1x1x200xf32, #tpu.memory_space<hbm>>
    %dma_start3A_322 = tpu.memref_squeeze %dma_start3A_321 : memref<1x1x200xf32, #tpu.memory_space<hbm>> -> memref<200xf32, #tpu.memory_space<hbm>>
    %dma_start3A_323 = arith.constant 200 : i32
    %dma_start3A_324 = tpu.memref_slice %arg12[%dma_start3A_323] : memref<400xf32, #tpu.memory_space<vmem>> -> memref<200xf32, #tpu.memory_space<vmem>>
    tpu.enqueue_dma source(%dma_start3A_324 : memref<200xf32, #tpu.memory_space<vmem>>) target(%dma_start3A_322 : memref<200xf32, #tpu.memory_space<hbm>>) target_semaphore(%arg19 : memref<!tpu.dma_semaphore, #tpu.memory_space<semaphore_mem>>)
    %dma_start3A_325 = arith.constant 2 : i32
    %dma_start3A_326 = arith.constant 0 : i32
    %dma_start3A_327 = tpu.memref_slice %arg13[%dma_start3A_326] : memref<400xf32, #tpu.memory_space<vmem>> -> memref<200xf32, #tpu.memory_space<vmem>>
    %dma_start3A_328 = tpu.memref_slice %arg4[%select_n3A_55, %dma_start3A_325, %sub3A_58] : memref<5x8x2048xf32, #tpu.memory_space<hbm>> -> memref<1x1x200xf32, #tpu.memory_space<hbm>>
    %dma_start3A_329 = tpu.memref_squeeze %dma_start3A_328 : memref<1x1x200xf32, #tpu.memory_space<hbm>> -> memref<200xf32, #tpu.memory_space<hbm>>
    %dma_start3A_330 = tpu.memref_slice %arg4[%select_n3A_55, %dma_start3A_325, %sub3A_58] : memref<5x8x2048xf32, #tpu.memory_space<hbm>> -> memref<1x1x200xf32, #tpu.memory_space<hbm>>
    %dma_start3A_331 = tpu.memref_squeeze %dma_start3A_330 : memref<1x1x200xf32, #tpu.memory_space<hbm>> -> memref<200xf32, #tpu.memory_space<hbm>>
    %dma_start3A_332 = arith.constant 0 : i32
    %dma_start3A_333 = tpu.memref_slice %arg13[%dma_start3A_332] : memref<400xf32, #tpu.memory_space<vmem>> -> memref<200xf32, #tpu.memory_space<vmem>>
    tpu.enqueue_dma source(%dma_start3A_333 : memref<200xf32, #tpu.memory_space<vmem>>) target(%dma_start3A_331 : memref<200xf32, #tpu.memory_space<hbm>>) target_semaphore(%arg19 : memref<!tpu.dma_semaphore, #tpu.memory_space<semaphore_mem>>)
    %dma_start3A_334 = arith.constant 2 : i32
    %dma_start3A_335 = arith.constant 200 : i32
    %dma_start3A_336 = tpu.memref_slice %arg13[%dma_start3A_335] : memref<400xf32, #tpu.memory_space<vmem>> -> memref<200xf32, #tpu.memory_space<vmem>>
    %dma_start3A_337 = tpu.memref_slice %arg4[%select_n3A_84, %dma_start3A_334, %sub3A_87] : memref<5x8x2048xf32, #tpu.memory_space<hbm>> -> memref<1x1x200xf32, #tpu.memory_space<hbm>>
    %dma_start3A_338 = tpu.memref_squeeze %dma_start3A_337 : memref<1x1x200xf32, #tpu.memory_space<hbm>> -> memref<200xf32, #tpu.memory_space<hbm>>
    %dma_start3A_339 = tpu.memref_slice %arg4[%select_n3A_84, %dma_start3A_334, %sub3A_87] : memref<5x8x2048xf32, #tpu.memory_space<hbm>> -> memref<1x1x200xf32, #tpu.memory_space<hbm>>
    %dma_start3A_340 = tpu.memref_squeeze %dma_start3A_339 : memref<1x1x200xf32, #tpu.memory_space<hbm>> -> memref<200xf32, #tpu.memory_space<hbm>>
    %dma_start3A_341 = arith.constant 200 : i32
    %dma_start3A_342 = tpu.memref_slice %arg13[%dma_start3A_341] : memref<400xf32, #tpu.memory_space<vmem>> -> memref<200xf32, #tpu.memory_space<vmem>>
    tpu.enqueue_dma source(%dma_start3A_342 : memref<200xf32, #tpu.memory_space<vmem>>) target(%dma_start3A_340 : memref<200xf32, #tpu.memory_space<hbm>>) target_semaphore(%arg19 : memref<!tpu.dma_semaphore, #tpu.memory_space<semaphore_mem>>)
    %dma_start3A_343 = arith.constant 3 : i32
    %dma_start3A_344 = arith.constant 0 : i32
    %dma_start3A_345 = tpu.memref_slice %arg14[%dma_start3A_344] : memref<400xf32, #tpu.memory_space<vmem>> -> memref<200xf32, #tpu.memory_space<vmem>>
    %dma_start3A_346 = tpu.memref_slice %arg4[%select_n3A_55, %dma_start3A_343, %sub3A_58] : memref<5x8x2048xf32, #tpu.memory_space<hbm>> -> memref<1x1x200xf32, #tpu.memory_space<hbm>>
    %dma_start3A_347 = tpu.memref_squeeze %dma_start3A_346 : memref<1x1x200xf32, #tpu.memory_space<hbm>> -> memref<200xf32, #tpu.memory_space<hbm>>
    %dma_start3A_348 = tpu.memref_slice %arg4[%select_n3A_55, %dma_start3A_343, %sub3A_58] : memref<5x8x2048xf32, #tpu.memory_space<hbm>> -> memref<1x1x200xf32, #tpu.memory_space<hbm>>
    %dma_start3A_349 = tpu.memref_squeeze %dma_start3A_348 : memref<1x1x200xf32, #tpu.memory_space<hbm>> -> memref<200xf32, #tpu.memory_space<hbm>>
    %dma_start3A_350 = arith.constant 0 : i32
    %dma_start3A_351 = tpu.memref_slice %arg14[%dma_start3A_350] : memref<400xf32, #tpu.memory_space<vmem>> -> memref<200xf32, #tpu.memory_space<vmem>>
    tpu.enqueue_dma source(%dma_start3A_351 : memref<200xf32, #tpu.memory_space<vmem>>) target(%dma_start3A_349 : memref<200xf32, #tpu.memory_space<hbm>>) target_semaphore(%arg19 : memref<!tpu.dma_semaphore, #tpu.memory_space<semaphore_mem>>)
    %dma_start3A_352 = arith.constant 3 : i32
    %dma_start3A_353 = arith.constant 200 : i32
    %dma_start3A_354 = tpu.memref_slice %arg14[%dma_start3A_353] : memref<400xf32, #tpu.memory_space<vmem>> -> memref<200xf32, #tpu.memory_space<vmem>>
    %dma_start3A_355 = tpu.memref_slice %arg4[%select_n3A_84, %dma_start3A_352, %sub3A_87] : memref<5x8x2048xf32, #tpu.memory_space<hbm>> -> memref<1x1x200xf32, #tpu.memory_space<hbm>>
    %dma_start3A_356 = tpu.memref_squeeze %dma_start3A_355 : memref<1x1x200xf32, #tpu.memory_space<hbm>> -> memref<200xf32, #tpu.memory_space<hbm>>
    %dma_start3A_357 = tpu.memref_slice %arg4[%select_n3A_84, %dma_start3A_352, %sub3A_87] : memref<5x8x2048xf32, #tpu.memory_space<hbm>> -> memref<1x1x200xf32, #tpu.memory_space<hbm>>
    %dma_start3A_358 = tpu.memref_squeeze %dma_start3A_357 : memref<1x1x200xf32, #tpu.memory_space<hbm>> -> memref<200xf32, #tpu.memory_space<hbm>>
    %dma_start3A_359 = arith.constant 200 : i32
    %dma_start3A_360 = tpu.memref_slice %arg14[%dma_start3A_359] : memref<400xf32, #tpu.memory_space<vmem>> -> memref<200xf32, #tpu.memory_space<vmem>>
    tpu.enqueue_dma source(%dma_start3A_360 : memref<200xf32, #tpu.memory_space<vmem>>) target(%dma_start3A_358 : memref<200xf32, #tpu.memory_space<hbm>>) target_semaphore(%arg19 : memref<!tpu.dma_semaphore, #tpu.memory_space<semaphore_mem>>)
    %dma_start3A_361 = arith.constant 4 : i32
    %dma_start3A_362 = arith.constant 0 : i32
    %dma_start3A_363 = tpu.memref_slice %arg15[%dma_start3A_362] : memref<400xf32, #tpu.memory_space<vmem>> -> memref<200xf32, #tpu.memory_space<vmem>>
    %dma_start3A_364 = tpu.memref_slice %arg4[%select_n3A_55, %dma_start3A_361, %sub3A_58] : memref<5x8x2048xf32, #tpu.memory_space<hbm>> -> memref<1x1x200xf32, #tpu.memory_space<hbm>>
    %dma_start3A_365 = tpu.memref_squeeze %dma_start3A_364 : memref<1x1x200xf32, #tpu.memory_space<hbm>> -> memref<200xf32, #tpu.memory_space<hbm>>
    %dma_start3A_366 = tpu.memref_slice %arg4[%select_n3A_55, %dma_start3A_361, %sub3A_58] : memref<5x8x2048xf32, #tpu.memory_space<hbm>> -> memref<1x1x200xf32, #tpu.memory_space<hbm>>
    %dma_start3A_367 = tpu.memref_squeeze %dma_start3A_366 : memref<1x1x200xf32, #tpu.memory_space<hbm>> -> memref<200xf32, #tpu.memory_space<hbm>>
    %dma_start3A_368 = arith.constant 0 : i32
    %dma_start3A_369 = tpu.memref_slice %arg15[%dma_start3A_368] : memref<400xf32, #tpu.memory_space<vmem>> -> memref<200xf32, #tpu.memory_space<vmem>>
    tpu.enqueue_dma source(%dma_start3A_369 : memref<200xf32, #tpu.memory_space<vmem>>) target(%dma_start3A_367 : memref<200xf32, #tpu.memory_space<hbm>>) target_semaphore(%arg19 : memref<!tpu.dma_semaphore, #tpu.memory_space<semaphore_mem>>)
    %dma_start3A_370 = arith.constant 4 : i32
    %dma_start3A_371 = arith.constant 200 : i32
    %dma_start3A_372 = tpu.memref_slice %arg15[%dma_start3A_371] : memref<400xf32, #tpu.memory_space<vmem>> -> memref<200xf32, #tpu.memory_space<vmem>>
    %dma_start3A_373 = tpu.memref_slice %arg4[%select_n3A_84, %dma_start3A_370, %sub3A_87] : memref<5x8x2048xf32, #tpu.memory_space<hbm>> -> memref<1x1x200xf32, #tpu.memory_space<hbm>>
    %dma_start3A_374 = tpu.memref_squeeze %dma_start3A_373 : memref<1x1x200xf32, #tpu.memory_space<hbm>> -> memref<200xf32, #tpu.memory_space<hbm>>
    %dma_start3A_375 = tpu.memref_slice %arg4[%select_n3A_84, %dma_start3A_370, %sub3A_87] : memref<5x8x2048xf32, #tpu.memory_space<hbm>> -> memref<1x1x200xf32, #tpu.memory_space<hbm>>
    %dma_start3A_376 = tpu.memref_squeeze %dma_start3A_375 : memref<1x1x200xf32, #tpu.memory_space<hbm>> -> memref<200xf32, #tpu.memory_space<hbm>>
    %dma_start3A_377 = arith.constant 200 : i32
    %dma_start3A_378 = tpu.memref_slice %arg15[%dma_start3A_377] : memref<400xf32, #tpu.memory_space<vmem>> -> memref<200xf32, #tpu.memory_space<vmem>>
    tpu.enqueue_dma source(%dma_start3A_378 : memref<200xf32, #tpu.memory_space<vmem>>) target(%dma_start3A_376 : memref<200xf32, #tpu.memory_space<hbm>>) target_semaphore(%arg19 : memref<!tpu.dma_semaphore, #tpu.memory_space<semaphore_mem>>)
    %dma_start3A_379 = tpu.memref_slice %arg5[%multiple_of3A] : memref<1600xf32, #tpu.memory_space<hbm>> -> memref<64xf32, #tpu.memory_space<hbm>>
    %dma_start3A_380 = tpu.memref_slice %arg5[%multiple_of3A] : memref<1600xf32, #tpu.memory_space<hbm>> -> memref<64xf32, #tpu.memory_space<hbm>>
    tpu.enqueue_dma source(%arg18 : memref<64xf32, #tpu.memory_space<vmem>>) target(%dma_start3A_380 : memref<64xf32, #tpu.memory_space<hbm>>) target_semaphore(%arg19 : memref<!tpu.dma_semaphore, #tpu.memory_space<semaphore_mem>>)
    %dma_wait3A_381 = arith.constant 0 : i32
    %dma_wait3A_382 = arith.constant 0 : i32
    %dma_wait3A_383 = tpu.memref_slice %arg11[%dma_wait3A_382] : memref<400xf32, #tpu.memory_space<vmem>> -> memref<200xf32, #tpu.memory_space<vmem>>
    %dma_wait3A_384 = tpu.memref_slice %arg4[%select_n3A_55, %dma_wait3A_381, %sub3A_58] : memref<5x8x2048xf32, #tpu.memory_space<hbm>> -> memref<1x1x200xf32, #tpu.memory_space<hbm>>
    %dma_wait3A_385 = tpu.memref_squeeze %dma_wait3A_384 : memref<1x1x200xf32, #tpu.memory_space<hbm>> -> memref<200xf32, #tpu.memory_space<hbm>>
    %dma_wait3A_386 = tpu.memref_slice %arg4[%select_n3A_55, %dma_wait3A_381, %sub3A_58] : memref<5x8x2048xf32, #tpu.memory_space<hbm>> -> memref<1x1x200xf32, #tpu.memory_space<hbm>>
    %dma_wait3A_387 = tpu.memref_squeeze %dma_wait3A_386 : memref<1x1x200xf32, #tpu.memory_space<hbm>> -> memref<200xf32, #tpu.memory_space<hbm>>
    %dma_wait3A_388 = arith.constant 0 : i32
    %dma_wait3A_389 = tpu.memref_slice %arg11[%dma_wait3A_388] : memref<400xf32, #tpu.memory_space<vmem>> -> memref<200xf32, #tpu.memory_space<vmem>>
    tpu.wait_dma2 semaphore(%arg19 : memref<!tpu.dma_semaphore, #tpu.memory_space<semaphore_mem>>) src(%dma_wait3A_389 : memref<200xf32, #tpu.memory_space<vmem>>) dst(%dma_wait3A_387 : memref<200xf32, #tpu.memory_space<hbm>>)
    %dma_wait3A_390 = arith.constant 0 : i32
    %dma_wait3A_391 = arith.constant 200 : i32
    %dma_wait3A_392 = tpu.memref_slice %arg11[%dma_wait3A_391] : memref<400xf32, #tpu.memory_space<vmem>> -> memref<200xf32, #tpu.memory_space<vmem>>
    %dma_wait3A_393 = tpu.memref_slice %arg4[%select_n3A_84, %dma_wait3A_390, %sub3A_87] : memref<5x8x2048xf32, #tpu.memory_space<hbm>> -> memref<1x1x200xf32, #tpu.memory_space<hbm>>
    %dma_wait3A_394 = tpu.memref_squeeze %dma_wait3A_393 : memref<1x1x200xf32, #tpu.memory_space<hbm>> -> memref<200xf32, #tpu.memory_space<hbm>>
    %dma_wait3A_395 = tpu.memref_slice %arg4[%select_n3A_84, %dma_wait3A_390, %sub3A_87] : memref<5x8x2048xf32, #tpu.memory_space<hbm>> -> memref<1x1x200xf32, #tpu.memory_space<hbm>>
    %dma_wait3A_396 = tpu.memref_squeeze %dma_wait3A_395 : memref<1x1x200xf32, #tpu.memory_space<hbm>> -> memref<200xf32, #tpu.memory_space<hbm>>
    %dma_wait3A_397 = arith.constant 200 : i32
    %dma_wait3A_398 = tpu.memref_slice %arg11[%dma_wait3A_397] : memref<400xf32, #tpu.memory_space<vmem>> -> memref<200xf32, #tpu.memory_space<vmem>>
    tpu.wait_dma2 semaphore(%arg19 : memref<!tpu.dma_semaphore, #tpu.memory_space<semaphore_mem>>) src(%dma_wait3A_398 : memref<200xf32, #tpu.memory_space<vmem>>) dst(%dma_wait3A_396 : memref<200xf32, #tpu.memory_space<hbm>>)
    %dma_wait3A_399 = arith.constant 1 : i32
    %dma_wait3A_400 = arith.constant 0 : i32
    %dma_wait3A_401 = tpu.memref_slice %arg12[%dma_wait3A_400] : memref<400xf32, #tpu.memory_space<vmem>> -> memref<200xf32, #tpu.memory_space<vmem>>
    %dma_wait3A_402 = tpu.memref_slice %arg4[%select_n3A_55, %dma_wait3A_399, %sub3A_58] : memref<5x8x2048xf32, #tpu.memory_space<hbm>> -> memref<1x1x200xf32, #tpu.memory_space<hbm>>
    %dma_wait3A_403 = tpu.memref_squeeze %dma_wait3A_402 : memref<1x1x200xf32, #tpu.memory_space<hbm>> -> memref<200xf32, #tpu.memory_space<hbm>>
    %dma_wait3A_404 = tpu.memref_slice %arg4[%select_n3A_55, %dma_wait3A_399, %sub3A_58] : memref<5x8x2048xf32, #tpu.memory_space<hbm>> -> memref<1x1x200xf32, #tpu.memory_space<hbm>>
    %dma_wait3A_405 = tpu.memref_squeeze %dma_wait3A_404 : memref<1x1x200xf32, #tpu.memory_space<hbm>> -> memref<200xf32, #tpu.memory_space<hbm>>
    %dma_wait3A_406 = arith.constant 0 : i32
    %dma_wait3A_407 = tpu.memref_slice %arg12[%dma_wait3A_406] : memref<400xf32, #tpu.memory_space<vmem>> -> memref<200xf32, #tpu.memory_space<vmem>>
    tpu.wait_dma2 semaphore(%arg19 : memref<!tpu.dma_semaphore, #tpu.memory_space<semaphore_mem>>) src(%dma_wait3A_407 : memref<200xf32, #tpu.memory_space<vmem>>) dst(%dma_wait3A_405 : memref<200xf32, #tpu.memory_space<hbm>>)
    %dma_wait3A_408 = arith.constant 1 : i32
    %dma_wait3A_409 = arith.constant 200 : i32
    %dma_wait3A_410 = tpu.memref_slice %arg12[%dma_wait3A_409] : memref<400xf32, #tpu.memory_space<vmem>> -> memref<200xf32, #tpu.memory_space<vmem>>
    %dma_wait3A_411 = tpu.memref_slice %arg4[%select_n3A_84, %dma_wait3A_408, %sub3A_87] : memref<5x8x2048xf32, #tpu.memory_space<hbm>> -> memref<1x1x200xf32, #tpu.memory_space<hbm>>
    %dma_wait3A_412 = tpu.memref_squeeze %dma_wait3A_411 : memref<1x1x200xf32, #tpu.memory_space<hbm>> -> memref<200xf32, #tpu.memory_space<hbm>>
    %dma_wait3A_413 = tpu.memref_slice %arg4[%select_n3A_84, %dma_wait3A_408, %sub3A_87] : memref<5x8x2048xf32, #tpu.memory_space<hbm>> -> memref<1x1x200xf32, #tpu.memory_space<hbm>>
    %dma_wait3A_414 = tpu.memref_squeeze %dma_wait3A_413 : memref<1x1x200xf32, #tpu.memory_space<hbm>> -> memref<200xf32, #tpu.memory_space<hbm>>
    %dma_wait3A_415 = arith.constant 200 : i32
    %dma_wait3A_416 = tpu.memref_slice %arg12[%dma_wait3A_415] : memref<400xf32, #tpu.memory_space<vmem>> -> memref<200xf32, #tpu.memory_space<vmem>>
    tpu.wait_dma2 semaphore(%arg19 : memref<!tpu.dma_semaphore, #tpu.memory_space<semaphore_mem>>) src(%dma_wait3A_416 : memref<200xf32, #tpu.memory_space<vmem>>) dst(%dma_wait3A_414 : memref<200xf32, #tpu.memory_space<hbm>>)
    %dma_wait3A_417 = arith.constant 2 : i32
    %dma_wait3A_418 = arith.constant 0 : i32
    %dma_wait3A_419 = tpu.memref_slice %arg13[%dma_wait3A_418] : memref<400xf32, #tpu.memory_space<vmem>> -> memref<200xf32, #tpu.memory_space<vmem>>
    %dma_wait3A_420 = tpu.memref_slice %arg4[%select_n3A_55, %dma_wait3A_417, %sub3A_58] : memref<5x8x2048xf32, #tpu.memory_space<hbm>> -> memref<1x1x200xf32, #tpu.memory_space<hbm>>
    %dma_wait3A_421 = tpu.memref_squeeze %dma_wait3A_420 : memref<1x1x200xf32, #tpu.memory_space<hbm>> -> memref<200xf32, #tpu.memory_space<hbm>>
    %dma_wait3A_422 = tpu.memref_slice %arg4[%select_n3A_55, %dma_wait3A_417, %sub3A_58] : memref<5x8x2048xf32, #tpu.memory_space<hbm>> -> memref<1x1x200xf32, #tpu.memory_space<hbm>>
    %dma_wait3A_423 = tpu.memref_squeeze %dma_wait3A_422 : memref<1x1x200xf32, #tpu.memory_space<hbm>> -> memref<200xf32, #tpu.memory_space<hbm>>
    %dma_wait3A_424 = arith.constant 0 : i32
    %dma_wait3A_425 = tpu.memref_slice %arg13[%dma_wait3A_424] : memref<400xf32, #tpu.memory_space<vmem>> -> memref<200xf32, #tpu.memory_space<vmem>>
    tpu.wait_dma2 semaphore(%arg19 : memref<!tpu.dma_semaphore, #tpu.memory_space<semaphore_mem>>) src(%dma_wait3A_425 : memref<200xf32, #tpu.memory_space<vmem>>) dst(%dma_wait3A_423 : memref<200xf32, #tpu.memory_space<hbm>>)
    %dma_wait3A_426 = arith.constant 2 : i32
    %dma_wait3A_427 = arith.constant 200 : i32
    %dma_wait3A_428 = tpu.memref_slice %arg13[%dma_wait3A_427] : memref<400xf32, #tpu.memory_space<vmem>> -> memref<200xf32, #tpu.memory_space<vmem>>
    %dma_wait3A_429 = tpu.memref_slice %arg4[%select_n3A_84, %dma_wait3A_426, %sub3A_87] : memref<5x8x2048xf32, #tpu.memory_space<hbm>> -> memref<1x1x200xf32, #tpu.memory_space<hbm>>
    %dma_wait3A_430 = tpu.memref_squeeze %dma_wait3A_429 : memref<1x1x200xf32, #tpu.memory_space<hbm>> -> memref<200xf32, #tpu.memory_space<hbm>>
    %dma_wait3A_431 = tpu.memref_slice %arg4[%select_n3A_84, %dma_wait3A_426, %sub3A_87] : memref<5x8x2048xf32, #tpu.memory_space<hbm>> -> memref<1x1x200xf32, #tpu.memory_space<hbm>>
    %dma_wait3A_432 = tpu.memref_squeeze %dma_wait3A_431 : memref<1x1x200xf32, #tpu.memory_space<hbm>> -> memref<200xf32, #tpu.memory_space<hbm>>
    %dma_wait3A_433 = arith.constant 200 : i32
    %dma_wait3A_434 = tpu.memref_slice %arg13[%dma_wait3A_433] : memref<400xf32, #tpu.memory_space<vmem>> -> memref<200xf32, #tpu.memory_space<vmem>>
    tpu.wait_dma2 semaphore(%arg19 : memref<!tpu.dma_semaphore, #tpu.memory_space<semaphore_mem>>) src(%dma_wait3A_434 : memref<200xf32, #tpu.memory_space<vmem>>) dst(%dma_wait3A_432 : memref<200xf32, #tpu.memory_space<hbm>>)
    %dma_wait3A_435 = arith.constant 3 : i32
    %dma_wait3A_436 = arith.constant 0 : i32
    %dma_wait3A_437 = tpu.memref_slice %arg14[%dma_wait3A_436] : memref<400xf32, #tpu.memory_space<vmem>> -> memref<200xf32, #tpu.memory_space<vmem>>
    %dma_wait3A_438 = tpu.memref_slice %arg4[%select_n3A_55, %dma_wait3A_435, %sub3A_58] : memref<5x8x2048xf32, #tpu.memory_space<hbm>> -> memref<1x1x200xf32, #tpu.memory_space<hbm>>
    %dma_wait3A_439 = tpu.memref_squeeze %dma_wait3A_438 : memref<1x1x200xf32, #tpu.memory_space<hbm>> -> memref<200xf32, #tpu.memory_space<hbm>>
    %dma_wait3A_440 = tpu.memref_slice %arg4[%select_n3A_55, %dma_wait3A_435, %sub3A_58] : memref<5x8x2048xf32, #tpu.memory_space<hbm>> -> memref<1x1x200xf32, #tpu.memory_space<hbm>>
    %dma_wait3A_441 = tpu.memref_squeeze %dma_wait3A_440 : memref<1x1x200xf32, #tpu.memory_space<hbm>> -> memref<200xf32, #tpu.memory_space<hbm>>
    %dma_wait3A_442 = arith.constant 0 : i32
    %dma_wait3A_443 = tpu.memref_slice %arg14[%dma_wait3A_442] : memref<400xf32, #tpu.memory_space<vmem>> -> memref<200xf32, #tpu.memory_space<vmem>>
    tpu.wait_dma2 semaphore(%arg19 : memref<!tpu.dma_semaphore, #tpu.memory_space<semaphore_mem>>) src(%dma_wait3A_443 : memref<200xf32, #tpu.memory_space<vmem>>) dst(%dma_wait3A_441 : memref<200xf32, #tpu.memory_space<hbm>>)
    %dma_wait3A_444 = arith.constant 3 : i32
    %dma_wait3A_445 = arith.constant 200 : i32
    %dma_wait3A_446 = tpu.memref_slice %arg14[%dma_wait3A_445] : memref<400xf32, #tpu.memory_space<vmem>> -> memref<200xf32, #tpu.memory_space<vmem>>
    %dma_wait3A_447 = tpu.memref_slice %arg4[%select_n3A_84, %dma_wait3A_444, %sub3A_87] : memref<5x8x2048xf32, #tpu.memory_space<hbm>> -> memref<1x1x200xf32, #tpu.memory_space<hbm>>
    %dma_wait3A_448 = tpu.memref_squeeze %dma_wait3A_447 : memref<1x1x200xf32, #tpu.memory_space<hbm>> -> memref<200xf32, #tpu.memory_space<hbm>>
    %dma_wait3A_449 = tpu.memref_slice %arg4[%select_n3A_84, %dma_wait3A_444, %sub3A_87] : memref<5x8x2048xf32, #tpu.memory_space<hbm>> -> memref<1x1x200xf32, #tpu.memory_space<hbm>>
    %dma_wait3A_450 = tpu.memref_squeeze %dma_wait3A_449 : memref<1x1x200xf32, #tpu.memory_space<hbm>> -> memref<200xf32, #tpu.memory_space<hbm>>
    %dma_wait3A_451 = arith.constant 200 : i32
    %dma_wait3A_452 = tpu.memref_slice %arg14[%dma_wait3A_451] : memref<400xf32, #tpu.memory_space<vmem>> -> memref<200xf32, #tpu.memory_space<vmem>>
    tpu.wait_dma2 semaphore(%arg19 : memref<!tpu.dma_semaphore, #tpu.memory_space<semaphore_mem>>) src(%dma_wait3A_452 : memref<200xf32, #tpu.memory_space<vmem>>) dst(%dma_wait3A_450 : memref<200xf32, #tpu.memory_space<hbm>>)
    %dma_wait3A_453 = arith.constant 4 : i32
    %dma_wait3A_454 = arith.constant 0 : i32
    %dma_wait3A_455 = tpu.memref_slice %arg15[%dma_wait3A_454] : memref<400xf32, #tpu.memory_space<vmem>> -> memref<200xf32, #tpu.memory_space<vmem>>
    %dma_wait3A_456 = tpu.memref_slice %arg4[%select_n3A_55, %dma_wait3A_453, %sub3A_58] : memref<5x8x2048xf32, #tpu.memory_space<hbm>> -> memref<1x1x200xf32, #tpu.memory_space<hbm>>
    %dma_wait3A_457 = tpu.memref_squeeze %dma_wait3A_456 : memref<1x1x200xf32, #tpu.memory_space<hbm>> -> memref<200xf32, #tpu.memory_space<hbm>>
    %dma_wait3A_458 = tpu.memref_slice %arg4[%select_n3A_55, %dma_wait3A_453, %sub3A_58] : memref<5x8x2048xf32, #tpu.memory_space<hbm>> -> memref<1x1x200xf32, #tpu.memory_space<hbm>>
    %dma_wait3A_459 = tpu.memref_squeeze %dma_wait3A_458 : memref<1x1x200xf32, #tpu.memory_space<hbm>> -> memref<200xf32, #tpu.memory_space<hbm>>
    %dma_wait3A_460 = arith.constant 0 : i32
    %dma_wait3A_461 = tpu.memref_slice %arg15[%dma_wait3A_460] : memref<400xf32, #tpu.memory_space<vmem>> -> memref<200xf32, #tpu.memory_space<vmem>>
    tpu.wait_dma2 semaphore(%arg19 : memref<!tpu.dma_semaphore, #tpu.memory_space<semaphore_mem>>) src(%dma_wait3A_461 : memref<200xf32, #tpu.memory_space<vmem>>) dst(%dma_wait3A_459 : memref<200xf32, #tpu.memory_space<hbm>>)
    %dma_wait3A_462 = arith.constant 4 : i32
    %dma_wait3A_463 = arith.constant 200 : i32
    %dma_wait3A_464 = tpu.memref_slice %arg15[%dma_wait3A_463] : memref<400xf32, #tpu.memory_space<vmem>> -> memref<200xf32, #tpu.memory_space<vmem>>
    %dma_wait3A_465 = tpu.memref_slice %arg4[%select_n3A_84, %dma_wait3A_462, %sub3A_87] : memref<5x8x2048xf32, #tpu.memory_space<hbm>> -> memref<1x1x200xf32, #tpu.memory_space<hbm>>
    %dma_wait3A_466 = tpu.memref_squeeze %dma_wait3A_465 : memref<1x1x200xf32, #tpu.memory_space<hbm>> -> memref<200xf32, #tpu.memory_space<hbm>>
    %dma_wait3A_467 = tpu.memref_slice %arg4[%select_n3A_84, %dma_wait3A_462, %sub3A_87] : memref<5x8x2048xf32, #tpu.memory_space<hbm>> -> memref<1x1x200xf32, #tpu.memory_space<hbm>>
    %dma_wait3A_468 = tpu.memref_squeeze %dma_wait3A_467 : memref<1x1x200xf32, #tpu.memory_space<hbm>> -> memref<200xf32, #tpu.memory_space<hbm>>
    %dma_wait3A_469 = arith.constant 200 : i32
    %dma_wait3A_470 = tpu.memref_slice %arg15[%dma_wait3A_469] : memref<400xf32, #tpu.memory_space<vmem>> -> memref<200xf32, #tpu.memory_space<vmem>>
    tpu.wait_dma2 semaphore(%arg19 : memref<!tpu.dma_semaphore, #tpu.memory_space<semaphore_mem>>) src(%dma_wait3A_470 : memref<200xf32, #tpu.memory_space<vmem>>) dst(%dma_wait3A_468 : memref<200xf32, #tpu.memory_space<hbm>>)
    %dma_wait3A_471 = tpu.memref_slice %arg5[%multiple_of3A] : memref<1600xf32, #tpu.memory_space<hbm>> -> memref<64xf32, #tpu.memory_space<hbm>>
    %dma_wait3A_472 = tpu.memref_slice %arg5[%multiple_of3A] : memref<1600xf32, #tpu.memory_space<hbm>> -> memref<64xf32, #tpu.memory_space<hbm>>
    tpu.wait_dma2 semaphore(%arg19 : memref<!tpu.dma_semaphore, #tpu.memory_space<semaphore_mem>>) src(%arg18 : memref<64xf32, #tpu.memory_space<vmem>>) dst(%dma_wait3A_472 : memref<64xf32, #tpu.memory_space<hbm>>)
    return
  }
}

module attributes {stable_mosaic.version = 14 : i64} {
  func.func @_tc1_body(%arg0: i32, %arg1: memref<2000x256xf32, #tpu.memory_space<vmem>>, %arg2: memref<256x64xf32, #tpu.memory_space<vmem>>, %arg3: memref<1x64xf32, #tpu.memory_space<vmem>>, %arg4: memref<8x64xf32, #tpu.memory_space<vmem>>, %arg5: memref<8x1xf32, #tpu.memory_space<vmem>>, %arg6: memref<1x8x2048xf32, #tpu.memory_space<vmem>>) attributes {dimension_semantics = [#tpu.dimension_semantics<arbitrary>], iteration_bounds = array<i64: 5>, scalar_prefetch = 0 : i64, scratch_operands = 0 : i64, tpu.core_type = #tpu.core_type<tc>, window_params = [{transform_indices = @transform_0, window_bounds = array<i64: 2000, 256>}, {pipeline_mode = #tpu.pipeline_mode<synchronous>, transform_indices = @transform_1, window_bounds = array<i64: 256, 64>}, {pipeline_mode = #tpu.pipeline_mode<synchronous>, transform_indices = @transform_2, window_bounds = array<i64: 1, 64>}, {pipeline_mode = #tpu.pipeline_mode<synchronous>, transform_indices = @transform_3, window_bounds = array<i64: 8, 64>}, {pipeline_mode = #tpu.pipeline_mode<synchronous>, transform_indices = @transform_4, window_bounds = array<i64: 8, 1>}, {transform_indices = @transform_5, window_bounds = array<i64: 1, 8, 2048>}]} {
    %get3A = arith.constant 0 : index
    %get3A_0 = arith.constant 0 : index
    %get3A_1 = vector.load %arg1[%get3A, %get3A_0] : memref<2000x256xf32, #tpu.memory_space<vmem>>, vector<2000x256xf32>
    %get3A_2 = arith.constant 0 : index
    %get3A_3 = arith.constant 0 : index
    %get3A_4 = vector.load %arg2[%get3A_2, %get3A_3] : memref<256x64xf32, #tpu.memory_space<vmem>>, vector<256x64xf32>
    %dot_general3A = arith.constant dense<0.000000e+00> : vector<2000x64xf32>
    %dot_general3A_5 = tpu.matmul %get3A_1, %get3A_4, %dot_general3A {dimension_numbers = #tpu.dot_dimension_numbers<[1], [0], [0], [1], [0, 0, 1, 1], [], []>, transpose_lhs_hint = false} : vector<2000x256xf32>, vector<256x64xf32>, vector<2000x64xf32> -> vector<2000x64xf32>
    %get3A_6 = arith.constant 0 : index
    %get3A_7 = arith.constant 0 : index
    %get3A_8 = vector.load %arg3[%get3A_6, %get3A_7] : memref<1x64xf32, #tpu.memory_space<vmem>>, vector<1x64xf32>
    %add3A = vector.broadcast %get3A_8 : vector<1x64xf32> to vector<2000x64xf32>
    %add3A_9 = arith.addf %dot_general3A_5, %add3A : vector<2000x64xf32>
    %logistic3A = arith.negf %add3A_9 : vector<2000x64xf32>
    %logistic3A_10 = math.exp %logistic3A : vector<2000x64xf32>
    %logistic3A_11 = arith.constant 1.000000e+00 : f32
    %logistic3A_12 = vector.broadcast %logistic3A_11 : f32 to vector<2000x64xf32>
    %logistic3A_13 = arith.addf %logistic3A_12, %logistic3A_10 : vector<2000x64xf32>
    %logistic3A_14 = arith.divf %logistic3A_12, %logistic3A_13 : vector<2000x64xf32>
    %mul3A = arith.mulf %add3A_9, %logistic3A_14 : vector<2000x64xf32>
    %get3A_15 = arith.constant 0 : index
    %get3A_16 = arith.constant 0 : index
    %get3A_17 = vector.load %arg4[%get3A_15, %get3A_16] : memref<8x64xf32, #tpu.memory_space<vmem>>, vector<8x64xf32>
    %dot_general3A_18 = arith.constant dense<0.000000e+00> : vector<8x2000xf32>
    %dot_general3A_19 = tpu.matmul %get3A_17, %mul3A, %dot_general3A_18 {dimension_numbers = #tpu.dot_dimension_numbers<[1], [1], [0], [0], [0, 0, 1, 0], [], []>, transpose_lhs_hint = false} : vector<8x64xf32>, vector<2000x64xf32>, vector<8x2000xf32> -> vector<8x2000xf32>
    %get3A_20 = arith.constant 0 : index
    %get3A_21 = arith.constant 0 : index
    %get3A_22 = vector.load %arg5[%get3A_20, %get3A_21] : memref<8x1xf32, #tpu.memory_space<vmem>>, vector<8x1xf32>
    %add3A_23 = vector.broadcast %get3A_22 : vector<8x1xf32> to vector<8x2000xf32>
    %add3A_24 = arith.addf %dot_general3A_19, %add3A_23 : vector<8x2000xf32>
    %broadcast_in_dim3A = arith.constant 0.000000e+00 : f32
    %broadcast_in_dim3A_25 = vector.broadcast %broadcast_in_dim3A : f32 to vector<8x48xf32>
    %concatenate3A = tpu.concatenate %add3A_24, %broadcast_in_dim3A_25 in 1 : vector<8x2000xf32>, vector<8x48xf32> -> vector<8x2048xf32>
    %reshape3A = vector.shape_cast %concatenate3A : vector<8x2048xf32> to vector<1x8x2048xf32>
    %swap3A = arith.constant 0 : index
    %swap3A_26 = arith.constant 0 : index
    %swap3A_27 = arith.constant 0 : index
    %swap3A_28 = vector.load %arg6[%swap3A, %swap3A_26, %swap3A_27] : memref<1x8x2048xf32, #tpu.memory_space<vmem>>, vector<1x8x2048xf32>
    tpu.vector_store %arg6[%swap3A, %swap3A_26, %swap3A_27], %reshape3A {strides = array<i32>} : memref<1x8x2048xf32, #tpu.memory_space<vmem>>, vector<1x8x2048xf32>,
    return
  }
  func.func @transform_0(%arg0: i32) -> (i32, i32) {
    %c0_i32 = arith.constant 0 : i32
    %c0_i32_0 = arith.constant 0 : i32
    return %arg0, %c0_i32 : i32, i32
  }
  func.func @transform_1(%arg0: i32) -> (i32, i32) {
    %c0_i32 = arith.constant 0 : i32
    %c0_i32_0 = arith.constant 0 : i32
    %c0_i32_1 = arith.constant 0 : i32
    return %c0_i32, %c0_i32_0 : i32, i32
  }
  func.func @transform_2(%arg0: i32) -> (i32, i32) {
    %c0_i32 = arith.constant 0 : i32
    %c0_i32_0 = arith.constant 0 : i32
    %c0_i32_1 = arith.constant 0 : i32
    return %c0_i32, %c0_i32_0 : i32, i32
  }
  func.func @transform_3(%arg0: i32) -> (i32, i32) {
    %c0_i32 = arith.constant 0 : i32
    %c0_i32_0 = arith.constant 0 : i32
    %c0_i32_1 = arith.constant 0 : i32
    return %c0_i32, %c0_i32_0 : i32, i32
  }
  func.func @transform_4(%arg0: i32) -> (i32, i32) {
    %c0_i32 = arith.constant 0 : i32
    %c0_i32_0 = arith.constant 0 : i32
    %c0_i32_1 = arith.constant 0 : i32
    return %c0_i32, %c0_i32_0 : i32, i32
  }
  func.func @transform_5(%arg0: i32) -> (i32, i32, i32) {
    %c0_i32 = arith.constant 0 : i32
    %c0_i32_0 = arith.constant 0 : i32
    %c0_i32_1 = arith.constant 0 : i32
    return %arg0, %c0_i32, %c0_i32_0 : i32, i32, i32
  }
}

module attributes {stable_mosaic.version = 14 : i64} {
  func.func @_tc2a_body(%arg0: i32, %arg1: memref<2000x256xf32, #tpu.memory_space<vmem>>, %arg2: memref<256x256xf32, #tpu.memory_space<vmem>>, %arg3: memref<1x256xf32, #tpu.memory_space<vmem>>, %arg4: memref<2000x256xf32, #tpu.memory_space<vmem>>) attributes {dimension_semantics = [#tpu.dimension_semantics<arbitrary>], iteration_bounds = array<i64: 5>, scalar_prefetch = 0 : i64, scratch_operands = 0 : i64, tpu.core_type = #tpu.core_type<tc>, window_params = [{transform_indices = @transform_0, window_bounds = array<i64: 2000, 256>}, {pipeline_mode = #tpu.pipeline_mode<synchronous>, transform_indices = @transform_1, window_bounds = array<i64: 256, 256>}, {pipeline_mode = #tpu.pipeline_mode<synchronous>, transform_indices = @transform_2, window_bounds = array<i64: 1, 256>}, {transform_indices = @transform_3, window_bounds = array<i64: 2000, 256>}]} {
    %get3A = arith.constant 0 : index
    %get3A_0 = arith.constant 0 : index
    %get3A_1 = vector.load %arg1[%get3A, %get3A_0] : memref<2000x256xf32, #tpu.memory_space<vmem>>, vector<2000x256xf32>
    %get3A_2 = arith.constant 0 : index
    %get3A_3 = arith.constant 0 : index
    %get3A_4 = vector.load %arg2[%get3A_2, %get3A_3] : memref<256x256xf32, #tpu.memory_space<vmem>>, vector<256x256xf32>
    %dot_general3A = arith.constant dense<0.000000e+00> : vector<2000x256xf32>
    %dot_general3A_5 = tpu.matmul %get3A_1, %get3A_4, %dot_general3A {dimension_numbers = #tpu.dot_dimension_numbers<[1], [0], [0], [1], [0, 0, 1, 1], [], []>, transpose_lhs_hint = false} : vector<2000x256xf32>, vector<256x256xf32>, vector<2000x256xf32> -> vector<2000x256xf32>
    %get3A_6 = arith.constant 0 : index
    %get3A_7 = arith.constant 0 : index
    %get3A_8 = vector.load %arg3[%get3A_6, %get3A_7] : memref<1x256xf32, #tpu.memory_space<vmem>>, vector<1x256xf32>
    %add3A = vector.broadcast %get3A_8 : vector<1x256xf32> to vector<2000x256xf32>
    %add3A_9 = arith.addf %dot_general3A_5, %add3A : vector<2000x256xf32>
    %swap3A = arith.constant 0 : index
    %swap3A_10 = arith.constant 0 : index
    %swap3A_11 = vector.load %arg4[%swap3A, %swap3A_10] : memref<2000x256xf32, #tpu.memory_space<vmem>>, vector<2000x256xf32>
    tpu.vector_store %arg4[%swap3A, %swap3A_10], %add3A_9 {strides = array<i32>} : memref<2000x256xf32, #tpu.memory_space<vmem>>, vector<2000x256xf32>,
    return
  }
  func.func @transform_0(%arg0: i32) -> (i32, i32) {
    %c0_i32 = arith.constant 0 : i32
    %c0_i32_0 = arith.constant 0 : i32
    return %arg0, %c0_i32 : i32, i32
  }
  func.func @transform_1(%arg0: i32) -> (i32, i32) {
    %c0_i32 = arith.constant 0 : i32
    %c0_i32_0 = arith.constant 0 : i32
    %c0_i32_1 = arith.constant 0 : i32
    return %c0_i32, %c0_i32_0 : i32, i32
  }
  func.func @transform_2(%arg0: i32) -> (i32, i32) {
    %c0_i32 = arith.constant 0 : i32
    %c0_i32_0 = arith.constant 0 : i32
    %c0_i32_1 = arith.constant 0 : i32
    return %c0_i32, %c0_i32_0 : i32, i32
  }
  func.func @transform_3(%arg0: i32) -> (i32, i32) {
    %c0_i32 = arith.constant 0 : i32
    %c0_i32_0 = arith.constant 0 : i32
    return %arg0, %c0_i32 : i32, i32
  }
}

module attributes {stable_mosaic.version = 14 : i64} {
  func.func @_tc2b_body(%arg0: i32, %arg1: memref<2000x256xf32, #tpu.memory_space<vmem>>, %arg2: memref<1x8x2048xf32, #tpu.memory_space<vmem>>, %arg3: memref<1x8x2048xf32, #tpu.memory_space<vmem>>, %arg4: memref<8x256xf32, #tpu.memory_space<vmem>>, %arg5: memref<8x256xf32, #tpu.memory_space<vmem>>, %arg6: memref<8x1xf32, #tpu.memory_space<vmem>>, %arg7: memref<8x1xf32, #tpu.memory_space<vmem>>, %arg8: memref<8x1xf32, #tpu.memory_space<vmem>>, %arg9: memref<8x1xf32, #tpu.memory_space<vmem>>, %arg10: memref<2000x256xf32, #tpu.memory_space<vmem>>) attributes {dimension_semantics = [#tpu.dimension_semantics<arbitrary>], iteration_bounds = array<i64: 5>, scalar_prefetch = 0 : i64, scratch_operands = 0 : i64, tpu.core_type = #tpu.core_type<tc>, window_params = [{transform_indices = @transform_0, window_bounds = array<i64: 2000, 256>}, {transform_indices = @transform_1, window_bounds = array<i64: 1, 8, 2048>}, {transform_indices = @transform_2, window_bounds = array<i64: 1, 8, 2048>}, {pipeline_mode = #tpu.pipeline_mode<synchronous>, transform_indices = @transform_3, window_bounds = array<i64: 8, 256>}, {pipeline_mode = #tpu.pipeline_mode<synchronous>, transform_indices = @transform_4, window_bounds = array<i64: 8, 256>}, {pipeline_mode = #tpu.pipeline_mode<synchronous>, transform_indices = @transform_5, window_bounds = array<i64: 8, 1>}, {pipeline_mode = #tpu.pipeline_mode<synchronous>, transform_indices = @transform_6, window_bounds = array<i64: 8, 1>}, {pipeline_mode = #tpu.pipeline_mode<synchronous>, transform_indices = @transform_7, window_bounds = array<i64: 8, 1>}, {pipeline_mode = #tpu.pipeline_mode<synchronous>, transform_indices = @transform_8, window_bounds = array<i64: 8, 1>}, {transform_indices = @transform_9, window_bounds = array<i64: 2000, 256>}]} {
    %get3A = arith.constant 0 : index
    %get3A_0 = arith.constant 0 : index
    %get3A_1 = arith.constant 0 : index
    %get3A_2 = vector.load %arg2[%get3A, %get3A_0, %get3A_1] : memref<1x8x2048xf32, #tpu.memory_space<vmem>>, vector<1x8x2048xf32>
    %reshape3A = vector.shape_cast %get3A_2 : vector<1x8x2048xf32> to vector<8x2048xf32>
    %get3A_3 = arith.constant 0 : index
    %get3A_4 = arith.constant 0 : index
    %get3A_5 = arith.constant 0 : index
    %get3A_6 = vector.load %arg3[%get3A_3, %get3A_4, %get3A_5] : memref<1x8x2048xf32, #tpu.memory_space<vmem>>, vector<1x8x2048xf32>
    %reshape3A_7 = vector.shape_cast %get3A_6 : vector<1x8x2048xf32> to vector<8x2048xf32>
    %iota3A = tpu.iota {dimensions = array<i32: 0>} : vector<8x2048xi32>
    %lt3A = arith.constant 5 : i32
    %lt3A_8 = vector.broadcast %lt3A : i32 to vector<8x2048xi32>
    %lt3A_9 = arith.cmpi slt, %iota3A, %lt3A_8 : vector<8x2048xi32>
    %jit3A = arith.constant 0.000000e+00 : f32
    %broadcast_in_dim3A = vector.broadcast %jit3A : f32 to vector<8x2048xf32>
    %select_n3A = arith.select %lt3A_9, %reshape3A_7, %broadcast_in_dim3A : vector<8x2048xi1>, vector<8x2048xf32>
    %get3A_10 = arith.constant 0 : index
    %get3A_11 = arith.constant 0 : index
    %get3A_12 = vector.load %arg7[%get3A_10, %get3A_11] : memref<8x1xf32, #tpu.memory_space<vmem>>, vector<8x1xf32>
    %get3A_13 = arith.constant 0 : index
    %get3A_14 = arith.constant 0 : index
    %get3A_15 = vector.load %arg6[%get3A_13, %get3A_14] : memref<8x1xf32, #tpu.memory_space<vmem>>, vector<8x1xf32>
    %sub3A = vector.broadcast %get3A_15 : vector<8x1xf32> to vector<8x2048xf32>
    %sub3A_16 = arith.subf %reshape3A, %sub3A : vector<8x2048xf32>
    %integer_pow3A = arith.mulf %sub3A_16, %sub3A_16 : vector<8x2048xf32>
    %mul3A = vector.broadcast %get3A_12 : vector<8x1xf32> to vector<8x2048xf32>
    %mul3A_17 = arith.mulf %mul3A, %integer_pow3A : vector<8x2048xf32>
    %exp3A = math.exp %mul3A_17 : vector<8x2048xf32>
    %get3A_18 = arith.constant 0 : index
    %get3A_19 = arith.constant 0 : index
    %get3A_20 = vector.load %arg9[%get3A_18, %get3A_19] : memref<8x1xf32, #tpu.memory_space<vmem>>, vector<8x1xf32>
    %get3A_21 = arith.constant 0 : index
    %get3A_22 = arith.constant 0 : index
    %get3A_23 = vector.load %arg8[%get3A_21, %get3A_22] : memref<8x1xf32, #tpu.memory_space<vmem>>, vector<8x1xf32>
    %sub3A_24 = vector.broadcast %get3A_23 : vector<8x1xf32> to vector<8x2048xf32>
    %sub3A_25 = arith.subf %select_n3A, %sub3A_24 : vector<8x2048xf32>
    %integer_pow3A_26 = arith.mulf %sub3A_25, %sub3A_25 : vector<8x2048xf32>
    %mul3A_27 = vector.broadcast %get3A_20 : vector<8x1xf32> to vector<8x2048xf32>
    %mul3A_28 = arith.mulf %mul3A_27, %integer_pow3A_26 : vector<8x2048xf32>
    %exp3A_29 = math.exp %mul3A_28 : vector<8x2048xf32>
    %get3A_30 = arith.constant 0 : index
    %get3A_31 = arith.constant 0 : index
    %get3A_32 = vector.load %arg4[%get3A_30, %get3A_31] : memref<8x256xf32, #tpu.memory_space<vmem>>, vector<8x256xf32>
    %dot_general3A = arith.constant dense<0.000000e+00> : vector<2048x256xf32>
    %dot_general3A_33 = tpu.matmul %exp3A, %get3A_32, %dot_general3A {dimension_numbers = #tpu.dot_dimension_numbers<[0], [0], [1], [1], [0, 1, 1, 1], [], []>, transpose_lhs_hint = false} : vector<8x2048xf32>, vector<8x256xf32>, vector<2048x256xf32> -> vector<2048x256xf32>
    %get3A_34 = arith.constant 0 : index
    %get3A_35 = arith.constant 0 : index
    %get3A_36 = vector.load %arg5[%get3A_34, %get3A_35] : memref<8x256xf32, #tpu.memory_space<vmem>>, vector<8x256xf32>
    %dot_general3A_37 = arith.constant dense<0.000000e+00> : vector<2048x256xf32>
    %dot_general3A_38 = tpu.matmul %exp3A_29, %get3A_36, %dot_general3A_37 {dimension_numbers = #tpu.dot_dimension_numbers<[0], [0], [1], [1], [0, 1, 1, 1], [], []>, transpose_lhs_hint = false} : vector<8x2048xf32>, vector<8x256xf32>, vector<2048x256xf32> -> vector<2048x256xf32>
    %get3A_39 = arith.constant 0 : index
    %get3A_40 = arith.constant 0 : index
    %get3A_41 = vector.load %arg1[%get3A_39, %get3A_40] : memref<2000x256xf32, #tpu.memory_space<vmem>>, vector<2000x256xf32>
    %slice3A = vector.extract_strided_slice %dot_general3A_33 {offsets = [0, 0], sizes = [2000, 256], strides = [1, 1]} : vector<2048x256xf32> to vector<2000x256xf32>
    %add3A = arith.addf %get3A_41, %slice3A : vector<2000x256xf32>
    %slice3A_42 = vector.extract_strided_slice %dot_general3A_38 {offsets = [0, 0], sizes = [2000, 256], strides = [1, 1]} : vector<2048x256xf32> to vector<2000x256xf32>
    %add3A_43 = arith.addf %add3A, %slice3A_42 : vector<2000x256xf32>
    %logistic3A = arith.negf %add3A_43 : vector<2000x256xf32>
    %logistic3A_44 = math.exp %logistic3A : vector<2000x256xf32>
    %logistic3A_45 = arith.constant 1.000000e+00 : f32
    %logistic3A_46 = vector.broadcast %logistic3A_45 : f32 to vector<2000x256xf32>
    %logistic3A_47 = arith.addf %logistic3A_46, %logistic3A_44 : vector<2000x256xf32>
    %logistic3A_48 = arith.divf %logistic3A_46, %logistic3A_47 : vector<2000x256xf32>
    %mul3A_49 = arith.mulf %add3A_43, %logistic3A_48 : vector<2000x256xf32>
    %swap3A = arith.constant 0 : index
    %swap3A_50 = arith.constant 0 : index
    %swap3A_51 = vector.load %arg10[%swap3A, %swap3A_50] : memref<2000x256xf32, #tpu.memory_space<vmem>>, vector<2000x256xf32>
    tpu.vector_store %arg10[%swap3A, %swap3A_50], %mul3A_49 {strides = array<i32>} : memref<2000x256xf32, #tpu.memory_space<vmem>>, vector<2000x256xf32>,
    return
  }
  func.func @transform_0(%arg0: i32) -> (i32, i32) {
    %c0_i32 = arith.constant 0 : i32
    %c0_i32_0 = arith.constant 0 : i32
    return %arg0, %c0_i32 : i32, i32
  }
  func.func @transform_1(%arg0: i32) -> (i32, i32, i32) {
    %c0_i32 = arith.constant 0 : i32
    %c0_i32_0 = arith.constant 0 : i32
    %c0_i32_1 = arith.constant 0 : i32
    return %arg0, %c0_i32, %c0_i32_0 : i32, i32, i32
  }
  func.func @transform_2(%arg0: i32) -> (i32, i32, i32) {
    %c0_i32 = arith.constant 0 : i32
    %c0_i32_0 = arith.constant 0 : i32
    %c0_i32_1 = arith.constant 0 : i32
    return %arg0, %c0_i32, %c0_i32_0 : i32, i32, i32
  }
  func.func @transform_3(%arg0: i32) -> (i32, i32) {
    %c0_i32 = arith.constant 0 : i32
    %c0_i32_0 = arith.constant 0 : i32
    %c0_i32_1 = arith.constant 0 : i32
    return %c0_i32, %c0_i32_0 : i32, i32
  }
  func.func @transform_4(%arg0: i32) -> (i32, i32) {
    %c0_i32 = arith.constant 0 : i32
    %c0_i32_0 = arith.constant 0 : i32
    %c0_i32_1 = arith.constant 0 : i32
    return %c0_i32, %c0_i32_0 : i32, i32
  }
  func.func @transform_5(%arg0: i32) -> (i32, i32) {
    %c0_i32 = arith.constant 0 : i32
    %c0_i32_0 = arith.constant 0 : i32
    %c0_i32_1 = arith.constant 0 : i32
    return %c0_i32, %c0_i32_0 : i32, i32
  }
  func.func @transform_6(%arg0: i32) -> (i32, i32) {
    %c0_i32 = arith.constant 0 : i32
    %c0_i32_0 = arith.constant 0 : i32
    %c0_i32_1 = arith.constant 0 : i32
    return %c0_i32, %c0_i32_0 : i32, i32
  }
  func.func @transform_7(%arg0: i32) -> (i32, i32) {
    %c0_i32 = arith.constant 0 : i32
    %c0_i32_0 = arith.constant 0 : i32
    %c0_i32_1 = arith.constant 0 : i32
    return %c0_i32, %c0_i32_0 : i32, i32
  }
  func.func @transform_8(%arg0: i32) -> (i32, i32) {
    %c0_i32 = arith.constant 0 : i32
    %c0_i32_0 = arith.constant 0 : i32
    %c0_i32_1 = arith.constant 0 : i32
    return %c0_i32, %c0_i32_0 : i32, i32
  }
  func.func @transform_9(%arg0: i32) -> (i32, i32) {
    %c0_i32 = arith.constant 0 : i32
    %c0_i32_0 = arith.constant 0 : i32
    return %arg0, %c0_i32 : i32, i32
  }
}

</mosaic_0001>

<sc_bundles>
// kernel: kernel.6.cloned.1.call-start
scs
__scs_entry_jumppad:
0x0: {  	(pc) =	sbr.rel $0x88, $3  }
0x1: {  	(tag) =	ssettag $0x0;
	lr =	simm.s32 $0x1  }
0x2: {  	[smem:$0x3F97] =	sst lr;
	_ =	strace $0xD0000000  }
0x3: {  	_ = 	snop  }
0x4: {  	_ = 	snop  }
0x5: {  	_ = 	snop  }
0x6: {  	_ = 	snop  }
0x7: {  	_ = 	snop  }
__scs_overlays_trampoline_lowered:
0x8: {  	[smem:$0x3FA6] =	sst s0  }
0x9: {  	[smem:$0x3FA7] =	sst s1  }
0xa: {  	[smem:$0x3FA8] =	sst s2  }
0xb: {  	[smem:$0x3FA9] =	sst s3  }
0xc: {  	[smem:$0x3FAA] =	sst s4  }
0xd: {  	[smem:$0x3FAB] =	sst s5  }
0xe: {  	[smem:$0x3FAC] =	sst s6  }
0xf: {  	[smem:$0x3FAD] =	sst s7  }
0x10: {  	[smem:$0x3FAE] =	sst s8  }
0x11: {  	[smem:$0x3FAF] =	sst s9;
	s0 =	simm.s32 @!p0 $0x0  }
0x12: {  	s1 =	sld [smem:$0x3F95];
	s0 =	simm.s32 @p0 $0x1  }
0x13: {  	[smem:$0x3FB0] =	sst s0;
	s0 =	simm.s32 @!p1 $0x0  }
0x14: {  	s2 =	sld [smem:$0x3F94];
	s0 =	simm.s32 @p1 $0x1  }
0x15: {  	[smem:$0x3FB1] =	sst s0;
	s0 =	simm.s32 @!p2 $0x0  }
0x16: {  	s3 =	sld [smem:$0x3FDB];
	s0 =	simm.s32 @p2 $0x1  }
0x17: {  	s4 =	simm.s32 $0x1BF5;
	[smem:$0x3FB3] =	sst s0  }
0x18: {  	s0 =	sld [smem:$0x3F96];
	_ =	swait.ge [sflag:s4], $0x0  }
0x19: {  	s7 =	sld [smem:$0x3F97]  }
0x1a: {  	s8 =	sadd.s32 $0xFFFFE003, lr  }
0x1b: {  	s9 =	sadd.s32 $0xFFFFFEF7, lr;
	s5 =	simm.s32 $0xFFFFFFFF;
	p2 =	slt.u32 s8, $0xFFFFF086  }
0x1c: {  	p1 =	slt.u32 s9, $0xF7A;
	s5 =	simm.s32 @!p2 $0x0  }
0x1d: {  	s5 =	simm.s32 @p1 $0x1;
	p0 =	seq.s32 s7, s2  }
0x1e: {  	s7 =	smul.u32 @!p0 $0xF7A, s2;
	p2 =	seq.s32 @!p0 s5, $0x0  }
0x1f: {  	s9 =	smul.u32 $0xF7A, s1;
	s8 =	simm.s32 @!p0 $0x1BF5;
	p2 =	por !p2, p0  }
0x20: {  	[sflag:s8] =	ssyncset.s32 @!p0 $0xFFFFF086;
	s6 =	sadd.s32 @!p0 s3, s7;
	s7 =	simm.s32 @!p0 $0x108  }
0x21: {  	s3 =	sadd.s32 s3, s9;
	s6 =	sadd.s32 @!p0 $0x88, s6;
	s7 =	simm.s32 @p2 $0x1082  }
0x22: {  	[simem:s7], [sflag:s8] =	dma.local @!p0 [hbm:s6], $0xF7A  }
0x23: {  	s9 =	sor.u32 $0xD0000000, s2;
	s6 =	simm.s32 $0x108;
	_ =	swait.ge @!p0 [sflag:s8], $0x0  }
0x24: {  	s3 =	sadd.s32 $0x88, s3;
	s6 =	simm.s32 @!p1 $0x1082;
	[sflag:s4] =	ssyncset.s32 $0xFFFFF086  }
0x25: {  	[simem:s6], [sflag:s4] =	dma.local [hbm:s3], $0xF7A  }
0x26: {  	[smem:$0x3F97] =	sst s1;
	(tag) =	ssettag s2;
	_ =	strace s9  }
0x27: {  	s1 =	sld [smem:$0x3FA7]  }
0x28: {  	s2 =	sld [smem:$0x3FA8]  }
0x29: {  	s4 =	sld [smem:$0x3FAA]  }
0x2a: {  	p0 =	seq.s32 s5, $0x0;
	s5 =	sld [smem:$0x3FAB]  }
0x2b: {  	s6 =	sld [smem:$0x3FAC]  }
0x2c: {  	s7 =	sld [smem:$0x3FAD]  }
0x2d: {  	s3 =	simm.s32 $0x108;
	s8 =	sld [smem:$0x3FAE]  }
0x2e: {  	s3 =	simm.s32 @!p0 $0x1082;
	s9 =	sld [smem:$0x3FAF]  }
0x2f: {  	lr =	sadd.s32 s0, s3;
	s0 =	sld [smem:$0x3FA6]  }
0x30: {  	s3 =	sld [smem:$0x3FA9]  }
0x31: {  	[smem:$0x3FB2] =	sst s10  }
0x32: {  	s10 =	sld [smem:$0x3FB0];
	_ =	sdelay $0x3  }
0x33: {  	p0 =	seq.s32 s10, $0x1;
	s10 =	sld [smem:$0x3FB2];
	_ =	sdelay $0x3  }
0x34: {  	[smem:$0x3FB2] =	sst s10  }
0x35: {  	s10 =	sld [smem:$0x3FB1];
	_ =	sdelay $0x3  }
0x36: {  	p1 =	seq.s32 s10, $0x1;
	s10 =	sld [smem:$0x3FB2];
	_ =	sdelay $0x3  }
0x37: {  	[smem:$0x3FB2] =	sst s10  }
0x38: {  	s10 =	sld [smem:$0x3FB3]  }
0x39: {  	_ = 	snop;
	(pc) =	sbr.ind lr, $3  }
0x3a: {  	_ = 	snop  }
0x3b: {  	_ = 	snop  }
0x3c: {  	p2 =	seq.s32 s10, $0x1;
	s10 =	sld [smem:$0x3FB2]  }
0x3d: {  	_ =	shalt  }
0x3e: {  	_ =	shalt  }
0x3f: {  	_ =	shalt  }
0x40: {  	_ =	shalt  }
0x41: {  	_ =	shalt  }
0x42: {  	_ =	shalt  }
0x43: {  	_ =	shalt  }
0x44: {  	_ =	shalt  }
0x45: {  	_ =	shalt  }
0x46: {  	_ =	shalt  }
0x47: {  	_ =	shalt  }
0x48: {  	_ =	shalt  }
0x49: {  	_ =	shalt  }
0x4a: {  	_ =	shalt  }
0x4b: {  	_ =	shalt  }
0x4c: {  	_ =	shalt  }
0x4d: {  	_ =	shalt  }
0x4e: {  	_ =	shalt  }
0x4f: {  	_ =	shalt  }
0x50: {  	_ =	shalt  }
0x51: {  	_ =	shalt  }
0x52: {  	_ =	shalt  }
0x53: {  	_ =	shalt  }
0x54: {  	_ =	shalt  }
0x55: {  	_ =	shalt  }
0x56: {  	_ =	shalt  }
0x57: {  	_ =	shalt  }
0x58: {  	_ =	shalt  }
0x59: {  	_ =	shalt  }
0x5a: {  	_ =	shalt  }
0x5b: {  	_ =	shalt  }
0x5c: {  	_ =	shalt  }
0x5d: {  	_ =	shalt  }
0x5e: {  	_ =	shalt  }
0x5f: {  	_ =	shalt  }
0x60: {  	_ =	shalt  }
0x61: {  	_ =	shalt  }
0x62: {  	_ =	shalt  }
0x63: {  	_ =	shalt  }
0x64: {  	_ =	shalt  }
0x65: {  	_ =	shalt  }
0x66: {  	_ =	shalt  }
0x67: {  	_ =	shalt  }
0x68: {  	_ =	shalt  }
0x69: {  	_ =	shalt  }
0x6a: {  	_ =	shalt  }
0x6b: {  	_ =	shalt  }
0x6c: {  	_ =	shalt  }
0x6d: {  	_ =	shalt  }
0x6e: {  	_ =	shalt  }
0x6f: {  	_ =	shalt  }
0x70: {  	_ =	shalt  }
0x71: {  	_ =	shalt  }
0x72: {  	_ =	shalt  }
0x73: {  	_ =	shalt  }
0x74: {  	_ =	shalt  }
0x75: {  	_ =	shalt  }
0x76: {  	_ =	shalt  }
0x77: {  	_ =	shalt  }
0x78: {  	_ =	shalt  }
0x79: {  	_ =	shalt  }
0x7a: {  	_ =	shalt  }
0x7b: {  	_ =	shalt  }
0x7c: {  	_ =	shalt  }
0x7d: {  	_ =	shalt  }
0x7e: {  	_ =	shalt  }
0x7f: {  	_ =	shalt  }
0x80: {  	_ =	shalt  }
0x81: {  	_ =	shalt  }
0x82: {  	_ =	shalt  }
0x83: {  	_ =	shalt  }
0x84: {  	_ =	shalt  }
0x85: {  	_ =	shalt  }
0x86: {  	_ =	shalt  }
0x87: {  	_ =	shalt  }
.Lfunc_end0:
.L_simem_size_0:
called_computation_lowered:
.L_overlay_start_0:
0x88: {  	s2 =	sld [smem:$0x3FD9]  }
0x89: {  	s3 =	sld [smem:$0x3FFE];
	_ =	sdelay $0x1  }
0x8a: {  	s1 =	srdreg.scid  }
0x8b: {  	s0 =	sand.u32 $0x1, s1  }
0x8c: {  	s14 =	sshll.u32 s0, $0xA;
	s2 =	sadd.s32 s3, s2  }
0x8d: {  	s2 =	sadd.s32 s2, s14  }
0x8e: {  	[smem:$0x3FBE] =	sst s2  }
0x8f: {  	_ = 	snop  }
0x90: {  	s2 =	sld [smem:$0x3FD0];
	_ =	sdelay $0x2  }
0x91: {  	s15 =	simm.s32 $0xA;
	s4 =	simm.s32 $0x10  }
0x92: {  	[smem:s4], [sflag:s15] =	dma.local [hbm:s2], $0x1  }
0x93: {  	_ =	swait.eq [sflag:s15], $0x1  }
0x94: {  	[sflag:s15] =	ssyncset.done $0x0  }
0x95: {  	s16 =	sld [smem:$0x10];
	[sflag:s15] =	ssyncadd.s32 $0xFFFFFFFF  }
0x96: {  	s17 =	sld [smem:$0x11];
	(tm) =	ssettm $0x1  }
0x97: {  	s18 =	sld [smem:$0x3FFB];
	_ =	sdelay $0x3  }
0x98: {  	_ =	strace s18  }
0x99: {  	s4 =	sld [smem:$0x3FFC];
	_ =	sdelay $0x3  }
0x9a: {  	_ =	strace s4  }
0x9b: {  	s4 =	sld [smem:$0x3FFD];
	_ =	sdelay $0x3  }
0x9c: {  	_ =	strace s4  }
0x9d: {  	_ =	strace $0x8FFFFFFF  }
0x9e: {  	s19 =	sld [smem:$0x3FDB];
	_ =	sdelay $0x1  }
0x9f: {  	s5 =	simm.s32 $_scs_section_size  }
0xa0: {  	s6 =	simm.s32 $_size__tile_overlayer_lowered;
	s7 =	simm.s32 $_tile_overlayer_lowered  }
0xa1: {  	s22 =	simm.s32 $0x1BFF;
	s21 =	sshll.u32 s7, $0x1;
	s4 =	sadd.s32 s5, s19  }
0xa2: {  	s8 =	simm.s32 $0x0;
	s20 =	sshll.u32 s6, $0x1;
	s6 =	sadd.s32 s21, s4  }
0xa3: {  	[timem:s8], [sflag:s22] =	dma.local [hbm:s6], s20  }
0xa4: {  	_ =	swait.ge [sflag:s22], s20  }
0xa5: {  	s5 =	ssub.s32 $0x0, s20;
	[sflag:s22] =	ssyncset.done $0x0  }
0xa6: {  	[sflag:s22] =	ssyncadd.s32 s5;
	_ =	sdelay $0x1  }
0xa7: {  	s23 =	simm.s32 $0x1B8B  }
0xa8: {  	_ =	swait.ge [sflag:s23], $0x1  }
0xa9: {  	[sflag:s23] =	ssyncset.done $0x0  }
0xaa: {  	s25 =	simm.s32 $0x1B8E;
	s24 =	sld [smem:$0x3FFE];
	[sflag:s23] =	ssyncadd.s32 $0xFFFFFFFF  }
0xab: {  	s26 =	simm.s32 $execute0_lowered;
	[smem:$0x3FD2] =	sst s25  }
0xac: {  	s6 =	sshll.u32 s26, $0x1;
	_ =	strace $0x80000046;
	[dreg:$0x1] =	wrdreg $0xFFFFFFFF  }
0xad: {  	s28 =	simm.s32 $_size_execute0_lowered;
	s4 =	sadd.s32 s4, s6;
	[dreg:$0x0] =	wrdreg $0x0  }
0xae: {  	s6 =	sshll.u32 s28, $0x1;
	[dreg:$0x2] =	wrdreg s4  }
0xaf: {  	[dreg:$0x3] =	wrdreg s6  }
0xb0: {  	[dreg:$0x4] =	wrdreg $0xC0  }
0xb1: {  	_ =	task [dreg:s8], $0x5FFFF  }
0xb2: {  	[dreg:$0x1] =	wrdreg $0xFFFFFFFF  }
0xb3: {  	[dreg:$0x0] =	wrdreg $0x60  }
0xb4: {  	[dreg:$0x2] =	wrdreg s24  }
0xb5: {  	[dreg:$0x3] =	wrdreg s16  }
0xb6: {  	[dreg:$0x4] =	wrdreg s17  }
0xb7: {  	[dreg:$0x5] =	wrdreg $0x9  }
0xb8: {  	_ =	task.clear_ibuf [dreg:s8], $0x6FFFF;
	_ =	strace $0x90000046  }
0xb9: {  	s29 =	simm.s32 $0x9;
	_ =	strace $0x80000048  }
0xba: {  	_ =	swait.ge [sflag:s29], $0x1  }
0xbb: {  	[sflag:s29] =	ssyncadd.s32 $0xFFFFFFFF  }
0xbc: {  	_ =	strace $0x90000048  }
0xbd: {  	_ =	sfence  }
0xbe: {  	s30 =	sld [smem:$0x0];
	_ =	sdelay $0x2  }
0xbf: {  	s31 =	sshll.u32 s1, $0xD;
	s1 =	sshrl.u32 s1, $0x2  }
0xc0: {  	s3 =	sand.u32 $0x4000, s31;
	s1 =	sadd.s32 s1, s30  }
0xc1: {  	s0 =	sor.u32 s3, s0;
	s1 =	sshll.u32 s1, $0x11  }
0xc2: {  	s0 =	sor.u32 s1, s0  }
0xc3: {  	s0 =	sadd.s32 $0x8F2B, s0  }
0xc4: {  	[sflag:s0] =	ssyncadd.remote.s32 $0x1  }
0xc5: {  	_ =	sfence.sel $0xFFFF  }
0xc6: {  	[dreg:$0x0] =	wrdreg $0xFFFFFFFF;
	(pc) =	sbr.abs _section_cstart, $3  }
0xc7: {  	[dreg:$0x1] =	wrdreg $0xFFFFFFFF  }
0xc8: {  	_ =	task.clear_ibuf [dreg:s8], $0x2FFFF;
	_ =	strace $0x9FFFFFFF  }
0xc9: {  	(tm) =	ssettm $0x7FFFFFFF  }
tec
execute0_lowered:
.L_overlay_start_1:
0x0: {  	(tag) =	ssettag $0x1  }
0x1: {  	s0 =	srdreg.scid  }
0x2: {  	s1 =	stileid.u32;
	s0 =	sand.u32 $0x1, s0  }
0x3: {  	s1 =	sshll.u32 s1, $0x3;
	s2 =	sshll.u32 s0, $0x2  }
0x4: {  	s1 =	sor.u32 s2, s1  }
0x5: {  	s3 =	rddreg [dreg:$0x0];
	s16 =	smin.u32 s1, $0x60  }
0x6: {  	s4 =	rddreg [dreg:$0x1];
	s6 =	simm.s32 $0x1;
	s23 =	smul.u32 $0x2F3334, s16  }
0x7: {  	s30 =	simm.s32 $0x190;
	s29 =	simm.s32 $0x4B0;
	s5 =	smul.u32 $0x64, s16  }
0x8: {  	s31 =	simm.s32 $0x6120;
	s9 =	sadd.s32 $0x1600, s3;
	s3 =	sadd.s32 $0x3E00, s3  }
0x9: {  	s0 =	ssub.s32 $0x2, s0;
	s2 =	sand.u32 $0xFFF0, s23;
	s7 =	sadd.s32 $0xC8, s5  }
0xa: {  	s10 =	sshrl.u32 s0, $0x1;
	s2 =	sshrl.u32 s2, $0x4;
	s8 =	smul.u32 $0x8313, s7  }
0xb: {  	p0 =	seq.s32 s1, $0x0;
	s0 =	ssub.s32 s0, s10;
	p1 =	sgt.u32 s2, $0x20  }
0xc: {  	s24 =	smul.u32 $0x67, s16;
	p0 =	por !p0, !p1;
	s8 =	sshrl.u32 s8, $0x1A  }
0xd: {  	s28 =	sshrl.u32 s16, $0x2;
	p0 =	por !p0, !p0;
	s11 =	smul.u32 $0xFFFFF830, s8  }
0xe: {  	[dreg:$0x4] =	wrdreg s16;
	s1 =	sshrl.u32 s24, $0xB;
	s6 =	simm.s32 @!p0 $0x0  }
0xf: {  	s1 =	ssub.s32 s1, s6;
	s25 =	sadd.s32 s7, s11;
	s7 =	smul.u32 $0x640, s28  }
0x10: {  	s0 =	smax.u32 s0, $0x1;
	s2 =	simm.s32 $0x0;
	s6 =	smul.u32 $0xFFFFF830, s1  }
0x11: {  	[smem:$0x7FF] =	sst s2;
	s26 =	sshll.u32 s8, $0xE;
	s4 =	sadd.s32 s4, s7  }
0x12: {  	s1 =	sshll.u32 s1, $0xE;
	s5 =	sadd.s32 s5, s6;
	[dreg:$0xd] =	wrdreg s4  }
0x13: {  	s4 =	simm.s32 $0x6820;
	s1 =	sadd.s32 s1, s5;
	s5 =	sadd.s32 s26, s25  }
0x14: {  	s6 =	simm.s32 $0x6F20;
	s8 =	sshrl.u32 s1, $0x3;
	s19 =	sshrl.u32 s5, $0x3  }
0x15: {  	s20 =	sadd.s32 $0x800, s1;
	s22 =	sadd.s32 $0x800, s5;
	s23 =	sadd.s32 $0x1000, s1  }
0x16: {  	s24 =	sadd.s32 $0x1000, s5;
	s25 =	sadd.s32 $0x1800, s1;
	s18 =	sadd.s32 s9, s8  }
0x17: {  	s1 =	sadd.s32 $0x2000, s1;
	s21 =	sadd.s32 s9, s19;
	[dreg:$0x5] =	wrdreg s18  }
0x18: {  	s10 =	sshrl.u32 s20, $0x3;
	s19 =	sadd.s32 s3, s19;
	[dreg:$0x6] =	wrdreg s21  }
0x19: {  	s11 =	sshrl.u32 s22, $0x3;
	s12 =	sadd.s32 s9, s10;
	[dreg:$0x11] =	wrdreg s19  }
0x1a: {  	s1 =	sshrl.u32 s1, $0x3;
	s13 =	sadd.s32 s9, s11;
	[dreg:$0x7] =	wrdreg s12  }
0x1b: {  	s26 =	sadd.s32 $0x1800, s5;
	s7 =	sadd.s32 s9, s1;
	[dreg:$0x8] =	wrdreg s13  }
0x1c: {  	s5 =	sadd.s32 $0x2000, s5;
	s18 =	sadd.s32 s3, s8;
	[dreg:$0xe] =	wrdreg s7  }
0x1d: {  	s5 =	sshrl.u32 s5, $0x3;
	s20 =	sadd.s32 s3, s10;
	[dreg:$0x10] =	wrdreg s18  }
0x1e: {  	s21 =	sadd.s32 s3, s11;
	s1 =	sadd.s32 s3, s1;
	[dreg:$0x12] =	wrdreg s20  }
0x1f: {  	s19 =	simm.s32 $0x320;
	s12 =	sshrl.u32 s23, $0x3;
	[dreg:$0x13] =	wrdreg s21  }
0x20: {  	s13 =	sshrl.u32 s24, $0x3;
	[dreg:$0x18] =	wrdreg s1;
	s14 =	sadd.s32 s9, s12  }
0x21: {  	s8 =	simm.s32 $0x7620;
	s15 =	sadd.s32 s9, s13;
	[dreg:$0x9] =	wrdreg s14  }
0x22: {  	s10 =	simm.s32 $0x7D20;
	s22 =	sadd.s32 s3, s12;
	[dreg:$0xa] =	wrdreg s15  }
0x23: {  	s11 =	simm.s32 $0xA020;
	s23 =	sadd.s32 s3, s13;
	[dreg:$0x14] =	wrdreg s22  }
0x24: {  	s18 =	simm.s32 $0x1;
	s14 =	sshrl.u32 s25, $0x3;
	[dreg:$0x15] =	wrdreg s23  }
0x25: {  	s15 =	sshrl.u32 s26, $0x3;
	s26 =	rddreg [dreg:$0x2];
	s17 =	sadd.s32 s9, s14  }
0x26: {  	s7 =	simm.s32 $0x9220;
	s28 =	sadd.s32 s9, s15;
	[dreg:$0xb] =	wrdreg s17  }
0x27: {  	s12 =	simm.s32 $0x7D0;
	s24 =	sadd.s32 s3, s14;
	[dreg:$0xc] =	wrdreg s28  }
0x28: {  	s13 =	simm.s32 $0x960;
	s25 =	sadd.s32 s3, s15;
	[dreg:$0x16] =	wrdreg s24  }
0x29: {  	s3 =	sadd.s32 s3, s5;
	s14 =	simm.s32 $0xAF0;
	[dreg:$0x17] =	wrdreg s25  }
0x2a: {  	s15 =	simm.s32 $0xC80;
	s17 =	sadd.s32 s9, s5;
	[dreg:$0x19] =	wrdreg s3  }
0x2b: {  	s28 =	sshll.u32 s16, $0x1;
	s3 =	simm.s32 $0x8420;
	s5 =	simm.s32 $0x8B20  }
0x2c: {  	v0 =	vlaneseq.u32;
	v1 =	vimm.f32 $+Inf;
	v3 =	vimm.f32 $0.0e+00;
	s9 =	simm.s32 $0x9920;
	[dreg:$0xf] =	wrdreg s17;
	s1 =	sadd.s32 s26, s28  }
0x2d: {  	vm0 =	vmmov $0x1;
	vm1 =	vcmask $0xB08;
	vm2 =	vcmask $0x1310;
	s16 =	simm.s32 $0xE10;
	s17 =	simm.s32 $0x0;
	[dreg:$0x1a] =	wrdreg s1  }
0x2e: {  	vm3 =	vcmask $0x1B18;
	vm4 =	vcmask $0x2320;
	v2 =	vmul.u32 $0x70, v0;
	_ =	strace $0x80000047;
	[dreg:$0x1b] =	wrdreg s0;
	s0 =	simm.s32 $0x640  }
.LBB2_1:
0x2f: {  	[dreg:$0x1c] =	wrdreg s17  }
0x30: {  	s1 =	rddreg [dreg:$0x5]  }
0x31: {  	[tilespmem:s2], [sflag:$0x1] =	stream.linear.gather [hbm4b:s1+s2], $0xC8, $0x38;
	[tilespmem:$0xA720] =	vst v63  }
0x32: {  	s20 =	rddreg [dreg:$0x6];
	s21 =	simm.s32 $0xC8  }
0x33: {  	[tilespmem:s21], [sflag:$0x1] =	stream.linear.gather [hbm4b:s20+s2], $0xC8, $0x38;
	[tilespmem:$0xA720] =	vst v63  }
0x34: {  	s22 =	rddreg [dreg:$0x7]  }
0x35: {  	[tilespmem:s30], [sflag:$0x1] =	stream.linear.gather [hbm4b:s22+s2], $0xC8, $0x38;
	[tilespmem:$0xA720] =	vst v63  }
0x36: {  	s23 =	rddreg [dreg:$0x8];
	s24 =	simm.s32 $0x258  }
0x37: {  	[tilespmem:s24], [sflag:$0x1] =	stream.linear.gather [hbm4b:s23+s2], $0xC8, $0x38;
	[tilespmem:$0xA720] =	vst v63  }
0x38: {  	s25 =	rddreg [dreg:$0x9]  }
0x39: {  	[tilespmem:s19], [sflag:$0x1] =	stream.linear.gather [hbm4b:s25+s2], $0xC8, $0x38;
	[tilespmem:$0xA720] =	vst v63  }
0x3a: {  	s26 =	rddreg [dreg:$0xa];
	s28 =	simm.s32 $0x3E8  }
0x3b: {  	[tilespmem:s28], [sflag:$0x1] =	stream.linear.gather [hbm4b:s26+s2], $0xC8, $0x38;
	[tilespmem:$0xA720] =	vst v63  }
0x3c: {  	s20 =	rddreg [dreg:$0xb]  }
0x3d: {  	[tilespmem:s29], [sflag:$0x1] =	stream.linear.gather [hbm4b:s20+s2], $0xC8, $0x38;
	[tilespmem:$0xA720] =	vst v63  }
0x3e: {  	s21 =	rddreg [dreg:$0xc];
	s22 =	simm.s32 $0x578  }
0x3f: {  	[tilespmem:s22], [sflag:$0x1] =	stream.linear.gather [hbm4b:s21+s2], $0xC8, $0x38;
	[tilespmem:$0xA720] =	vst v63  }
0x40: {  	s23 =	rddreg [dreg:$0xe]  }
0x41: {  	[tilespmem:s0], [sflag:$0x1] =	stream.linear.gather [hbm4b:s23+s2], $0xC8, $0x38;
	[tilespmem:$0xA720] =	vst v63  }
0x42: {  	s17 =	simm.s32 $0x40;
	s24 =	rddreg [dreg:$0xf];
	s25 =	simm.s32 $0x708  }
0x43: {  	[tilespmem:s25], [sflag:$0x1] =	stream.linear.gather [hbm4b:s24+s2], $0xC8, $0x38;
	[tilespmem:$0xA720] =	vst v63  }
0x44: {  	s1 =	simm.s32 $0x0;
	s26 =	rddreg [dreg:$0xd];
	s28 =	simm.s32 $0xFA0  }
0x45: {  	[tilespmem:s28], [sflag:$0x1] =	stream.linear.gather [hbm4b:s26+s2], $0x3200, $0x38;
	[tilespmem:$0xA720] =	vst v63  }
.LBB2_2:
0x46: {  	p0 =	sne.s32 s17, $0x1BC0;
	[tilespmem:s1+$0xA020] =	vst v1  }
0x47: {  	[tilespmem:s1+$0x6120] =	vst v1  }
0x48: {  	[tilespmem:s1+$0x6820] =	vst v1  }
0x49: {  	[tilespmem:s1+$0x6F20] =	vst v1  }
0x4a: {  	[tilespmem:s1+$0x7620] =	vst v1  }
.Ltmp0:
0x4b: {  	[tilespmem:s1+$0x7D20] =	vst v1;
	(pc) =	sbr.rel @p0 .LBB2_2-.Ltmp0, $4  }
0x4c: {  	[tilespmem:s1+$0x8420] =	vst v1  }
0x4d: {  	[tilespmem:s1+$0x8B20] =	vst v1  }
0x4e: {  	[tilespmem:s1+$0x9220] =	vst v1  }
0x4f: {  	[tilespmem:s1+$0x9920] =	vst v1;
	s1 =	sshra.s32 s17, $0x2;
	s17 =	sadd.s32 $0x40, s17  }
0x50: {  	[tilespmem:s1+$0xA020] =	vst v1  }
0x51: {  	[tilespmem:s1+$0x6120] =	vst v1  }
0x52: {  	[tilespmem:s1+$0x6820] =	vst v1  }
0x53: {  	[tilespmem:s1+$0x6F20] =	vst v1  }
0x54: {  	[tilespmem:s1+$0x7620] =	vst v1  }
0x55: {  	[tilespmem:s1+$0x7D20] =	vst v1  }
0x56: {  	[tilespmem:s1+$0x8420] =	vst v1  }
0x57: {  	[tilespmem:s1+$0x8B20] =	vst v1  }
0x58: {  	[tilespmem:s1+$0x9220] =	vst v1  }
0x59: {  	[tilespmem:s1+$0x9920] =	vst v1  }
0x5a: {  	_ =	swait.ge [sflag:s18], $0xC8  }
0x5b: {  	[sflag:s18] =	ssyncset.done $0x0  }
0x5c: {  	[sflag:s18] =	ssyncadd.s32 $0xFFFFFF38  }
0x5d: {  	_ =	swait.ge [sflag:s18], $0xC8  }
0x5e: {  	[sflag:s18] =	ssyncset.done $0x0  }
0x5f: {  	[sflag:s18] =	ssyncadd.s32 $0xFFFFFF38  }
0x60: {  	_ =	swait.ge [sflag:s18], $0xC8  }
0x61: {  	[sflag:s18] =	ssyncset.done $0x0  }
0x62: {  	[sflag:s18] =	ssyncadd.s32 $0xFFFFFF38  }
0x63: {  	_ =	swait.ge [sflag:s18], $0xC8  }
0x64: {  	[sflag:s18] =	ssyncset.done $0x0  }
0x65: {  	[sflag:s18] =	ssyncadd.s32 $0xFFFFFF38  }
0x66: {  	_ =	swait.ge [sflag:s18], $0xC8  }
0x67: {  	[sflag:s18] =	ssyncset.done $0x0  }
0x68: {  	[sflag:s18] =	ssyncadd.s32 $0xFFFFFF38  }
0x69: {  	_ =	swait.ge [sflag:s18], $0xC8  }
0x6a: {  	[sflag:s18] =	ssyncset.done $0x0  }
0x6b: {  	[sflag:s18] =	ssyncadd.s32 $0xFFFFFF38  }
0x6c: {  	_ =	swait.ge [sflag:s18], $0xC8  }
0x6d: {  	[sflag:s18] =	ssyncset.done $0x0  }
0x6e: {  	[sflag:s18] =	ssyncadd.s32 $0xFFFFFF38  }
0x6f: {  	_ =	swait.ge [sflag:s18], $0xC8  }
0x70: {  	[sflag:s18] =	ssyncset.done $0x0  }
0x71: {  	[sflag:s18] =	ssyncadd.s32 $0xFFFFFF38  }
0x72: {  	_ =	swait.ge [sflag:s18], $0xC8  }
0x73: {  	[sflag:s18] =	ssyncset.done $0x0  }
0x74: {  	[sflag:s18] =	ssyncadd.s32 $0xFFFFFF38  }
0x75: {  	_ =	swait.ge [sflag:s18], $0xC8  }
0x76: {  	[sflag:s18] =	ssyncset.done $0x0  }
0x77: {  	[sflag:s18] =	ssyncadd.s32 $0xFFFFFF38  }
0x78: {  	_ =	swait.ge [sflag:s18], $0x3200  }
0x79: {  	s1 =	simm.s32 $0x20;
	s28 =	simm.s32 $0x0;
	[sflag:s18] =	ssyncset.done $0x0  }
0x7a: {  	s21 =	simm.s32 $0x0;
	s22 =	simm.s32 $0x0;
	[sflag:s18] =	ssyncadd.s32 $0xFFFFCE00  }
.LBB2_4:
0x7b: {  	s17 =	rddreg [dreg:$0x4]  }
0x7c: {  	s18 =	smul.u32 $0x64, s22;
	s17 =	sor.u32 s17, s22  }
0x7d: {  	s17 =	smul.u32 $0x64, s17  }
0x7e: {  	s26 =	simm.s32 $0xFFFFFFFE;
	s20 =	smov.u32 s28;
	[dreg:$0x1e] =	wrdreg s18  }
0x7f: {  	v4 =	vmov s18;
	s18 =	smov.u32 s1;
	[dreg:$0x1d] =	wrdreg s17;
	v5 =	vmov s17;
	s17 =	simm.s32 $0x4E30  }
.LBB2_5:
0x80: {  	s25 =	sadd.s32 $0xFFFFFFE0, s18  }
0x81: {  	s23 =	sand.u32 $0x60, s20;
	s25 =	sand.u32 $0x7F00, s25  }
0x82: {  	s23 =	sor.u32 s23, s25  }
0x83: {  	v6 =	vld [tilespmem:s23+$0xFA0]  }
0x84: {  	v7 =	vld [tilespmem:s23+$0x1020];
	_ =	sdelay $0x3  }
0x85: {  	v6 =	vsub.s32 v6, v5  }
0x86: {  	v7 =	vsub.s32 v7, v5;
	v8 =	vadd.s32 v4, v6  }
0x87: {  	v9 =	vadd.s32 v4, v7;
	_ =	sdelay $0x2  }
0x88: {  	s25 =	simm.s32 $0x0  }
0x89: {  	v10 =	vld.idx.msk [tilespmem:v8+s25+$0x0], $0xffff  }
0x8a: {  	v11 =	vld.idx.msk [tilespmem:v9+s25+$0x0], $0xffff  }
0x8b: {  	v12 =	vld.idx.msk [tilespmem:v8+s30+$0x0], $0xffff  }
0x8c: {  	v13 =	vld.idx.msk [tilespmem:v9+s30+$0x0], $0xffff  }
0x8d: {  	v14 =	vld.idx.msk [tilespmem:v8+s19+$0x0], $0xffff  }
0x8e: {  	v6 =	vadd.s32 v2, v6;
	v15 =	vld.idx.msk [tilespmem:v9+s19+$0x0], $0xffff  }
0x8f: {  	v7 =	vadd.s32 v2, v7;
	v16 =	vld.idx.msk [tilespmem:v8+s29+$0x0], $0xffff  }
0x90: {  	v17 =	vld.idx.msk [tilespmem:v9+s29+$0x0], $0xffff  }
0x91: {  	v8 =	vld.idx.msk [tilespmem:v8+s0+$0x0], $0xffff  }
0x92: {  	v9 =	vld.idx.msk [tilespmem:v9+s0+$0x0], $0xffff  }
0x93: {  	v18 =	vld.idx.msk [tilespmem:v6+s31+$0x0], $0xffff  }
0x94: {  	v19 =	vld.idx.msk [tilespmem:v7+s3+$0x0], $0xffff  }
0x95: {  	v20 =	vld.idx.msk [tilespmem:v6+s4+$0x0], $0xffff  }
0x96: {  	v21 =	vld.idx.msk [tilespmem:v7+s5+$0x0], $0xffff  }
0x97: {  	v22 =	vld.idx.msk [tilespmem:v6+s6+$0x0], $0xffff  }
0x98: {  	v23 =	vld.idx.msk [tilespmem:v7+s7+$0x0], $0xffff  }
0x99: {  	v24 =	vld.idx.msk [tilespmem:v6+s8+$0x0], $0xffff  }
0x9a: {  	v25 =	vld.idx.msk [tilespmem:v7+s9+$0x0], $0xffff  }
0x9b: {  	v26 =	vld.idx.msk [tilespmem:v6+s10+$0x0], $0xffff;
	v10 =	vmax.f32 v10, v11  }
0x9c: {  	v62 =	vld.idx.msk [tilespmem:v7+s11+$0x0], $0xffff;
	v12 =	vmax.f32 v12, v13;
	[tilespmem:s17+$0xFFFFF370] =	vst v10  }
0x9d: {  	v63 =	vmax.f32 v14, v15;
	[tilespmem:s17+$0xFFFFF9B0] =	vst v12  }
0x9e: {  	v17 =	vmax.f32 v16, v17;
	[tilespmem:s17+$0xFFFFFFF0] =	vst v63  }
0x9f: {  	v8 =	vmax.f32 v8, v9;
	[tilespmem:s17+$0x630] =	vst v17  }
0xa0: {  	[tilespmem:s17+$0xC70] =	vst v8;
	v18 =	vmin.f32 v18, v10  }
0xa1: {  	v19 =	vmin.f32 v19, v10;
	[tilespmem:v6+s31+$0x0] =	vst.idx.msk $0xffff, v18  }
0xa2: {  	v20 =	vmin.f32 v20, v12;
	[tilespmem:v7+s3+$0x0] =	vst.idx.msk $0xffff, v19  }
0xa3: {  	v27 =	vmin.f32 v21, v12;
	[tilespmem:v6+s4+$0x0] =	vst.idx.msk $0xffff, v20  }
0xa4: {  	v28 =	vmin.f32 v22, v63;
	[tilespmem:v7+s5+$0x0] =	vst.idx.msk $0xffff, v27  }
0xa5: {  	v29 =	vmin.f32 v23, v63;
	[tilespmem:v6+s6+$0x0] =	vst.idx.msk $0xffff, v28  }
0xa6: {  	v30 =	vmin.f32 v24, v17;
	[tilespmem:v7+s7+$0x0] =	vst.idx.msk $0xffff, v29  }
0xa7: {  	v31 =	vmin.f32 v25, v17;
	[tilespmem:v6+s8+$0x0] =	vst.idx.msk $0xffff, v30  }
0xa8: {  	s24 =	sadd.s32 $0x10, s20;
	v32 =	vmin.f32 v26, v8;
	[tilespmem:v7+s9+$0x0] =	vst.idx.msk $0xffff, v31  }
0xa9: {  	s23 =	sand.u32 $0x70, s24;
	s24 =	sand.u32 $0x7F00, s18;
	[tilespmem:v6+s10+$0x0] =	vst.idx.msk $0xffff, v32;
	v6 =	vmin.f32 v62, v8  }
0xaa: {  	s23 =	sor.u32 s23, s24;
	[tilespmem:v7+s11+$0x0] =	vst.idx.msk $0xffff, v6  }
0xab: {  	v6 =	vld [tilespmem:s23+$0xFA0]  }
0xac: {  	v7 =	vld [tilespmem:s23+$0x1020];
	_ =	sdelay $0x3  }
0xad: {  	v6 =	vsub.s32 v6, v5  }
0xae: {  	v7 =	vsub.s32 v7, v5;
	v33 =	vadd.s32 v4, v6  }
0xaf: {  	v34 =	vadd.s32 v4, v7;
	_ =	sdelay $0x3  }
0xb0: {  	v35 =	vld.idx.msk [tilespmem:v33+s25+$0x0], $0xffff  }
0xb1: {  	v36 =	vld.idx.msk [tilespmem:v34+s25+$0x0], $0xffff  }
0xb2: {  	v37 =	vld.idx.msk [tilespmem:v33+s30+$0x0], $0xffff  }
0xb3: {  	v38 =	vld.idx.msk [tilespmem:v34+s30+$0x0], $0xffff  }
0xb4: {  	v39 =	vld.idx.msk [tilespmem:v33+s19+$0x0], $0xffff  }
0xb5: {  	v6 =	vadd.s32 v2, v6;
	v40 =	vld.idx.msk [tilespmem:v34+s19+$0x0], $0xffff  }
0xb6: {  	v7 =	vadd.s32 v2, v7;
	v41 =	vld.idx.msk [tilespmem:v33+s29+$0x0], $0xffff  }
0xb7: {  	v42 =	vld.idx.msk [tilespmem:v34+s29+$0x0], $0xffff  }
0xb8: {  	v8 =	vld.idx.msk [tilespmem:v33+s0+$0x0], $0xffff  }
0xb9: {  	v9 =	vld.idx.msk [tilespmem:v34+s0+$0x0], $0xffff  }
0xba: {  	v43 =	vld.idx.msk [tilespmem:v6+s31+$0x0], $0xffff  }
0xbb: {  	v44 =	vld.idx.msk [tilespmem:v7+s3+$0x0], $0xffff  }
0xbc: {  	v45 =	vld.idx.msk [tilespmem:v6+s4+$0x0], $0xffff  }
0xbd: {  	v46 =	vld.idx.msk [tilespmem:v7+s5+$0x0], $0xffff  }
0xbe: {  	v47 =	vld.idx.msk [tilespmem:v6+s6+$0x0], $0xffff  }
0xbf: {  	v48 =	vld.idx.msk [tilespmem:v7+s7+$0x0], $0xffff  }
0xc0: {  	v49 =	vld.idx.msk [tilespmem:v6+s8+$0x0], $0xffff  }
0xc1: {  	v50 =	vld.idx.msk [tilespmem:v7+s9+$0x0], $0xffff  }
0xc2: {  	v51 =	vld.idx.msk [tilespmem:v6+s10+$0x0], $0xffff;
	v10 =	vmax.f32 v35, v36  }
0xc3: {  	v52 =	vld.idx.msk [tilespmem:v7+s11+$0x0], $0xffff;
	v12 =	vmax.f32 v37, v38;
	[tilespmem:s17+$0xFFFFF380] =	vst v10  }
0xc4: {  	v53 =	vmax.f32 v39, v40;
	[tilespmem:s17+$0xFFFFF9C0] =	vst v12  }
0xc5: {  	v54 =	vmax.f32 v41, v42;
	[tilespmem:s17+$0x0] =	vst v53  }
0xc6: {  	v8 =	vmax.f32 v8, v9;
	[tilespmem:s17+$0x640] =	vst v54  }
0xc7: {  	[tilespmem:s17+$0xC80] =	vst v8;
	v55 =	vmin.f32 v43, v10  }
0xc8: {  	v56 =	vmin.f32 v44, v10;
	[tilespmem:v6+s31+$0x0] =	vst.idx.msk $0xffff, v55  }
0xc9: {  	v57 =	vmin.f32 v45, v12;
	[tilespmem:v7+s3+$0x0] =	vst.idx.msk $0xffff, v56  }
0xca: {  	v58 =	vmin.f32 v46, v12;
	[tilespmem:v6+s4+$0x0] =	vst.idx.msk $0xffff, v57  }
0xcb: {  	s26 =	sadd.s32 $0x2, s26;
	v59 =	vmin.f32 v47, v53;
	[tilespmem:v7+s5+$0x0] =	vst.idx.msk $0xffff, v58  }
0xcc: {  	p0 =	slt.u32 s26, $0x62;
	v60 =	vmin.f32 v48, v53;
	[tilespmem:v6+s6+$0x0] =	vst.idx.msk $0xffff, v59  }
.Ltmp1:
0xcd: {  	v61 =	vmin.f32 v49, v54;
	[tilespmem:v7+s7+$0x0] =	vst.idx.msk $0xffff, v60;
	(pc) =	sbr.rel @p0 .LBB2_5-.Ltmp1, $4  }
0xce: {  	v62 =	vmin.f32 v50, v54;
	[tilespmem:v6+s8+$0x0] =	vst.idx.msk $0xffff, v61  }
0xcf: {  	v63 =	vmin.f32 v51, v8;
	[tilespmem:v7+s9+$0x0] =	vst.idx.msk $0xffff, v62  }
0xd0: {  	[tilespmem:v6+s10+$0x0] =	vst.idx.msk $0xffff, v63;
	v6 =	vmin.f32 v52, v8  }
0xd1: {  	s20 =	sadd.s32 $0x20, s20;
	s18 =	sadd.s32 $0x40, s18;
	s17 =	sadd.s32 $0x20, s17;
	[tilespmem:v7+s11+$0x0] =	vst.idx.msk $0xffff, v6  }
.LBB2_6:
0xd2: {  	s26 =	sshll.u32 s25, $0x4  }
0xd3: {  	v6 =	vld [tilespmem:s26+$0x6120]  }
0xd4: {  	v7 =	vld [tilespmem:s26+$0x6190]  }
0xd5: {  	v8 =	vld [tilespmem:s26+$0x6200]  }
0xd6: {  	v9 =	vld [tilespmem:s26+$0x6270];
	[tilespmem:s26+$0x6120] =	vst v1  }
0xd7: {  	v10 =	vld [tilespmem:s26+$0x62E0];
	[tilespmem:s26+$0x6190] =	vst v1  }
0xd8: {  	v11 =	vld [tilespmem:s26+$0x6350];
	[tilespmem:s26+$0x6200] =	vst v1  }
0xd9: {  	v12 =	vld [tilespmem:s26+$0x63C0];
	[tilespmem:s26+$0x6270] =	vst v1  }
0xda: {  	v13 =	vld [tilespmem:s26+$0x6430];
	[tilespmem:s26+$0x62E0] =	vst v1  }
0xdb: {  	v14 =	vld [tilespmem:s26+$0x64A0];
	[tilespmem:s26+$0x6350] =	vst v1  }
0xdc: {  	v15 =	vld [tilespmem:s26+$0x6510];
	[tilespmem:s26+$0x63C0] =	vst v1  }
0xdd: {  	v16 =	vld [tilespmem:s26+$0x6580];
	[tilespmem:s26+$0x6430] =	vst v1  }
0xde: {  	v17 =	vld [tilespmem:s26+$0x65F0];
	[tilespmem:s26+$0x64A0] =	vst v1  }
0xdf: {  	v18 =	vld [tilespmem:s26+$0x6660];
	[tilespmem:s26+$0x6510] =	vst v1  }
0xe0: {  	v19 =	vld [tilespmem:s26+$0x66D0];
	[tilespmem:s26+$0x6580] =	vst v1  }
0xe1: {  	v20 =	vld [tilespmem:s26+$0x6740];
	[tilespmem:s26+$0x65F0] =	vst v1  }
0xe2: {  	v21 =	vld [tilespmem:s26+$0x67B0];
	[tilespmem:s26+$0x6660] =	vst v1  }
0xe3: {  	v22 =	vld [tilespmem:s26+$0x8420];
	[tilespmem:s26+$0x66D0] =	vst v1  }
0xe4: {  	v23 =	vld [tilespmem:s26+$0x8490];
	[tilespmem:s26+$0x6740] =	vst v1  }
0xe5: {  	v24 =	vld [tilespmem:s26+$0x8500];
	[tilespmem:s26+$0x67B0] =	vst v1  }
0xe6: {  	v25 =	vld [tilespmem:s26+$0x8570];
	[tilespmem:s26+$0x8420] =	vst v1  }
0xe7: {  	v26 =	vld [tilespmem:s26+$0x85E0];
	[tilespmem:s26+$0x8490] =	vst v1  }
0xe8: {  	v27 =	vld [tilespmem:s26+$0x8650];
	[tilespmem:s26+$0x8500] =	vst v1  }
0xe9: {  	v28 =	vld [tilespmem:s26+$0x86C0];
	[tilespmem:s26+$0x8570] =	vst v1  }
0xea: {  	v29 =	vld [tilespmem:s26+$0x8730];
	[tilespmem:s26+$0x85E0] =	vst v1  }
0xeb: {  	v30 =	vld [tilespmem:s26+$0x87A0];
	[tilespmem:s26+$0x8650] =	vst v1  }
0xec: {  	v31 =	vld [tilespmem:s26+$0x8810];
	[tilespmem:s26+$0x86C0] =	vst v1  }
0xed: {  	v5 =	vor.u32 s26, v0;
	v32 =	vld [tilespmem:s26+$0x8880];
	[tilespmem:s26+$0x8730] =	vst v1  }
0xee: {  	v46 =	vld [tilespmem:s26+$0x88F0];
	[tilespmem:s26+$0x87A0] =	vst v1;
	vm5 =	vlt.u32 v5, $0x64;
	v5 =	vadd.s32 v4, v5;
	v6 =	vmin.f32 v6, v10  }
0xef: {  	v47 =	vld [tilespmem:s26+$0x8960];
	[tilespmem:s26+$0x8810] =	vst v1;
	v7 =	vmin.f32 v7, v11;
	v8 =	vmin.f32 v8, v12;
	v9 =	vmin.f32 v9, v13  }
0xf0: {  	v48 =	vld [tilespmem:s26+$0x89D0];
	[tilespmem:s26+$0x8880] =	vst v1;
	v6 =	vmin.f32 v6, v14;
	v7 =	vmin.f32 v7, v15;
	v8 =	vmin.f32 v8, v16  }
0xf1: {  	v49 =	vld [tilespmem:s26+$0x8A40];
	[tilespmem:s26+$0x88F0] =	vst v1;
	v9 =	vmin.f32 v9, v17;
	v6 =	vmin.f32 v6, v18;
	v7 =	vmin.f32 v7, v19  }
0xf2: {  	v50 =	vld [tilespmem:s26+$0x8AB0];
	[tilespmem:s26+$0x8960] =	vst v1;
	v8 =	vmin.f32 v8, v20;
	v9 =	vmin.f32 v9, v21;
	v6 =	vmin.f32 v6, v22  }
0xf3: {  	[tilespmem:s26+$0x89D0] =	vst v1;
	v7 =	vmin.f32 v7, v23;
	v8 =	vmin.f32 v8, v24;
	v9 =	vmin.f32 v9, v25  }
0xf4: {  	[tilespmem:s26+$0x8A40] =	vst v1;
	v6 =	vmin.f32 v6, v26;
	v7 =	vmin.f32 v7, v27;
	v8 =	vmin.f32 v8, v28  }
0xf5: {  	[tilespmem:s26+$0x8AB0] =	vst v1;
	v9 =	vmin.f32 v9, v29;
	v6 =	vmin.f32 v6, v30;
	v7 =	vmin.f32 v7, v31  }
0xf6: {  	v51 =	vld.idx.msk [tilespmem:v5+s2+$0x0], vm5;
	v8 =	vmin.f32 v8, v32;
	v9 =	vmin.f32 v9, v46;
	v6 =	vmin.f32 v6, v47  }
0xf7: {  	v7 =	vmin.f32 v7, v48;
	v8 =	vmin.f32 v8, v49;
	v9 =	vmin.f32 v9, v50  }
0xf8: {  	v6 =	vmin.f32 v6, v7;
	v7 =	vmin.f32 v8, v9  }
0xf9: {  	v6 =	vmin.f32 v6, v7  }
0xfa: {  	vm6 =	veq.f32 v6, $+Inf  }
0xfb: {  	v6 =	vsel vm6, v51, v6  }
0xfc: {  	[tilespmem:v5+s12+$0x0] =	vst.idx.msk vm5, v6  }
0xfd: {  	v6 =	vld [tilespmem:s26+$0x6820]  }
0xfe: {  	v7 =	vld [tilespmem:s26+$0x6890]  }
0xff: {  	v52 =	vld [tilespmem:s26+$0x6900]  }
0x100: {  	v53 =	vld [tilespmem:s26+$0x6970];
	[tilespmem:s26+$0x6820] =	vst v1  }
0x101: {  	v54 =	vld [tilespmem:s26+$0x69E0];
	[tilespmem:s26+$0x6890] =	vst v1  }
0x102: {  	v55 =	vld [tilespmem:s26+$0x6A50];
	[tilespmem:s26+$0x6900] =	vst v1  }
0x103: {  	v56 =	vld [tilespmem:s26+$0x6AC0];
	[tilespmem:s26+$0x6970] =	vst v1  }
0x104: {  	v57 =	vld [tilespmem:s26+$0x6B30];
	[tilespmem:s26+$0x69E0] =	vst v1  }
0x105: {  	v58 =	vld [tilespmem:s26+$0x6BA0];
	[tilespmem:s26+$0x6A50] =	vst v1  }
0x106: {  	v59 =	vld [tilespmem:s26+$0x6C10];
	[tilespmem:s26+$0x6AC0] =	vst v1  }
0x107: {  	v60 =	vld [tilespmem:s26+$0x6C80];
	[tilespmem:s26+$0x6B30] =	vst v1  }
0x108: {  	v61 =	vld [tilespmem:s26+$0x6CF0];
	[tilespmem:s26+$0x6BA0] =	vst v1  }
0x109: {  	v62 =	vld [tilespmem:s26+$0x6D60];
	[tilespmem:s26+$0x6C10] =	vst v1  }
0x10a: {  	v63 =	vld [tilespmem:s26+$0x6DD0];
	[tilespmem:s26+$0x6C80] =	vst v1  }
0x10b: {  	v36 =	vld [tilespmem:s26+$0x6E40];
	[tilespmem:s26+$0x6CF0] =	vst v1  }
0x10c: {  	v37 =	vld [tilespmem:s26+$0x6EB0];
	[tilespmem:s26+$0x6D60] =	vst v1  }
0x10d: {  	v38 =	vld [tilespmem:s26+$0x8B20];
	[tilespmem:s26+$0x6DD0] =	vst v1  }
0x10e: {  	v39 =	vld [tilespmem:s26+$0x8B90];
	[tilespmem:s26+$0x6E40] =	vst v1  }
0x10f: {  	v40 =	vld [tilespmem:s26+$0x8C00];
	[tilespmem:s26+$0x6EB0] =	vst v1  }
0x110: {  	v41 =	vld [tilespmem:s26+$0x8C70];
	[tilespmem:s26+$0x8B20] =	vst v1  }
0x111: {  	v42 =	vld [tilespmem:s26+$0x8CE0];
	[tilespmem:s26+$0x8B90] =	vst v1  }
0x112: {  	v43 =	vld [tilespmem:s26+$0x8D50];
	[tilespmem:s26+$0x8C00] =	vst v1  }
0x113: {  	v44 =	vld [tilespmem:s26+$0x8DC0];
	[tilespmem:s26+$0x8C70] =	vst v1  }
0x114: {  	v45 =	vld [tilespmem:s26+$0x8E30];
	[tilespmem:s26+$0x8CE0] =	vst v1  }
0x115: {  	v46 =	vld [tilespmem:s26+$0x8EA0];
	[tilespmem:s26+$0x8D50] =	vst v1  }
0x116: {  	v47 =	vld [tilespmem:s26+$0x8F10];
	[tilespmem:s26+$0x8DC0] =	vst v1  }
0x117: {  	v48 =	vld [tilespmem:s26+$0x8F80];
	[tilespmem:s26+$0x8E30] =	vst v1  }
0x118: {  	v49 =	vld [tilespmem:s26+$0x8FF0];
	[tilespmem:s26+$0x8EA0] =	vst v1;
	v6 =	vmin.f32 v6, v54  }
0x119: {  	v50 =	vld [tilespmem:s26+$0x9060];
	[tilespmem:s26+$0x8F10] =	vst v1;
	v7 =	vmin.f32 v7, v55;
	v8 =	vmin.f32 v52, v56;
	v9 =	vmin.f32 v53, v57  }
0x11a: {  	v51 =	vld [tilespmem:s26+$0x90D0];
	[tilespmem:s26+$0x8F80] =	vst v1;
	v6 =	vmin.f32 v6, v58;
	v7 =	vmin.f32 v7, v59;
	v8 =	vmin.f32 v8, v60  }
0x11b: {  	[tilespmem:s26+$0x8FF0] =	vst v1;
	v52 =	vld [tilespmem:s26+$0x9140];
	v9 =	vmin.f32 v9, v61;
	v6 =	vmin.f32 v6, v62;
	v7 =	vmin.f32 v7, v63  }
0x11c: {  	[tilespmem:s26+$0x9060] =	vst v1;
	v53 =	vld [tilespmem:s26+$0x91B0];
	v8 =	vmin.f32 v8, v36;
	v9 =	vmin.f32 v9, v37;
	v6 =	vmin.f32 v6, v38  }
0x11d: {  	[tilespmem:s26+$0x90D0] =	vst v1;
	v7 =	vmin.f32 v7, v39;
	v8 =	vmin.f32 v8, v40;
	v9 =	vmin.f32 v9, v41  }
0x11e: {  	[tilespmem:s26+$0x9140] =	vst v1;
	v6 =	vmin.f32 v6, v42;
	v7 =	vmin.f32 v7, v43;
	v8 =	vmin.f32 v8, v44  }
0x11f: {  	[tilespmem:s26+$0x91B0] =	vst v1;
	v9 =	vmin.f32 v9, v45;
	v6 =	vmin.f32 v6, v46;
	v7 =	vmin.f32 v7, v47  }
0x120: {  	v54 =	vld.idx.msk [tilespmem:v5+s30+$0x0], vm5;
	v8 =	vmin.f32 v8, v48;
	v9 =	vmin.f32 v9, v49;
	v6 =	vmin.f32 v6, v50  }
0x121: {  	v7 =	vmin.f32 v7, v51;
	v8 =	vmin.f32 v8, v52;
	v9 =	vmin.f32 v9, v53  }
0x122: {  	v6 =	vmin.f32 v6, v7;
	v7 =	vmin.f32 v8, v9  }
0x123: {  	v6 =	vmin.f32 v6, v7  }
0x124: {  	vm6 =	veq.f32 v6, $+Inf  }
0x125: {  	v6 =	vsel vm6, v54, v6  }
0x126: {  	[tilespmem:v5+s13+$0x0] =	vst.idx.msk vm5, v6  }
0x127: {  	v6 =	vld [tilespmem:s26+$0x6F20]  }
0x128: {  	v7 =	vld [tilespmem:s26+$0x6F90]  }
0x129: {  	v55 =	vld [tilespmem:s26+$0x7000]  }
0x12a: {  	v56 =	vld [tilespmem:s26+$0x7070];
	[tilespmem:s26+$0x6F20] =	vst v1  }
0x12b: {  	v57 =	vld [tilespmem:s26+$0x70E0];
	[tilespmem:s26+$0x6F90] =	vst v1  }
0x12c: {  	v58 =	vld [tilespmem:s26+$0x7150];
	[tilespmem:s26+$0x7000] =	vst v1  }
0x12d: {  	v59 =	vld [tilespmem:s26+$0x71C0];
	[tilespmem:s26+$0x7070] =	vst v1  }
0x12e: {  	v60 =	vld [tilespmem:s26+$0x7230];
	[tilespmem:s26+$0x70E0] =	vst v1  }
0x12f: {  	v61 =	vld [tilespmem:s26+$0x72A0];
	[tilespmem:s26+$0x7150] =	vst v1  }
0x130: {  	v62 =	vld [tilespmem:s26+$0x7310];
	[tilespmem:s26+$0x71C0] =	vst v1  }
0x131: {  	v63 =	vld [tilespmem:s26+$0x7380];
	[tilespmem:s26+$0x7230] =	vst v1  }
0x132: {  	v36 =	vld [tilespmem:s26+$0x73F0];
	[tilespmem:s26+$0x72A0] =	vst v1  }
0x133: {  	v37 =	vld [tilespmem:s26+$0x7460];
	[tilespmem:s26+$0x7310] =	vst v1  }
0x134: {  	v38 =	vld [tilespmem:s26+$0x74D0];
	[tilespmem:s26+$0x7380] =	vst v1  }
0x135: {  	v39 =	vld [tilespmem:s26+$0x7540];
	[tilespmem:s26+$0x73F0] =	vst v1  }
0x136: {  	v40 =	vld [tilespmem:s26+$0x75B0];
	[tilespmem:s26+$0x7460] =	vst v1  }
0x137: {  	v41 =	vld [tilespmem:s26+$0x9220];
	[tilespmem:s26+$0x74D0] =	vst v1  }
0x138: {  	v42 =	vld [tilespmem:s26+$0x9290];
	[tilespmem:s26+$0x7540] =	vst v1  }
0x139: {  	v43 =	vld [tilespmem:s26+$0x9300];
	[tilespmem:s26+$0x75B0] =	vst v1  }
0x13a: {  	v44 =	vld [tilespmem:s26+$0x9370];
	[tilespmem:s26+$0x9220] =	vst v1  }
0x13b: {  	v45 =	vld [tilespmem:s26+$0x93E0];
	[tilespmem:s26+$0x9290] =	vst v1  }
0x13c: {  	v46 =	vld [tilespmem:s26+$0x9450];
	[tilespmem:s26+$0x9300] =	vst v1  }
0x13d: {  	v47 =	vld [tilespmem:s26+$0x94C0];
	[tilespmem:s26+$0x9370] =	vst v1  }
0x13e: {  	v48 =	vld [tilespmem:s26+$0x9530];
	[tilespmem:s26+$0x93E0] =	vst v1  }
0x13f: {  	v49 =	vld [tilespmem:s26+$0x95A0];
	[tilespmem:s26+$0x9450] =	vst v1  }
0x140: {  	v50 =	vld [tilespmem:s26+$0x9610];
	[tilespmem:s26+$0x94C0] =	vst v1  }
0x141: {  	v51 =	vld [tilespmem:s26+$0x9680];
	[tilespmem:s26+$0x9530] =	vst v1  }
0x142: {  	v52 =	vld [tilespmem:s26+$0x96F0];
	[tilespmem:s26+$0x95A0] =	vst v1;
	v6 =	vmin.f32 v6, v57  }
0x143: {  	v53 =	vld [tilespmem:s26+$0x9760];
	[tilespmem:s26+$0x9610] =	vst v1;
	v7 =	vmin.f32 v7, v58;
	v8 =	vmin.f32 v55, v59;
	v9 =	vmin.f32 v56, v60  }
0x144: {  	v54 =	vld [tilespmem:s26+$0x97D0];
	[tilespmem:s26+$0x9680] =	vst v1;
	v6 =	vmin.f32 v6, v61;
	v7 =	vmin.f32 v7, v62;
	v8 =	vmin.f32 v8, v63  }
0x145: {  	[tilespmem:s26+$0x96F0] =	vst v1;
	v55 =	vld [tilespmem:s26+$0x9840];
	v9 =	vmin.f32 v9, v36;
	v6 =	vmin.f32 v6, v37;
	v7 =	vmin.f32 v7, v38  }
0x146: {  	[tilespmem:s26+$0x9760] =	vst v1;
	v56 =	vld [tilespmem:s26+$0x98B0];
	v8 =	vmin.f32 v8, v39;
	v9 =	vmin.f32 v9, v40;
	v6 =	vmin.f32 v6, v41  }
0x147: {  	[tilespmem:s26+$0x97D0] =	vst v1;
	v7 =	vmin.f32 v7, v42;
	v8 =	vmin.f32 v8, v43;
	v9 =	vmin.f32 v9, v44  }
0x148: {  	[tilespmem:s26+$0x9840] =	vst v1;
	v6 =	vmin.f32 v6, v45;
	v7 =	vmin.f32 v7, v46;
	v8 =	vmin.f32 v8, v47  }
0x149: {  	[tilespmem:s26+$0x98B0] =	vst v1;
	v9 =	vmin.f32 v9, v48;
	v6 =	vmin.f32 v6, v49;
	v7 =	vmin.f32 v7, v50  }
0x14a: {  	v57 =	vld.idx.msk [tilespmem:v5+s19+$0x0], vm5;
	v8 =	vmin.f32 v8, v51;
	v9 =	vmin.f32 v9, v52;
	v6 =	vmin.f32 v6, v53  }
0x14b: {  	v7 =	vmin.f32 v7, v54;
	v8 =	vmin.f32 v8, v55;
	v9 =	vmin.f32 v9, v56  }
0x14c: {  	v6 =	vmin.f32 v6, v7;
	v7 =	vmin.f32 v8, v9  }
0x14d: {  	v6 =	vmin.f32 v6, v7  }
0x14e: {  	vm6 =	veq.f32 v6, $+Inf  }
0x14f: {  	v6 =	vsel vm6, v57, v6  }
0x150: {  	[tilespmem:v5+s14+$0x0] =	vst.idx.msk vm5, v6  }
0x151: {  	v6 =	vld [tilespmem:s26+$0x7620]  }
0x152: {  	v7 =	vld [tilespmem:s26+$0x7690]  }
0x153: {  	v58 =	vld [tilespmem:s26+$0x7700]  }
0x154: {  	v59 =	vld [tilespmem:s26+$0x7770];
	[tilespmem:s26+$0x7620] =	vst v1  }
0x155: {  	v60 =	vld [tilespmem:s26+$0x77E0];
	[tilespmem:s26+$0x7690] =	vst v1  }
0x156: {  	v61 =	vld [tilespmem:s26+$0x7850];
	[tilespmem:s26+$0x7700] =	vst v1  }
0x157: {  	v62 =	vld [tilespmem:s26+$0x78C0];
	[tilespmem:s26+$0x7770] =	vst v1  }
0x158: {  	v63 =	vld [tilespmem:s26+$0x7930];
	[tilespmem:s26+$0x77E0] =	vst v1  }
0x159: {  	v36 =	vld [tilespmem:s26+$0x79A0];
	[tilespmem:s26+$0x7850] =	vst v1  }
0x15a: {  	v37 =	vld [tilespmem:s26+$0x7A10];
	[tilespmem:s26+$0x78C0] =	vst v1  }
0x15b: {  	v38 =	vld [tilespmem:s26+$0x7A80];
	[tilespmem:s26+$0x7930] =	vst v1  }
0x15c: {  	v39 =	vld [tilespmem:s26+$0x7AF0];
	[tilespmem:s26+$0x79A0] =	vst v1  }
0x15d: {  	v40 =	vld [tilespmem:s26+$0x7B60];
	[tilespmem:s26+$0x7A10] =	vst v1  }
0x15e: {  	v41 =	vld [tilespmem:s26+$0x7BD0];
	[tilespmem:s26+$0x7A80] =	vst v1  }
0x15f: {  	v42 =	vld [tilespmem:s26+$0x7C40];
	[tilespmem:s26+$0x7AF0] =	vst v1  }
0x160: {  	v43 =	vld [tilespmem:s26+$0x7CB0];
	[tilespmem:s26+$0x7B60] =	vst v1  }
0x161: {  	v44 =	vld [tilespmem:s26+$0x9920];
	[tilespmem:s26+$0x7BD0] =	vst v1  }
0x162: {  	v45 =	vld [tilespmem:s26+$0x9990];
	[tilespmem:s26+$0x7C40] =	vst v1  }
0x163: {  	v46 =	vld [tilespmem:s26+$0x9A00];
	[tilespmem:s26+$0x7CB0] =	vst v1  }
0x164: {  	v47 =	vld [tilespmem:s26+$0x9A70];
	[tilespmem:s26+$0x9920] =	vst v1  }
0x165: {  	v48 =	vld [tilespmem:s26+$0x9AE0];
	[tilespmem:s26+$0x9990] =	vst v1  }
0x166: {  	v49 =	vld [tilespmem:s26+$0x9B50];
	[tilespmem:s26+$0x9A00] =	vst v1  }
0x167: {  	v50 =	vld [tilespmem:s26+$0x9BC0];
	[tilespmem:s26+$0x9A70] =	vst v1  }
0x168: {  	v51 =	vld [tilespmem:s26+$0x9C30];
	[tilespmem:s26+$0x9AE0] =	vst v1  }
0x169: {  	v52 =	vld [tilespmem:s26+$0x9CA0];
	[tilespmem:s26+$0x9B50] =	vst v1  }
0x16a: {  	v53 =	vld [tilespmem:s26+$0x9D10];
	[tilespmem:s26+$0x9BC0] =	vst v1  }
0x16b: {  	v54 =	vld [tilespmem:s26+$0x9D80];
	[tilespmem:s26+$0x9C30] =	vst v1  }
0x16c: {  	v55 =	vld [tilespmem:s26+$0x9DF0];
	[tilespmem:s26+$0x9CA0] =	vst v1;
	v6 =	vmin.f32 v6, v60  }
0x16d: {  	v56 =	vld [tilespmem:s26+$0x9E60];
	[tilespmem:s26+$0x9D10] =	vst v1;
	v7 =	vmin.f32 v7, v61;
	v8 =	vmin.f32 v58, v62;
	v9 =	vmin.f32 v59, v63  }
0x16e: {  	v57 =	vld [tilespmem:s26+$0x9ED0];
	[tilespmem:s26+$0x9D80] =	vst v1;
	v6 =	vmin.f32 v6, v36;
	v7 =	vmin.f32 v7, v37;
	v8 =	vmin.f32 v8, v38  }
0x16f: {  	[tilespmem:s26+$0x9DF0] =	vst v1;
	v58 =	vld [tilespmem:s26+$0x9F40];
	v9 =	vmin.f32 v9, v39;
	v6 =	vmin.f32 v6, v40;
	v7 =	vmin.f32 v7, v41  }
0x170: {  	[tilespmem:s26+$0x9E60] =	vst v1;
	v59 =	vld [tilespmem:s26+$0x9FB0];
	v8 =	vmin.f32 v8, v42;
	v9 =	vmin.f32 v9, v43;
	v6 =	vmin.f32 v6, v44  }
0x171: {  	[tilespmem:s26+$0x9ED0] =	vst v1;
	v7 =	vmin.f32 v7, v45;
	v8 =	vmin.f32 v8, v46;
	v9 =	vmin.f32 v9, v47  }
0x172: {  	[tilespmem:s26+$0x9F40] =	vst v1;
	v6 =	vmin.f32 v6, v48;
	v7 =	vmin.f32 v7, v49;
	v8 =	vmin.f32 v8, v50  }
0x173: {  	[tilespmem:s26+$0x9FB0] =	vst v1;
	v9 =	vmin.f32 v9, v51;
	v6 =	vmin.f32 v6, v52;
	v7 =	vmin.f32 v7, v53  }
0x174: {  	v60 =	vld.idx.msk [tilespmem:v5+s29+$0x0], vm5;
	v8 =	vmin.f32 v8, v54;
	v9 =	vmin.f32 v9, v55;
	v6 =	vmin.f32 v6, v56  }
0x175: {  	v7 =	vmin.f32 v7, v57;
	v8 =	vmin.f32 v8, v58;
	v9 =	vmin.f32 v9, v59  }
0x176: {  	v6 =	vmin.f32 v6, v7;
	v7 =	vmin.f32 v8, v9  }
0x177: {  	v6 =	vmin.f32 v6, v7  }
0x178: {  	vm6 =	veq.f32 v6, $+Inf  }
0x179: {  	v6 =	vsel vm6, v60, v6  }
0x17a: {  	[tilespmem:v5+s15+$0x0] =	vst.idx.msk vm5, v6  }
0x17b: {  	v6 =	vld [tilespmem:s26+$0x7D20]  }
0x17c: {  	v7 =	vld [tilespmem:s26+$0x7D90]  }
0x17d: {  	v61 =	vld [tilespmem:s26+$0x7E00]  }
0x17e: {  	v62 =	vld [tilespmem:s26+$0x7E70];
	[tilespmem:s26+$0x7D20] =	vst v1  }
0x17f: {  	v63 =	vld [tilespmem:s26+$0x7EE0];
	[tilespmem:s26+$0x7D90] =	vst v1  }
0x180: {  	v36 =	vld [tilespmem:s26+$0x7F50];
	[tilespmem:s26+$0x7E00] =	vst v1  }
0x181: {  	v37 =	vld [tilespmem:s26+$0x7FC0];
	[tilespmem:s26+$0x7E70] =	vst v1  }
0x182: {  	v38 =	vld [tilespmem:s26+$0x8030];
	[tilespmem:s26+$0x7EE0] =	vst v1  }
0x183: {  	v39 =	vld [tilespmem:s26+$0x80A0];
	[tilespmem:s26+$0x7F50] =	vst v1  }
0x184: {  	v40 =	vld [tilespmem:s26+$0x8110];
	[tilespmem:s26+$0x7FC0] =	vst v1  }
0x185: {  	v41 =	vld [tilespmem:s26+$0x8180];
	[tilespmem:s26+$0x8030] =	vst v1  }
0x186: {  	v42 =	vld [tilespmem:s26+$0x81F0];
	[tilespmem:s26+$0x80A0] =	vst v1  }
0x187: {  	v43 =	vld [tilespmem:s26+$0x8260];
	[tilespmem:s26+$0x8110] =	vst v1  }
0x188: {  	v44 =	vld [tilespmem:s26+$0x82D0];
	[tilespmem:s26+$0x8180] =	vst v1  }
0x189: {  	v45 =	vld [tilespmem:s26+$0x8340];
	[tilespmem:s26+$0x81F0] =	vst v1  }
0x18a: {  	v46 =	vld [tilespmem:s26+$0x83B0];
	[tilespmem:s26+$0x8260] =	vst v1  }
0x18b: {  	v47 =	vld [tilespmem:s26+$0xA020];
	[tilespmem:s26+$0x82D0] =	vst v1  }
0x18c: {  	v48 =	vld [tilespmem:s26+$0xA090];
	[tilespmem:s26+$0x8340] =	vst v1  }
0x18d: {  	v49 =	vld [tilespmem:s26+$0xA100];
	[tilespmem:s26+$0x83B0] =	vst v1  }
0x18e: {  	v50 =	vld [tilespmem:s26+$0xA170];
	[tilespmem:s26+$0xA020] =	vst v1  }
0x18f: {  	v51 =	vld [tilespmem:s26+$0xA1E0];
	[tilespmem:s26+$0xA090] =	vst v1  }
0x190: {  	v52 =	vld [tilespmem:s26+$0xA250];
	[tilespmem:s26+$0xA100] =	vst v1  }
0x191: {  	v53 =	vld [tilespmem:s26+$0xA2C0];
	[tilespmem:s26+$0xA170] =	vst v1  }
0x192: {  	v54 =	vld [tilespmem:s26+$0xA330];
	[tilespmem:s26+$0xA1E0] =	vst v1  }
0x193: {  	v55 =	vld [tilespmem:s26+$0xA3A0];
	[tilespmem:s26+$0xA250] =	vst v1  }
0x194: {  	v56 =	vld [tilespmem:s26+$0xA410];
	[tilespmem:s26+$0xA2C0] =	vst v1  }
0x195: {  	v57 =	vld [tilespmem:s26+$0xA480];
	[tilespmem:s26+$0xA330] =	vst v1  }
0x196: {  	v58 =	vld [tilespmem:s26+$0xA4F0];
	[tilespmem:s26+$0xA3A0] =	vst v1;
	v6 =	vmin.f32 v6, v63  }
0x197: {  	v59 =	vld [tilespmem:s26+$0xA560];
	[tilespmem:s26+$0xA410] =	vst v1;
	v7 =	vmin.f32 v7, v36;
	v8 =	vmin.f32 v61, v37;
	v9 =	vmin.f32 v62, v38  }
0x198: {  	v60 =	vld [tilespmem:s26+$0xA5D0];
	[tilespmem:s26+$0xA480] =	vst v1;
	v6 =	vmin.f32 v6, v39;
	v7 =	vmin.f32 v7, v40;
	v8 =	vmin.f32 v8, v41  }
0x199: {  	[tilespmem:s26+$0xA4F0] =	vst v1;
	v61 =	vld [tilespmem:s26+$0xA640];
	v9 =	vmin.f32 v9, v42;
	v6 =	vmin.f32 v6, v43;
	v7 =	vmin.f32 v7, v44  }
0x19a: {  	[tilespmem:s26+$0xA560] =	vst v1;
	v62 =	vld [tilespmem:s26+$0xA6B0];
	v8 =	vmin.f32 v8, v45;
	v9 =	vmin.f32 v9, v46;
	v6 =	vmin.f32 v6, v47  }
0x19b: {  	[tilespmem:s26+$0xA5D0] =	vst v1;
	v7 =	vmin.f32 v7, v48;
	v8 =	vmin.f32 v8, v49;
	v9 =	vmin.f32 v9, v50  }
0x19c: {  	[tilespmem:s26+$0xA640] =	vst v1;
	v6 =	vmin.f32 v6, v51;
	v7 =	vmin.f32 v7, v52;
	v8 =	vmin.f32 v8, v53  }
0x19d: {  	[tilespmem:s26+$0xA6B0] =	vst v1;
	v9 =	vmin.f32 v9, v54;
	v6 =	vmin.f32 v6, v55;
	v7 =	vmin.f32 v7, v56  }
0x19e: {  	v63 =	vld.idx.msk [tilespmem:v5+s0+$0x0], vm5;
	v8 =	vmin.f32 v8, v57;
	v9 =	vmin.f32 v9, v58;
	v6 =	vmin.f32 v6, v59  }
0x19f: {  	p0 =	seq.s32 s25, $0x6;
	v7 =	vmin.f32 v7, v60;
	v8 =	vmin.f32 v8, v61;
	v9 =	vmin.f32 v9, v62  }
.Ltmp2:
0x1a0: {  	v6 =	vmin.f32 v6, v7;
	v7 =	vmin.f32 v8, v9;
	(pc) =	sbr.rel @!p0 .LBB2_6-.Ltmp2, $4  }
0x1a1: {  	v6 =	vmin.f32 v6, v7  }
0x1a2: {  	vm6 =	veq.f32 v6, $+Inf  }
0x1a3: {  	v6 =	vsel vm6, v63, v6  }
0x1a4: {  	s25 =	sadd.s32 $0x1, s25;
	[tilespmem:v5+s16+$0x0] =	vst.idx.msk vm5, v6  }
0x1a5: {  	s17 =	rddreg [dreg:$0x1d]  }
0x1a6: {  	s18 =	rddreg [dreg:$0x1e];
	s23 =	sadd.s32 $0x0, s28  }
0x1a7: {  	s20 =	sand.u32 $0x7F00, s21;
	s17 =	ssub.s32 s18, s17;
	s18 =	sand.u32 $0x70, s23  }
0x1a8: {  	s18 =	sor.u32 s18, s20  }
0x1a9: {  	v4 =	vld [tilespmem:s18+$0xFA0]  }
0x1aa: {  	v5 =	vld [tilespmem:s18+$0x1020];
	_ =	sdelay $0x2  }
0x1ab: {  	v9 =	vmov s17  }
0x1ac: {  	s24 =	sadd.s32 $0x10, s28;
	s25 =	sadd.s32 $0x20, s21;
	v4 =	vadd.s32 v4, v9  }
0x1ad: {  	s26 =	simm.s32 $0x4E20;
	s23 =	sand.u32 $0x7F00, s25;
	s18 =	sand.u32 $0x70, s24;
	v5 =	vadd.s32 v5, v9  }
0x1ae: {  	v13 =	vld [tilespmem:s26+$0xC80];
	s18 =	sor.u32 s18, s23  }
0x1af: {  	v14 =	vld [tilespmem:s18+$0xFA0]  }
0x1b0: {  	v16 =	vld [tilespmem:s18+$0x1020]  }
0x1b1: {  	v6 =	vld.idx.msk [tilespmem:v4+s16+$0x0], $0xffff  }
0x1b2: {  	v7 =	vld.idx.msk [tilespmem:v5+s16+$0x0], $0xffff  }
0x1b3: {  	v8 =	vld.idx.msk [tilespmem:v4+s12+$0x0], $0xffff  }
0x1b4: {  	v12 =	vld.idx.msk [tilespmem:v5+s12+$0x0], $0xffff  }
0x1b5: {  	v15 =	vld.idx.msk [tilespmem:v4+s13+$0x0], $0xffff  }
0x1b6: {  	v18 =	vld.idx.msk [tilespmem:v5+s13+$0x0], $0xffff  }
0x1b7: {  	v19 =	vld.idx.msk [tilespmem:v4+s14+$0x0], $0xffff  }
0x1b8: {  	v20 =	vld.idx.msk [tilespmem:v5+s14+$0x0], $0xffff  }
0x1b9: {  	v11 =	vimm.f32 $0.0e+00;
	v21 =	vld.idx.msk [tilespmem:v4+s15+$0x0], $0xffff  }
0x1ba: {  	v10 =	vimm.f32 $-Inf;
	v25 =	vimm.f32 $0.0e+00;
	v4 =	vmax.f32 v6, v7;
	v7 =	vld [tilespmem:s26+$0xFFFFF380]  }
0x1bb: {  	v24 =	vimm.f32 $0.0e+00;
	v17 =	vadd.s32 v14, v9;
	v22 =	vld.idx.msk [tilespmem:v5+s15+$0x0], $0xffff;
	vm5 =	vgt.f32 v13, v4  }
0x1bc: {  	v23 =	vld [tilespmem:s26+$0xFFFFF9C0];
	v16 =	vadd.s32 v16, v9;
	v4 =	vnsel vm5, $0x0, v13;
	v5 =	vsel vm5, $0x3F800000, v3  }
0x1bd: {  	v14 =	vld [tilespmem:s26+$0x0];
	v8 =	vmax.f32 v8, v12;
	v12 =	vadd.f32 v4, v11;
	v5 =	vadd.f32 v5, v11  }
0x1be: {  	v4 =	vmax.f32 v10, v13;
	v13 =	vmax.f32 v15, v18;
	v15 =	vmax.f32 v19, v20  }
0x1bf: {  	v6 =	vld [tilespmem:s26+$0x640];
	v19 =	vimm.f32 $0.0e+00;
	v20 =	vimm.f32 $0.0e+00;
	vm5 =	vgt.f32 v7, v8  }
0x1c0: {  	v27 =	vld.idx.msk [tilespmem:v17+s16+$0x0], $0xffff;
	v8 =	vmax.f32 v21, v22;
	v21 =	vimm.f32 $0.0e+00;
	v22 =	vimm.f32 $0.0e+00  }
0x1c1: {  	v28 =	vld.idx.msk [tilespmem:v16+s16+$0x0], $0xffff;
	v18 =	vnsel vm5, $0x0, v7;
	v32 =	vsel vm5, $0x3F800000, v3;
	vm5 =	vgt.f32 v23, v13  }
0x1c2: {  	s23 =	simm.s32 $0x4E30;
	v26 =	vld.idx.msk [tilespmem:v17+s12+$0x0], $0xffff;
	v36 =	vnsel vm5, $0x0, v23;
	v31 =	vsel vm5, $0x3F800000, v3;
	vm5 =	vgt.f32 v14, v15  }
0x1c3: {  	v15 =	vmax.f32 v10, v7;
	v13 =	vadd.f32 v18, v11;
	v7 =	vld [tilespmem:s23+$0xC80];
	v18 =	vimm.f32 $-Inf  }
0x1c4: {  	s17 =	sadd.s32 $0x20, s25;
	v29 =	vld.idx.msk [tilespmem:v16+s12+$0x0], $0xffff;
	s26 =	sadd.s32 $0x20, s28;
	v34 =	vnsel vm5, $0x0, v14;
	v33 =	vsel vm5, $0x3F800000, v3;
	vm5 =	vgt.f32 v6, v8  }
0x1c5: {  	s24 =	sand.u32 $0x7F00, s17;
	s18 =	simm.s32 $0x30;
	v30 =	vld.idx.msk [tilespmem:v17+s13+$0x0], $0xffff;
	s20 =	sand.u32 $0x70, s26;
	v8 =	vimm.f32 $-Inf;
	v37 =	vnsel vm5, $0x0, v6;
	v35 =	vsel vm5, $0x3F800000, v3  }
.LBB2_8:
0x1c6: {  	p0 =	sne.s32 s18, $0x630;
	s20 =	sor.u32 s20, s24;
	v38 =	vld.idx.msk [tilespmem:v16+s13+$0x0], $0xffff;
	v11 =	vadd.f32 v32, v11;
	v25 =	vadd.f32 v36, v25;
	v10 =	vmax.f32 v10, v23  }
0x1c7: {  	v27 =	vmax.f32 v27, v28;
	v19 =	vadd.f32 v31, v19;
	v24 =	vadd.f32 v34, v24;
	v23 =	vld [tilespmem:s20+$0xFA0]  }
0x1c8: {  	v21 =	vadd.f32 v33, v21;
	v20 =	vadd.f32 v37, v20;
	v28 =	vld [tilespmem:s20+$0x1020];
	vm5 =	vgt.f32 v7, v27  }
0x1c9: {  	v22 =	vadd.f32 v35, v22;
	v27 =	vld.idx.msk [tilespmem:v17+s14+$0x0], $0xffff;
	v31 =	vnsel vm5, $0x0, v7;
	v32 =	vsel vm5, $0x3F800000, v3  }
0x1ca: {  	v26 =	vmax.f32 v26, v29;
	v29 =	vld.idx.msk [tilespmem:v16+s14+$0x0], $0xffff;
	v12 =	vadd.f32 v31, v12;
	v5 =	vadd.f32 v32, v5  }
0x1cb: {  	v18 =	vmax.f32 v18, v14;
	v8 =	vmax.f32 v8, v6;
	v4 =	vmax.f32 v4, v7;
	v31 =	vld.idx.msk [tilespmem:v17+s15+$0x0], $0xffff  }
0x1cc: {  	v7 =	vmax.f32 v30, v38;
	v17 =	vadd.s32 v23, v9;
	v30 =	vld.idx.msk [tilespmem:v16+s15+$0x0], $0xffff  }
0x1cd: {  	v16 =	vadd.s32 v28, v9;
	v32 =	vld [tilespmem:s23+$0xFFFFF380]  }
0x1ce: {  	v23 =	vld [tilespmem:s23+$0xFFFFF9C0]  }
0x1cf: {  	v14 =	vld [tilespmem:s23+$0x0]  }
0x1d0: {  	v29 =	vmax.f32 v27, v29;
	v6 =	vld [tilespmem:s23+$0x640]  }
0x1d1: {  	v27 =	vld.idx.msk [tilespmem:v17+s16+$0x0], $0xffff  }
.Ltmp3:
0x1d2: {  	v30 =	vmax.f32 v31, v30;
	v28 =	vld.idx.msk [tilespmem:v16+s16+$0x0], $0xffff;
	vm5 =	vgt.f32 v32, v26;
	v15 =	vmax.f32 v15, v32;
	(pc) =	sbr.rel @p0 .LBB2_8-.Ltmp3, $4  }
0x1d3: {  	s23 =	sadd.s32 $0x10, s23;
	v26 =	vld.idx.msk [tilespmem:v17+s12+$0x0], $0xffff;
	v35 =	vnsel vm5, $0x0, v32;
	v32 =	vsel vm5, $0x3F800000, v3;
	vm5 =	vgt.f32 v23, v7  }
0x1d4: {  	v7 =	vld [tilespmem:s23+$0xC80];
	v36 =	vnsel vm5, $0x0, v23;
	v31 =	vsel vm5, $0x3F800000, v3;
	vm5 =	vgt.f32 v14, v29  }
0x1d5: {  	s17 =	sadd.s32 $0x20, s17;
	s20 =	sadd.s32 s18, s28;
	v29 =	vld.idx.msk [tilespmem:v16+s12+$0x0], $0xffff;
	v34 =	vnsel vm5, $0x0, v14;
	v33 =	vsel vm5, $0x3F800000, v3;
	vm5 =	vgt.f32 v6, v30  }
0x1d6: {  	s24 =	sand.u32 $0x7F00, s17;
	s18 =	sadd.s32 $0x10, s18;
	s20 =	sand.u32 $0x70, s20;
	v13 =	vadd.f32 v35, v13;
	v30 =	vld.idx.msk [tilespmem:v17+s13+$0x0], $0xffff;
	v37 =	vnsel vm5, $0x0, v6;
	v35 =	vsel vm5, $0x3F800000, v3  }
0x1d7: {  	_ =	sdelay $0x3  }
0x1d8: {  	v38 =	vld.idx.msk [tilespmem:v16+s13+$0x0], $0xffff  }
0x1d9: {  	v41 =	vld.idx.msk [tilespmem:v17+s14+$0x0], $0xffff  }
0x1da: {  	v42 =	vld.idx.msk [tilespmem:v16+s14+$0x0], $0xffff  }
0x1db: {  	v59 =	vld.idx.msk [tilespmem:v17+s15+$0x0], $0xffff  }
0x1dc: {  	v60 =	vld.idx.msk [tilespmem:v16+s15+$0x0], $0xffff  }
0x1dd: {  	s17 =	sor.u32 s20, s24;
	v43 =	vld [tilespmem:s23+$0xFFFFF380]  }
0x1de: {  	v39 =	vld [tilespmem:s17+$0xFA0]  }
0x1df: {  	v11 =	vadd.f32 v32, v11;
	v40 =	vld [tilespmem:s17+$0x1020]  }
0x1e0: {  	v25 =	vadd.f32 v36, v25;
	v32 =	vld [tilespmem:s23+$0xFFFFF9C0];
	v10 =	vmax.f32 v10, v23;
	v19 =	vadd.f32 v31, v19  }
0x1e1: {  	v61 =	vmax.f32 v27, v28;
	v27 =	vld [tilespmem:s23+$0x0];
	v24 =	vadd.f32 v34, v24;
	v21 =	vadd.f32 v33, v21  }
0x1e2: {  	v23 =	vld [tilespmem:s23+$0x640];
	v20 =	vadd.f32 v37, v20;
	v22 =	vadd.f32 v35, v22;
	v14 =	vmax.f32 v18, v14;
	s23 =	sadd.s32 $0x10, s23  }
0x1e3: {  	v6 =	vmax.f32 v8, v6;
	v44 =	vld [tilespmem:s23+$0xFFFFF380];
	vm5 =	vgt.f32 v7, v61;
	v39 =	vadd.s32 v39, v9  }
0x1e4: {  	v52 =	vld [tilespmem:s23+$0xFFFFF9C0];
	v62 =	vnsel vm5, $0x0, v7;
	v31 =	vsel vm5, $0x3F800000, v3;
	v9 =	vadd.s32 v40, v9  }
0x1e5: {  	v26 =	vmax.f32 v26, v29;
	v12 =	vadd.f32 v62, v12;
	v41 =	vmax.f32 v41, v42  }
0x1e6: {  	v62 =	vld [tilespmem:s23+$0x640];
	vm5 =	vgt.f32 v43, v26;
	v15 =	vmax.f32 v15, v43;
	v16 =	vmax.f32 v59, v60  }
0x1e7: {  	v59 =	vld [tilespmem:s23+$0x0];
	v10 =	vmax.f32 v10, v32;
	v14 =	vmax.f32 v14, v27;
	v6 =	vmax.f32 v6, v23  }
0x1e8: {  	v40 =	vmax.f32 v30, v38;
	v26 =	vnsel vm5, $0x0, v43;
	v45 =	vsel vm5, $0x3F800000, v3;
	v63 =	vld.idx.msk [tilespmem:v39+s12+$0x0], $0xffff  }
0x1e9: {  	v15 =	vmax.f32 v15, v44;
	v10 =	vmax.f32 v10, v52;
	vm5 =	vgt.f32 v32, v40;
	v42 =	vld.idx.msk [tilespmem:v9+s12+$0x0], $0xffff  }
0x1ea: {  	v47 =	vnsel vm5, $0x0, v32;
	v48 =	vsel vm5, $0x3F800000, v3;
	vm5 =	vgt.f32 v27, v41;
	v46 =	vld.idx.msk [tilespmem:v39+s13+$0x0], $0xffff  }
0x1eb: {  	v13 =	vadd.f32 v26, v13;
	v11 =	vadd.f32 v45, v11;
	v50 =	vnsel vm5, $0x0, v27;
	v49 =	vld.idx.msk [tilespmem:v9+s13+$0x0], $0xffff  }
0x1ec: {  	(xrf0) =	vmax.scan.msk.f32 $0xffff, v15;
	v51 =	vsel vm5, $0x3F800000, v3;
	vm5 =	vgt.f32 v23, v16;
	v25 =	vadd.f32 v47, v25;
	v54 =	vld.idx.msk [tilespmem:v39+s14+$0x0], $0xffff  }
0x1ed: {  	v19 =	vadd.f32 v48, v19;
	v6 =	vmax.f32 v6, v62;
	v53 =	vnsel vm5, $0x0, v23;
	v56 =	vld.idx.msk [tilespmem:v9+s14+$0x0], $0xffff  }
0x1ee: {  	v55 =	vsel vm5, $0x3F800000, v3;
	v24 =	vadd.f32 v50, v24;
	v57 =	vld.idx.msk [tilespmem:v39+s15+$0x0], $0xffff;
	v28 =	vmax.f32 v63, v42  }
0x1ef: {  	v21 =	vadd.f32 v51, v21;
	v14 =	vmax.f32 v14, v59;
	v60 =	vld.idx.msk [tilespmem:v9+s15+$0x0], $0xffff;
	vm5 =	vgt.f32 v44, v28  }
0x1f0: {  	(xrf0) =	vmax.scan.msk.f32 $0xffff, v10;
	v32 =	vadd.f32 v53, v20;
	v18 =	vmax.f32 v46, v49;
	v58 =	vnsel vm5, $0x0, v44  }
0x1f1: {  	v33 =	vld.idx.msk [tilespmem:v39+s16+$0x0], $0xffff;
	(xrf0) =	vmax.scan.msk.f32 $0xffff, v14;
	v61 =	vsel vm5, $0x3F800000, v3;
	vm5 =	vgt.f32 v52, v18;
	v13 =	vadd.f32 v58, v13  }
0x1f2: {  	v9 =	vld.idx.msk [tilespmem:v9+s16+$0x0], $0xffff;
	v50, _, _ =	vpop (xrf0);
	(xrf0) =	vmax.scan.msk.f32 $0xffff, v6;
	v37 =	vmax.f32 v54, v56;
	v63 =	vnsel vm5, $0x0, v52;
	v11 =	vadd.f32 v61, v11  }
0x1f3: {  	v39 =	vld [tilespmem:s23+$0xC80];
	v38 =	vsel vm5, $0x3F800000, v3;
	vm5 =	vgt.f32 v59, v37;
	v17 =	vadd.f32 v63, v25;
	(xrf2) =	vadd.scan.msk.f32 $0xffff, v13  }
0x1f4: {  	v41 =	vmax.f32 v57, v60;
	v40 =	vadd.f32 v38, v19;
	v42 =	vnsel vm5, $0x0, v59;
	(xrf2) =	vadd.scan.msk.f32 $0xffff, v11  }
0x1f5: {  	v43 =	vsel vm5, $0x3F800000, v3;
	vm5 =	vgt.f32 v62, v41;
	v44 =	vadd.f32 v42, v24;
	(xrf2) =	vadd.scan.msk.f32 $0xffff, v17  }
0x1f6: {  	v47 =	vadd.f32 v55, v22;
	v45 =	vnsel vm5, $0x0, v62;
	v46 =	vadd.f32 v43, v21;
	(xrf2) =	vadd.scan.msk.f32 $0xffff, v40  }
0x1f7: {  	v9 =	vmax.f32 v33, v9;
	v48 =	vsel vm5, $0x3F800000, v3;
	v8 =	vadd.f32 v45, v32;
	(xrf2) =	vadd.scan.msk.f32 $0xffff, v44  }
0x1f8: {  	vm5 =	vgt.f32 v39, v9;
	v10 =	vadd.f32 v48, v47;
	(xrf2) =	vadd.scan.msk.f32 $0xffff, v46  }
0x1f9: {  	v5 =	vadd.f32 v31, v5;
	v9 =	vnsel vm5, $0x0, v39;
	(xrf2) =	vadd.scan.msk.f32 $0xffff, v8  }
0x1fa: {  	v51, _, _ =	vpop (xrf0);
	v52 =	vsel vm5, $0x3F800000, v3;
	v49 =	vadd.f32 v9, v12;
	(xrf2) =	vadd.scan.msk.f32 $0xffff, v10  }
0x1fb: {  	v53, _, _ =	vpop (xrf0);
	v5 =	vadd.f32 v52, v5  }
0x1fc: {  	v57, _, _ =	vpop (xrf0);
	(xrf2) =	vadd.scan.msk.f32 $0xffff, v49  }
0x1fd: {  	v4 =	vmax.f32 v4, v7;
	v54, _, _ =	vpop (xrf2);
	(xrf2) =	vadd.scan.msk.f32 $0xffff, v5  }
0x1fe: {  	(v2sf) =	vpush v50, $0xF;
	v4 =	vmax.f32 v4, v39;
	v55, _, _ =	vpop (xrf2)  }
0x1ff: {  	(xrf0) =	vmax.scan.msk.f32 $0xffff, v4;
	v5, _, _ =	vpop (xrf2);
	(v2sf) =	vpush v55, $0xF  }
0x200: {  	v56, _, _ =	vpop (xrf2);
	(v2sf) =	vpush v51, $0xF  }
0x201: {  	v4, _, _ =	vpop (xrf2);
	(v2sf) =	vpush v56, $0xF  }
0x202: {  	v58, _, _ =	vpop (xrf2);
	(v2sf) =	vpush v53, $0xF  }
0x203: {  	v59, _, _ =	vpop (xrf2);
	(v2sf) =	vpush v58, $0xF  }
0x204: {  	v60, _, _ =	vpop (xrf2);
	(v2sf) =	vpush v57, $0xF  }
0x205: {  	v62, _, _ =	vpop (xrf0);
	(v2sf) =	vpush v60, $0xF  }
0x206: {  	v61, _, _ =	vpop (xrf2)  }
0x207: {  	(v2sf) =	vpush v62, $0xF;
	v63, _, _ =	vpop (xrf2)  }
0x208: {  	(v2sf) =	vpush v63, $0xF;
	_ =	sdelay $0x4  }
0x209: {  	s24 =	spop (v2sf)  }
0x20a: {  	s18 =	spop (v2sf)  }
0x20b: {  	v8 =	vbroadcast v54, $0xF;
	s25 =	spop (v2sf)  }
0x20c: {  	s17 =	smul.f32 s24, s18;
	s26 =	spop (v2sf)  }
0x20d: {  	vm5 =	veq.s32 v0, $0x1;
	v8 =	vnsel vm0, $0x0, v8;
	v5 =	vbroadcast v5, $0xF;
	s23 =	spop (v2sf)  }
0x20e: {  	v8 =	vsel vm5, s17, v8;
	s18 =	smul.f32 s25, s26;
	s24 =	spop (v2sf)  }
0x20f: {  	v4 =	vbroadcast v4, $0xF;
	vm5 =	veq.s32 v0, $0x3;
	v5 =	vsel vm1, v5, v8;
	s25 =	spop (v2sf)  }
0x210: {  	v5 =	vsel vm5, s18, v5;
	s17 =	smul.f32 s23, s24;
	s26 =	spop (v2sf)  }
0x211: {  	vm5 =	veq.s32 v0, $0x5;
	v4 =	vsel vm2, v4, v5;
	v5 =	vbroadcast v59, $0xF;
	s18 =	smul.f32 s25, s26;
	s25 =	sshll.u32 s22, $0x4;
	s22 =	sadd.s32 $0x1, s22  }
0x212: {  	v4 =	vsel vm5, s17, v4;
	s23 =	spop (v2sf);
	p0 =	sne.s32 s22, $0x4  }
.Ltmp4:
0x213: {  	vm5 =	veq.s32 v0, $0x7;
	v4 =	vsel vm3, v5, v4;
	v5 =	vbroadcast v61, $0xF;
	s24 =	spop (v2sf);
	(pc) =	sbr.rel @p0 .LBB2_4-.Ltmp4, $4  }
0x214: {  	v4 =	vsel vm5, s18, v4;
	s17 =	smul.f32 s23, s24  }
0x215: {  	vm5 =	veq.s32 v0, $0x9;
	v4 =	vsel vm4, v5, v4  }
0x216: {  	s26 =	sand.u32 $0x3FFFFFF0, s25;
	v4 =	vsel vm5, s17, v4  }
0x217: {  	s28 =	sadd.s32 $0x640, s28;
	s1 =	sadd.s32 $0xC80, s1;
	s21 =	sadd.s32 $0xC80, s21;
	[tilespmem:s26+$0x60E0] =	vst v4  }
0x218: {  	s1 =	rddreg [dreg:$0x10]  }
0x219: {  	[hbm4b:s1+s2] =	stream.linear.scatter [tilespmem:s12], [sflag:$0x1], $0xC8, $0x38;
	[tilespmem:$0xA720] =	vst v63  }
0x21a: {  	s21 =	rddreg [dreg:$0x11];
	s17 =	simm.s32 $0x898  }
0x21b: {  	[hbm4b:s21+s2] =	stream.linear.scatter [tilespmem:s17], [sflag:$0x1], $0xC8, $0x38;
	[tilespmem:$0xA720] =	vst v63  }
0x21c: {  	s22 =	rddreg [dreg:$0x12]  }
0x21d: {  	[hbm4b:s22+s2] =	stream.linear.scatter [tilespmem:s13], [sflag:$0x1], $0xC8, $0x38;
	[tilespmem:$0xA720] =	vst v63  }
0x21e: {  	s23 =	rddreg [dreg:$0x13];
	s24 =	simm.s32 $0xA28  }
0x21f: {  	[hbm4b:s23+s2] =	stream.linear.scatter [tilespmem:s24], [sflag:$0x1], $0xC8, $0x38;
	[tilespmem:$0xA720] =	vst v63  }
0x220: {  	s25 =	rddreg [dreg:$0x14]  }
0x221: {  	[hbm4b:s25+s2] =	stream.linear.scatter [tilespmem:s14], [sflag:$0x1], $0xC8, $0x38;
	[tilespmem:$0xA720] =	vst v63  }
0x222: {  	s26 =	rddreg [dreg:$0x15];
	s28 =	simm.s32 $0xBB8  }
0x223: {  	[hbm4b:s26+s2] =	stream.linear.scatter [tilespmem:s28], [sflag:$0x1], $0xC8, $0x38;
	[tilespmem:$0xA720] =	vst v63  }
0x224: {  	s17 =	rddreg [dreg:$0x16]  }
0x225: {  	[hbm4b:s17+s2] =	stream.linear.scatter [tilespmem:s15], [sflag:$0x1], $0xC8, $0x38;
	[tilespmem:$0xA720] =	vst v63  }
0x226: {  	s18 =	rddreg [dreg:$0x17];
	s20 =	simm.s32 $0xD48  }
0x227: {  	[hbm4b:s18+s2] =	stream.linear.scatter [tilespmem:s20], [sflag:$0x1], $0xC8, $0x38;
	[tilespmem:$0xA720] =	vst v63  }
0x228: {  	s21 =	rddreg [dreg:$0x18]  }
0x229: {  	[hbm4b:s21+s2] =	stream.linear.scatter [tilespmem:s16], [sflag:$0x1], $0xC8, $0x38;
	[tilespmem:$0xA720] =	vst v63  }
0x22a: {  	s22 =	rddreg [dreg:$0x19];
	s23 =	simm.s32 $0xED8  }
0x22b: {  	[hbm4b:s22+s2] =	stream.linear.scatter [tilespmem:s23], [sflag:$0x1], $0xC8, $0x38;
	[tilespmem:$0xA720] =	vst v63  }
0x22c: {  	s24 =	rddreg [dreg:$0x1a];
	s25 =	simm.s32 $0x60E0;
	s18 =	simm.s32 $0x1  }
0x22d: {  	[hbm4b:s24+s2] =	stream.linear.scatter [tilespmem:s25], [sflag:$0x1], $0x40, $0x38;
	[tilespmem:$0xA720] =	vst v63  }
0x22e: {  	_ =	swait.ge [sflag:s18], $0xC8  }
0x22f: {  	[sflag:s18] =	ssyncset.done $0x0  }
0x230: {  	[sflag:s18] =	ssyncadd.s32 $0xFFFFFF38  }
0x231: {  	_ =	swait.ge [sflag:s18], $0xC8  }
0x232: {  	[sflag:s18] =	ssyncset.done $0x0  }
0x233: {  	[sflag:s18] =	ssyncadd.s32 $0xFFFFFF38  }
0x234: {  	_ =	swait.ge [sflag:s18], $0xC8  }
0x235: {  	[sflag:s18] =	ssyncset.done $0x0  }
0x236: {  	[sflag:s18] =	ssyncadd.s32 $0xFFFFFF38  }
0x237: {  	_ =	swait.ge [sflag:s18], $0xC8  }
0x238: {  	[sflag:s18] =	ssyncset.done $0x0  }
0x239: {  	[sflag:s18] =	ssyncadd.s32 $0xFFFFFF38  }
0x23a: {  	_ =	swait.ge [sflag:s18], $0xC8  }
0x23b: {  	[sflag:s18] =	ssyncset.done $0x0  }
0x23c: {  	[sflag:s18] =	ssyncadd.s32 $0xFFFFFF38  }
0x23d: {  	_ =	swait.ge [sflag:s18], $0xC8  }
0x23e: {  	[sflag:s18] =	ssyncset.done $0x0  }
0x23f: {  	[sflag:s18] =	ssyncadd.s32 $0xFFFFFF38  }
0x240: {  	_ =	swait.ge [sflag:s18], $0xC8  }
0x241: {  	[sflag:s18] =	ssyncset.done $0x0  }
0x242: {  	[sflag:s18] =	ssyncadd.s32 $0xFFFFFF38  }
0x243: {  	_ =	swait.ge [sflag:s18], $0xC8  }
0x244: {  	[sflag:s18] =	ssyncset.done $0x0  }
0x245: {  	[sflag:s18] =	ssyncadd.s32 $0xFFFFFF38  }
0x246: {  	_ =	swait.ge [sflag:s18], $0xC8  }
0x247: {  	[sflag:s18] =	ssyncset.done $0x0  }
0x248: {  	[sflag:s18] =	ssyncadd.s32 $0xFFFFFF38  }
0x249: {  	_ =	swait.ge [sflag:s18], $0xC8  }
0x24a: {  	[sflag:s18] =	ssyncset.done $0x0  }
0x24b: {  	[sflag:s18] =	ssyncadd.s32 $0xFFFFFF38  }
0x24c: {  	_ =	swait.ge [sflag:s18], $0x40  }
0x24d: {  	s26 =	rddreg [dreg:$0x1c]  }
0x24e: {  	s28 =	rddreg [dreg:$0x1b];
	s17 =	sadd.s32 $0x1, s26  }
0x24f: {  	p0 =	sne.s32 s17, s28  }
.Ltmp5:
0x250: {  	_ = 	snop;
	(pc) =	sbr.rel @p0 .LBB2_1-.Ltmp5, $3  }
0x251: {  	_ =	sdelay $0x1  }
0x252: {  	[sflag:s18] =	ssyncset.done $0x0  }
0x253: {  	[sflag:s18] =	ssyncadd.s32 $0xFFFFFFC0  }
0x254: {  	_ =	sfence.sel $0x180000  }
0x255: {  	[bflag:$0x0] =	sbarrier.arrive $0xFFFF  }
0x256: {  	_ =	strace $0x90000047  }
0x257: {  	s0 =	stileid.u32;
	[bflag:$0x2] =	sbarrier.arrive $0xFFFF  }
0x258: {  	p0 =	sne.s32 s0, $0x0;
	s0 =	rddreg [dreg:$0x3]  }
0x259: {  	s0 =	sadd.s32 @!p0 $0x100000, s0  }
0x25a: {  	[sflag:s0] =	ssyncadd.tile.s32 @!p0 $0x1;
	_ =	shalt  }
.Lfunc_end2:
_tile_overlayer_lowered:
.L_overlay_start_2:
0x25b: {  	(tag) =	ssettag $0x2  }
0x25c: {  	s0 =	rddreg [dreg:$0x0];
	s2 =	stileid.u32  }
0x25d: {  	s1 =	rddreg [dreg:$0x1];
	p0 =	sne.s32 s2, $0x0  }
0x25e: {  	s3 =	rddreg [dreg:$0x2];
	[bflag:$0x3] =	sbarrier.arrive $0xFFFF;
	s2 =	simm.s32 @!p0 $0x1C02  }
0x25f: {  	[timem:s3], [sflag:s2] =	dma.local @!p0 [hbm:s0], s1  }
0x260: {  	s0 =	simm.s32 @!p0 $0x2  }
0x261: {  	_ =	swait.ge @!p0 [sflag:s0], s1  }
0x262: {  	s1 =	ssub.s32 @!p0 $0x0, s1;
	[sflag:s0] =	ssyncset.done @!p0 $0x0  }
0x263: {  	[sflag:s0] =	ssyncadd.s32 @!p0 s1  }
0x264: {  	[bflag:$0x3] =	sbarrier.arrive $0xFFFF  }
0x265: {  	_ =	shalt  }

</sc_bundles>
